<compile_context>
chip_gen: v7x
topology: tpu7x:2x2x1
jax: 0.10.2.dev20260603
libtpu: 0.0.44.dev20260713+nightly
codegen_flags: <defaults>
</compile_context>

<pallas_src>
import jax
import jax.numpy as jnp
from jax import lax
from jax.experimental import pallas as pl
from jax.experimental.pallas import tpu as pltpu
from jax.experimental.pallas import tpu_sc as plsc

P = 196
SPLIT = 128
NSC = P - SPLIT
NW = 32
NBUF = 6



def _sc_body(in_hbm, *rest):
    outs = rest[:NSC]
    buf = rest[NSC]
    cid = lax.axis_index("c")
    sid = lax.axis_index("s")
    wid = sid * 2 + cid
    pltpu.sync_copy(in_hbm.at[:, :, pl.ds(0, SPLIT)], buf)
    for k in range(NSC):
        @pl.when(wid == (k % NW))
        def _(k=k):
            pltpu.sync_copy(buf, outs[k].at[:, :, pl.ds(0, SPLIT)])


_sc_call = pl.kernel(
    _sc_body,
    out_type=tuple(jax.ShapeDtypeStruct((4, 192, P - 1), jnp.float32)
                   for _ in range(NSC)),
    mesh=plsc.VectorSubcoreMesh(core_axis_name="c", subcore_axis_name="s"),
    scratch_types=[pltpu.VMEM((4, 192, SPLIT), jnp.float32)],
    compiler_params=pltpu.CompilerParams(use_tc_tiling_on_sc=True),
)



def _tc_main_body(in_ref, *rest):
    out_refs = rest[:SPLIT]
    scratch = rest[SPLIT:SPLIT + NBUF]
    sems = rest[SPLIT + NBUF:SPLIT + 2 * NBUF]
    a = in_ref[:, :, 0:P - 1]
    b = in_ref[:, :, 1:P]
    lane = lax.broadcasted_iota(jnp.int32, (4, 192, P - 1), 2)
    dmas = [None] * NBUF
    for i in range(SPLIT):
        p = i % NBUF
        if dmas[p] is not None:
            dmas[p].wait()
        scratch[p][...] = jnp.where(lane < i, a, b)
        dma = pltpu.make_async_copy(scratch[p], out_refs[i], sems[p])
        dma.start()
        dmas[p] = dma
    for p in range(NBUF):
        if dmas[p] is not None:
            dmas[p].wait()


_tc_main = pl.pallas_call(
    _tc_main_body,
    in_specs=[pl.BlockSpec(memory_space=pltpu.VMEM)],
    out_specs=tuple(pl.BlockSpec(memory_space=pl.ANY) for _ in range(SPLIT)),
    out_shape=tuple(jax.ShapeDtypeStruct((4, 192, P - 1), jnp.float32)
                    for _ in range(SPLIT)),
    scratch_shapes=([pltpu.VMEM((4, 192, P - 1), jnp.float32)] * NBUF
                    + [pltpu.SemaphoreType.DMA] * NBUF),
)



RW = P - 1 - SPLIT


def _tc_fin_body(in_ref, *rest):
    out_refs = rest[NSC:2 * NSC]
    scratch = rest[2 * NSC:2 * NSC + NBUF]
    sems = rest[2 * NSC + NBUF:2 * NSC + 2 * NBUF]
    a = in_ref[:, :, SPLIT:P - 1]
    b = in_ref[:, :, SPLIT + 1:P]
    lane = lax.broadcasted_iota(jnp.int32, (4, 192, RW), 2) + SPLIT
    dmas = [None] * NBUF
    for k in range(NSC):
        i = SPLIT + k
        p = k % NBUF
        if dmas[p] is not None:
            dmas[p].wait()
        scratch[p][...] = jnp.where(lane < i, a, b)
        dma = pltpu.make_async_copy(
            scratch[p], out_refs[k].at[:, :, pl.ds(SPLIT, RW)], sems[p])
        dma.start()
        dmas[p] = dma
    for p in range(NBUF):
        if dmas[p] is not None:
            dmas[p].wait()


_tc_fin = pl.pallas_call(
    _tc_fin_body,
    in_specs=([pl.BlockSpec(memory_space=pltpu.VMEM)]
              + [pl.BlockSpec(memory_space=pl.ANY) for _ in range(NSC)]),
    out_specs=tuple(pl.BlockSpec(memory_space=pl.ANY) for _ in range(NSC)),
    out_shape=tuple(jax.ShapeDtypeStruct((4, 192, P - 1), jnp.float32)
                    for _ in range(NSC)),
    input_output_aliases={k + 1: k for k in range(NSC)},
    scratch_shapes=([pltpu.VMEM((4, 192, RW), jnp.float32)] * NBUF
                    + [pltpu.SemaphoreType.DMA] * NBUF),
)


def kernel(patches):
    pt = jnp.transpose(patches, (1, 2, 0))
    partials = _sc_call(pt)
    low = _tc_main(pt)
    high = _tc_fin(pt, *partials)
    outs = tuple(low) + tuple(high)
    return tuple(jnp.transpose(o, (2, 0, 1)) for o in outs)

# --- scband reference (transcript-rebuilt; emitter-appended) ---
"""Pipeline reference for scband-repeat-53111565582514 (READ-ONLY COPY).

The authoritative reference and input builder live on the scoring server;
editing this copy changes nothing except your own understanding.
"""

import jax, jax.numpy as jnp
import numpy as np

PATCH_SIZE = 14
PATCH_NUM = PATCH_SIZE * PATCH_SIZE  # 196
B = 4
C = 192


def setup_inputs(seed: int = 0) -> dict:
    key = jax.random.key(seed)
    patches = jax.random.normal(key, (PATCH_NUM, B, C), dtype=jnp.float32)
    return {"patches": patches}


def reference(patches):
    # forward_indexes in the torch code is arange(patch_num) repeated per batch,
    # so gathering with any column is equivalent to gathering with the 1-D index set.
    T, Bdim, Cdim = patches.shape
    seq = jnp.arange(PATCH_NUM)
    total = []
    for i in range(PATCH_NUM):
        if i == 0:
            choose_index = seq[1:]
        elif i == PATCH_NUM - 1:
            choose_index = seq[:i]
        else:
            choose_index = jnp.concatenate([seq[:i], seq[i + 1:]], axis=0)
        # take_indexes: gather along dim 0, broadcast over channel dim
        patches_ = jnp.take(patches, choose_index, axis=0)  # [patch_num-1, B, C]
        total.append(patches_)
    return tuple(total)

if __name__ == "__main__":
    import jax
    _d = setup_inputs()
    print(jax.jit(kernel)(*tuple(_d.values())))

</pallas_src>

<mosaic_0001>
#map = affine_map<(d0, d1) -> (0, 0, 0)>
module attributes {stable_mosaic.version = 14 : i64} {
  func.func @_sc_body(%arg0: i32, %arg1: i32, %arg2: memref<4x192x196xf32, #tpu.memory_space<hbm>>, %arg3: memref<4x192x195xf32, #tpu.memory_space<hbm>>, %arg4: memref<4x192x195xf32, #tpu.memory_space<hbm>>, %arg5: memref<4x192x195xf32, #tpu.memory_space<hbm>>, %arg6: memref<4x192x195xf32, #tpu.memory_space<hbm>>, %arg7: memref<4x192x195xf32, #tpu.memory_space<hbm>>, %arg8: memref<4x192x195xf32, #tpu.memory_space<hbm>>, %arg9: memref<4x192x195xf32, #tpu.memory_space<hbm>>, %arg10: memref<4x192x195xf32, #tpu.memory_space<hbm>>, %arg11: memref<4x192x195xf32, #tpu.memory_space<hbm>>, %arg12: memref<4x192x195xf32, #tpu.memory_space<hbm>>, %arg13: memref<4x192x195xf32, #tpu.memory_space<hbm>>, %arg14: memref<4x192x195xf32, #tpu.memory_space<hbm>>, %arg15: memref<4x192x195xf32, #tpu.memory_space<hbm>>, %arg16: memref<4x192x195xf32, #tpu.memory_space<hbm>>, %arg17: memref<4x192x195xf32, #tpu.memory_space<hbm>>, %arg18: memref<4x192x195xf32, #tpu.memory_space<hbm>>, %arg19: memref<4x192x195xf32, #tpu.memory_space<hbm>>, %arg20: memref<4x192x195xf32, #tpu.memory_space<hbm>>, %arg21: memref<4x192x195xf32, #tpu.memory_space<hbm>>, %arg22: memref<4x192x195xf32, #tpu.memory_space<hbm>>, %arg23: memref<4x192x195xf32, #tpu.memory_space<hbm>>, %arg24: memref<4x192x195xf32, #tpu.memory_space<hbm>>, %arg25: memref<4x192x195xf32, #tpu.memory_space<hbm>>, %arg26: memref<4x192x195xf32, #tpu.memory_space<hbm>>, %arg27: memref<4x192x195xf32, #tpu.memory_space<hbm>>, %arg28: memref<4x192x195xf32, #tpu.memory_space<hbm>>, %arg29: memref<4x192x195xf32, #tpu.memory_space<hbm>>, %arg30: memref<4x192x195xf32, #tpu.memory_space<hbm>>, %arg31: memref<4x192x195xf32, #tpu.memory_space<hbm>>, %arg32: memref<4x192x195xf32, #tpu.memory_space<hbm>>, %arg33: memref<4x192x195xf32, #tpu.memory_space<hbm>>, %arg34: memref<4x192x195xf32, #tpu.memory_space<hbm>>, %arg35: memref<4x192x195xf32, #tpu.memory_space<hbm>>, %arg36: memref<4x192x195xf32, #tpu.memory_space<hbm>>, %arg37: memref<4x192x195xf32, #tpu.memory_space<hbm>>, %arg38: memref<4x192x195xf32, #tpu.memory_space<hbm>>, %arg39: memref<4x192x195xf32, #tpu.memory_space<hbm>>, %arg40: memref<4x192x195xf32, #tpu.memory_space<hbm>>, %arg41: memref<4x192x195xf32, #tpu.memory_space<hbm>>, %arg42: memref<4x192x195xf32, #tpu.memory_space<hbm>>, %arg43: memref<4x192x195xf32, #tpu.memory_space<hbm>>, %arg44: memref<4x192x195xf32, #tpu.memory_space<hbm>>, %arg45: memref<4x192x195xf32, #tpu.memory_space<hbm>>, %arg46: memref<4x192x195xf32, #tpu.memory_space<hbm>>, %arg47: memref<4x192x195xf32, #tpu.memory_space<hbm>>, %arg48: memref<4x192x195xf32, #tpu.memory_space<hbm>>, %arg49: memref<4x192x195xf32, #tpu.memory_space<hbm>>, %arg50: memref<4x192x195xf32, #tpu.memory_space<hbm>>, %arg51: memref<4x192x195xf32, #tpu.memory_space<hbm>>, %arg52: memref<4x192x195xf32, #tpu.memory_space<hbm>>, %arg53: memref<4x192x195xf32, #tpu.memory_space<hbm>>, %arg54: memref<4x192x195xf32, #tpu.memory_space<hbm>>, %arg55: memref<4x192x195xf32, #tpu.memory_space<hbm>>, %arg56: memref<4x192x195xf32, #tpu.memory_space<hbm>>, %arg57: memref<4x192x195xf32, #tpu.memory_space<hbm>>, %arg58: memref<4x192x195xf32, #tpu.memory_space<hbm>>, %arg59: memref<4x192x195xf32, #tpu.memory_space<hbm>>, %arg60: memref<4x192x195xf32, #tpu.memory_space<hbm>>, %arg61: memref<4x192x195xf32, #tpu.memory_space<hbm>>, %arg62: memref<4x192x195xf32, #tpu.memory_space<hbm>>, %arg63: memref<4x192x195xf32, #tpu.memory_space<hbm>>, %arg64: memref<4x192x195xf32, #tpu.memory_space<hbm>>, %arg65: memref<4x192x195xf32, #tpu.memory_space<hbm>>, %arg66: memref<4x192x195xf32, #tpu.memory_space<hbm>>, %arg67: memref<4x192x195xf32, #tpu.memory_space<hbm>>, %arg68: memref<4x192x195xf32, #tpu.memory_space<hbm>>, %arg69: memref<4x192x195xf32, #tpu.memory_space<hbm>>, %arg70: memref<4x192x195xf32, #tpu.memory_space<hbm>>, %arg71: memref<4x192x128xf32, #tpu.memory_space<vmem>>) attributes {dimension_semantics = [#tpu.dimension_semantics<core_parallel>, #tpu.dimension_semantics<subcore_parallel>], iteration_bounds = array<i64: 2, 16>, scalar_prefetch = 0 : i64, scratch_operands = 1 : i64, tpu.core_type = #tpu.core_type<sc_vector_subcore>, window_params = [{transform_indices = #map}, {transform_indices = #map}, {transform_indices = #map}, {transform_indices = #map}, {transform_indices = #map}, {transform_indices = #map}, {transform_indices = #map}, {transform_indices = #map}, {transform_indices = #map}, {transform_indices = #map}, {transform_indices = #map}, {transform_indices = #map}, {transform_indices = #map}, {transform_indices = #map}, {transform_indices = #map}, {transform_indices = #map}, {transform_indices = #map}, {transform_indices = #map}, {transform_indices = #map}, {transform_indices = #map}, {transform_indices = #map}, {transform_indices = #map}, {transform_indices = #map}, {transform_indices = #map}, {transform_indices = #map}, {transform_indices = #map}, {transform_indices = #map}, {transform_indices = #map}, {transform_indices = #map}, {transform_indices = #map}, {transform_indices = #map}, {transform_indices = #map}, {transform_indices = #map}, {transform_indices = #map}, {transform_indices = #map}, {transform_indices = #map}, {transform_indices = #map}, {transform_indices = #map}, {transform_indices = #map}, {transform_indices = #map}, {transform_indices = #map}, {transform_indices = #map}, {transform_indices = #map}, {transform_indices = #map}, {transform_indices = #map}, {transform_indices = #map}, {transform_indices = #map}, {transform_indices = #map}, {transform_indices = #map}, {transform_indices = #map}, {transform_indices = #map}, {transform_indices = #map}, {transform_indices = #map}, {transform_indices = #map}, {transform_indices = #map}, {transform_indices = #map}, {transform_indices = #map}, {transform_indices = #map}, {transform_indices = #map}, {transform_indices = #map}, {transform_indices = #map}, {transform_indices = #map}, {transform_indices = #map}, {transform_indices = #map}, {transform_indices = #map}, {transform_indices = #map}, {transform_indices = #map}, {transform_indices = #map}, {transform_indices = #map}]} {
    %mul3A = arith.constant 2 : i32
    %mul3A_0 = arith.muli %arg1, %mul3A : i32
    %add3A = arith.addi %mul3A_0, %arg0 : i32
    "tpu.region"() ({
      %run_scoped3A = tpu.sem_alloc : memref<!tpu.dma_semaphore, #tpu.memory_space<semaphore_mem>>
      %dma_start3A = arith.constant 0 : i32
      %dma_start3A_338 = arith.constant 0 : i32
      %dma_start3A_339 = arith.constant 0 : i32
      %dma_start3A_340 = tpu.memref_slice %arg2[%dma_start3A, %dma_start3A_338, %dma_start3A_339] : memref<4x192x196xf32, #tpu.memory_space<hbm>> -> memref<4x192x128xf32, #tpu.memory_space<hbm>>
      %dma_start3A_341 = arith.constant 0 : i32
      %dma_start3A_342 = arith.constant 0 : i32
      %dma_start3A_343 = arith.constant 0 : i32
      %dma_start3A_344 = tpu.memref_slice %arg2[%dma_start3A_341, %dma_start3A_342, %dma_start3A_343] : memref<4x192x196xf32, #tpu.memory_space<hbm>> -> memref<4x192x128xf32, #tpu.memory_space<hbm>>
      tpu.enqueue_dma source(%dma_start3A_344 : memref<4x192x128xf32, #tpu.memory_space<hbm>>) target(%arg71 : memref<4x192x128xf32, #tpu.memory_space<vmem>>) target_semaphore(%run_scoped3A : memref<!tpu.dma_semaphore, #tpu.memory_space<semaphore_mem>>)
      %dma_wait3A = arith.constant 0 : i32
      %dma_wait3A_345 = arith.constant 0 : i32
      %dma_wait3A_346 = arith.constant 0 : i32
      %dma_wait3A_347 = tpu.memref_slice %arg2[%dma_wait3A, %dma_wait3A_345, %dma_wait3A_346] : memref<4x192x196xf32, #tpu.memory_space<hbm>> -> memref<4x192x128xf32, #tpu.memory_space<hbm>>
      %dma_wait3A_348 = arith.constant 0 : i32
      %dma_wait3A_349 = arith.constant 0 : i32
      %dma_wait3A_350 = arith.constant 0 : i32
      %dma_wait3A_351 = tpu.memref_slice %arg2[%dma_wait3A_348, %dma_wait3A_349, %dma_wait3A_350] : memref<4x192x196xf32, #tpu.memory_space<hbm>> -> memref<4x192x128xf32, #tpu.memory_space<hbm>>
      tpu.wait_dma2 semaphore(%run_scoped3A : memref<!tpu.dma_semaphore, #tpu.memory_space<semaphore_mem>>) src(%dma_wait3A_351 : memref<4x192x128xf32, #tpu.memory_space<hbm>>) dst(%arg71 : memref<4x192x128xf32, #tpu.memory_space<vmem>>)
      tpu.yield
    }) : () -> ()
    %eq3A = arith.constant 0 : i32
    %eq3A_1 = arith.cmpi eq, %add3A, %eq3A : i32
    %convert_element_type3A = arith.extui %eq3A_1 : i1 to i32
    %cond3A = arith.constant 0 : i32
    %cond3A_2 = arith.cmpi ne, %convert_element_type3A, %cond3A : i32
    scf.if %cond3A_2 {
      "tpu.region"() ({
        %run_scoped3A = tpu.sem_alloc : memref<!tpu.dma_semaphore, #tpu.memory_space<semaphore_mem>>
        %dma_start3A = arith.constant 0 : i32
        %dma_start3A_338 = arith.constant 0 : i32
        %dma_start3A_339 = arith.constant 0 : i32
        %dma_start3A_340 = tpu.memref_slice %arg3[%dma_start3A, %dma_start3A_338, %dma_start3A_339] : memref<4x192x195xf32, #tpu.memory_space<hbm>> -> memref<4x192x128xf32, #tpu.memory_space<hbm>>
        %dma_start3A_341 = arith.constant 0 : i32
        %dma_start3A_342 = arith.constant 0 : i32
        %dma_start3A_343 = arith.constant 0 : i32
        %dma_start3A_344 = tpu.memref_slice %arg3[%dma_start3A_341, %dma_start3A_342, %dma_start3A_343] : memref<4x192x195xf32, #tpu.memory_space<hbm>> -> memref<4x192x128xf32, #tpu.memory_space<hbm>>
        tpu.enqueue_dma source(%arg71 : memref<4x192x128xf32, #tpu.memory_space<vmem>>) target(%dma_start3A_344 : memref<4x192x128xf32, #tpu.memory_space<hbm>>) target_semaphore(%run_scoped3A : memref<!tpu.dma_semaphore, #tpu.memory_space<semaphore_mem>>)
        %dma_wait3A = arith.constant 0 : i32
        %dma_wait3A_345 = arith.constant 0 : i32
        %dma_wait3A_346 = arith.constant 0 : i32
        %dma_wait3A_347 = tpu.memref_slice %arg3[%dma_wait3A, %dma_wait3A_345, %dma_wait3A_346] : memref<4x192x195xf32, #tpu.memory_space<hbm>> -> memref<4x192x128xf32, #tpu.memory_space<hbm>>
        %dma_wait3A_348 = arith.constant 0 : i32
        %dma_wait3A_349 = arith.constant 0 : i32
        %dma_wait3A_350 = arith.constant 0 : i32
        %dma_wait3A_351 = tpu.memref_slice %arg3[%dma_wait3A_348, %dma_wait3A_349, %dma_wait3A_350] : memref<4x192x195xf32, #tpu.memory_space<hbm>> -> memref<4x192x128xf32, #tpu.memory_space<hbm>>
        tpu.wait_dma2 semaphore(%run_scoped3A : memref<!tpu.dma_semaphore, #tpu.memory_space<semaphore_mem>>) src(%arg71 : memref<4x192x128xf32, #tpu.memory_space<vmem>>) dst(%dma_wait3A_351 : memref<4x192x128xf32, #tpu.memory_space<hbm>>)
        tpu.yield
      }) : () -> ()
    } else {
    }
    %eq3A_3 = arith.constant 1 : i32
    %eq3A_4 = arith.cmpi eq, %add3A, %eq3A_3 : i32
    %convert_element_type3A_5 = arith.extui %eq3A_4 : i1 to i32
    %cond3A_6 = arith.constant 0 : i32
    %cond3A_7 = arith.cmpi ne, %convert_element_type3A_5, %cond3A_6 : i32
    scf.if %cond3A_7 {
      "tpu.region"() ({
        %run_scoped3A = tpu.sem_alloc : memref<!tpu.dma_semaphore, #tpu.memory_space<semaphore_mem>>
        %dma_start3A = arith.constant 0 : i32
        %dma_start3A_338 = arith.constant 0 : i32
        %dma_start3A_339 = arith.constant 0 : i32
        %dma_start3A_340 = tpu.memref_slice %arg4[%dma_start3A, %dma_start3A_338, %dma_start3A_339] : memref<4x192x195xf32, #tpu.memory_space<hbm>> -> memref<4x192x128xf32, #tpu.memory_space<hbm>>
        %dma_start3A_341 = arith.constant 0 : i32
        %dma_start3A_342 = arith.constant 0 : i32
        %dma_start3A_343 = arith.constant 0 : i32
        %dma_start3A_344 = tpu.memref_slice %arg4[%dma_start3A_341, %dma_start3A_342, %dma_start3A_343] : memref<4x192x195xf32, #tpu.memory_space<hbm>> -> memref<4x192x128xf32, #tpu.memory_space<hbm>>
        tpu.enqueue_dma source(%arg71 : memref<4x192x128xf32, #tpu.memory_space<vmem>>) target(%dma_start3A_344 : memref<4x192x128xf32, #tpu.memory_space<hbm>>) target_semaphore(%run_scoped3A : memref<!tpu.dma_semaphore, #tpu.memory_space<semaphore_mem>>)
        %dma_wait3A = arith.constant 0 : i32
        %dma_wait3A_345 = arith.constant 0 : i32
        %dma_wait3A_346 = arith.constant 0 : i32
        %dma_wait3A_347 = tpu.memref_slice %arg4[%dma_wait3A, %dma_wait3A_345, %dma_wait3A_346] : memref<4x192x195xf32, #tpu.memory_space<hbm>> -> memref<4x192x128xf32, #tpu.memory_space<hbm>>
        %dma_wait3A_348 = arith.constant 0 : i32
        %dma_wait3A_349 = arith.constant 0 : i32
        %dma_wait3A_350 = arith.constant 0 : i32
        %dma_wait3A_351 = tpu.memref_slice %arg4[%dma_wait3A_348, %dma_wait3A_349, %dma_wait3A_350] : memref<4x192x195xf32, #tpu.memory_space<hbm>> -> memref<4x192x128xf32, #tpu.memory_space<hbm>>
        tpu.wait_dma2 semaphore(%run_scoped3A : memref<!tpu.dma_semaphore, #tpu.memory_space<semaphore_mem>>) src(%arg71 : memref<4x192x128xf32, #tpu.memory_space<vmem>>) dst(%dma_wait3A_351 : memref<4x192x128xf32, #tpu.memory_space<hbm>>)
        tpu.yield
      }) : () -> ()
    } else {
    }
    %eq3A_8 = arith.constant 2 : i32
    %eq3A_9 = arith.cmpi eq, %add3A, %eq3A_8 : i32
    %convert_element_type3A_10 = arith.extui %eq3A_9 : i1 to i32
    %cond3A_11 = arith.constant 0 : i32
    %cond3A_12 = arith.cmpi ne, %convert_element_type3A_10, %cond3A_11 : i32
    scf.if %cond3A_12 {
      "tpu.region"() ({
        %run_scoped3A = tpu.sem_alloc : memref<!tpu.dma_semaphore, #tpu.memory_space<semaphore_mem>>
        %dma_start3A = arith.constant 0 : i32
        %dma_start3A_338 = arith.constant 0 : i32
        %dma_start3A_339 = arith.constant 0 : i32
        %dma_start3A_340 = tpu.memref_slice %arg5[%dma_start3A, %dma_start3A_338, %dma_start3A_339] : memref<4x192x195xf32, #tpu.memory_space<hbm>> -> memref<4x192x128xf32, #tpu.memory_space<hbm>>
        %dma_start3A_341 = arith.constant 0 : i32
        %dma_start3A_342 = arith.constant 0 : i32
        %dma_start3A_343 = arith.constant 0 : i32
        %dma_start3A_344 = tpu.memref_slice %arg5[%dma_start3A_341, %dma_start3A_342, %dma_start3A_343] : memref<4x192x195xf32, #tpu.memory_space<hbm>> -> memref<4x192x128xf32, #tpu.memory_space<hbm>>
        tpu.enqueue_dma source(%arg71 : memref<4x192x128xf32, #tpu.memory_space<vmem>>) target(%dma_start3A_344 : memref<4x192x128xf32, #tpu.memory_space<hbm>>) target_semaphore(%run_scoped3A : memref<!tpu.dma_semaphore, #tpu.memory_space<semaphore_mem>>)
        %dma_wait3A = arith.constant 0 : i32
        %dma_wait3A_345 = arith.constant 0 : i32
        %dma_wait3A_346 = arith.constant 0 : i32
        %dma_wait3A_347 = tpu.memref_slice %arg5[%dma_wait3A, %dma_wait3A_345, %dma_wait3A_346] : memref<4x192x195xf32, #tpu.memory_space<hbm>> -> memref<4x192x128xf32, #tpu.memory_space<hbm>>
        %dma_wait3A_348 = arith.constant 0 : i32
        %dma_wait3A_349 = arith.constant 0 : i32
        %dma_wait3A_350 = arith.constant 0 : i32
        %dma_wait3A_351 = tpu.memref_slice %arg5[%dma_wait3A_348, %dma_wait3A_349, %dma_wait3A_350] : memref<4x192x195xf32, #tpu.memory_space<hbm>> -> memref<4x192x128xf32, #tpu.memory_space<hbm>>
        tpu.wait_dma2 semaphore(%run_scoped3A : memref<!tpu.dma_semaphore, #tpu.memory_space<semaphore_mem>>) src(%arg71 : memref<4x192x128xf32, #tpu.memory_space<vmem>>) dst(%dma_wait3A_351 : memref<4x192x128xf32, #tpu.memory_space<hbm>>)
        tpu.yield
      }) : () -> ()
    } else {
    }
    %eq3A_13 = arith.constant 3 : i32
    %eq3A_14 = arith.cmpi eq, %add3A, %eq3A_13 : i32
    %convert_element_type3A_15 = arith.extui %eq3A_14 : i1 to i32
    %cond3A_16 = arith.constant 0 : i32
    %cond3A_17 = arith.cmpi ne, %convert_element_type3A_15, %cond3A_16 : i32
    scf.if %cond3A_17 {
      "tpu.region"() ({
        %run_scoped3A = tpu.sem_alloc : memref<!tpu.dma_semaphore, #tpu.memory_space<semaphore_mem>>
        %dma_start3A = arith.constant 0 : i32
        %dma_start3A_338 = arith.constant 0 : i32
        %dma_start3A_339 = arith.constant 0 : i32
        %dma_start3A_340 = tpu.memref_slice %arg6[%dma_start3A, %dma_start3A_338, %dma_start3A_339] : memref<4x192x195xf32, #tpu.memory_space<hbm>> -> memref<4x192x128xf32, #tpu.memory_space<hbm>>
        %dma_start3A_341 = arith.constant 0 : i32
        %dma_start3A_342 = arith.constant 0 : i32
        %dma_start3A_343 = arith.constant 0 : i32
        %dma_start3A_344 = tpu.memref_slice %arg6[%dma_start3A_341, %dma_start3A_342, %dma_start3A_343] : memref<4x192x195xf32, #tpu.memory_space<hbm>> -> memref<4x192x128xf32, #tpu.memory_space<hbm>>
        tpu.enqueue_dma source(%arg71 : memref<4x192x128xf32, #tpu.memory_space<vmem>>) target(%dma_start3A_344 : memref<4x192x128xf32, #tpu.memory_space<hbm>>) target_semaphore(%run_scoped3A : memref<!tpu.dma_semaphore, #tpu.memory_space<semaphore_mem>>)
        %dma_wait3A = arith.constant 0 : i32
        %dma_wait3A_345 = arith.constant 0 : i32
        %dma_wait3A_346 = arith.constant 0 : i32
        %dma_wait3A_347 = tpu.memref_slice %arg6[%dma_wait3A, %dma_wait3A_345, %dma_wait3A_346] : memref<4x192x195xf32, #tpu.memory_space<hbm>> -> memref<4x192x128xf32, #tpu.memory_space<hbm>>
        %dma_wait3A_348 = arith.constant 0 : i32
        %dma_wait3A_349 = arith.constant 0 : i32
        %dma_wait3A_350 = arith.constant 0 : i32
        %dma_wait3A_351 = tpu.memref_slice %arg6[%dma_wait3A_348, %dma_wait3A_349, %dma_wait3A_350] : memref<4x192x195xf32, #tpu.memory_space<hbm>> -> memref<4x192x128xf32, #tpu.memory_space<hbm>>
        tpu.wait_dma2 semaphore(%run_scoped3A : memref<!tpu.dma_semaphore, #tpu.memory_space<semaphore_mem>>) src(%arg71 : memref<4x192x128xf32, #tpu.memory_space<vmem>>) dst(%dma_wait3A_351 : memref<4x192x128xf32, #tpu.memory_space<hbm>>)
        tpu.yield
      }) : () -> ()
    } else {
    }
    %eq3A_18 = arith.constant 4 : i32
    %eq3A_19 = arith.cmpi eq, %add3A, %eq3A_18 : i32
    %convert_element_type3A_20 = arith.extui %eq3A_19 : i1 to i32
    %cond3A_21 = arith.constant 0 : i32
    %cond3A_22 = arith.cmpi ne, %convert_element_type3A_20, %cond3A_21 : i32
    scf.if %cond3A_22 {
      "tpu.region"() ({
        %run_scoped3A = tpu.sem_alloc : memref<!tpu.dma_semaphore, #tpu.memory_space<semaphore_mem>>
        %dma_start3A = arith.constant 0 : i32
        %dma_start3A_338 = arith.constant 0 : i32
        %dma_start3A_339 = arith.constant 0 : i32
        %dma_start3A_340 = tpu.memref_slice %arg7[%dma_start3A, %dma_start3A_338, %dma_start3A_339] : memref<4x192x195xf32, #tpu.memory_space<hbm>> -> memref<4x192x128xf32, #tpu.memory_space<hbm>>
        %dma_start3A_341 = arith.constant 0 : i32
        %dma_start3A_342 = arith.constant 0 : i32
        %dma_start3A_343 = arith.constant 0 : i32
        %dma_start3A_344 = tpu.memref_slice %arg7[%dma_start3A_341, %dma_start3A_342, %dma_start3A_343] : memref<4x192x195xf32, #tpu.memory_space<hbm>> -> memref<4x192x128xf32, #tpu.memory_space<hbm>>
        tpu.enqueue_dma source(%arg71 : memref<4x192x128xf32, #tpu.memory_space<vmem>>) target(%dma_start3A_344 : memref<4x192x128xf32, #tpu.memory_space<hbm>>) target_semaphore(%run_scoped3A : memref<!tpu.dma_semaphore, #tpu.memory_space<semaphore_mem>>)
        %dma_wait3A = arith.constant 0 : i32
        %dma_wait3A_345 = arith.constant 0 : i32
        %dma_wait3A_346 = arith.constant 0 : i32
        %dma_wait3A_347 = tpu.memref_slice %arg7[%dma_wait3A, %dma_wait3A_345, %dma_wait3A_346] : memref<4x192x195xf32, #tpu.memory_space<hbm>> -> memref<4x192x128xf32, #tpu.memory_space<hbm>>
        %dma_wait3A_348 = arith.constant 0 : i32
        %dma_wait3A_349 = arith.constant 0 : i32
        %dma_wait3A_350 = arith.constant 0 : i32
        %dma_wait3A_351 = tpu.memref_slice %arg7[%dma_wait3A_348, %dma_wait3A_349, %dma_wait3A_350] : memref<4x192x195xf32, #tpu.memory_space<hbm>> -> memref<4x192x128xf32, #tpu.memory_space<hbm>>
        tpu.wait_dma2 semaphore(%run_scoped3A : memref<!tpu.dma_semaphore, #tpu.memory_space<semaphore_mem>>) src(%arg71 : memref<4x192x128xf32, #tpu.memory_space<vmem>>) dst(%dma_wait3A_351 : memref<4x192x128xf32, #tpu.memory_space<hbm>>)
        tpu.yield
      }) : () -> ()
    } else {
    }
    %eq3A_23 = arith.constant 5 : i32
    %eq3A_24 = arith.cmpi eq, %add3A, %eq3A_23 : i32
    %convert_element_type3A_25 = arith.extui %eq3A_24 : i1 to i32
    %cond3A_26 = arith.constant 0 : i32
    %cond3A_27 = arith.cmpi ne, %convert_element_type3A_25, %cond3A_26 : i32
    scf.if %cond3A_27 {
      "tpu.region"() ({
        %run_scoped3A = tpu.sem_alloc : memref<!tpu.dma_semaphore, #tpu.memory_space<semaphore_mem>>
        %dma_start3A = arith.constant 0 : i32
        %dma_start3A_338 = arith.constant 0 : i32
        %dma_start3A_339 = arith.constant 0 : i32
        %dma_start3A_340 = tpu.memref_slice %arg8[%dma_start3A, %dma_start3A_338, %dma_start3A_339] : memref<4x192x195xf32, #tpu.memory_space<hbm>> -> memref<4x192x128xf32, #tpu.memory_space<hbm>>
        %dma_start3A_341 = arith.constant 0 : i32
        %dma_start3A_342 = arith.constant 0 : i32
        %dma_start3A_343 = arith.constant 0 : i32
        %dma_start3A_344 = tpu.memref_slice %arg8[%dma_start3A_341, %dma_start3A_342, %dma_start3A_343] : memref<4x192x195xf32, #tpu.memory_space<hbm>> -> memref<4x192x128xf32, #tpu.memory_space<hbm>>
        tpu.enqueue_dma source(%arg71 : memref<4x192x128xf32, #tpu.memory_space<vmem>>) target(%dma_start3A_344 : memref<4x192x128xf32, #tpu.memory_space<hbm>>) target_semaphore(%run_scoped3A : memref<!tpu.dma_semaphore, #tpu.memory_space<semaphore_mem>>)
        %dma_wait3A = arith.constant 0 : i32
        %dma_wait3A_345 = arith.constant 0 : i32
        %dma_wait3A_346 = arith.constant 0 : i32
        %dma_wait3A_347 = tpu.memref_slice %arg8[%dma_wait3A, %dma_wait3A_345, %dma_wait3A_346] : memref<4x192x195xf32, #tpu.memory_space<hbm>> -> memref<4x192x128xf32, #tpu.memory_space<hbm>>
        %dma_wait3A_348 = arith.constant 0 : i32
        %dma_wait3A_349 = arith.constant 0 : i32
        %dma_wait3A_350 = arith.constant 0 : i32
        %dma_wait3A_351 = tpu.memref_slice %arg8[%dma_wait3A_348, %dma_wait3A_349, %dma_wait3A_350] : memref<4x192x195xf32, #tpu.memory_space<hbm>> -> memref<4x192x128xf32, #tpu.memory_space<hbm>>
        tpu.wait_dma2 semaphore(%run_scoped3A : memref<!tpu.dma_semaphore, #tpu.memory_space<semaphore_mem>>) src(%arg71 : memref<4x192x128xf32, #tpu.memory_space<vmem>>) dst(%dma_wait3A_351 : memref<4x192x128xf32, #tpu.memory_space<hbm>>)
        tpu.yield
      }) : () -> ()
    } else {
    }
    %eq3A_28 = arith.constant 6 : i32
    %eq3A_29 = arith.cmpi eq, %add3A, %eq3A_28 : i32
    %convert_element_type3A_30 = arith.extui %eq3A_29 : i1 to i32
    %cond3A_31 = arith.constant 0 : i32
    %cond3A_32 = arith.cmpi ne, %convert_element_type3A_30, %cond3A_31 : i32
    scf.if %cond3A_32 {
      "tpu.region"() ({
        %run_scoped3A = tpu.sem_alloc : memref<!tpu.dma_semaphore, #tpu.memory_space<semaphore_mem>>
        %dma_start3A = arith.constant 0 : i32
        %dma_start3A_338 = arith.constant 0 : i32
        %dma_start3A_339 = arith.constant 0 : i32
        %dma_start3A_340 = tpu.memref_slice %arg9[%dma_start3A, %dma_start3A_338, %dma_start3A_339] : memref<4x192x195xf32, #tpu.memory_space<hbm>> -> memref<4x192x128xf32, #tpu.memory_space<hbm>>
        %dma_start3A_341 = arith.constant 0 : i32
        %dma_start3A_342 = arith.constant 0 : i32
        %dma_start3A_343 = arith.constant 0 : i32
        %dma_start3A_344 = tpu.memref_slice %arg9[%dma_start3A_341, %dma_start3A_342, %dma_start3A_343] : memref<4x192x195xf32, #tpu.memory_space<hbm>> -> memref<4x192x128xf32, #tpu.memory_space<hbm>>
        tpu.enqueue_dma source(%arg71 : memref<4x192x128xf32, #tpu.memory_space<vmem>>) target(%dma_start3A_344 : memref<4x192x128xf32, #tpu.memory_space<hbm>>) target_semaphore(%run_scoped3A : memref<!tpu.dma_semaphore, #tpu.memory_space<semaphore_mem>>)
        %dma_wait3A = arith.constant 0 : i32
        %dma_wait3A_345 = arith.constant 0 : i32
        %dma_wait3A_346 = arith.constant 0 : i32
        %dma_wait3A_347 = tpu.memref_slice %arg9[%dma_wait3A, %dma_wait3A_345, %dma_wait3A_346] : memref<4x192x195xf32, #tpu.memory_space<hbm>> -> memref<4x192x128xf32, #tpu.memory_space<hbm>>
        %dma_wait3A_348 = arith.constant 0 : i32
        %dma_wait3A_349 = arith.constant 0 : i32
        %dma_wait3A_350 = arith.constant 0 : i32
        %dma_wait3A_351 = tpu.memref_slice %arg9[%dma_wait3A_348, %dma_wait3A_349, %dma_wait3A_350] : memref<4x192x195xf32, #tpu.memory_space<hbm>> -> memref<4x192x128xf32, #tpu.memory_space<hbm>>
        tpu.wait_dma2 semaphore(%run_scoped3A : memref<!tpu.dma_semaphore, #tpu.memory_space<semaphore_mem>>) src(%arg71 : memref<4x192x128xf32, #tpu.memory_space<vmem>>) dst(%dma_wait3A_351 : memref<4x192x128xf32, #tpu.memory_space<hbm>>)
        tpu.yield
      }) : () -> ()
    } else {
    }
    %eq3A_33 = arith.constant 7 : i32
    %eq3A_34 = arith.cmpi eq, %add3A, %eq3A_33 : i32
    %convert_element_type3A_35 = arith.extui %eq3A_34 : i1 to i32
    %cond3A_36 = arith.constant 0 : i32
    %cond3A_37 = arith.cmpi ne, %convert_element_type3A_35, %cond3A_36 : i32
    scf.if %cond3A_37 {
      "tpu.region"() ({
        %run_scoped3A = tpu.sem_alloc : memref<!tpu.dma_semaphore, #tpu.memory_space<semaphore_mem>>
        %dma_start3A = arith.constant 0 : i32
        %dma_start3A_338 = arith.constant 0 : i32
        %dma_start3A_339 = arith.constant 0 : i32
        %dma_start3A_340 = tpu.memref_slice %arg10[%dma_start3A, %dma_start3A_338, %dma_start3A_339] : memref<4x192x195xf32, #tpu.memory_space<hbm>> -> memref<4x192x128xf32, #tpu.memory_space<hbm>>
        %dma_start3A_341 = arith.constant 0 : i32
        %dma_start3A_342 = arith.constant 0 : i32
        %dma_start3A_343 = arith.constant 0 : i32
        %dma_start3A_344 = tpu.memref_slice %arg10[%dma_start3A_341, %dma_start3A_342, %dma_start3A_343] : memref<4x192x195xf32, #tpu.memory_space<hbm>> -> memref<4x192x128xf32, #tpu.memory_space<hbm>>
        tpu.enqueue_dma source(%arg71 : memref<4x192x128xf32, #tpu.memory_space<vmem>>) target(%dma_start3A_344 : memref<4x192x128xf32, #tpu.memory_space<hbm>>) target_semaphore(%run_scoped3A : memref<!tpu.dma_semaphore, #tpu.memory_space<semaphore_mem>>)
        %dma_wait3A = arith.constant 0 : i32
        %dma_wait3A_345 = arith.constant 0 : i32
        %dma_wait3A_346 = arith.constant 0 : i32
        %dma_wait3A_347 = tpu.memref_slice %arg10[%dma_wait3A, %dma_wait3A_345, %dma_wait3A_346] : memref<4x192x195xf32, #tpu.memory_space<hbm>> -> memref<4x192x128xf32, #tpu.memory_space<hbm>>
        %dma_wait3A_348 = arith.constant 0 : i32
        %dma_wait3A_349 = arith.constant 0 : i32
        %dma_wait3A_350 = arith.constant 0 : i32
        %dma_wait3A_351 = tpu.memref_slice %arg10[%dma_wait3A_348, %dma_wait3A_349, %dma_wait3A_350] : memref<4x192x195xf32, #tpu.memory_space<hbm>> -> memref<4x192x128xf32, #tpu.memory_space<hbm>>
        tpu.wait_dma2 semaphore(%run_scoped3A : memref<!tpu.dma_semaphore, #tpu.memory_space<semaphore_mem>>) src(%arg71 : memref<4x192x128xf32, #tpu.memory_space<vmem>>) dst(%dma_wait3A_351 : memref<4x192x128xf32, #tpu.memory_space<hbm>>)
        tpu.yield
      }) : () -> ()
    } else {
    }
    %eq3A_38 = arith.constant 8 : i32
    %eq3A_39 = arith.cmpi eq, %add3A, %eq3A_38 : i32
    %convert_element_type3A_40 = arith.extui %eq3A_39 : i1 to i32
    %cond3A_41 = arith.constant 0 : i32
    %cond3A_42 = arith.cmpi ne, %convert_element_type3A_40, %cond3A_41 : i32
    scf.if %cond3A_42 {
      "tpu.region"() ({
        %run_scoped3A = tpu.sem_alloc : memref<!tpu.dma_semaphore, #tpu.memory_space<semaphore_mem>>
        %dma_start3A = arith.constant 0 : i32
        %dma_start3A_338 = arith.constant 0 : i32
        %dma_start3A_339 = arith.constant 0 : i32
        %dma_start3A_340 = tpu.memref_slice %arg11[%dma_start3A, %dma_start3A_338, %dma_start3A_339] : memref<4x192x195xf32, #tpu.memory_space<hbm>> -> memref<4x192x128xf32, #tpu.memory_space<hbm>>
        %dma_start3A_341 = arith.constant 0 : i32
        %dma_start3A_342 = arith.constant 0 : i32
        %dma_start3A_343 = arith.constant 0 : i32
        %dma_start3A_344 = tpu.memref_slice %arg11[%dma_start3A_341, %dma_start3A_342, %dma_start3A_343] : memref<4x192x195xf32, #tpu.memory_space<hbm>> -> memref<4x192x128xf32, #tpu.memory_space<hbm>>
        tpu.enqueue_dma source(%arg71 : memref<4x192x128xf32, #tpu.memory_space<vmem>>) target(%dma_start3A_344 : memref<4x192x128xf32, #tpu.memory_space<hbm>>) target_semaphore(%run_scoped3A : memref<!tpu.dma_semaphore, #tpu.memory_space<semaphore_mem>>)
        %dma_wait3A = arith.constant 0 : i32
        %dma_wait3A_345 = arith.constant 0 : i32
        %dma_wait3A_346 = arith.constant 0 : i32
        %dma_wait3A_347 = tpu.memref_slice %arg11[%dma_wait3A, %dma_wait3A_345, %dma_wait3A_346] : memref<4x192x195xf32, #tpu.memory_space<hbm>> -> memref<4x192x128xf32, #tpu.memory_space<hbm>>
        %dma_wait3A_348 = arith.constant 0 : i32
        %dma_wait3A_349 = arith.constant 0 : i32
        %dma_wait3A_350 = arith.constant 0 : i32
        %dma_wait3A_351 = tpu.memref_slice %arg11[%dma_wait3A_348, %dma_wait3A_349, %dma_wait3A_350] : memref<4x192x195xf32, #tpu.memory_space<hbm>> -> memref<4x192x128xf32, #tpu.memory_space<hbm>>
        tpu.wait_dma2 semaphore(%run_scoped3A : memref<!tpu.dma_semaphore, #tpu.memory_space<semaphore_mem>>) src(%arg71 : memref<4x192x128xf32, #tpu.memory_space<vmem>>) dst(%dma_wait3A_351 : memref<4x192x128xf32, #tpu.memory_space<hbm>>)
        tpu.yield
      }) : () -> ()
    } else {
    }
    %eq3A_43 = arith.constant 9 : i32
    %eq3A_44 = arith.cmpi eq, %add3A, %eq3A_43 : i32
    %convert_element_type3A_45 = arith.extui %eq3A_44 : i1 to i32
    %cond3A_46 = arith.constant 0 : i32
    %cond3A_47 = arith.cmpi ne, %convert_element_type3A_45, %cond3A_46 : i32
    scf.if %cond3A_47 {
      "tpu.region"() ({
        %run_scoped3A = tpu.sem_alloc : memref<!tpu.dma_semaphore, #tpu.memory_space<semaphore_mem>>
        %dma_start3A = arith.constant 0 : i32
        %dma_start3A_338 = arith.constant 0 : i32
        %dma_start3A_339 = arith.constant 0 : i32
        %dma_start3A_340 = tpu.memref_slice %arg12[%dma_start3A, %dma_start3A_338, %dma_start3A_339] : memref<4x192x195xf32, #tpu.memory_space<hbm>> -> memref<4x192x128xf32, #tpu.memory_space<hbm>>
        %dma_start3A_341 = arith.constant 0 : i32
        %dma_start3A_342 = arith.constant 0 : i32
        %dma_start3A_343 = arith.constant 0 : i32
        %dma_start3A_344 = tpu.memref_slice %arg12[%dma_start3A_341, %dma_start3A_342, %dma_start3A_343] : memref<4x192x195xf32, #tpu.memory_space<hbm>> -> memref<4x192x128xf32, #tpu.memory_space<hbm>>
        tpu.enqueue_dma source(%arg71 : memref<4x192x128xf32, #tpu.memory_space<vmem>>) target(%dma_start3A_344 : memref<4x192x128xf32, #tpu.memory_space<hbm>>) target_semaphore(%run_scoped3A : memref<!tpu.dma_semaphore, #tpu.memory_space<semaphore_mem>>)
        %dma_wait3A = arith.constant 0 : i32
        %dma_wait3A_345 = arith.constant 0 : i32
        %dma_wait3A_346 = arith.constant 0 : i32
        %dma_wait3A_347 = tpu.memref_slice %arg12[%dma_wait3A, %dma_wait3A_345, %dma_wait3A_346] : memref<4x192x195xf32, #tpu.memory_space<hbm>> -> memref<4x192x128xf32, #tpu.memory_space<hbm>>
        %dma_wait3A_348 = arith.constant 0 : i32
        %dma_wait3A_349 = arith.constant 0 : i32
        %dma_wait3A_350 = arith.constant 0 : i32
        %dma_wait3A_351 = tpu.memref_slice %arg12[%dma_wait3A_348, %dma_wait3A_349, %dma_wait3A_350] : memref<4x192x195xf32, #tpu.memory_space<hbm>> -> memref<4x192x128xf32, #tpu.memory_space<hbm>>
        tpu.wait_dma2 semaphore(%run_scoped3A : memref<!tpu.dma_semaphore, #tpu.memory_space<semaphore_mem>>) src(%arg71 : memref<4x192x128xf32, #tpu.memory_space<vmem>>) dst(%dma_wait3A_351 : memref<4x192x128xf32, #tpu.memory_space<hbm>>)
        tpu.yield
      }) : () -> ()
    } else {
    }
    %eq3A_48 = arith.constant 10 : i32
    %eq3A_49 = arith.cmpi eq, %add3A, %eq3A_48 : i32
    %convert_element_type3A_50 = arith.extui %eq3A_49 : i1 to i32
    %cond3A_51 = arith.constant 0 : i32
    %cond3A_52 = arith.cmpi ne, %convert_element_type3A_50, %cond3A_51 : i32
    scf.if %cond3A_52 {
      "tpu.region"() ({
        %run_scoped3A = tpu.sem_alloc : memref<!tpu.dma_semaphore, #tpu.memory_space<semaphore_mem>>
        %dma_start3A = arith.constant 0 : i32
        %dma_start3A_338 = arith.constant 0 : i32
        %dma_start3A_339 = arith.constant 0 : i32
        %dma_start3A_340 = tpu.memref_slice %arg13[%dma_start3A, %dma_start3A_338, %dma_start3A_339] : memref<4x192x195xf32, #tpu.memory_space<hbm>> -> memref<4x192x128xf32, #tpu.memory_space<hbm>>
        %dma_start3A_341 = arith.constant 0 : i32
        %dma_start3A_342 = arith.constant 0 : i32
        %dma_start3A_343 = arith.constant 0 : i32
        %dma_start3A_344 = tpu.memref_slice %arg13[%dma_start3A_341, %dma_start3A_342, %dma_start3A_343] : memref<4x192x195xf32, #tpu.memory_space<hbm>> -> memref<4x192x128xf32, #tpu.memory_space<hbm>>
        tpu.enqueue_dma source(%arg71 : memref<4x192x128xf32, #tpu.memory_space<vmem>>) target(%dma_start3A_344 : memref<4x192x128xf32, #tpu.memory_space<hbm>>) target_semaphore(%run_scoped3A : memref<!tpu.dma_semaphore, #tpu.memory_space<semaphore_mem>>)
        %dma_wait3A = arith.constant 0 : i32
        %dma_wait3A_345 = arith.constant 0 : i32
        %dma_wait3A_346 = arith.constant 0 : i32
        %dma_wait3A_347 = tpu.memref_slice %arg13[%dma_wait3A, %dma_wait3A_345, %dma_wait3A_346] : memref<4x192x195xf32, #tpu.memory_space<hbm>> -> memref<4x192x128xf32, #tpu.memory_space<hbm>>
        %dma_wait3A_348 = arith.constant 0 : i32
        %dma_wait3A_349 = arith.constant 0 : i32
        %dma_wait3A_350 = arith.constant 0 : i32
        %dma_wait3A_351 = tpu.memref_slice %arg13[%dma_wait3A_348, %dma_wait3A_349, %dma_wait3A_350] : memref<4x192x195xf32, #tpu.memory_space<hbm>> -> memref<4x192x128xf32, #tpu.memory_space<hbm>>
        tpu.wait_dma2 semaphore(%run_scoped3A : memref<!tpu.dma_semaphore, #tpu.memory_space<semaphore_mem>>) src(%arg71 : memref<4x192x128xf32, #tpu.memory_space<vmem>>) dst(%dma_wait3A_351 : memref<4x192x128xf32, #tpu.memory_space<hbm>>)
        tpu.yield
      }) : () -> ()
    } else {
    }
    %eq3A_53 = arith.constant 11 : i32
    %eq3A_54 = arith.cmpi eq, %add3A, %eq3A_53 : i32
    %convert_element_type3A_55 = arith.extui %eq3A_54 : i1 to i32
    %cond3A_56 = arith.constant 0 : i32
    %cond3A_57 = arith.cmpi ne, %convert_element_type3A_55, %cond3A_56 : i32
    scf.if %cond3A_57 {
      "tpu.region"() ({
        %run_scoped3A = tpu.sem_alloc : memref<!tpu.dma_semaphore, #tpu.memory_space<semaphore_mem>>
        %dma_start3A = arith.constant 0 : i32
        %dma_start3A_338 = arith.constant 0 : i32
        %dma_start3A_339 = arith.constant 0 : i32
        %dma_start3A_340 = tpu.memref_slice %arg14[%dma_start3A, %dma_start3A_338, %dma_start3A_339] : memref<4x192x195xf32, #tpu.memory_space<hbm>> -> memref<4x192x128xf32, #tpu.memory_space<hbm>>
        %dma_start3A_341 = arith.constant 0 : i32
        %dma_start3A_342 = arith.constant 0 : i32
        %dma_start3A_343 = arith.constant 0 : i32
        %dma_start3A_344 = tpu.memref_slice %arg14[%dma_start3A_341, %dma_start3A_342, %dma_start3A_343] : memref<4x192x195xf32, #tpu.memory_space<hbm>> -> memref<4x192x128xf32, #tpu.memory_space<hbm>>
        tpu.enqueue_dma source(%arg71 : memref<4x192x128xf32, #tpu.memory_space<vmem>>) target(%dma_start3A_344 : memref<4x192x128xf32, #tpu.memory_space<hbm>>) target_semaphore(%run_scoped3A : memref<!tpu.dma_semaphore, #tpu.memory_space<semaphore_mem>>)
        %dma_wait3A = arith.constant 0 : i32
        %dma_wait3A_345 = arith.constant 0 : i32
        %dma_wait3A_346 = arith.constant 0 : i32
        %dma_wait3A_347 = tpu.memref_slice %arg14[%dma_wait3A, %dma_wait3A_345, %dma_wait3A_346] : memref<4x192x195xf32, #tpu.memory_space<hbm>> -> memref<4x192x128xf32, #tpu.memory_space<hbm>>
        %dma_wait3A_348 = arith.constant 0 : i32
        %dma_wait3A_349 = arith.constant 0 : i32
        %dma_wait3A_350 = arith.constant 0 : i32
        %dma_wait3A_351 = tpu.memref_slice %arg14[%dma_wait3A_348, %dma_wait3A_349, %dma_wait3A_350] : memref<4x192x195xf32, #tpu.memory_space<hbm>> -> memref<4x192x128xf32, #tpu.memory_space<hbm>>
        tpu.wait_dma2 semaphore(%run_scoped3A : memref<!tpu.dma_semaphore, #tpu.memory_space<semaphore_mem>>) src(%arg71 : memref<4x192x128xf32, #tpu.memory_space<vmem>>) dst(%dma_wait3A_351 : memref<4x192x128xf32, #tpu.memory_space<hbm>>)
        tpu.yield
      }) : () -> ()
    } else {
    }
    %eq3A_58 = arith.constant 12 : i32
    %eq3A_59 = arith.cmpi eq, %add3A, %eq3A_58 : i32
    %convert_element_type3A_60 = arith.extui %eq3A_59 : i1 to i32
    %cond3A_61 = arith.constant 0 : i32
    %cond3A_62 = arith.cmpi ne, %convert_element_type3A_60, %cond3A_61 : i32
    scf.if %cond3A_62 {
      "tpu.region"() ({
        %run_scoped3A = tpu.sem_alloc : memref<!tpu.dma_semaphore, #tpu.memory_space<semaphore_mem>>
        %dma_start3A = arith.constant 0 : i32
        %dma_start3A_338 = arith.constant 0 : i32
        %dma_start3A_339 = arith.constant 0 : i32
        %dma_start3A_340 = tpu.memref_slice %arg15[%dma_start3A, %dma_start3A_338, %dma_start3A_339] : memref<4x192x195xf32, #tpu.memory_space<hbm>> -> memref<4x192x128xf32, #tpu.memory_space<hbm>>
        %dma_start3A_341 = arith.constant 0 : i32
        %dma_start3A_342 = arith.constant 0 : i32
        %dma_start3A_343 = arith.constant 0 : i32
        %dma_start3A_344 = tpu.memref_slice %arg15[%dma_start3A_341, %dma_start3A_342, %dma_start3A_343] : memref<4x192x195xf32, #tpu.memory_space<hbm>> -> memref<4x192x128xf32, #tpu.memory_space<hbm>>
        tpu.enqueue_dma source(%arg71 : memref<4x192x128xf32, #tpu.memory_space<vmem>>) target(%dma_start3A_344 : memref<4x192x128xf32, #tpu.memory_space<hbm>>) target_semaphore(%run_scoped3A : memref<!tpu.dma_semaphore, #tpu.memory_space<semaphore_mem>>)
        %dma_wait3A = arith.constant 0 : i32
        %dma_wait3A_345 = arith.constant 0 : i32
        %dma_wait3A_346 = arith.constant 0 : i32
        %dma_wait3A_347 = tpu.memref_slice %arg15[%dma_wait3A, %dma_wait3A_345, %dma_wait3A_346] : memref<4x192x195xf32, #tpu.memory_space<hbm>> -> memref<4x192x128xf32, #tpu.memory_space<hbm>>
        %dma_wait3A_348 = arith.constant 0 : i32
        %dma_wait3A_349 = arith.constant 0 : i32
        %dma_wait3A_350 = arith.constant 0 : i32
        %dma_wait3A_351 = tpu.memref_slice %arg15[%dma_wait3A_348, %dma_wait3A_349, %dma_wait3A_350] : memref<4x192x195xf32, #tpu.memory_space<hbm>> -> memref<4x192x128xf32, #tpu.memory_space<hbm>>
        tpu.wait_dma2 semaphore(%run_scoped3A : memref<!tpu.dma_semaphore, #tpu.memory_space<semaphore_mem>>) src(%arg71 : memref<4x192x128xf32, #tpu.memory_space<vmem>>) dst(%dma_wait3A_351 : memref<4x192x128xf32, #tpu.memory_space<hbm>>)
        tpu.yield
      }) : () -> ()
    } else {
    }
    %eq3A_63 = arith.constant 13 : i32
    %eq3A_64 = arith.cmpi eq, %add3A, %eq3A_63 : i32
    %convert_element_type3A_65 = arith.extui %eq3A_64 : i1 to i32
    %cond3A_66 = arith.constant 0 : i32
    %cond3A_67 = arith.cmpi ne, %convert_element_type3A_65, %cond3A_66 : i32
    scf.if %cond3A_67 {
      "tpu.region"() ({
        %run_scoped3A = tpu.sem_alloc : memref<!tpu.dma_semaphore, #tpu.memory_space<semaphore_mem>>
        %dma_start3A = arith.constant 0 : i32
        %dma_start3A_338 = arith.constant 0 : i32
        %dma_start3A_339 = arith.constant 0 : i32
        %dma_start3A_340 = tpu.memref_slice %arg16[%dma_start3A, %dma_start3A_338, %dma_start3A_339] : memref<4x192x195xf32, #tpu.memory_space<hbm>> -> memref<4x192x128xf32, #tpu.memory_space<hbm>>
        %dma_start3A_341 = arith.constant 0 : i32
        %dma_start3A_342 = arith.constant 0 : i32
        %dma_start3A_343 = arith.constant 0 : i32
        %dma_start3A_344 = tpu.memref_slice %arg16[%dma_start3A_341, %dma_start3A_342, %dma_start3A_343] : memref<4x192x195xf32, #tpu.memory_space<hbm>> -> memref<4x192x128xf32, #tpu.memory_space<hbm>>
        tpu.enqueue_dma source(%arg71 : memref<4x192x128xf32, #tpu.memory_space<vmem>>) target(%dma_start3A_344 : memref<4x192x128xf32, #tpu.memory_space<hbm>>) target_semaphore(%run_scoped3A : memref<!tpu.dma_semaphore, #tpu.memory_space<semaphore_mem>>)
        %dma_wait3A = arith.constant 0 : i32
        %dma_wait3A_345 = arith.constant 0 : i32
        %dma_wait3A_346 = arith.constant 0 : i32
        %dma_wait3A_347 = tpu.memref_slice %arg16[%dma_wait3A, %dma_wait3A_345, %dma_wait3A_346] : memref<4x192x195xf32, #tpu.memory_space<hbm>> -> memref<4x192x128xf32, #tpu.memory_space<hbm>>
        %dma_wait3A_348 = arith.constant 0 : i32
        %dma_wait3A_349 = arith.constant 0 : i32
        %dma_wait3A_350 = arith.constant 0 : i32
        %dma_wait3A_351 = tpu.memref_slice %arg16[%dma_wait3A_348, %dma_wait3A_349, %dma_wait3A_350] : memref<4x192x195xf32, #tpu.memory_space<hbm>> -> memref<4x192x128xf32, #tpu.memory_space<hbm>>
        tpu.wait_dma2 semaphore(%run_scoped3A : memref<!tpu.dma_semaphore, #tpu.memory_space<semaphore_mem>>) src(%arg71 : memref<4x192x128xf32, #tpu.memory_space<vmem>>) dst(%dma_wait3A_351 : memref<4x192x128xf32, #tpu.memory_space<hbm>>)
        tpu.yield
      }) : () -> ()
    } else {
    }
    %eq3A_68 = arith.constant 14 : i32
    %eq3A_69 = arith.cmpi eq, %add3A, %eq3A_68 : i32
    %convert_element_type3A_70 = arith.extui %eq3A_69 : i1 to i32
    %cond3A_71 = arith.constant 0 : i32
    %cond3A_72 = arith.cmpi ne, %convert_element_type3A_70, %cond3A_71 : i32
    scf.if %cond3A_72 {
      "tpu.region"() ({
        %run_scoped3A = tpu.sem_alloc : memref<!tpu.dma_semaphore, #tpu.memory_space<semaphore_mem>>
        %dma_start3A = arith.constant 0 : i32
        %dma_start3A_338 = arith.constant 0 : i32
        %dma_start3A_339 = arith.constant 0 : i32
        %dma_start3A_340 = tpu.memref_slice %arg17[%dma_start3A, %dma_start3A_338, %dma_start3A_339] : memref<4x192x195xf32, #tpu.memory_space<hbm>> -> memref<4x192x128xf32, #tpu.memory_space<hbm>>
        %dma_start3A_341 = arith.constant 0 : i32
        %dma_start3A_342 = arith.constant 0 : i32
        %dma_start3A_343 = arith.constant 0 : i32
        %dma_start3A_344 = tpu.memref_slice %arg17[%dma_start3A_341, %dma_start3A_342, %dma_start3A_343] : memref<4x192x195xf32, #tpu.memory_space<hbm>> -> memref<4x192x128xf32, #tpu.memory_space<hbm>>
        tpu.enqueue_dma source(%arg71 : memref<4x192x128xf32, #tpu.memory_space<vmem>>) target(%dma_start3A_344 : memref<4x192x128xf32, #tpu.memory_space<hbm>>) target_semaphore(%run_scoped3A : memref<!tpu.dma_semaphore, #tpu.memory_space<semaphore_mem>>)
        %dma_wait3A = arith.constant 0 : i32
        %dma_wait3A_345 = arith.constant 0 : i32
        %dma_wait3A_346 = arith.constant 0 : i32
        %dma_wait3A_347 = tpu.memref_slice %arg17[%dma_wait3A, %dma_wait3A_345, %dma_wait3A_346] : memref<4x192x195xf32, #tpu.memory_space<hbm>> -> memref<4x192x128xf32, #tpu.memory_space<hbm>>
        %dma_wait3A_348 = arith.constant 0 : i32
        %dma_wait3A_349 = arith.constant 0 : i32
        %dma_wait3A_350 = arith.constant 0 : i32
        %dma_wait3A_351 = tpu.memref_slice %arg17[%dma_wait3A_348, %dma_wait3A_349, %dma_wait3A_350] : memref<4x192x195xf32, #tpu.memory_space<hbm>> -> memref<4x192x128xf32, #tpu.memory_space<hbm>>
        tpu.wait_dma2 semaphore(%run_scoped3A : memref<!tpu.dma_semaphore, #tpu.memory_space<semaphore_mem>>) src(%arg71 : memref<4x192x128xf32, #tpu.memory_space<vmem>>) dst(%dma_wait3A_351 : memref<4x192x128xf32, #tpu.memory_space<hbm>>)
        tpu.yield
      }) : () -> ()
    } else {
    }
    %eq3A_73 = arith.constant 15 : i32
    %eq3A_74 = arith.cmpi eq, %add3A, %eq3A_73 : i32
    %convert_element_type3A_75 = arith.extui %eq3A_74 : i1 to i32
    %cond3A_76 = arith.constant 0 : i32
    %cond3A_77 = arith.cmpi ne, %convert_element_type3A_75, %cond3A_76 : i32
    scf.if %cond3A_77 {
      "tpu.region"() ({
        %run_scoped3A = tpu.sem_alloc : memref<!tpu.dma_semaphore, #tpu.memory_space<semaphore_mem>>
        %dma_start3A = arith.constant 0 : i32
        %dma_start3A_338 = arith.constant 0 : i32
        %dma_start3A_339 = arith.constant 0 : i32
        %dma_start3A_340 = tpu.memref_slice %arg18[%dma_start3A, %dma_start3A_338, %dma_start3A_339] : memref<4x192x195xf32, #tpu.memory_space<hbm>> -> memref<4x192x128xf32, #tpu.memory_space<hbm>>
        %dma_start3A_341 = arith.constant 0 : i32
        %dma_start3A_342 = arith.constant 0 : i32
        %dma_start3A_343 = arith.constant 0 : i32
        %dma_start3A_344 = tpu.memref_slice %arg18[%dma_start3A_341, %dma_start3A_342, %dma_start3A_343] : memref<4x192x195xf32, #tpu.memory_space<hbm>> -> memref<4x192x128xf32, #tpu.memory_space<hbm>>
        tpu.enqueue_dma source(%arg71 : memref<4x192x128xf32, #tpu.memory_space<vmem>>) target(%dma_start3A_344 : memref<4x192x128xf32, #tpu.memory_space<hbm>>) target_semaphore(%run_scoped3A : memref<!tpu.dma_semaphore, #tpu.memory_space<semaphore_mem>>)
        %dma_wait3A = arith.constant 0 : i32
        %dma_wait3A_345 = arith.constant 0 : i32
        %dma_wait3A_346 = arith.constant 0 : i32
        %dma_wait3A_347 = tpu.memref_slice %arg18[%dma_wait3A, %dma_wait3A_345, %dma_wait3A_346] : memref<4x192x195xf32, #tpu.memory_space<hbm>> -> memref<4x192x128xf32, #tpu.memory_space<hbm>>
        %dma_wait3A_348 = arith.constant 0 : i32
        %dma_wait3A_349 = arith.constant 0 : i32
        %dma_wait3A_350 = arith.constant 0 : i32
        %dma_wait3A_351 = tpu.memref_slice %arg18[%dma_wait3A_348, %dma_wait3A_349, %dma_wait3A_350] : memref<4x192x195xf32, #tpu.memory_space<hbm>> -> memref<4x192x128xf32, #tpu.memory_space<hbm>>
        tpu.wait_dma2 semaphore(%run_scoped3A : memref<!tpu.dma_semaphore, #tpu.memory_space<semaphore_mem>>) src(%arg71 : memref<4x192x128xf32, #tpu.memory_space<vmem>>) dst(%dma_wait3A_351 : memref<4x192x128xf32, #tpu.memory_space<hbm>>)
        tpu.yield
      }) : () -> ()
    } else {
    }
    %eq3A_78 = arith.constant 16 : i32
    %eq3A_79 = arith.cmpi eq, %add3A, %eq3A_78 : i32
    %convert_element_type3A_80 = arith.extui %eq3A_79 : i1 to i32
    %cond3A_81 = arith.constant 0 : i32
    %cond3A_82 = arith.cmpi ne, %convert_element_type3A_80, %cond3A_81 : i32
    scf.if %cond3A_82 {
      "tpu.region"() ({
        %run_scoped3A = tpu.sem_alloc : memref<!tpu.dma_semaphore, #tpu.memory_space<semaphore_mem>>
        %dma_start3A = arith.constant 0 : i32
        %dma_start3A_338 = arith.constant 0 : i32
        %dma_start3A_339 = arith.constant 0 : i32
        %dma_start3A_340 = tpu.memref_slice %arg19[%dma_start3A, %dma_start3A_338, %dma_start3A_339] : memref<4x192x195xf32, #tpu.memory_space<hbm>> -> memref<4x192x128xf32, #tpu.memory_space<hbm>>
        %dma_start3A_341 = arith.constant 0 : i32
        %dma_start3A_342 = arith.constant 0 : i32
        %dma_start3A_343 = arith.constant 0 : i32
        %dma_start3A_344 = tpu.memref_slice %arg19[%dma_start3A_341, %dma_start3A_342, %dma_start3A_343] : memref<4x192x195xf32, #tpu.memory_space<hbm>> -> memref<4x192x128xf32, #tpu.memory_space<hbm>>
        tpu.enqueue_dma source(%arg71 : memref<4x192x128xf32, #tpu.memory_space<vmem>>) target(%dma_start3A_344 : memref<4x192x128xf32, #tpu.memory_space<hbm>>) target_semaphore(%run_scoped3A : memref<!tpu.dma_semaphore, #tpu.memory_space<semaphore_mem>>)
        %dma_wait3A = arith.constant 0 : i32
        %dma_wait3A_345 = arith.constant 0 : i32
        %dma_wait3A_346 = arith.constant 0 : i32
        %dma_wait3A_347 = tpu.memref_slice %arg19[%dma_wait3A, %dma_wait3A_345, %dma_wait3A_346] : memref<4x192x195xf32, #tpu.memory_space<hbm>> -> memref<4x192x128xf32, #tpu.memory_space<hbm>>
        %dma_wait3A_348 = arith.constant 0 : i32
        %dma_wait3A_349 = arith.constant 0 : i32
        %dma_wait3A_350 = arith.constant 0 : i32
        %dma_wait3A_351 = tpu.memref_slice %arg19[%dma_wait3A_348, %dma_wait3A_349, %dma_wait3A_350] : memref<4x192x195xf32, #tpu.memory_space<hbm>> -> memref<4x192x128xf32, #tpu.memory_space<hbm>>
        tpu.wait_dma2 semaphore(%run_scoped3A : memref<!tpu.dma_semaphore, #tpu.memory_space<semaphore_mem>>) src(%arg71 : memref<4x192x128xf32, #tpu.memory_space<vmem>>) dst(%dma_wait3A_351 : memref<4x192x128xf32, #tpu.memory_space<hbm>>)
        tpu.yield
      }) : () -> ()
    } else {
    }
    %eq3A_83 = arith.constant 17 : i32
    %eq3A_84 = arith.cmpi eq, %add3A, %eq3A_83 : i32
    %convert_element_type3A_85 = arith.extui %eq3A_84 : i1 to i32
    %cond3A_86 = arith.constant 0 : i32
    %cond3A_87 = arith.cmpi ne, %convert_element_type3A_85, %cond3A_86 : i32
    scf.if %cond3A_87 {
      "tpu.region"() ({
        %run_scoped3A = tpu.sem_alloc : memref<!tpu.dma_semaphore, #tpu.memory_space<semaphore_mem>>
        %dma_start3A = arith.constant 0 : i32
        %dma_start3A_338 = arith.constant 0 : i32
        %dma_start3A_339 = arith.constant 0 : i32
        %dma_start3A_340 = tpu.memref_slice %arg20[%dma_start3A, %dma_start3A_338, %dma_start3A_339] : memref<4x192x195xf32, #tpu.memory_space<hbm>> -> memref<4x192x128xf32, #tpu.memory_space<hbm>>
        %dma_start3A_341 = arith.constant 0 : i32
        %dma_start3A_342 = arith.constant 0 : i32
        %dma_start3A_343 = arith.constant 0 : i32
        %dma_start3A_344 = tpu.memref_slice %arg20[%dma_start3A_341, %dma_start3A_342, %dma_start3A_343] : memref<4x192x195xf32, #tpu.memory_space<hbm>> -> memref<4x192x128xf32, #tpu.memory_space<hbm>>
        tpu.enqueue_dma source(%arg71 : memref<4x192x128xf32, #tpu.memory_space<vmem>>) target(%dma_start3A_344 : memref<4x192x128xf32, #tpu.memory_space<hbm>>) target_semaphore(%run_scoped3A : memref<!tpu.dma_semaphore, #tpu.memory_space<semaphore_mem>>)
        %dma_wait3A = arith.constant 0 : i32
        %dma_wait3A_345 = arith.constant 0 : i32
        %dma_wait3A_346 = arith.constant 0 : i32
        %dma_wait3A_347 = tpu.memref_slice %arg20[%dma_wait3A, %dma_wait3A_345, %dma_wait3A_346] : memref<4x192x195xf32, #tpu.memory_space<hbm>> -> memref<4x192x128xf32, #tpu.memory_space<hbm>>
        %dma_wait3A_348 = arith.constant 0 : i32
        %dma_wait3A_349 = arith.constant 0 : i32
        %dma_wait3A_350 = arith.constant 0 : i32
        %dma_wait3A_351 = tpu.memref_slice %arg20[%dma_wait3A_348, %dma_wait3A_349, %dma_wait3A_350] : memref<4x192x195xf32, #tpu.memory_space<hbm>> -> memref<4x192x128xf32, #tpu.memory_space<hbm>>
        tpu.wait_dma2 semaphore(%run_scoped3A : memref<!tpu.dma_semaphore, #tpu.memory_space<semaphore_mem>>) src(%arg71 : memref<4x192x128xf32, #tpu.memory_space<vmem>>) dst(%dma_wait3A_351 : memref<4x192x128xf32, #tpu.memory_space<hbm>>)
        tpu.yield
      }) : () -> ()
    } else {
    }
    %eq3A_88 = arith.constant 18 : i32
    %eq3A_89 = arith.cmpi eq, %add3A, %eq3A_88 : i32
    %convert_element_type3A_90 = arith.extui %eq3A_89 : i1 to i32
    %cond3A_91 = arith.constant 0 : i32
    %cond3A_92 = arith.cmpi ne, %convert_element_type3A_90, %cond3A_91 : i32
    scf.if %cond3A_92 {
      "tpu.region"() ({
        %run_scoped3A = tpu.sem_alloc : memref<!tpu.dma_semaphore, #tpu.memory_space<semaphore_mem>>
        %dma_start3A = arith.constant 0 : i32
        %dma_start3A_338 = arith.constant 0 : i32
        %dma_start3A_339 = arith.constant 0 : i32
        %dma_start3A_340 = tpu.memref_slice %arg21[%dma_start3A, %dma_start3A_338, %dma_start3A_339] : memref<4x192x195xf32, #tpu.memory_space<hbm>> -> memref<4x192x128xf32, #tpu.memory_space<hbm>>
        %dma_start3A_341 = arith.constant 0 : i32
        %dma_start3A_342 = arith.constant 0 : i32
        %dma_start3A_343 = arith.constant 0 : i32
        %dma_start3A_344 = tpu.memref_slice %arg21[%dma_start3A_341, %dma_start3A_342, %dma_start3A_343] : memref<4x192x195xf32, #tpu.memory_space<hbm>> -> memref<4x192x128xf32, #tpu.memory_space<hbm>>
        tpu.enqueue_dma source(%arg71 : memref<4x192x128xf32, #tpu.memory_space<vmem>>) target(%dma_start3A_344 : memref<4x192x128xf32, #tpu.memory_space<hbm>>) target_semaphore(%run_scoped3A : memref<!tpu.dma_semaphore, #tpu.memory_space<semaphore_mem>>)
        %dma_wait3A = arith.constant 0 : i32
        %dma_wait3A_345 = arith.constant 0 : i32
        %dma_wait3A_346 = arith.constant 0 : i32
        %dma_wait3A_347 = tpu.memref_slice %arg21[%dma_wait3A, %dma_wait3A_345, %dma_wait3A_346] : memref<4x192x195xf32, #tpu.memory_space<hbm>> -> memref<4x192x128xf32, #tpu.memory_space<hbm>>
        %dma_wait3A_348 = arith.constant 0 : i32
        %dma_wait3A_349 = arith.constant 0 : i32
        %dma_wait3A_350 = arith.constant 0 : i32
        %dma_wait3A_351 = tpu.memref_slice %arg21[%dma_wait3A_348, %dma_wait3A_349, %dma_wait3A_350] : memref<4x192x195xf32, #tpu.memory_space<hbm>> -> memref<4x192x128xf32, #tpu.memory_space<hbm>>
        tpu.wait_dma2 semaphore(%run_scoped3A : memref<!tpu.dma_semaphore, #tpu.memory_space<semaphore_mem>>) src(%arg71 : memref<4x192x128xf32, #tpu.memory_space<vmem>>) dst(%dma_wait3A_351 : memref<4x192x128xf32, #tpu.memory_space<hbm>>)
        tpu.yield
      }) : () -> ()
    } else {
    }
    %eq3A_93 = arith.constant 19 : i32
    %eq3A_94 = arith.cmpi eq, %add3A, %eq3A_93 : i32
    %convert_element_type3A_95 = arith.extui %eq3A_94 : i1 to i32
    %cond3A_96 = arith.constant 0 : i32
    %cond3A_97 = arith.cmpi ne, %convert_element_type3A_95, %cond3A_96 : i32
    scf.if %cond3A_97 {
      "tpu.region"() ({
        %run_scoped3A = tpu.sem_alloc : memref<!tpu.dma_semaphore, #tpu.memory_space<semaphore_mem>>
        %dma_start3A = arith.constant 0 : i32
        %dma_start3A_338 = arith.constant 0 : i32
        %dma_start3A_339 = arith.constant 0 : i32
        %dma_start3A_340 = tpu.memref_slice %arg22[%dma_start3A, %dma_start3A_338, %dma_start3A_339] : memref<4x192x195xf32, #tpu.memory_space<hbm>> -> memref<4x192x128xf32, #tpu.memory_space<hbm>>
        %dma_start3A_341 = arith.constant 0 : i32
        %dma_start3A_342 = arith.constant 0 : i32
        %dma_start3A_343 = arith.constant 0 : i32
        %dma_start3A_344 = tpu.memref_slice %arg22[%dma_start3A_341, %dma_start3A_342, %dma_start3A_343] : memref<4x192x195xf32, #tpu.memory_space<hbm>> -> memref<4x192x128xf32, #tpu.memory_space<hbm>>
        tpu.enqueue_dma source(%arg71 : memref<4x192x128xf32, #tpu.memory_space<vmem>>) target(%dma_start3A_344 : memref<4x192x128xf32, #tpu.memory_space<hbm>>) target_semaphore(%run_scoped3A : memref<!tpu.dma_semaphore, #tpu.memory_space<semaphore_mem>>)
        %dma_wait3A = arith.constant 0 : i32
        %dma_wait3A_345 = arith.constant 0 : i32
        %dma_wait3A_346 = arith.constant 0 : i32
        %dma_wait3A_347 = tpu.memref_slice %arg22[%dma_wait3A, %dma_wait3A_345, %dma_wait3A_346] : memref<4x192x195xf32, #tpu.memory_space<hbm>> -> memref<4x192x128xf32, #tpu.memory_space<hbm>>
        %dma_wait3A_348 = arith.constant 0 : i32
        %dma_wait3A_349 = arith.constant 0 : i32
        %dma_wait3A_350 = arith.constant 0 : i32
        %dma_wait3A_351 = tpu.memref_slice %arg22[%dma_wait3A_348, %dma_wait3A_349, %dma_wait3A_350] : memref<4x192x195xf32, #tpu.memory_space<hbm>> -> memref<4x192x128xf32, #tpu.memory_space<hbm>>
        tpu.wait_dma2 semaphore(%run_scoped3A : memref<!tpu.dma_semaphore, #tpu.memory_space<semaphore_mem>>) src(%arg71 : memref<4x192x128xf32, #tpu.memory_space<vmem>>) dst(%dma_wait3A_351 : memref<4x192x128xf32, #tpu.memory_space<hbm>>)
        tpu.yield
      }) : () -> ()
    } else {
    }
    %eq3A_98 = arith.constant 20 : i32
    %eq3A_99 = arith.cmpi eq, %add3A, %eq3A_98 : i32
    %convert_element_type3A_100 = arith.extui %eq3A_99 : i1 to i32
    %cond3A_101 = arith.constant 0 : i32
    %cond3A_102 = arith.cmpi ne, %convert_element_type3A_100, %cond3A_101 : i32
    scf.if %cond3A_102 {
      "tpu.region"() ({
        %run_scoped3A = tpu.sem_alloc : memref<!tpu.dma_semaphore, #tpu.memory_space<semaphore_mem>>
        %dma_start3A = arith.constant 0 : i32
        %dma_start3A_338 = arith.constant 0 : i32
        %dma_start3A_339 = arith.constant 0 : i32
        %dma_start3A_340 = tpu.memref_slice %arg23[%dma_start3A, %dma_start3A_338, %dma_start3A_339] : memref<4x192x195xf32, #tpu.memory_space<hbm>> -> memref<4x192x128xf32, #tpu.memory_space<hbm>>
        %dma_start3A_341 = arith.constant 0 : i32
        %dma_start3A_342 = arith.constant 0 : i32
        %dma_start3A_343 = arith.constant 0 : i32
        %dma_start3A_344 = tpu.memref_slice %arg23[%dma_start3A_341, %dma_start3A_342, %dma_start3A_343] : memref<4x192x195xf32, #tpu.memory_space<hbm>> -> memref<4x192x128xf32, #tpu.memory_space<hbm>>
        tpu.enqueue_dma source(%arg71 : memref<4x192x128xf32, #tpu.memory_space<vmem>>) target(%dma_start3A_344 : memref<4x192x128xf32, #tpu.memory_space<hbm>>) target_semaphore(%run_scoped3A : memref<!tpu.dma_semaphore, #tpu.memory_space<semaphore_mem>>)
        %dma_wait3A = arith.constant 0 : i32
        %dma_wait3A_345 = arith.constant 0 : i32
        %dma_wait3A_346 = arith.constant 0 : i32
        %dma_wait3A_347 = tpu.memref_slice %arg23[%dma_wait3A, %dma_wait3A_345, %dma_wait3A_346] : memref<4x192x195xf32, #tpu.memory_space<hbm>> -> memref<4x192x128xf32, #tpu.memory_space<hbm>>
        %dma_wait3A_348 = arith.constant 0 : i32
        %dma_wait3A_349 = arith.constant 0 : i32
        %dma_wait3A_350 = arith.constant 0 : i32
        %dma_wait3A_351 = tpu.memref_slice %arg23[%dma_wait3A_348, %dma_wait3A_349, %dma_wait3A_350] : memref<4x192x195xf32, #tpu.memory_space<hbm>> -> memref<4x192x128xf32, #tpu.memory_space<hbm>>
        tpu.wait_dma2 semaphore(%run_scoped3A : memref<!tpu.dma_semaphore, #tpu.memory_space<semaphore_mem>>) src(%arg71 : memref<4x192x128xf32, #tpu.memory_space<vmem>>) dst(%dma_wait3A_351 : memref<4x192x128xf32, #tpu.memory_space<hbm>>)
        tpu.yield
      }) : () -> ()
    } else {
    }
    %eq3A_103 = arith.constant 21 : i32
    %eq3A_104 = arith.cmpi eq, %add3A, %eq3A_103 : i32
    %convert_element_type3A_105 = arith.extui %eq3A_104 : i1 to i32
    %cond3A_106 = arith.constant 0 : i32
    %cond3A_107 = arith.cmpi ne, %convert_element_type3A_105, %cond3A_106 : i32
    scf.if %cond3A_107 {
      "tpu.region"() ({
        %run_scoped3A = tpu.sem_alloc : memref<!tpu.dma_semaphore, #tpu.memory_space<semaphore_mem>>
        %dma_start3A = arith.constant 0 : i32
        %dma_start3A_338 = arith.constant 0 : i32
        %dma_start3A_339 = arith.constant 0 : i32
        %dma_start3A_340 = tpu.memref_slice %arg24[%dma_start3A, %dma_start3A_338, %dma_start3A_339] : memref<4x192x195xf32, #tpu.memory_space<hbm>> -> memref<4x192x128xf32, #tpu.memory_space<hbm>>
        %dma_start3A_341 = arith.constant 0 : i32
        %dma_start3A_342 = arith.constant 0 : i32
        %dma_start3A_343 = arith.constant 0 : i32
        %dma_start3A_344 = tpu.memref_slice %arg24[%dma_start3A_341, %dma_start3A_342, %dma_start3A_343] : memref<4x192x195xf32, #tpu.memory_space<hbm>> -> memref<4x192x128xf32, #tpu.memory_space<hbm>>
        tpu.enqueue_dma source(%arg71 : memref<4x192x128xf32, #tpu.memory_space<vmem>>) target(%dma_start3A_344 : memref<4x192x128xf32, #tpu.memory_space<hbm>>) target_semaphore(%run_scoped3A : memref<!tpu.dma_semaphore, #tpu.memory_space<semaphore_mem>>)
        %dma_wait3A = arith.constant 0 : i32
        %dma_wait3A_345 = arith.constant 0 : i32
        %dma_wait3A_346 = arith.constant 0 : i32
        %dma_wait3A_347 = tpu.memref_slice %arg24[%dma_wait3A, %dma_wait3A_345, %dma_wait3A_346] : memref<4x192x195xf32, #tpu.memory_space<hbm>> -> memref<4x192x128xf32, #tpu.memory_space<hbm>>
        %dma_wait3A_348 = arith.constant 0 : i32
        %dma_wait3A_349 = arith.constant 0 : i32
        %dma_wait3A_350 = arith.constant 0 : i32
        %dma_wait3A_351 = tpu.memref_slice %arg24[%dma_wait3A_348, %dma_wait3A_349, %dma_wait3A_350] : memref<4x192x195xf32, #tpu.memory_space<hbm>> -> memref<4x192x128xf32, #tpu.memory_space<hbm>>
        tpu.wait_dma2 semaphore(%run_scoped3A : memref<!tpu.dma_semaphore, #tpu.memory_space<semaphore_mem>>) src(%arg71 : memref<4x192x128xf32, #tpu.memory_space<vmem>>) dst(%dma_wait3A_351 : memref<4x192x128xf32, #tpu.memory_space<hbm>>)
        tpu.yield
      }) : () -> ()
    } else {
    }
    %eq3A_108 = arith.constant 22 : i32
    %eq3A_109 = arith.cmpi eq, %add3A, %eq3A_108 : i32
    %convert_element_type3A_110 = arith.extui %eq3A_109 : i1 to i32
    %cond3A_111 = arith.constant 0 : i32
    %cond3A_112 = arith.cmpi ne, %convert_element_type3A_110, %cond3A_111 : i32
    scf.if %cond3A_112 {
      "tpu.region"() ({
        %run_scoped3A = tpu.sem_alloc : memref<!tpu.dma_semaphore, #tpu.memory_space<semaphore_mem>>
        %dma_start3A = arith.constant 0 : i32
        %dma_start3A_338 = arith.constant 0 : i32
        %dma_start3A_339 = arith.constant 0 : i32
        %dma_start3A_340 = tpu.memref_slice %arg25[%dma_start3A, %dma_start3A_338, %dma_start3A_339] : memref<4x192x195xf32, #tpu.memory_space<hbm>> -> memref<4x192x128xf32, #tpu.memory_space<hbm>>
        %dma_start3A_341 = arith.constant 0 : i32
        %dma_start3A_342 = arith.constant 0 : i32
        %dma_start3A_343 = arith.constant 0 : i32
        %dma_start3A_344 = tpu.memref_slice %arg25[%dma_start3A_341, %dma_start3A_342, %dma_start3A_343] : memref<4x192x195xf32, #tpu.memory_space<hbm>> -> memref<4x192x128xf32, #tpu.memory_space<hbm>>
        tpu.enqueue_dma source(%arg71 : memref<4x192x128xf32, #tpu.memory_space<vmem>>) target(%dma_start3A_344 : memref<4x192x128xf32, #tpu.memory_space<hbm>>) target_semaphore(%run_scoped3A : memref<!tpu.dma_semaphore, #tpu.memory_space<semaphore_mem>>)
        %dma_wait3A = arith.constant 0 : i32
        %dma_wait3A_345 = arith.constant 0 : i32
        %dma_wait3A_346 = arith.constant 0 : i32
        %dma_wait3A_347 = tpu.memref_slice %arg25[%dma_wait3A, %dma_wait3A_345, %dma_wait3A_346] : memref<4x192x195xf32, #tpu.memory_space<hbm>> -> memref<4x192x128xf32, #tpu.memory_space<hbm>>
        %dma_wait3A_348 = arith.constant 0 : i32
        %dma_wait3A_349 = arith.constant 0 : i32
        %dma_wait3A_350 = arith.constant 0 : i32
        %dma_wait3A_351 = tpu.memref_slice %arg25[%dma_wait3A_348, %dma_wait3A_349, %dma_wait3A_350] : memref<4x192x195xf32, #tpu.memory_space<hbm>> -> memref<4x192x128xf32, #tpu.memory_space<hbm>>
        tpu.wait_dma2 semaphore(%run_scoped3A : memref<!tpu.dma_semaphore, #tpu.memory_space<semaphore_mem>>) src(%arg71 : memref<4x192x128xf32, #tpu.memory_space<vmem>>) dst(%dma_wait3A_351 : memref<4x192x128xf32, #tpu.memory_space<hbm>>)
        tpu.yield
      }) : () -> ()
    } else {
    }
    %eq3A_113 = arith.constant 23 : i32
    %eq3A_114 = arith.cmpi eq, %add3A, %eq3A_113 : i32
    %convert_element_type3A_115 = arith.extui %eq3A_114 : i1 to i32
    %cond3A_116 = arith.constant 0 : i32
    %cond3A_117 = arith.cmpi ne, %convert_element_type3A_115, %cond3A_116 : i32
    scf.if %cond3A_117 {
      "tpu.region"() ({
        %run_scoped3A = tpu.sem_alloc : memref<!tpu.dma_semaphore, #tpu.memory_space<semaphore_mem>>
        %dma_start3A = arith.constant 0 : i32
        %dma_start3A_338 = arith.constant 0 : i32
        %dma_start3A_339 = arith.constant 0 : i32
        %dma_start3A_340 = tpu.memref_slice %arg26[%dma_start3A, %dma_start3A_338, %dma_start3A_339] : memref<4x192x195xf32, #tpu.memory_space<hbm>> -> memref<4x192x128xf32, #tpu.memory_space<hbm>>
        %dma_start3A_341 = arith.constant 0 : i32
        %dma_start3A_342 = arith.constant 0 : i32
        %dma_start3A_343 = arith.constant 0 : i32
        %dma_start3A_344 = tpu.memref_slice %arg26[%dma_start3A_341, %dma_start3A_342, %dma_start3A_343] : memref<4x192x195xf32, #tpu.memory_space<hbm>> -> memref<4x192x128xf32, #tpu.memory_space<hbm>>
        tpu.enqueue_dma source(%arg71 : memref<4x192x128xf32, #tpu.memory_space<vmem>>) target(%dma_start3A_344 : memref<4x192x128xf32, #tpu.memory_space<hbm>>) target_semaphore(%run_scoped3A : memref<!tpu.dma_semaphore, #tpu.memory_space<semaphore_mem>>)
        %dma_wait3A = arith.constant 0 : i32
        %dma_wait3A_345 = arith.constant 0 : i32
        %dma_wait3A_346 = arith.constant 0 : i32
        %dma_wait3A_347 = tpu.memref_slice %arg26[%dma_wait3A, %dma_wait3A_345, %dma_wait3A_346] : memref<4x192x195xf32, #tpu.memory_space<hbm>> -> memref<4x192x128xf32, #tpu.memory_space<hbm>>
        %dma_wait3A_348 = arith.constant 0 : i32
        %dma_wait3A_349 = arith.constant 0 : i32
        %dma_wait3A_350 = arith.constant 0 : i32
        %dma_wait3A_351 = tpu.memref_slice %arg26[%dma_wait3A_348, %dma_wait3A_349, %dma_wait3A_350] : memref<4x192x195xf32, #tpu.memory_space<hbm>> -> memref<4x192x128xf32, #tpu.memory_space<hbm>>
        tpu.wait_dma2 semaphore(%run_scoped3A : memref<!tpu.dma_semaphore, #tpu.memory_space<semaphore_mem>>) src(%arg71 : memref<4x192x128xf32, #tpu.memory_space<vmem>>) dst(%dma_wait3A_351 : memref<4x192x128xf32, #tpu.memory_space<hbm>>)
        tpu.yield
      }) : () -> ()
    } else {
    }
    %eq3A_118 = arith.constant 24 : i32
    %eq3A_119 = arith.cmpi eq, %add3A, %eq3A_118 : i32
    %convert_element_type3A_120 = arith.extui %eq3A_119 : i1 to i32
    %cond3A_121 = arith.constant 0 : i32
    %cond3A_122 = arith.cmpi ne, %convert_element_type3A_120, %cond3A_121 : i32
    scf.if %cond3A_122 {
      "tpu.region"() ({
        %run_scoped3A = tpu.sem_alloc : memref<!tpu.dma_semaphore, #tpu.memory_space<semaphore_mem>>
        %dma_start3A = arith.constant 0 : i32
        %dma_start3A_338 = arith.constant 0 : i32
        %dma_start3A_339 = arith.constant 0 : i32
        %dma_start3A_340 = tpu.memref_slice %arg27[%dma_start3A, %dma_start3A_338, %dma_start3A_339] : memref<4x192x195xf32, #tpu.memory_space<hbm>> -> memref<4x192x128xf32, #tpu.memory_space<hbm>>
        %dma_start3A_341 = arith.constant 0 : i32
        %dma_start3A_342 = arith.constant 0 : i32
        %dma_start3A_343 = arith.constant 0 : i32
        %dma_start3A_344 = tpu.memref_slice %arg27[%dma_start3A_341, %dma_start3A_342, %dma_start3A_343] : memref<4x192x195xf32, #tpu.memory_space<hbm>> -> memref<4x192x128xf32, #tpu.memory_space<hbm>>
        tpu.enqueue_dma source(%arg71 : memref<4x192x128xf32, #tpu.memory_space<vmem>>) target(%dma_start3A_344 : memref<4x192x128xf32, #tpu.memory_space<hbm>>) target_semaphore(%run_scoped3A : memref<!tpu.dma_semaphore, #tpu.memory_space<semaphore_mem>>)
        %dma_wait3A = arith.constant 0 : i32
        %dma_wait3A_345 = arith.constant 0 : i32
        %dma_wait3A_346 = arith.constant 0 : i32
        %dma_wait3A_347 = tpu.memref_slice %arg27[%dma_wait3A, %dma_wait3A_345, %dma_wait3A_346] : memref<4x192x195xf32, #tpu.memory_space<hbm>> -> memref<4x192x128xf32, #tpu.memory_space<hbm>>
        %dma_wait3A_348 = arith.constant 0 : i32
        %dma_wait3A_349 = arith.constant 0 : i32
        %dma_wait3A_350 = arith.constant 0 : i32
        %dma_wait3A_351 = tpu.memref_slice %arg27[%dma_wait3A_348, %dma_wait3A_349, %dma_wait3A_350] : memref<4x192x195xf32, #tpu.memory_space<hbm>> -> memref<4x192x128xf32, #tpu.memory_space<hbm>>
        tpu.wait_dma2 semaphore(%run_scoped3A : memref<!tpu.dma_semaphore, #tpu.memory_space<semaphore_mem>>) src(%arg71 : memref<4x192x128xf32, #tpu.memory_space<vmem>>) dst(%dma_wait3A_351 : memref<4x192x128xf32, #tpu.memory_space<hbm>>)
        tpu.yield
      }) : () -> ()
    } else {
    }
    %eq3A_123 = arith.constant 25 : i32
    %eq3A_124 = arith.cmpi eq, %add3A, %eq3A_123 : i32
    %convert_element_type3A_125 = arith.extui %eq3A_124 : i1 to i32
    %cond3A_126 = arith.constant 0 : i32
    %cond3A_127 = arith.cmpi ne, %convert_element_type3A_125, %cond3A_126 : i32
    scf.if %cond3A_127 {
      "tpu.region"() ({
        %run_scoped3A = tpu.sem_alloc : memref<!tpu.dma_semaphore, #tpu.memory_space<semaphore_mem>>
        %dma_start3A = arith.constant 0 : i32
        %dma_start3A_338 = arith.constant 0 : i32
        %dma_start3A_339 = arith.constant 0 : i32
        %dma_start3A_340 = tpu.memref_slice %arg28[%dma_start3A, %dma_start3A_338, %dma_start3A_339] : memref<4x192x195xf32, #tpu.memory_space<hbm>> -> memref<4x192x128xf32, #tpu.memory_space<hbm>>
        %dma_start3A_341 = arith.constant 0 : i32
        %dma_start3A_342 = arith.constant 0 : i32
        %dma_start3A_343 = arith.constant 0 : i32
        %dma_start3A_344 = tpu.memref_slice %arg28[%dma_start3A_341, %dma_start3A_342, %dma_start3A_343] : memref<4x192x195xf32, #tpu.memory_space<hbm>> -> memref<4x192x128xf32, #tpu.memory_space<hbm>>
        tpu.enqueue_dma source(%arg71 : memref<4x192x128xf32, #tpu.memory_space<vmem>>) target(%dma_start3A_344 : memref<4x192x128xf32, #tpu.memory_space<hbm>>) target_semaphore(%run_scoped3A : memref<!tpu.dma_semaphore, #tpu.memory_space<semaphore_mem>>)
        %dma_wait3A = arith.constant 0 : i32
        %dma_wait3A_345 = arith.constant 0 : i32
        %dma_wait3A_346 = arith.constant 0 : i32
        %dma_wait3A_347 = tpu.memref_slice %arg28[%dma_wait3A, %dma_wait3A_345, %dma_wait3A_346] : memref<4x192x195xf32, #tpu.memory_space<hbm>> -> memref<4x192x128xf32, #tpu.memory_space<hbm>>
        %dma_wait3A_348 = arith.constant 0 : i32
        %dma_wait3A_349 = arith.constant 0 : i32
        %dma_wait3A_350 = arith.constant 0 : i32
        %dma_wait3A_351 = tpu.memref_slice %arg28[%dma_wait3A_348, %dma_wait3A_349, %dma_wait3A_350] : memref<4x192x195xf32, #tpu.memory_space<hbm>> -> memref<4x192x128xf32, #tpu.memory_space<hbm>>
        tpu.wait_dma2 semaphore(%run_scoped3A : memref<!tpu.dma_semaphore, #tpu.memory_space<semaphore_mem>>) src(%arg71 : memref<4x192x128xf32, #tpu.memory_space<vmem>>) dst(%dma_wait3A_351 : memref<4x192x128xf32, #tpu.memory_space<hbm>>)
        tpu.yield
      }) : () -> ()
    } else {
    }
    %eq3A_128 = arith.constant 26 : i32
    %eq3A_129 = arith.cmpi eq, %add3A, %eq3A_128 : i32
    %convert_element_type3A_130 = arith.extui %eq3A_129 : i1 to i32
    %cond3A_131 = arith.constant 0 : i32
    %cond3A_132 = arith.cmpi ne, %convert_element_type3A_130, %cond3A_131 : i32
    scf.if %cond3A_132 {
      "tpu.region"() ({
        %run_scoped3A = tpu.sem_alloc : memref<!tpu.dma_semaphore, #tpu.memory_space<semaphore_mem>>
        %dma_start3A = arith.constant 0 : i32
        %dma_start3A_338 = arith.constant 0 : i32
        %dma_start3A_339 = arith.constant 0 : i32
        %dma_start3A_340 = tpu.memref_slice %arg29[%dma_start3A, %dma_start3A_338, %dma_start3A_339] : memref<4x192x195xf32, #tpu.memory_space<hbm>> -> memref<4x192x128xf32, #tpu.memory_space<hbm>>
        %dma_start3A_341 = arith.constant 0 : i32
        %dma_start3A_342 = arith.constant 0 : i32
        %dma_start3A_343 = arith.constant 0 : i32
        %dma_start3A_344 = tpu.memref_slice %arg29[%dma_start3A_341, %dma_start3A_342, %dma_start3A_343] : memref<4x192x195xf32, #tpu.memory_space<hbm>> -> memref<4x192x128xf32, #tpu.memory_space<hbm>>
        tpu.enqueue_dma source(%arg71 : memref<4x192x128xf32, #tpu.memory_space<vmem>>) target(%dma_start3A_344 : memref<4x192x128xf32, #tpu.memory_space<hbm>>) target_semaphore(%run_scoped3A : memref<!tpu.dma_semaphore, #tpu.memory_space<semaphore_mem>>)
        %dma_wait3A = arith.constant 0 : i32
        %dma_wait3A_345 = arith.constant 0 : i32
        %dma_wait3A_346 = arith.constant 0 : i32
        %dma_wait3A_347 = tpu.memref_slice %arg29[%dma_wait3A, %dma_wait3A_345, %dma_wait3A_346] : memref<4x192x195xf32, #tpu.memory_space<hbm>> -> memref<4x192x128xf32, #tpu.memory_space<hbm>>
        %dma_wait3A_348 = arith.constant 0 : i32
        %dma_wait3A_349 = arith.constant 0 : i32
        %dma_wait3A_350 = arith.constant 0 : i32
        %dma_wait3A_351 = tpu.memref_slice %arg29[%dma_wait3A_348, %dma_wait3A_349, %dma_wait3A_350] : memref<4x192x195xf32, #tpu.memory_space<hbm>> -> memref<4x192x128xf32, #tpu.memory_space<hbm>>
        tpu.wait_dma2 semaphore(%run_scoped3A : memref<!tpu.dma_semaphore, #tpu.memory_space<semaphore_mem>>) src(%arg71 : memref<4x192x128xf32, #tpu.memory_space<vmem>>) dst(%dma_wait3A_351 : memref<4x192x128xf32, #tpu.memory_space<hbm>>)
        tpu.yield
      }) : () -> ()
    } else {
    }
    %eq3A_133 = arith.constant 27 : i32
    %eq3A_134 = arith.cmpi eq, %add3A, %eq3A_133 : i32
    %convert_element_type3A_135 = arith.extui %eq3A_134 : i1 to i32
    %cond3A_136 = arith.constant 0 : i32
    %cond3A_137 = arith.cmpi ne, %convert_element_type3A_135, %cond3A_136 : i32
    scf.if %cond3A_137 {
      "tpu.region"() ({
        %run_scoped3A = tpu.sem_alloc : memref<!tpu.dma_semaphore, #tpu.memory_space<semaphore_mem>>
        %dma_start3A = arith.constant 0 : i32
        %dma_start3A_338 = arith.constant 0 : i32
        %dma_start3A_339 = arith.constant 0 : i32
        %dma_start3A_340 = tpu.memref_slice %arg30[%dma_start3A, %dma_start3A_338, %dma_start3A_339] : memref<4x192x195xf32, #tpu.memory_space<hbm>> -> memref<4x192x128xf32, #tpu.memory_space<hbm>>
        %dma_start3A_341 = arith.constant 0 : i32
        %dma_start3A_342 = arith.constant 0 : i32
        %dma_start3A_343 = arith.constant 0 : i32
        %dma_start3A_344 = tpu.memref_slice %arg30[%dma_start3A_341, %dma_start3A_342, %dma_start3A_343] : memref<4x192x195xf32, #tpu.memory_space<hbm>> -> memref<4x192x128xf32, #tpu.memory_space<hbm>>
        tpu.enqueue_dma source(%arg71 : memref<4x192x128xf32, #tpu.memory_space<vmem>>) target(%dma_start3A_344 : memref<4x192x128xf32, #tpu.memory_space<hbm>>) target_semaphore(%run_scoped3A : memref<!tpu.dma_semaphore, #tpu.memory_space<semaphore_mem>>)
        %dma_wait3A = arith.constant 0 : i32
        %dma_wait3A_345 = arith.constant 0 : i32
        %dma_wait3A_346 = arith.constant 0 : i32
        %dma_wait3A_347 = tpu.memref_slice %arg30[%dma_wait3A, %dma_wait3A_345, %dma_wait3A_346] : memref<4x192x195xf32, #tpu.memory_space<hbm>> -> memref<4x192x128xf32, #tpu.memory_space<hbm>>
        %dma_wait3A_348 = arith.constant 0 : i32
        %dma_wait3A_349 = arith.constant 0 : i32
        %dma_wait3A_350 = arith.constant 0 : i32
        %dma_wait3A_351 = tpu.memref_slice %arg30[%dma_wait3A_348, %dma_wait3A_349, %dma_wait3A_350] : memref<4x192x195xf32, #tpu.memory_space<hbm>> -> memref<4x192x128xf32, #tpu.memory_space<hbm>>
        tpu.wait_dma2 semaphore(%run_scoped3A : memref<!tpu.dma_semaphore, #tpu.memory_space<semaphore_mem>>) src(%arg71 : memref<4x192x128xf32, #tpu.memory_space<vmem>>) dst(%dma_wait3A_351 : memref<4x192x128xf32, #tpu.memory_space<hbm>>)
        tpu.yield
      }) : () -> ()
    } else {
    }
    %eq3A_138 = arith.constant 28 : i32
    %eq3A_139 = arith.cmpi eq, %add3A, %eq3A_138 : i32
    %convert_element_type3A_140 = arith.extui %eq3A_139 : i1 to i32
    %cond3A_141 = arith.constant 0 : i32
    %cond3A_142 = arith.cmpi ne, %convert_element_type3A_140, %cond3A_141 : i32
    scf.if %cond3A_142 {
      "tpu.region"() ({
        %run_scoped3A = tpu.sem_alloc : memref<!tpu.dma_semaphore, #tpu.memory_space<semaphore_mem>>
        %dma_start3A = arith.constant 0 : i32
        %dma_start3A_338 = arith.constant 0 : i32
        %dma_start3A_339 = arith.constant 0 : i32
        %dma_start3A_340 = tpu.memref_slice %arg31[%dma_start3A, %dma_start3A_338, %dma_start3A_339] : memref<4x192x195xf32, #tpu.memory_space<hbm>> -> memref<4x192x128xf32, #tpu.memory_space<hbm>>
        %dma_start3A_341 = arith.constant 0 : i32
        %dma_start3A_342 = arith.constant 0 : i32
        %dma_start3A_343 = arith.constant 0 : i32
        %dma_start3A_344 = tpu.memref_slice %arg31[%dma_start3A_341, %dma_start3A_342, %dma_start3A_343] : memref<4x192x195xf32, #tpu.memory_space<hbm>> -> memref<4x192x128xf32, #tpu.memory_space<hbm>>
        tpu.enqueue_dma source(%arg71 : memref<4x192x128xf32, #tpu.memory_space<vmem>>) target(%dma_start3A_344 : memref<4x192x128xf32, #tpu.memory_space<hbm>>) target_semaphore(%run_scoped3A : memref<!tpu.dma_semaphore, #tpu.memory_space<semaphore_mem>>)
        %dma_wait3A = arith.constant 0 : i32
        %dma_wait3A_345 = arith.constant 0 : i32
        %dma_wait3A_346 = arith.constant 0 : i32
        %dma_wait3A_347 = tpu.memref_slice %arg31[%dma_wait3A, %dma_wait3A_345, %dma_wait3A_346] : memref<4x192x195xf32, #tpu.memory_space<hbm>> -> memref<4x192x128xf32, #tpu.memory_space<hbm>>
        %dma_wait3A_348 = arith.constant 0 : i32
        %dma_wait3A_349 = arith.constant 0 : i32
        %dma_wait3A_350 = arith.constant 0 : i32
        %dma_wait3A_351 = tpu.memref_slice %arg31[%dma_wait3A_348, %dma_wait3A_349, %dma_wait3A_350] : memref<4x192x195xf32, #tpu.memory_space<hbm>> -> memref<4x192x128xf32, #tpu.memory_space<hbm>>
        tpu.wait_dma2 semaphore(%run_scoped3A : memref<!tpu.dma_semaphore, #tpu.memory_space<semaphore_mem>>) src(%arg71 : memref<4x192x128xf32, #tpu.memory_space<vmem>>) dst(%dma_wait3A_351 : memref<4x192x128xf32, #tpu.memory_space<hbm>>)
        tpu.yield
      }) : () -> ()
    } else {
    }
    %eq3A_143 = arith.constant 29 : i32
    %eq3A_144 = arith.cmpi eq, %add3A, %eq3A_143 : i32
    %convert_element_type3A_145 = arith.extui %eq3A_144 : i1 to i32
    %cond3A_146 = arith.constant 0 : i32
    %cond3A_147 = arith.cmpi ne, %convert_element_type3A_145, %cond3A_146 : i32
    scf.if %cond3A_147 {
      "tpu.region"() ({
        %run_scoped3A = tpu.sem_alloc : memref<!tpu.dma_semaphore, #tpu.memory_space<semaphore_mem>>
        %dma_start3A = arith.constant 0 : i32
        %dma_start3A_338 = arith.constant 0 : i32
        %dma_start3A_339 = arith.constant 0 : i32
        %dma_start3A_340 = tpu.memref_slice %arg32[%dma_start3A, %dma_start3A_338, %dma_start3A_339] : memref<4x192x195xf32, #tpu.memory_space<hbm>> -> memref<4x192x128xf32, #tpu.memory_space<hbm>>
        %dma_start3A_341 = arith.constant 0 : i32
        %dma_start3A_342 = arith.constant 0 : i32
        %dma_start3A_343 = arith.constant 0 : i32
        %dma_start3A_344 = tpu.memref_slice %arg32[%dma_start3A_341, %dma_start3A_342, %dma_start3A_343] : memref<4x192x195xf32, #tpu.memory_space<hbm>> -> memref<4x192x128xf32, #tpu.memory_space<hbm>>
        tpu.enqueue_dma source(%arg71 : memref<4x192x128xf32, #tpu.memory_space<vmem>>) target(%dma_start3A_344 : memref<4x192x128xf32, #tpu.memory_space<hbm>>) target_semaphore(%run_scoped3A : memref<!tpu.dma_semaphore, #tpu.memory_space<semaphore_mem>>)
        %dma_wait3A = arith.constant 0 : i32
        %dma_wait3A_345 = arith.constant 0 : i32
        %dma_wait3A_346 = arith.constant 0 : i32
        %dma_wait3A_347 = tpu.memref_slice %arg32[%dma_wait3A, %dma_wait3A_345, %dma_wait3A_346] : memref<4x192x195xf32, #tpu.memory_space<hbm>> -> memref<4x192x128xf32, #tpu.memory_space<hbm>>
        %dma_wait3A_348 = arith.constant 0 : i32
        %dma_wait3A_349 = arith.constant 0 : i32
        %dma_wait3A_350 = arith.constant 0 : i32
        %dma_wait3A_351 = tpu.memref_slice %arg32[%dma_wait3A_348, %dma_wait3A_349, %dma_wait3A_350] : memref<4x192x195xf32, #tpu.memory_space<hbm>> -> memref<4x192x128xf32, #tpu.memory_space<hbm>>
        tpu.wait_dma2 semaphore(%run_scoped3A : memref<!tpu.dma_semaphore, #tpu.memory_space<semaphore_mem>>) src(%arg71 : memref<4x192x128xf32, #tpu.memory_space<vmem>>) dst(%dma_wait3A_351 : memref<4x192x128xf32, #tpu.memory_space<hbm>>)
        tpu.yield
      }) : () -> ()
    } else {
    }
    %eq3A_148 = arith.constant 30 : i32
    %eq3A_149 = arith.cmpi eq, %add3A, %eq3A_148 : i32
    %convert_element_type3A_150 = arith.extui %eq3A_149 : i1 to i32
    %cond3A_151 = arith.constant 0 : i32
    %cond3A_152 = arith.cmpi ne, %convert_element_type3A_150, %cond3A_151 : i32
    scf.if %cond3A_152 {
      "tpu.region"() ({
        %run_scoped3A = tpu.sem_alloc : memref<!tpu.dma_semaphore, #tpu.memory_space<semaphore_mem>>
        %dma_start3A = arith.constant 0 : i32
        %dma_start3A_338 = arith.constant 0 : i32
        %dma_start3A_339 = arith.constant 0 : i32
        %dma_start3A_340 = tpu.memref_slice %arg33[%dma_start3A, %dma_start3A_338, %dma_start3A_339] : memref<4x192x195xf32, #tpu.memory_space<hbm>> -> memref<4x192x128xf32, #tpu.memory_space<hbm>>
        %dma_start3A_341 = arith.constant 0 : i32
        %dma_start3A_342 = arith.constant 0 : i32
        %dma_start3A_343 = arith.constant 0 : i32
        %dma_start3A_344 = tpu.memref_slice %arg33[%dma_start3A_341, %dma_start3A_342, %dma_start3A_343] : memref<4x192x195xf32, #tpu.memory_space<hbm>> -> memref<4x192x128xf32, #tpu.memory_space<hbm>>
        tpu.enqueue_dma source(%arg71 : memref<4x192x128xf32, #tpu.memory_space<vmem>>) target(%dma_start3A_344 : memref<4x192x128xf32, #tpu.memory_space<hbm>>) target_semaphore(%run_scoped3A : memref<!tpu.dma_semaphore, #tpu.memory_space<semaphore_mem>>)
        %dma_wait3A = arith.constant 0 : i32
        %dma_wait3A_345 = arith.constant 0 : i32
        %dma_wait3A_346 = arith.constant 0 : i32
        %dma_wait3A_347 = tpu.memref_slice %arg33[%dma_wait3A, %dma_wait3A_345, %dma_wait3A_346] : memref<4x192x195xf32, #tpu.memory_space<hbm>> -> memref<4x192x128xf32, #tpu.memory_space<hbm>>
        %dma_wait3A_348 = arith.constant 0 : i32
        %dma_wait3A_349 = arith.constant 0 : i32
        %dma_wait3A_350 = arith.constant 0 : i32
        %dma_wait3A_351 = tpu.memref_slice %arg33[%dma_wait3A_348, %dma_wait3A_349, %dma_wait3A_350] : memref<4x192x195xf32, #tpu.memory_space<hbm>> -> memref<4x192x128xf32, #tpu.memory_space<hbm>>
        tpu.wait_dma2 semaphore(%run_scoped3A : memref<!tpu.dma_semaphore, #tpu.memory_space<semaphore_mem>>) src(%arg71 : memref<4x192x128xf32, #tpu.memory_space<vmem>>) dst(%dma_wait3A_351 : memref<4x192x128xf32, #tpu.memory_space<hbm>>)
        tpu.yield
      }) : () -> ()
    } else {
    }
    %eq3A_153 = arith.constant 31 : i32
    %eq3A_154 = arith.cmpi eq, %add3A, %eq3A_153 : i32
    %convert_element_type3A_155 = arith.extui %eq3A_154 : i1 to i32
    %cond3A_156 = arith.constant 0 : i32
    %cond3A_157 = arith.cmpi ne, %convert_element_type3A_155, %cond3A_156 : i32
    scf.if %cond3A_157 {
      "tpu.region"() ({
        %run_scoped3A = tpu.sem_alloc : memref<!tpu.dma_semaphore, #tpu.memory_space<semaphore_mem>>
        %dma_start3A = arith.constant 0 : i32
        %dma_start3A_338 = arith.constant 0 : i32
        %dma_start3A_339 = arith.constant 0 : i32
        %dma_start3A_340 = tpu.memref_slice %arg34[%dma_start3A, %dma_start3A_338, %dma_start3A_339] : memref<4x192x195xf32, #tpu.memory_space<hbm>> -> memref<4x192x128xf32, #tpu.memory_space<hbm>>
        %dma_start3A_341 = arith.constant 0 : i32
        %dma_start3A_342 = arith.constant 0 : i32
        %dma_start3A_343 = arith.constant 0 : i32
        %dma_start3A_344 = tpu.memref_slice %arg34[%dma_start3A_341, %dma_start3A_342, %dma_start3A_343] : memref<4x192x195xf32, #tpu.memory_space<hbm>> -> memref<4x192x128xf32, #tpu.memory_space<hbm>>
        tpu.enqueue_dma source(%arg71 : memref<4x192x128xf32, #tpu.memory_space<vmem>>) target(%dma_start3A_344 : memref<4x192x128xf32, #tpu.memory_space<hbm>>) target_semaphore(%run_scoped3A : memref<!tpu.dma_semaphore, #tpu.memory_space<semaphore_mem>>)
        %dma_wait3A = arith.constant 0 : i32
        %dma_wait3A_345 = arith.constant 0 : i32
        %dma_wait3A_346 = arith.constant 0 : i32
        %dma_wait3A_347 = tpu.memref_slice %arg34[%dma_wait3A, %dma_wait3A_345, %dma_wait3A_346] : memref<4x192x195xf32, #tpu.memory_space<hbm>> -> memref<4x192x128xf32, #tpu.memory_space<hbm>>
        %dma_wait3A_348 = arith.constant 0 : i32
        %dma_wait3A_349 = arith.constant 0 : i32
        %dma_wait3A_350 = arith.constant 0 : i32
        %dma_wait3A_351 = tpu.memref_slice %arg34[%dma_wait3A_348, %dma_wait3A_349, %dma_wait3A_350] : memref<4x192x195xf32, #tpu.memory_space<hbm>> -> memref<4x192x128xf32, #tpu.memory_space<hbm>>
        tpu.wait_dma2 semaphore(%run_scoped3A : memref<!tpu.dma_semaphore, #tpu.memory_space<semaphore_mem>>) src(%arg71 : memref<4x192x128xf32, #tpu.memory_space<vmem>>) dst(%dma_wait3A_351 : memref<4x192x128xf32, #tpu.memory_space<hbm>>)
        tpu.yield
      }) : () -> ()
    } else {
    }
    %eq3A_158 = arith.constant 0 : i32
    %eq3A_159 = arith.cmpi eq, %add3A, %eq3A_158 : i32
    %convert_element_type3A_160 = arith.extui %eq3A_159 : i1 to i32
    %cond3A_161 = arith.constant 0 : i32
    %cond3A_162 = arith.cmpi ne, %convert_element_type3A_160, %cond3A_161 : i32
    scf.if %cond3A_162 {
      "tpu.region"() ({
        %run_scoped3A = tpu.sem_alloc : memref<!tpu.dma_semaphore, #tpu.memory_space<semaphore_mem>>
        %dma_start3A = arith.constant 0 : i32
        %dma_start3A_338 = arith.constant 0 : i32
        %dma_start3A_339 = arith.constant 0 : i32
        %dma_start3A_340 = tpu.memref_slice %arg35[%dma_start3A, %dma_start3A_338, %dma_start3A_339] : memref<4x192x195xf32, #tpu.memory_space<hbm>> -> memref<4x192x128xf32, #tpu.memory_space<hbm>>
        %dma_start3A_341 = arith.constant 0 : i32
        %dma_start3A_342 = arith.constant 0 : i32
        %dma_start3A_343 = arith.constant 0 : i32
        %dma_start3A_344 = tpu.memref_slice %arg35[%dma_start3A_341, %dma_start3A_342, %dma_start3A_343] : memref<4x192x195xf32, #tpu.memory_space<hbm>> -> memref<4x192x128xf32, #tpu.memory_space<hbm>>
        tpu.enqueue_dma source(%arg71 : memref<4x192x128xf32, #tpu.memory_space<vmem>>) target(%dma_start3A_344 : memref<4x192x128xf32, #tpu.memory_space<hbm>>) target_semaphore(%run_scoped3A : memref<!tpu.dma_semaphore, #tpu.memory_space<semaphore_mem>>)
        %dma_wait3A = arith.constant 0 : i32
        %dma_wait3A_345 = arith.constant 0 : i32
        %dma_wait3A_346 = arith.constant 0 : i32
        %dma_wait3A_347 = tpu.memref_slice %arg35[%dma_wait3A, %dma_wait3A_345, %dma_wait3A_346] : memref<4x192x195xf32, #tpu.memory_space<hbm>> -> memref<4x192x128xf32, #tpu.memory_space<hbm>>
        %dma_wait3A_348 = arith.constant 0 : i32
        %dma_wait3A_349 = arith.constant 0 : i32
        %dma_wait3A_350 = arith.constant 0 : i32
        %dma_wait3A_351 = tpu.memref_slice %arg35[%dma_wait3A_348, %dma_wait3A_349, %dma_wait3A_350] : memref<4x192x195xf32, #tpu.memory_space<hbm>> -> memref<4x192x128xf32, #tpu.memory_space<hbm>>
        tpu.wait_dma2 semaphore(%run_scoped3A : memref<!tpu.dma_semaphore, #tpu.memory_space<semaphore_mem>>) src(%arg71 : memref<4x192x128xf32, #tpu.memory_space<vmem>>) dst(%dma_wait3A_351 : memref<4x192x128xf32, #tpu.memory_space<hbm>>)
        tpu.yield
      }) : () -> ()
    } else {
    }
    %eq3A_163 = arith.constant 1 : i32
    %eq3A_164 = arith.cmpi eq, %add3A, %eq3A_163 : i32
    %convert_element_type3A_165 = arith.extui %eq3A_164 : i1 to i32
    %cond3A_166 = arith.constant 0 : i32
    %cond3A_167 = arith.cmpi ne, %convert_element_type3A_165, %cond3A_166 : i32
    scf.if %cond3A_167 {
      "tpu.region"() ({
        %run_scoped3A = tpu.sem_alloc : memref<!tpu.dma_semaphore, #tpu.memory_space<semaphore_mem>>
        %dma_start3A = arith.constant 0 : i32
        %dma_start3A_338 = arith.constant 0 : i32
        %dma_start3A_339 = arith.constant 0 : i32
        %dma_start3A_340 = tpu.memref_slice %arg36[%dma_start3A, %dma_start3A_338, %dma_start3A_339] : memref<4x192x195xf32, #tpu.memory_space<hbm>> -> memref<4x192x128xf32, #tpu.memory_space<hbm>>
        %dma_start3A_341 = arith.constant 0 : i32
        %dma_start3A_342 = arith.constant 0 : i32
        %dma_start3A_343 = arith.constant 0 : i32
        %dma_start3A_344 = tpu.memref_slice %arg36[%dma_start3A_341, %dma_start3A_342, %dma_start3A_343] : memref<4x192x195xf32, #tpu.memory_space<hbm>> -> memref<4x192x128xf32, #tpu.memory_space<hbm>>
        tpu.enqueue_dma source(%arg71 : memref<4x192x128xf32, #tpu.memory_space<vmem>>) target(%dma_start3A_344 : memref<4x192x128xf32, #tpu.memory_space<hbm>>) target_semaphore(%run_scoped3A : memref<!tpu.dma_semaphore, #tpu.memory_space<semaphore_mem>>)
        %dma_wait3A = arith.constant 0 : i32
        %dma_wait3A_345 = arith.constant 0 : i32
        %dma_wait3A_346 = arith.constant 0 : i32
        %dma_wait3A_347 = tpu.memref_slice %arg36[%dma_wait3A, %dma_wait3A_345, %dma_wait3A_346] : memref<4x192x195xf32, #tpu.memory_space<hbm>> -> memref<4x192x128xf32, #tpu.memory_space<hbm>>
        %dma_wait3A_348 = arith.constant 0 : i32
        %dma_wait3A_349 = arith.constant 0 : i32
        %dma_wait3A_350 = arith.constant 0 : i32
        %dma_wait3A_351 = tpu.memref_slice %arg36[%dma_wait3A_348, %dma_wait3A_349, %dma_wait3A_350] : memref<4x192x195xf32, #tpu.memory_space<hbm>> -> memref<4x192x128xf32, #tpu.memory_space<hbm>>
        tpu.wait_dma2 semaphore(%run_scoped3A : memref<!tpu.dma_semaphore, #tpu.memory_space<semaphore_mem>>) src(%arg71 : memref<4x192x128xf32, #tpu.memory_space<vmem>>) dst(%dma_wait3A_351 : memref<4x192x128xf32, #tpu.memory_space<hbm>>)
        tpu.yield
      }) : () -> ()
    } else {
    }
    %eq3A_168 = arith.constant 2 : i32
    %eq3A_169 = arith.cmpi eq, %add3A, %eq3A_168 : i32
    %convert_element_type3A_170 = arith.extui %eq3A_169 : i1 to i32
    %cond3A_171 = arith.constant 0 : i32
    %cond3A_172 = arith.cmpi ne, %convert_element_type3A_170, %cond3A_171 : i32
    scf.if %cond3A_172 {
      "tpu.region"() ({
        %run_scoped3A = tpu.sem_alloc : memref<!tpu.dma_semaphore, #tpu.memory_space<semaphore_mem>>
        %dma_start3A = arith.constant 0 : i32
        %dma_start3A_338 = arith.constant 0 : i32
        %dma_start3A_339 = arith.constant 0 : i32
        %dma_start3A_340 = tpu.memref_slice %arg37[%dma_start3A, %dma_start3A_338, %dma_start3A_339] : memref<4x192x195xf32, #tpu.memory_space<hbm>> -> memref<4x192x128xf32, #tpu.memory_space<hbm>>
        %dma_start3A_341 = arith.constant 0 : i32
        %dma_start3A_342 = arith.constant 0 : i32
        %dma_start3A_343 = arith.constant 0 : i32
        %dma_start3A_344 = tpu.memref_slice %arg37[%dma_start3A_341, %dma_start3A_342, %dma_start3A_343] : memref<4x192x195xf32, #tpu.memory_space<hbm>> -> memref<4x192x128xf32, #tpu.memory_space<hbm>>
        tpu.enqueue_dma source(%arg71 : memref<4x192x128xf32, #tpu.memory_space<vmem>>) target(%dma_start3A_344 : memref<4x192x128xf32, #tpu.memory_space<hbm>>) target_semaphore(%run_scoped3A : memref<!tpu.dma_semaphore, #tpu.memory_space<semaphore_mem>>)
        %dma_wait3A = arith.constant 0 : i32
        %dma_wait3A_345 = arith.constant 0 : i32
        %dma_wait3A_346 = arith.constant 0 : i32
        %dma_wait3A_347 = tpu.memref_slice %arg37[%dma_wait3A, %dma_wait3A_345, %dma_wait3A_346] : memref<4x192x195xf32, #tpu.memory_space<hbm>> -> memref<4x192x128xf32, #tpu.memory_space<hbm>>
        %dma_wait3A_348 = arith.constant 0 : i32
        %dma_wait3A_349 = arith.constant 0 : i32
        %dma_wait3A_350 = arith.constant 0 : i32
        %dma_wait3A_351 = tpu.memref_slice %arg37[%dma_wait3A_348, %dma_wait3A_349, %dma_wait3A_350] : memref<4x192x195xf32, #tpu.memory_space<hbm>> -> memref<4x192x128xf32, #tpu.memory_space<hbm>>
        tpu.wait_dma2 semaphore(%run_scoped3A : memref<!tpu.dma_semaphore, #tpu.memory_space<semaphore_mem>>) src(%arg71 : memref<4x192x128xf32, #tpu.memory_space<vmem>>) dst(%dma_wait3A_351 : memref<4x192x128xf32, #tpu.memory_space<hbm>>)
        tpu.yield
      }) : () -> ()
    } else {
    }
    %eq3A_173 = arith.constant 3 : i32
    %eq3A_174 = arith.cmpi eq, %add3A, %eq3A_173 : i32
    %convert_element_type3A_175 = arith.extui %eq3A_174 : i1 to i32
    %cond3A_176 = arith.constant 0 : i32
    %cond3A_177 = arith.cmpi ne, %convert_element_type3A_175, %cond3A_176 : i32
    scf.if %cond3A_177 {
      "tpu.region"() ({
        %run_scoped3A = tpu.sem_alloc : memref<!tpu.dma_semaphore, #tpu.memory_space<semaphore_mem>>
        %dma_start3A = arith.constant 0 : i32
        %dma_start3A_338 = arith.constant 0 : i32
        %dma_start3A_339 = arith.constant 0 : i32
        %dma_start3A_340 = tpu.memref_slice %arg38[%dma_start3A, %dma_start3A_338, %dma_start3A_339] : memref<4x192x195xf32, #tpu.memory_space<hbm>> -> memref<4x192x128xf32, #tpu.memory_space<hbm>>
        %dma_start3A_341 = arith.constant 0 : i32
        %dma_start3A_342 = arith.constant 0 : i32
        %dma_start3A_343 = arith.constant 0 : i32
        %dma_start3A_344 = tpu.memref_slice %arg38[%dma_start3A_341, %dma_start3A_342, %dma_start3A_343] : memref<4x192x195xf32, #tpu.memory_space<hbm>> -> memref<4x192x128xf32, #tpu.memory_space<hbm>>
        tpu.enqueue_dma source(%arg71 : memref<4x192x128xf32, #tpu.memory_space<vmem>>) target(%dma_start3A_344 : memref<4x192x128xf32, #tpu.memory_space<hbm>>) target_semaphore(%run_scoped3A : memref<!tpu.dma_semaphore, #tpu.memory_space<semaphore_mem>>)
        %dma_wait3A = arith.constant 0 : i32
        %dma_wait3A_345 = arith.constant 0 : i32
        %dma_wait3A_346 = arith.constant 0 : i32
        %dma_wait3A_347 = tpu.memref_slice %arg38[%dma_wait3A, %dma_wait3A_345, %dma_wait3A_346] : memref<4x192x195xf32, #tpu.memory_space<hbm>> -> memref<4x192x128xf32, #tpu.memory_space<hbm>>
        %dma_wait3A_348 = arith.constant 0 : i32
        %dma_wait3A_349 = arith.constant 0 : i32
        %dma_wait3A_350 = arith.constant 0 : i32
        %dma_wait3A_351 = tpu.memref_slice %arg38[%dma_wait3A_348, %dma_wait3A_349, %dma_wait3A_350] : memref<4x192x195xf32, #tpu.memory_space<hbm>> -> memref<4x192x128xf32, #tpu.memory_space<hbm>>
        tpu.wait_dma2 semaphore(%run_scoped3A : memref<!tpu.dma_semaphore, #tpu.memory_space<semaphore_mem>>) src(%arg71 : memref<4x192x128xf32, #tpu.memory_space<vmem>>) dst(%dma_wait3A_351 : memref<4x192x128xf32, #tpu.memory_space<hbm>>)
        tpu.yield
      }) : () -> ()
    } else {
    }
    %eq3A_178 = arith.constant 4 : i32
    %eq3A_179 = arith.cmpi eq, %add3A, %eq3A_178 : i32
    %convert_element_type3A_180 = arith.extui %eq3A_179 : i1 to i32
    %cond3A_181 = arith.constant 0 : i32
    %cond3A_182 = arith.cmpi ne, %convert_element_type3A_180, %cond3A_181 : i32
    scf.if %cond3A_182 {
      "tpu.region"() ({
        %run_scoped3A = tpu.sem_alloc : memref<!tpu.dma_semaphore, #tpu.memory_space<semaphore_mem>>
        %dma_start3A = arith.constant 0 : i32
        %dma_start3A_338 = arith.constant 0 : i32
        %dma_start3A_339 = arith.constant 0 : i32
        %dma_start3A_340 = tpu.memref_slice %arg39[%dma_start3A, %dma_start3A_338, %dma_start3A_339] : memref<4x192x195xf32, #tpu.memory_space<hbm>> -> memref<4x192x128xf32, #tpu.memory_space<hbm>>
        %dma_start3A_341 = arith.constant 0 : i32
        %dma_start3A_342 = arith.constant 0 : i32
        %dma_start3A_343 = arith.constant 0 : i32
        %dma_start3A_344 = tpu.memref_slice %arg39[%dma_start3A_341, %dma_start3A_342, %dma_start3A_343] : memref<4x192x195xf32, #tpu.memory_space<hbm>> -> memref<4x192x128xf32, #tpu.memory_space<hbm>>
        tpu.enqueue_dma source(%arg71 : memref<4x192x128xf32, #tpu.memory_space<vmem>>) target(%dma_start3A_344 : memref<4x192x128xf32, #tpu.memory_space<hbm>>) target_semaphore(%run_scoped3A : memref<!tpu.dma_semaphore, #tpu.memory_space<semaphore_mem>>)
        %dma_wait3A = arith.constant 0 : i32
        %dma_wait3A_345 = arith.constant 0 : i32
        %dma_wait3A_346 = arith.constant 0 : i32
        %dma_wait3A_347 = tpu.memref_slice %arg39[%dma_wait3A, %dma_wait3A_345, %dma_wait3A_346] : memref<4x192x195xf32, #tpu.memory_space<hbm>> -> memref<4x192x128xf32, #tpu.memory_space<hbm>>
        %dma_wait3A_348 = arith.constant 0 : i32
        %dma_wait3A_349 = arith.constant 0 : i32
        %dma_wait3A_350 = arith.constant 0 : i32
        %dma_wait3A_351 = tpu.memref_slice %arg39[%dma_wait3A_348, %dma_wait3A_349, %dma_wait3A_350] : memref<4x192x195xf32, #tpu.memory_space<hbm>> -> memref<4x192x128xf32, #tpu.memory_space<hbm>>
        tpu.wait_dma2 semaphore(%run_scoped3A : memref<!tpu.dma_semaphore, #tpu.memory_space<semaphore_mem>>) src(%arg71 : memref<4x192x128xf32, #tpu.memory_space<vmem>>) dst(%dma_wait3A_351 : memref<4x192x128xf32, #tpu.memory_space<hbm>>)
        tpu.yield
      }) : () -> ()
    } else {
    }
    %eq3A_183 = arith.constant 5 : i32
    %eq3A_184 = arith.cmpi eq, %add3A, %eq3A_183 : i32
    %convert_element_type3A_185 = arith.extui %eq3A_184 : i1 to i32
    %cond3A_186 = arith.constant 0 : i32
    %cond3A_187 = arith.cmpi ne, %convert_element_type3A_185, %cond3A_186 : i32
    scf.if %cond3A_187 {
      "tpu.region"() ({
        %run_scoped3A = tpu.sem_alloc : memref<!tpu.dma_semaphore, #tpu.memory_space<semaphore_mem>>
        %dma_start3A = arith.constant 0 : i32
        %dma_start3A_338 = arith.constant 0 : i32
        %dma_start3A_339 = arith.constant 0 : i32
        %dma_start3A_340 = tpu.memref_slice %arg40[%dma_start3A, %dma_start3A_338, %dma_start3A_339] : memref<4x192x195xf32, #tpu.memory_space<hbm>> -> memref<4x192x128xf32, #tpu.memory_space<hbm>>
        %dma_start3A_341 = arith.constant 0 : i32
        %dma_start3A_342 = arith.constant 0 : i32
        %dma_start3A_343 = arith.constant 0 : i32
        %dma_start3A_344 = tpu.memref_slice %arg40[%dma_start3A_341, %dma_start3A_342, %dma_start3A_343] : memref<4x192x195xf32, #tpu.memory_space<hbm>> -> memref<4x192x128xf32, #tpu.memory_space<hbm>>
        tpu.enqueue_dma source(%arg71 : memref<4x192x128xf32, #tpu.memory_space<vmem>>) target(%dma_start3A_344 : memref<4x192x128xf32, #tpu.memory_space<hbm>>) target_semaphore(%run_scoped3A : memref<!tpu.dma_semaphore, #tpu.memory_space<semaphore_mem>>)
        %dma_wait3A = arith.constant 0 : i32
        %dma_wait3A_345 = arith.constant 0 : i32
        %dma_wait3A_346 = arith.constant 0 : i32
        %dma_wait3A_347 = tpu.memref_slice %arg40[%dma_wait3A, %dma_wait3A_345, %dma_wait3A_346] : memref<4x192x195xf32, #tpu.memory_space<hbm>> -> memref<4x192x128xf32, #tpu.memory_space<hbm>>
        %dma_wait3A_348 = arith.constant 0 : i32
        %dma_wait3A_349 = arith.constant 0 : i32
        %dma_wait3A_350 = arith.constant 0 : i32
        %dma_wait3A_351 = tpu.memref_slice %arg40[%dma_wait3A_348, %dma_wait3A_349, %dma_wait3A_350] : memref<4x192x195xf32, #tpu.memory_space<hbm>> -> memref<4x192x128xf32, #tpu.memory_space<hbm>>
        tpu.wait_dma2 semaphore(%run_scoped3A : memref<!tpu.dma_semaphore, #tpu.memory_space<semaphore_mem>>) src(%arg71 : memref<4x192x128xf32, #tpu.memory_space<vmem>>) dst(%dma_wait3A_351 : memref<4x192x128xf32, #tpu.memory_space<hbm>>)
        tpu.yield
      }) : () -> ()
    } else {
    }
    %eq3A_188 = arith.constant 6 : i32
    %eq3A_189 = arith.cmpi eq, %add3A, %eq3A_188 : i32
    %convert_element_type3A_190 = arith.extui %eq3A_189 : i1 to i32
    %cond3A_191 = arith.constant 0 : i32
    %cond3A_192 = arith.cmpi ne, %convert_element_type3A_190, %cond3A_191 : i32
    scf.if %cond3A_192 {
      "tpu.region"() ({
        %run_scoped3A = tpu.sem_alloc : memref<!tpu.dma_semaphore, #tpu.memory_space<semaphore_mem>>
        %dma_start3A = arith.constant 0 : i32
        %dma_start3A_338 = arith.constant 0 : i32
        %dma_start3A_339 = arith.constant 0 : i32
        %dma_start3A_340 = tpu.memref_slice %arg41[%dma_start3A, %dma_start3A_338, %dma_start3A_339] : memref<4x192x195xf32, #tpu.memory_space<hbm>> -> memref<4x192x128xf32, #tpu.memory_space<hbm>>
        %dma_start3A_341 = arith.constant 0 : i32
        %dma_start3A_342 = arith.constant 0 : i32
        %dma_start3A_343 = arith.constant 0 : i32
        %dma_start3A_344 = tpu.memref_slice %arg41[%dma_start3A_341, %dma_start3A_342, %dma_start3A_343] : memref<4x192x195xf32, #tpu.memory_space<hbm>> -> memref<4x192x128xf32, #tpu.memory_space<hbm>>
        tpu.enqueue_dma source(%arg71 : memref<4x192x128xf32, #tpu.memory_space<vmem>>) target(%dma_start3A_344 : memref<4x192x128xf32, #tpu.memory_space<hbm>>) target_semaphore(%run_scoped3A : memref<!tpu.dma_semaphore, #tpu.memory_space<semaphore_mem>>)
        %dma_wait3A = arith.constant 0 : i32
        %dma_wait3A_345 = arith.constant 0 : i32
        %dma_wait3A_346 = arith.constant 0 : i32
        %dma_wait3A_347 = tpu.memref_slice %arg41[%dma_wait3A, %dma_wait3A_345, %dma_wait3A_346] : memref<4x192x195xf32, #tpu.memory_space<hbm>> -> memref<4x192x128xf32, #tpu.memory_space<hbm>>
        %dma_wait3A_348 = arith.constant 0 : i32
        %dma_wait3A_349 = arith.constant 0 : i32
        %dma_wait3A_350 = arith.constant 0 : i32
        %dma_wait3A_351 = tpu.memref_slice %arg41[%dma_wait3A_348, %dma_wait3A_349, %dma_wait3A_350] : memref<4x192x195xf32, #tpu.memory_space<hbm>> -> memref<4x192x128xf32, #tpu.memory_space<hbm>>
        tpu.wait_dma2 semaphore(%run_scoped3A : memref<!tpu.dma_semaphore, #tpu.memory_space<semaphore_mem>>) src(%arg71 : memref<4x192x128xf32, #tpu.memory_space<vmem>>) dst(%dma_wait3A_351 : memref<4x192x128xf32, #tpu.memory_space<hbm>>)
        tpu.yield
      }) : () -> ()
    } else {
    }
    %eq3A_193 = arith.constant 7 : i32
    %eq3A_194 = arith.cmpi eq, %add3A, %eq3A_193 : i32
    %convert_element_type3A_195 = arith.extui %eq3A_194 : i1 to i32
    %cond3A_196 = arith.constant 0 : i32
    %cond3A_197 = arith.cmpi ne, %convert_element_type3A_195, %cond3A_196 : i32
    scf.if %cond3A_197 {
      "tpu.region"() ({
        %run_scoped3A = tpu.sem_alloc : memref<!tpu.dma_semaphore, #tpu.memory_space<semaphore_mem>>
        %dma_start3A = arith.constant 0 : i32
        %dma_start3A_338 = arith.constant 0 : i32
        %dma_start3A_339 = arith.constant 0 : i32
        %dma_start3A_340 = tpu.memref_slice %arg42[%dma_start3A, %dma_start3A_338, %dma_start3A_339] : memref<4x192x195xf32, #tpu.memory_space<hbm>> -> memref<4x192x128xf32, #tpu.memory_space<hbm>>
        %dma_start3A_341 = arith.constant 0 : i32
        %dma_start3A_342 = arith.constant 0 : i32
        %dma_start3A_343 = arith.constant 0 : i32
        %dma_start3A_344 = tpu.memref_slice %arg42[%dma_start3A_341, %dma_start3A_342, %dma_start3A_343] : memref<4x192x195xf32, #tpu.memory_space<hbm>> -> memref<4x192x128xf32, #tpu.memory_space<hbm>>
        tpu.enqueue_dma source(%arg71 : memref<4x192x128xf32, #tpu.memory_space<vmem>>) target(%dma_start3A_344 : memref<4x192x128xf32, #tpu.memory_space<hbm>>) target_semaphore(%run_scoped3A : memref<!tpu.dma_semaphore, #tpu.memory_space<semaphore_mem>>)
        %dma_wait3A = arith.constant 0 : i32
        %dma_wait3A_345 = arith.constant 0 : i32
        %dma_wait3A_346 = arith.constant 0 : i32
        %dma_wait3A_347 = tpu.memref_slice %arg42[%dma_wait3A, %dma_wait3A_345, %dma_wait3A_346] : memref<4x192x195xf32, #tpu.memory_space<hbm>> -> memref<4x192x128xf32, #tpu.memory_space<hbm>>
        %dma_wait3A_348 = arith.constant 0 : i32
        %dma_wait3A_349 = arith.constant 0 : i32
        %dma_wait3A_350 = arith.constant 0 : i32
        %dma_wait3A_351 = tpu.memref_slice %arg42[%dma_wait3A_348, %dma_wait3A_349, %dma_wait3A_350] : memref<4x192x195xf32, #tpu.memory_space<hbm>> -> memref<4x192x128xf32, #tpu.memory_space<hbm>>
        tpu.wait_dma2 semaphore(%run_scoped3A : memref<!tpu.dma_semaphore, #tpu.memory_space<semaphore_mem>>) src(%arg71 : memref<4x192x128xf32, #tpu.memory_space<vmem>>) dst(%dma_wait3A_351 : memref<4x192x128xf32, #tpu.memory_space<hbm>>)
        tpu.yield
      }) : () -> ()
    } else {
    }
    %eq3A_198 = arith.constant 8 : i32
    %eq3A_199 = arith.cmpi eq, %add3A, %eq3A_198 : i32
    %convert_element_type3A_200 = arith.extui %eq3A_199 : i1 to i32
    %cond3A_201 = arith.constant 0 : i32
    %cond3A_202 = arith.cmpi ne, %convert_element_type3A_200, %cond3A_201 : i32
    scf.if %cond3A_202 {
      "tpu.region"() ({
        %run_scoped3A = tpu.sem_alloc : memref<!tpu.dma_semaphore, #tpu.memory_space<semaphore_mem>>
        %dma_start3A = arith.constant 0 : i32
        %dma_start3A_338 = arith.constant 0 : i32
        %dma_start3A_339 = arith.constant 0 : i32
        %dma_start3A_340 = tpu.memref_slice %arg43[%dma_start3A, %dma_start3A_338, %dma_start3A_339] : memref<4x192x195xf32, #tpu.memory_space<hbm>> -> memref<4x192x128xf32, #tpu.memory_space<hbm>>
        %dma_start3A_341 = arith.constant 0 : i32
        %dma_start3A_342 = arith.constant 0 : i32
        %dma_start3A_343 = arith.constant 0 : i32
        %dma_start3A_344 = tpu.memref_slice %arg43[%dma_start3A_341, %dma_start3A_342, %dma_start3A_343] : memref<4x192x195xf32, #tpu.memory_space<hbm>> -> memref<4x192x128xf32, #tpu.memory_space<hbm>>
        tpu.enqueue_dma source(%arg71 : memref<4x192x128xf32, #tpu.memory_space<vmem>>) target(%dma_start3A_344 : memref<4x192x128xf32, #tpu.memory_space<hbm>>) target_semaphore(%run_scoped3A : memref<!tpu.dma_semaphore, #tpu.memory_space<semaphore_mem>>)
        %dma_wait3A = arith.constant 0 : i32
        %dma_wait3A_345 = arith.constant 0 : i32
        %dma_wait3A_346 = arith.constant 0 : i32
        %dma_wait3A_347 = tpu.memref_slice %arg43[%dma_wait3A, %dma_wait3A_345, %dma_wait3A_346] : memref<4x192x195xf32, #tpu.memory_space<hbm>> -> memref<4x192x128xf32, #tpu.memory_space<hbm>>
        %dma_wait3A_348 = arith.constant 0 : i32
        %dma_wait3A_349 = arith.constant 0 : i32
        %dma_wait3A_350 = arith.constant 0 : i32
        %dma_wait3A_351 = tpu.memref_slice %arg43[%dma_wait3A_348, %dma_wait3A_349, %dma_wait3A_350] : memref<4x192x195xf32, #tpu.memory_space<hbm>> -> memref<4x192x128xf32, #tpu.memory_space<hbm>>
        tpu.wait_dma2 semaphore(%run_scoped3A : memref<!tpu.dma_semaphore, #tpu.memory_space<semaphore_mem>>) src(%arg71 : memref<4x192x128xf32, #tpu.memory_space<vmem>>) dst(%dma_wait3A_351 : memref<4x192x128xf32, #tpu.memory_space<hbm>>)
        tpu.yield
      }) : () -> ()
    } else {
    }
    %eq3A_203 = arith.constant 9 : i32
    %eq3A_204 = arith.cmpi eq, %add3A, %eq3A_203 : i32
    %convert_element_type3A_205 = arith.extui %eq3A_204 : i1 to i32
    %cond3A_206 = arith.constant 0 : i32
    %cond3A_207 = arith.cmpi ne, %convert_element_type3A_205, %cond3A_206 : i32
    scf.if %cond3A_207 {
      "tpu.region"() ({
        %run_scoped3A = tpu.sem_alloc : memref<!tpu.dma_semaphore, #tpu.memory_space<semaphore_mem>>
        %dma_start3A = arith.constant 0 : i32
        %dma_start3A_338 = arith.constant 0 : i32
        %dma_start3A_339 = arith.constant 0 : i32
        %dma_start3A_340 = tpu.memref_slice %arg44[%dma_start3A, %dma_start3A_338, %dma_start3A_339] : memref<4x192x195xf32, #tpu.memory_space<hbm>> -> memref<4x192x128xf32, #tpu.memory_space<hbm>>
        %dma_start3A_341 = arith.constant 0 : i32
        %dma_start3A_342 = arith.constant 0 : i32
        %dma_start3A_343 = arith.constant 0 : i32
        %dma_start3A_344 = tpu.memref_slice %arg44[%dma_start3A_341, %dma_start3A_342, %dma_start3A_343] : memref<4x192x195xf32, #tpu.memory_space<hbm>> -> memref<4x192x128xf32, #tpu.memory_space<hbm>>
        tpu.enqueue_dma source(%arg71 : memref<4x192x128xf32, #tpu.memory_space<vmem>>) target(%dma_start3A_344 : memref<4x192x128xf32, #tpu.memory_space<hbm>>) target_semaphore(%run_scoped3A : memref<!tpu.dma_semaphore, #tpu.memory_space<semaphore_mem>>)
        %dma_wait3A = arith.constant 0 : i32
        %dma_wait3A_345 = arith.constant 0 : i32
        %dma_wait3A_346 = arith.constant 0 : i32
        %dma_wait3A_347 = tpu.memref_slice %arg44[%dma_wait3A, %dma_wait3A_345, %dma_wait3A_346] : memref<4x192x195xf32, #tpu.memory_space<hbm>> -> memref<4x192x128xf32, #tpu.memory_space<hbm>>
        %dma_wait3A_348 = arith.constant 0 : i32
        %dma_wait3A_349 = arith.constant 0 : i32
        %dma_wait3A_350 = arith.constant 0 : i32
        %dma_wait3A_351 = tpu.memref_slice %arg44[%dma_wait3A_348, %dma_wait3A_349, %dma_wait3A_350] : memref<4x192x195xf32, #tpu.memory_space<hbm>> -> memref<4x192x128xf32, #tpu.memory_space<hbm>>
        tpu.wait_dma2 semaphore(%run_scoped3A : memref<!tpu.dma_semaphore, #tpu.memory_space<semaphore_mem>>) src(%arg71 : memref<4x192x128xf32, #tpu.memory_space<vmem>>) dst(%dma_wait3A_351 : memref<4x192x128xf32, #tpu.memory_space<hbm>>)
        tpu.yield
      }) : () -> ()
    } else {
    }
    %eq3A_208 = arith.constant 10 : i32
    %eq3A_209 = arith.cmpi eq, %add3A, %eq3A_208 : i32
    %convert_element_type3A_210 = arith.extui %eq3A_209 : i1 to i32
    %cond3A_211 = arith.constant 0 : i32
    %cond3A_212 = arith.cmpi ne, %convert_element_type3A_210, %cond3A_211 : i32
    scf.if %cond3A_212 {
      "tpu.region"() ({
        %run_scoped3A = tpu.sem_alloc : memref<!tpu.dma_semaphore, #tpu.memory_space<semaphore_mem>>
        %dma_start3A = arith.constant 0 : i32
        %dma_start3A_338 = arith.constant 0 : i32
        %dma_start3A_339 = arith.constant 0 : i32
        %dma_start3A_340 = tpu.memref_slice %arg45[%dma_start3A, %dma_start3A_338, %dma_start3A_339] : memref<4x192x195xf32, #tpu.memory_space<hbm>> -> memref<4x192x128xf32, #tpu.memory_space<hbm>>
        %dma_start3A_341 = arith.constant 0 : i32
        %dma_start3A_342 = arith.constant 0 : i32
        %dma_start3A_343 = arith.constant 0 : i32
        %dma_start3A_344 = tpu.memref_slice %arg45[%dma_start3A_341, %dma_start3A_342, %dma_start3A_343] : memref<4x192x195xf32, #tpu.memory_space<hbm>> -> memref<4x192x128xf32, #tpu.memory_space<hbm>>
        tpu.enqueue_dma source(%arg71 : memref<4x192x128xf32, #tpu.memory_space<vmem>>) target(%dma_start3A_344 : memref<4x192x128xf32, #tpu.memory_space<hbm>>) target_semaphore(%run_scoped3A : memref<!tpu.dma_semaphore, #tpu.memory_space<semaphore_mem>>)
        %dma_wait3A = arith.constant 0 : i32
        %dma_wait3A_345 = arith.constant 0 : i32
        %dma_wait3A_346 = arith.constant 0 : i32
        %dma_wait3A_347 = tpu.memref_slice %arg45[%dma_wait3A, %dma_wait3A_345, %dma_wait3A_346] : memref<4x192x195xf32, #tpu.memory_space<hbm>> -> memref<4x192x128xf32, #tpu.memory_space<hbm>>
        %dma_wait3A_348 = arith.constant 0 : i32
        %dma_wait3A_349 = arith.constant 0 : i32
        %dma_wait3A_350 = arith.constant 0 : i32
        %dma_wait3A_351 = tpu.memref_slice %arg45[%dma_wait3A_348, %dma_wait3A_349, %dma_wait3A_350] : memref<4x192x195xf32, #tpu.memory_space<hbm>> -> memref<4x192x128xf32, #tpu.memory_space<hbm>>
        tpu.wait_dma2 semaphore(%run_scoped3A : memref<!tpu.dma_semaphore, #tpu.memory_space<semaphore_mem>>) src(%arg71 : memref<4x192x128xf32, #tpu.memory_space<vmem>>) dst(%dma_wait3A_351 : memref<4x192x128xf32, #tpu.memory_space<hbm>>)
        tpu.yield
      }) : () -> ()
    } else {
    }
    %eq3A_213 = arith.constant 11 : i32
    %eq3A_214 = arith.cmpi eq, %add3A, %eq3A_213 : i32
    %convert_element_type3A_215 = arith.extui %eq3A_214 : i1 to i32
    %cond3A_216 = arith.constant 0 : i32
    %cond3A_217 = arith.cmpi ne, %convert_element_type3A_215, %cond3A_216 : i32
    scf.if %cond3A_217 {
      "tpu.region"() ({
        %run_scoped3A = tpu.sem_alloc : memref<!tpu.dma_semaphore, #tpu.memory_space<semaphore_mem>>
        %dma_start3A = arith.constant 0 : i32
        %dma_start3A_338 = arith.constant 0 : i32
        %dma_start3A_339 = arith.constant 0 : i32
        %dma_start3A_340 = tpu.memref_slice %arg46[%dma_start3A, %dma_start3A_338, %dma_start3A_339] : memref<4x192x195xf32, #tpu.memory_space<hbm>> -> memref<4x192x128xf32, #tpu.memory_space<hbm>>
        %dma_start3A_341 = arith.constant 0 : i32
        %dma_start3A_342 = arith.constant 0 : i32
        %dma_start3A_343 = arith.constant 0 : i32
        %dma_start3A_344 = tpu.memref_slice %arg46[%dma_start3A_341, %dma_start3A_342, %dma_start3A_343] : memref<4x192x195xf32, #tpu.memory_space<hbm>> -> memref<4x192x128xf32, #tpu.memory_space<hbm>>
        tpu.enqueue_dma source(%arg71 : memref<4x192x128xf32, #tpu.memory_space<vmem>>) target(%dma_start3A_344 : memref<4x192x128xf32, #tpu.memory_space<hbm>>) target_semaphore(%run_scoped3A : memref<!tpu.dma_semaphore, #tpu.memory_space<semaphore_mem>>)
        %dma_wait3A = arith.constant 0 : i32
        %dma_wait3A_345 = arith.constant 0 : i32
        %dma_wait3A_346 = arith.constant 0 : i32
        %dma_wait3A_347 = tpu.memref_slice %arg46[%dma_wait3A, %dma_wait3A_345, %dma_wait3A_346] : memref<4x192x195xf32, #tpu.memory_space<hbm>> -> memref<4x192x128xf32, #tpu.memory_space<hbm>>
        %dma_wait3A_348 = arith.constant 0 : i32
        %dma_wait3A_349 = arith.constant 0 : i32
        %dma_wait3A_350 = arith.constant 0 : i32
        %dma_wait3A_351 = tpu.memref_slice %arg46[%dma_wait3A_348, %dma_wait3A_349, %dma_wait3A_350] : memref<4x192x195xf32, #tpu.memory_space<hbm>> -> memref<4x192x128xf32, #tpu.memory_space<hbm>>
        tpu.wait_dma2 semaphore(%run_scoped3A : memref<!tpu.dma_semaphore, #tpu.memory_space<semaphore_mem>>) src(%arg71 : memref<4x192x128xf32, #tpu.memory_space<vmem>>) dst(%dma_wait3A_351 : memref<4x192x128xf32, #tpu.memory_space<hbm>>)
        tpu.yield
      }) : () -> ()
    } else {
    }
    %eq3A_218 = arith.constant 12 : i32
    %eq3A_219 = arith.cmpi eq, %add3A, %eq3A_218 : i32
    %convert_element_type3A_220 = arith.extui %eq3A_219 : i1 to i32
    %cond3A_221 = arith.constant 0 : i32
    %cond3A_222 = arith.cmpi ne, %convert_element_type3A_220, %cond3A_221 : i32
    scf.if %cond3A_222 {
      "tpu.region"() ({
        %run_scoped3A = tpu.sem_alloc : memref<!tpu.dma_semaphore, #tpu.memory_space<semaphore_mem>>
        %dma_start3A = arith.constant 0 : i32
        %dma_start3A_338 = arith.constant 0 : i32
        %dma_start3A_339 = arith.constant 0 : i32
        %dma_start3A_340 = tpu.memref_slice %arg47[%dma_start3A, %dma_start3A_338, %dma_start3A_339] : memref<4x192x195xf32, #tpu.memory_space<hbm>> -> memref<4x192x128xf32, #tpu.memory_space<hbm>>
        %dma_start3A_341 = arith.constant 0 : i32
        %dma_start3A_342 = arith.constant 0 : i32
        %dma_start3A_343 = arith.constant 0 : i32
        %dma_start3A_344 = tpu.memref_slice %arg47[%dma_start3A_341, %dma_start3A_342, %dma_start3A_343] : memref<4x192x195xf32, #tpu.memory_space<hbm>> -> memref<4x192x128xf32, #tpu.memory_space<hbm>>
        tpu.enqueue_dma source(%arg71 : memref<4x192x128xf32, #tpu.memory_space<vmem>>) target(%dma_start3A_344 : memref<4x192x128xf32, #tpu.memory_space<hbm>>) target_semaphore(%run_scoped3A : memref<!tpu.dma_semaphore, #tpu.memory_space<semaphore_mem>>)
        %dma_wait3A = arith.constant 0 : i32
        %dma_wait3A_345 = arith.constant 0 : i32
        %dma_wait3A_346 = arith.constant 0 : i32
        %dma_wait3A_347 = tpu.memref_slice %arg47[%dma_wait3A, %dma_wait3A_345, %dma_wait3A_346] : memref<4x192x195xf32, #tpu.memory_space<hbm>> -> memref<4x192x128xf32, #tpu.memory_space<hbm>>
        %dma_wait3A_348 = arith.constant 0 : i32
        %dma_wait3A_349 = arith.constant 0 : i32
        %dma_wait3A_350 = arith.constant 0 : i32
        %dma_wait3A_351 = tpu.memref_slice %arg47[%dma_wait3A_348, %dma_wait3A_349, %dma_wait3A_350] : memref<4x192x195xf32, #tpu.memory_space<hbm>> -> memref<4x192x128xf32, #tpu.memory_space<hbm>>
        tpu.wait_dma2 semaphore(%run_scoped3A : memref<!tpu.dma_semaphore, #tpu.memory_space<semaphore_mem>>) src(%arg71 : memref<4x192x128xf32, #tpu.memory_space<vmem>>) dst(%dma_wait3A_351 : memref<4x192x128xf32, #tpu.memory_space<hbm>>)
        tpu.yield
      }) : () -> ()
    } else {
    }
    %eq3A_223 = arith.constant 13 : i32
    %eq3A_224 = arith.cmpi eq, %add3A, %eq3A_223 : i32
    %convert_element_type3A_225 = arith.extui %eq3A_224 : i1 to i32
    %cond3A_226 = arith.constant 0 : i32
    %cond3A_227 = arith.cmpi ne, %convert_element_type3A_225, %cond3A_226 : i32
    scf.if %cond3A_227 {
      "tpu.region"() ({
        %run_scoped3A = tpu.sem_alloc : memref<!tpu.dma_semaphore, #tpu.memory_space<semaphore_mem>>
        %dma_start3A = arith.constant 0 : i32
        %dma_start3A_338 = arith.constant 0 : i32
        %dma_start3A_339 = arith.constant 0 : i32
        %dma_start3A_340 = tpu.memref_slice %arg48[%dma_start3A, %dma_start3A_338, %dma_start3A_339] : memref<4x192x195xf32, #tpu.memory_space<hbm>> -> memref<4x192x128xf32, #tpu.memory_space<hbm>>
        %dma_start3A_341 = arith.constant 0 : i32
        %dma_start3A_342 = arith.constant 0 : i32
        %dma_start3A_343 = arith.constant 0 : i32
        %dma_start3A_344 = tpu.memref_slice %arg48[%dma_start3A_341, %dma_start3A_342, %dma_start3A_343] : memref<4x192x195xf32, #tpu.memory_space<hbm>> -> memref<4x192x128xf32, #tpu.memory_space<hbm>>
        tpu.enqueue_dma source(%arg71 : memref<4x192x128xf32, #tpu.memory_space<vmem>>) target(%dma_start3A_344 : memref<4x192x128xf32, #tpu.memory_space<hbm>>) target_semaphore(%run_scoped3A : memref<!tpu.dma_semaphore, #tpu.memory_space<semaphore_mem>>)
        %dma_wait3A = arith.constant 0 : i32
        %dma_wait3A_345 = arith.constant 0 : i32
        %dma_wait3A_346 = arith.constant 0 : i32
        %dma_wait3A_347 = tpu.memref_slice %arg48[%dma_wait3A, %dma_wait3A_345, %dma_wait3A_346] : memref<4x192x195xf32, #tpu.memory_space<hbm>> -> memref<4x192x128xf32, #tpu.memory_space<hbm>>
        %dma_wait3A_348 = arith.constant 0 : i32
        %dma_wait3A_349 = arith.constant 0 : i32
        %dma_wait3A_350 = arith.constant 0 : i32
        %dma_wait3A_351 = tpu.memref_slice %arg48[%dma_wait3A_348, %dma_wait3A_349, %dma_wait3A_350] : memref<4x192x195xf32, #tpu.memory_space<hbm>> -> memref<4x192x128xf32, #tpu.memory_space<hbm>>
        tpu.wait_dma2 semaphore(%run_scoped3A : memref<!tpu.dma_semaphore, #tpu.memory_space<semaphore_mem>>) src(%arg71 : memref<4x192x128xf32, #tpu.memory_space<vmem>>) dst(%dma_wait3A_351 : memref<4x192x128xf32, #tpu.memory_space<hbm>>)
        tpu.yield
      }) : () -> ()
    } else {
    }
    %eq3A_228 = arith.constant 14 : i32
    %eq3A_229 = arith.cmpi eq, %add3A, %eq3A_228 : i32
    %convert_element_type3A_230 = arith.extui %eq3A_229 : i1 to i32
    %cond3A_231 = arith.constant 0 : i32
    %cond3A_232 = arith.cmpi ne, %convert_element_type3A_230, %cond3A_231 : i32
    scf.if %cond3A_232 {
      "tpu.region"() ({
        %run_scoped3A = tpu.sem_alloc : memref<!tpu.dma_semaphore, #tpu.memory_space<semaphore_mem>>
        %dma_start3A = arith.constant 0 : i32
        %dma_start3A_338 = arith.constant 0 : i32
        %dma_start3A_339 = arith.constant 0 : i32
        %dma_start3A_340 = tpu.memref_slice %arg49[%dma_start3A, %dma_start3A_338, %dma_start3A_339] : memref<4x192x195xf32, #tpu.memory_space<hbm>> -> memref<4x192x128xf32, #tpu.memory_space<hbm>>
        %dma_start3A_341 = arith.constant 0 : i32
        %dma_start3A_342 = arith.constant 0 : i32
        %dma_start3A_343 = arith.constant 0 : i32
        %dma_start3A_344 = tpu.memref_slice %arg49[%dma_start3A_341, %dma_start3A_342, %dma_start3A_343] : memref<4x192x195xf32, #tpu.memory_space<hbm>> -> memref<4x192x128xf32, #tpu.memory_space<hbm>>
        tpu.enqueue_dma source(%arg71 : memref<4x192x128xf32, #tpu.memory_space<vmem>>) target(%dma_start3A_344 : memref<4x192x128xf32, #tpu.memory_space<hbm>>) target_semaphore(%run_scoped3A : memref<!tpu.dma_semaphore, #tpu.memory_space<semaphore_mem>>)
        %dma_wait3A = arith.constant 0 : i32
        %dma_wait3A_345 = arith.constant 0 : i32
        %dma_wait3A_346 = arith.constant 0 : i32
        %dma_wait3A_347 = tpu.memref_slice %arg49[%dma_wait3A, %dma_wait3A_345, %dma_wait3A_346] : memref<4x192x195xf32, #tpu.memory_space<hbm>> -> memref<4x192x128xf32, #tpu.memory_space<hbm>>
        %dma_wait3A_348 = arith.constant 0 : i32
        %dma_wait3A_349 = arith.constant 0 : i32
        %dma_wait3A_350 = arith.constant 0 : i32
        %dma_wait3A_351 = tpu.memref_slice %arg49[%dma_wait3A_348, %dma_wait3A_349, %dma_wait3A_350] : memref<4x192x195xf32, #tpu.memory_space<hbm>> -> memref<4x192x128xf32, #tpu.memory_space<hbm>>
        tpu.wait_dma2 semaphore(%run_scoped3A : memref<!tpu.dma_semaphore, #tpu.memory_space<semaphore_mem>>) src(%arg71 : memref<4x192x128xf32, #tpu.memory_space<vmem>>) dst(%dma_wait3A_351 : memref<4x192x128xf32, #tpu.memory_space<hbm>>)
        tpu.yield
      }) : () -> ()
    } else {
    }
    %eq3A_233 = arith.constant 15 : i32
    %eq3A_234 = arith.cmpi eq, %add3A, %eq3A_233 : i32
    %convert_element_type3A_235 = arith.extui %eq3A_234 : i1 to i32
    %cond3A_236 = arith.constant 0 : i32
    %cond3A_237 = arith.cmpi ne, %convert_element_type3A_235, %cond3A_236 : i32
    scf.if %cond3A_237 {
      "tpu.region"() ({
        %run_scoped3A = tpu.sem_alloc : memref<!tpu.dma_semaphore, #tpu.memory_space<semaphore_mem>>
        %dma_start3A = arith.constant 0 : i32
        %dma_start3A_338 = arith.constant 0 : i32
        %dma_start3A_339 = arith.constant 0 : i32
        %dma_start3A_340 = tpu.memref_slice %arg50[%dma_start3A, %dma_start3A_338, %dma_start3A_339] : memref<4x192x195xf32, #tpu.memory_space<hbm>> -> memref<4x192x128xf32, #tpu.memory_space<hbm>>
        %dma_start3A_341 = arith.constant 0 : i32
        %dma_start3A_342 = arith.constant 0 : i32
        %dma_start3A_343 = arith.constant 0 : i32
        %dma_start3A_344 = tpu.memref_slice %arg50[%dma_start3A_341, %dma_start3A_342, %dma_start3A_343] : memref<4x192x195xf32, #tpu.memory_space<hbm>> -> memref<4x192x128xf32, #tpu.memory_space<hbm>>
        tpu.enqueue_dma source(%arg71 : memref<4x192x128xf32, #tpu.memory_space<vmem>>) target(%dma_start3A_344 : memref<4x192x128xf32, #tpu.memory_space<hbm>>) target_semaphore(%run_scoped3A : memref<!tpu.dma_semaphore, #tpu.memory_space<semaphore_mem>>)
        %dma_wait3A = arith.constant 0 : i32
        %dma_wait3A_345 = arith.constant 0 : i32
        %dma_wait3A_346 = arith.constant 0 : i32
        %dma_wait3A_347 = tpu.memref_slice %arg50[%dma_wait3A, %dma_wait3A_345, %dma_wait3A_346] : memref<4x192x195xf32, #tpu.memory_space<hbm>> -> memref<4x192x128xf32, #tpu.memory_space<hbm>>
        %dma_wait3A_348 = arith.constant 0 : i32
        %dma_wait3A_349 = arith.constant 0 : i32
        %dma_wait3A_350 = arith.constant 0 : i32
        %dma_wait3A_351 = tpu.memref_slice %arg50[%dma_wait3A_348, %dma_wait3A_349, %dma_wait3A_350] : memref<4x192x195xf32, #tpu.memory_space<hbm>> -> memref<4x192x128xf32, #tpu.memory_space<hbm>>
        tpu.wait_dma2 semaphore(%run_scoped3A : memref<!tpu.dma_semaphore, #tpu.memory_space<semaphore_mem>>) src(%arg71 : memref<4x192x128xf32, #tpu.memory_space<vmem>>) dst(%dma_wait3A_351 : memref<4x192x128xf32, #tpu.memory_space<hbm>>)
        tpu.yield
      }) : () -> ()
    } else {
    }
    %eq3A_238 = arith.constant 16 : i32
    %eq3A_239 = arith.cmpi eq, %add3A, %eq3A_238 : i32
    %convert_element_type3A_240 = arith.extui %eq3A_239 : i1 to i32
    %cond3A_241 = arith.constant 0 : i32
    %cond3A_242 = arith.cmpi ne, %convert_element_type3A_240, %cond3A_241 : i32
    scf.if %cond3A_242 {
      "tpu.region"() ({
        %run_scoped3A = tpu.sem_alloc : memref<!tpu.dma_semaphore, #tpu.memory_space<semaphore_mem>>
        %dma_start3A = arith.constant 0 : i32
        %dma_start3A_338 = arith.constant 0 : i32
        %dma_start3A_339 = arith.constant 0 : i32
        %dma_start3A_340 = tpu.memref_slice %arg51[%dma_start3A, %dma_start3A_338, %dma_start3A_339] : memref<4x192x195xf32, #tpu.memory_space<hbm>> -> memref<4x192x128xf32, #tpu.memory_space<hbm>>
        %dma_start3A_341 = arith.constant 0 : i32
        %dma_start3A_342 = arith.constant 0 : i32
        %dma_start3A_343 = arith.constant 0 : i32
        %dma_start3A_344 = tpu.memref_slice %arg51[%dma_start3A_341, %dma_start3A_342, %dma_start3A_343] : memref<4x192x195xf32, #tpu.memory_space<hbm>> -> memref<4x192x128xf32, #tpu.memory_space<hbm>>
        tpu.enqueue_dma source(%arg71 : memref<4x192x128xf32, #tpu.memory_space<vmem>>) target(%dma_start3A_344 : memref<4x192x128xf32, #tpu.memory_space<hbm>>) target_semaphore(%run_scoped3A : memref<!tpu.dma_semaphore, #tpu.memory_space<semaphore_mem>>)
        %dma_wait3A = arith.constant 0 : i32
        %dma_wait3A_345 = arith.constant 0 : i32
        %dma_wait3A_346 = arith.constant 0 : i32
        %dma_wait3A_347 = tpu.memref_slice %arg51[%dma_wait3A, %dma_wait3A_345, %dma_wait3A_346] : memref<4x192x195xf32, #tpu.memory_space<hbm>> -> memref<4x192x128xf32, #tpu.memory_space<hbm>>
        %dma_wait3A_348 = arith.constant 0 : i32
        %dma_wait3A_349 = arith.constant 0 : i32
        %dma_wait3A_350 = arith.constant 0 : i32
        %dma_wait3A_351 = tpu.memref_slice %arg51[%dma_wait3A_348, %dma_wait3A_349, %dma_wait3A_350] : memref<4x192x195xf32, #tpu.memory_space<hbm>> -> memref<4x192x128xf32, #tpu.memory_space<hbm>>
        tpu.wait_dma2 semaphore(%run_scoped3A : memref<!tpu.dma_semaphore, #tpu.memory_space<semaphore_mem>>) src(%arg71 : memref<4x192x128xf32, #tpu.memory_space<vmem>>) dst(%dma_wait3A_351 : memref<4x192x128xf32, #tpu.memory_space<hbm>>)
        tpu.yield
      }) : () -> ()
    } else {
    }
    %eq3A_243 = arith.constant 17 : i32
    %eq3A_244 = arith.cmpi eq, %add3A, %eq3A_243 : i32
    %convert_element_type3A_245 = arith.extui %eq3A_244 : i1 to i32
    %cond3A_246 = arith.constant 0 : i32
    %cond3A_247 = arith.cmpi ne, %convert_element_type3A_245, %cond3A_246 : i32
    scf.if %cond3A_247 {
      "tpu.region"() ({
        %run_scoped3A = tpu.sem_alloc : memref<!tpu.dma_semaphore, #tpu.memory_space<semaphore_mem>>
        %dma_start3A = arith.constant 0 : i32
        %dma_start3A_338 = arith.constant 0 : i32
        %dma_start3A_339 = arith.constant 0 : i32
        %dma_start3A_340 = tpu.memref_slice %arg52[%dma_start3A, %dma_start3A_338, %dma_start3A_339] : memref<4x192x195xf32, #tpu.memory_space<hbm>> -> memref<4x192x128xf32, #tpu.memory_space<hbm>>
        %dma_start3A_341 = arith.constant 0 : i32
        %dma_start3A_342 = arith.constant 0 : i32
        %dma_start3A_343 = arith.constant 0 : i32
        %dma_start3A_344 = tpu.memref_slice %arg52[%dma_start3A_341, %dma_start3A_342, %dma_start3A_343] : memref<4x192x195xf32, #tpu.memory_space<hbm>> -> memref<4x192x128xf32, #tpu.memory_space<hbm>>
        tpu.enqueue_dma source(%arg71 : memref<4x192x128xf32, #tpu.memory_space<vmem>>) target(%dma_start3A_344 : memref<4x192x128xf32, #tpu.memory_space<hbm>>) target_semaphore(%run_scoped3A : memref<!tpu.dma_semaphore, #tpu.memory_space<semaphore_mem>>)
        %dma_wait3A = arith.constant 0 : i32
        %dma_wait3A_345 = arith.constant 0 : i32
        %dma_wait3A_346 = arith.constant 0 : i32
        %dma_wait3A_347 = tpu.memref_slice %arg52[%dma_wait3A, %dma_wait3A_345, %dma_wait3A_346] : memref<4x192x195xf32, #tpu.memory_space<hbm>> -> memref<4x192x128xf32, #tpu.memory_space<hbm>>
        %dma_wait3A_348 = arith.constant 0 : i32
        %dma_wait3A_349 = arith.constant 0 : i32
        %dma_wait3A_350 = arith.constant 0 : i32
        %dma_wait3A_351 = tpu.memref_slice %arg52[%dma_wait3A_348, %dma_wait3A_349, %dma_wait3A_350] : memref<4x192x195xf32, #tpu.memory_space<hbm>> -> memref<4x192x128xf32, #tpu.memory_space<hbm>>
        tpu.wait_dma2 semaphore(%run_scoped3A : memref<!tpu.dma_semaphore, #tpu.memory_space<semaphore_mem>>) src(%arg71 : memref<4x192x128xf32, #tpu.memory_space<vmem>>) dst(%dma_wait3A_351 : memref<4x192x128xf32, #tpu.memory_space<hbm>>)
        tpu.yield
      }) : () -> ()
    } else {
    }
    %eq3A_248 = arith.constant 18 : i32
    %eq3A_249 = arith.cmpi eq, %add3A, %eq3A_248 : i32
    %convert_element_type3A_250 = arith.extui %eq3A_249 : i1 to i32
    %cond3A_251 = arith.constant 0 : i32
    %cond3A_252 = arith.cmpi ne, %convert_element_type3A_250, %cond3A_251 : i32
    scf.if %cond3A_252 {
      "tpu.region"() ({
        %run_scoped3A = tpu.sem_alloc : memref<!tpu.dma_semaphore, #tpu.memory_space<semaphore_mem>>
        %dma_start3A = arith.constant 0 : i32
        %dma_start3A_338 = arith.constant 0 : i32
        %dma_start3A_339 = arith.constant 0 : i32
        %dma_start3A_340 = tpu.memref_slice %arg53[%dma_start3A, %dma_start3A_338, %dma_start3A_339] : memref<4x192x195xf32, #tpu.memory_space<hbm>> -> memref<4x192x128xf32, #tpu.memory_space<hbm>>
        %dma_start3A_341 = arith.constant 0 : i32
        %dma_start3A_342 = arith.constant 0 : i32
        %dma_start3A_343 = arith.constant 0 : i32
        %dma_start3A_344 = tpu.memref_slice %arg53[%dma_start3A_341, %dma_start3A_342, %dma_start3A_343] : memref<4x192x195xf32, #tpu.memory_space<hbm>> -> memref<4x192x128xf32, #tpu.memory_space<hbm>>
        tpu.enqueue_dma source(%arg71 : memref<4x192x128xf32, #tpu.memory_space<vmem>>) target(%dma_start3A_344 : memref<4x192x128xf32, #tpu.memory_space<hbm>>) target_semaphore(%run_scoped3A : memref<!tpu.dma_semaphore, #tpu.memory_space<semaphore_mem>>)
        %dma_wait3A = arith.constant 0 : i32
        %dma_wait3A_345 = arith.constant 0 : i32
        %dma_wait3A_346 = arith.constant 0 : i32
        %dma_wait3A_347 = tpu.memref_slice %arg53[%dma_wait3A, %dma_wait3A_345, %dma_wait3A_346] : memref<4x192x195xf32, #tpu.memory_space<hbm>> -> memref<4x192x128xf32, #tpu.memory_space<hbm>>
        %dma_wait3A_348 = arith.constant 0 : i32
        %dma_wait3A_349 = arith.constant 0 : i32
        %dma_wait3A_350 = arith.constant 0 : i32
        %dma_wait3A_351 = tpu.memref_slice %arg53[%dma_wait3A_348, %dma_wait3A_349, %dma_wait3A_350] : memref<4x192x195xf32, #tpu.memory_space<hbm>> -> memref<4x192x128xf32, #tpu.memory_space<hbm>>
        tpu.wait_dma2 semaphore(%run_scoped3A : memref<!tpu.dma_semaphore, #tpu.memory_space<semaphore_mem>>) src(%arg71 : memref<4x192x128xf32, #tpu.memory_space<vmem>>) dst(%dma_wait3A_351 : memref<4x192x128xf32, #tpu.memory_space<hbm>>)
        tpu.yield
      }) : () -> ()
    } else {
    }
    %eq3A_253 = arith.constant 19 : i32
    %eq3A_254 = arith.cmpi eq, %add3A, %eq3A_253 : i32
    %convert_element_type3A_255 = arith.extui %eq3A_254 : i1 to i32
    %cond3A_256 = arith.constant 0 : i32
    %cond3A_257 = arith.cmpi ne, %convert_element_type3A_255, %cond3A_256 : i32
    scf.if %cond3A_257 {
      "tpu.region"() ({
        %run_scoped3A = tpu.sem_alloc : memref<!tpu.dma_semaphore, #tpu.memory_space<semaphore_mem>>
        %dma_start3A = arith.constant 0 : i32
        %dma_start3A_338 = arith.constant 0 : i32
        %dma_start3A_339 = arith.constant 0 : i32
        %dma_start3A_340 = tpu.memref_slice %arg54[%dma_start3A, %dma_start3A_338, %dma_start3A_339] : memref<4x192x195xf32, #tpu.memory_space<hbm>> -> memref<4x192x128xf32, #tpu.memory_space<hbm>>
        %dma_start3A_341 = arith.constant 0 : i32
        %dma_start3A_342 = arith.constant 0 : i32
        %dma_start3A_343 = arith.constant 0 : i32
        %dma_start3A_344 = tpu.memref_slice %arg54[%dma_start3A_341, %dma_start3A_342, %dma_start3A_343] : memref<4x192x195xf32, #tpu.memory_space<hbm>> -> memref<4x192x128xf32, #tpu.memory_space<hbm>>
        tpu.enqueue_dma source(%arg71 : memref<4x192x128xf32, #tpu.memory_space<vmem>>) target(%dma_start3A_344 : memref<4x192x128xf32, #tpu.memory_space<hbm>>) target_semaphore(%run_scoped3A : memref<!tpu.dma_semaphore, #tpu.memory_space<semaphore_mem>>)
        %dma_wait3A = arith.constant 0 : i32
        %dma_wait3A_345 = arith.constant 0 : i32
        %dma_wait3A_346 = arith.constant 0 : i32
        %dma_wait3A_347 = tpu.memref_slice %arg54[%dma_wait3A, %dma_wait3A_345, %dma_wait3A_346] : memref<4x192x195xf32, #tpu.memory_space<hbm>> -> memref<4x192x128xf32, #tpu.memory_space<hbm>>
        %dma_wait3A_348 = arith.constant 0 : i32
        %dma_wait3A_349 = arith.constant 0 : i32
        %dma_wait3A_350 = arith.constant 0 : i32
        %dma_wait3A_351 = tpu.memref_slice %arg54[%dma_wait3A_348, %dma_wait3A_349, %dma_wait3A_350] : memref<4x192x195xf32, #tpu.memory_space<hbm>> -> memref<4x192x128xf32, #tpu.memory_space<hbm>>
        tpu.wait_dma2 semaphore(%run_scoped3A : memref<!tpu.dma_semaphore, #tpu.memory_space<semaphore_mem>>) src(%arg71 : memref<4x192x128xf32, #tpu.memory_space<vmem>>) dst(%dma_wait3A_351 : memref<4x192x128xf32, #tpu.memory_space<hbm>>)
        tpu.yield
      }) : () -> ()
    } else {
    }
    %eq3A_258 = arith.constant 20 : i32
    %eq3A_259 = arith.cmpi eq, %add3A, %eq3A_258 : i32
    %convert_element_type3A_260 = arith.extui %eq3A_259 : i1 to i32
    %cond3A_261 = arith.constant 0 : i32
    %cond3A_262 = arith.cmpi ne, %convert_element_type3A_260, %cond3A_261 : i32
    scf.if %cond3A_262 {
      "tpu.region"() ({
        %run_scoped3A = tpu.sem_alloc : memref<!tpu.dma_semaphore, #tpu.memory_space<semaphore_mem>>
        %dma_start3A = arith.constant 0 : i32
        %dma_start3A_338 = arith.constant 0 : i32
        %dma_start3A_339 = arith.constant 0 : i32
        %dma_start3A_340 = tpu.memref_slice %arg55[%dma_start3A, %dma_start3A_338, %dma_start3A_339] : memref<4x192x195xf32, #tpu.memory_space<hbm>> -> memref<4x192x128xf32, #tpu.memory_space<hbm>>
        %dma_start3A_341 = arith.constant 0 : i32
        %dma_start3A_342 = arith.constant 0 : i32
        %dma_start3A_343 = arith.constant 0 : i32
        %dma_start3A_344 = tpu.memref_slice %arg55[%dma_start3A_341, %dma_start3A_342, %dma_start3A_343] : memref<4x192x195xf32, #tpu.memory_space<hbm>> -> memref<4x192x128xf32, #tpu.memory_space<hbm>>
        tpu.enqueue_dma source(%arg71 : memref<4x192x128xf32, #tpu.memory_space<vmem>>) target(%dma_start3A_344 : memref<4x192x128xf32, #tpu.memory_space<hbm>>) target_semaphore(%run_scoped3A : memref<!tpu.dma_semaphore, #tpu.memory_space<semaphore_mem>>)
        %dma_wait3A = arith.constant 0 : i32
        %dma_wait3A_345 = arith.constant 0 : i32
        %dma_wait3A_346 = arith.constant 0 : i32
        %dma_wait3A_347 = tpu.memref_slice %arg55[%dma_wait3A, %dma_wait3A_345, %dma_wait3A_346] : memref<4x192x195xf32, #tpu.memory_space<hbm>> -> memref<4x192x128xf32, #tpu.memory_space<hbm>>
        %dma_wait3A_348 = arith.constant 0 : i32
        %dma_wait3A_349 = arith.constant 0 : i32
        %dma_wait3A_350 = arith.constant 0 : i32
        %dma_wait3A_351 = tpu.memref_slice %arg55[%dma_wait3A_348, %dma_wait3A_349, %dma_wait3A_350] : memref<4x192x195xf32, #tpu.memory_space<hbm>> -> memref<4x192x128xf32, #tpu.memory_space<hbm>>
        tpu.wait_dma2 semaphore(%run_scoped3A : memref<!tpu.dma_semaphore, #tpu.memory_space<semaphore_mem>>) src(%arg71 : memref<4x192x128xf32, #tpu.memory_space<vmem>>) dst(%dma_wait3A_351 : memref<4x192x128xf32, #tpu.memory_space<hbm>>)
        tpu.yield
      }) : () -> ()
    } else {
    }
    %eq3A_263 = arith.constant 21 : i32
    %eq3A_264 = arith.cmpi eq, %add3A, %eq3A_263 : i32
    %convert_element_type3A_265 = arith.extui %eq3A_264 : i1 to i32
    %cond3A_266 = arith.constant 0 : i32
    %cond3A_267 = arith.cmpi ne, %convert_element_type3A_265, %cond3A_266 : i32
    scf.if %cond3A_267 {
      "tpu.region"() ({
        %run_scoped3A = tpu.sem_alloc : memref<!tpu.dma_semaphore, #tpu.memory_space<semaphore_mem>>
        %dma_start3A = arith.constant 0 : i32
        %dma_start3A_338 = arith.constant 0 : i32
        %dma_start3A_339 = arith.constant 0 : i32
        %dma_start3A_340 = tpu.memref_slice %arg56[%dma_start3A, %dma_start3A_338, %dma_start3A_339] : memref<4x192x195xf32, #tpu.memory_space<hbm>> -> memref<4x192x128xf32, #tpu.memory_space<hbm>>
        %dma_start3A_341 = arith.constant 0 : i32
        %dma_start3A_342 = arith.constant 0 : i32
        %dma_start3A_343 = arith.constant 0 : i32
        %dma_start3A_344 = tpu.memref_slice %arg56[%dma_start3A_341, %dma_start3A_342, %dma_start3A_343] : memref<4x192x195xf32, #tpu.memory_space<hbm>> -> memref<4x192x128xf32, #tpu.memory_space<hbm>>
        tpu.enqueue_dma source(%arg71 : memref<4x192x128xf32, #tpu.memory_space<vmem>>) target(%dma_start3A_344 : memref<4x192x128xf32, #tpu.memory_space<hbm>>) target_semaphore(%run_scoped3A : memref<!tpu.dma_semaphore, #tpu.memory_space<semaphore_mem>>)
        %dma_wait3A = arith.constant 0 : i32
        %dma_wait3A_345 = arith.constant 0 : i32
        %dma_wait3A_346 = arith.constant 0 : i32
        %dma_wait3A_347 = tpu.memref_slice %arg56[%dma_wait3A, %dma_wait3A_345, %dma_wait3A_346] : memref<4x192x195xf32, #tpu.memory_space<hbm>> -> memref<4x192x128xf32, #tpu.memory_space<hbm>>
        %dma_wait3A_348 = arith.constant 0 : i32
        %dma_wait3A_349 = arith.constant 0 : i32
        %dma_wait3A_350 = arith.constant 0 : i32
        %dma_wait3A_351 = tpu.memref_slice %arg56[%dma_wait3A_348, %dma_wait3A_349, %dma_wait3A_350] : memref<4x192x195xf32, #tpu.memory_space<hbm>> -> memref<4x192x128xf32, #tpu.memory_space<hbm>>
        tpu.wait_dma2 semaphore(%run_scoped3A : memref<!tpu.dma_semaphore, #tpu.memory_space<semaphore_mem>>) src(%arg71 : memref<4x192x128xf32, #tpu.memory_space<vmem>>) dst(%dma_wait3A_351 : memref<4x192x128xf32, #tpu.memory_space<hbm>>)
        tpu.yield
      }) : () -> ()
    } else {
    }
    %eq3A_268 = arith.constant 22 : i32
    %eq3A_269 = arith.cmpi eq, %add3A, %eq3A_268 : i32
    %convert_element_type3A_270 = arith.extui %eq3A_269 : i1 to i32
    %cond3A_271 = arith.constant 0 : i32
    %cond3A_272 = arith.cmpi ne, %convert_element_type3A_270, %cond3A_271 : i32
    scf.if %cond3A_272 {
      "tpu.region"() ({
        %run_scoped3A = tpu.sem_alloc : memref<!tpu.dma_semaphore, #tpu.memory_space<semaphore_mem>>
        %dma_start3A = arith.constant 0 : i32
        %dma_start3A_338 = arith.constant 0 : i32
        %dma_start3A_339 = arith.constant 0 : i32
        %dma_start3A_340 = tpu.memref_slice %arg57[%dma_start3A, %dma_start3A_338, %dma_start3A_339] : memref<4x192x195xf32, #tpu.memory_space<hbm>> -> memref<4x192x128xf32, #tpu.memory_space<hbm>>
        %dma_start3A_341 = arith.constant 0 : i32
        %dma_start3A_342 = arith.constant 0 : i32
        %dma_start3A_343 = arith.constant 0 : i32
        %dma_start3A_344 = tpu.memref_slice %arg57[%dma_start3A_341, %dma_start3A_342, %dma_start3A_343] : memref<4x192x195xf32, #tpu.memory_space<hbm>> -> memref<4x192x128xf32, #tpu.memory_space<hbm>>
        tpu.enqueue_dma source(%arg71 : memref<4x192x128xf32, #tpu.memory_space<vmem>>) target(%dma_start3A_344 : memref<4x192x128xf32, #tpu.memory_space<hbm>>) target_semaphore(%run_scoped3A : memref<!tpu.dma_semaphore, #tpu.memory_space<semaphore_mem>>)
        %dma_wait3A = arith.constant 0 : i32
        %dma_wait3A_345 = arith.constant 0 : i32
        %dma_wait3A_346 = arith.constant 0 : i32
        %dma_wait3A_347 = tpu.memref_slice %arg57[%dma_wait3A, %dma_wait3A_345, %dma_wait3A_346] : memref<4x192x195xf32, #tpu.memory_space<hbm>> -> memref<4x192x128xf32, #tpu.memory_space<hbm>>
        %dma_wait3A_348 = arith.constant 0 : i32
        %dma_wait3A_349 = arith.constant 0 : i32
        %dma_wait3A_350 = arith.constant 0 : i32
        %dma_wait3A_351 = tpu.memref_slice %arg57[%dma_wait3A_348, %dma_wait3A_349, %dma_wait3A_350] : memref<4x192x195xf32, #tpu.memory_space<hbm>> -> memref<4x192x128xf32, #tpu.memory_space<hbm>>
        tpu.wait_dma2 semaphore(%run_scoped3A : memref<!tpu.dma_semaphore, #tpu.memory_space<semaphore_mem>>) src(%arg71 : memref<4x192x128xf32, #tpu.memory_space<vmem>>) dst(%dma_wait3A_351 : memref<4x192x128xf32, #tpu.memory_space<hbm>>)
        tpu.yield
      }) : () -> ()
    } else {
    }
    %eq3A_273 = arith.constant 23 : i32
    %eq3A_274 = arith.cmpi eq, %add3A, %eq3A_273 : i32
    %convert_element_type3A_275 = arith.extui %eq3A_274 : i1 to i32
    %cond3A_276 = arith.constant 0 : i32
    %cond3A_277 = arith.cmpi ne, %convert_element_type3A_275, %cond3A_276 : i32
    scf.if %cond3A_277 {
      "tpu.region"() ({
        %run_scoped3A = tpu.sem_alloc : memref<!tpu.dma_semaphore, #tpu.memory_space<semaphore_mem>>
        %dma_start3A = arith.constant 0 : i32
        %dma_start3A_338 = arith.constant 0 : i32
        %dma_start3A_339 = arith.constant 0 : i32
        %dma_start3A_340 = tpu.memref_slice %arg58[%dma_start3A, %dma_start3A_338, %dma_start3A_339] : memref<4x192x195xf32, #tpu.memory_space<hbm>> -> memref<4x192x128xf32, #tpu.memory_space<hbm>>
        %dma_start3A_341 = arith.constant 0 : i32
        %dma_start3A_342 = arith.constant 0 : i32
        %dma_start3A_343 = arith.constant 0 : i32
        %dma_start3A_344 = tpu.memref_slice %arg58[%dma_start3A_341, %dma_start3A_342, %dma_start3A_343] : memref<4x192x195xf32, #tpu.memory_space<hbm>> -> memref<4x192x128xf32, #tpu.memory_space<hbm>>
        tpu.enqueue_dma source(%arg71 : memref<4x192x128xf32, #tpu.memory_space<vmem>>) target(%dma_start3A_344 : memref<4x192x128xf32, #tpu.memory_space<hbm>>) target_semaphore(%run_scoped3A : memref<!tpu.dma_semaphore, #tpu.memory_space<semaphore_mem>>)
        %dma_wait3A = arith.constant 0 : i32
        %dma_wait3A_345 = arith.constant 0 : i32
        %dma_wait3A_346 = arith.constant 0 : i32
        %dma_wait3A_347 = tpu.memref_slice %arg58[%dma_wait3A, %dma_wait3A_345, %dma_wait3A_346] : memref<4x192x195xf32, #tpu.memory_space<hbm>> -> memref<4x192x128xf32, #tpu.memory_space<hbm>>
        %dma_wait3A_348 = arith.constant 0 : i32
        %dma_wait3A_349 = arith.constant 0 : i32
        %dma_wait3A_350 = arith.constant 0 : i32
        %dma_wait3A_351 = tpu.memref_slice %arg58[%dma_wait3A_348, %dma_wait3A_349, %dma_wait3A_350] : memref<4x192x195xf32, #tpu.memory_space<hbm>> -> memref<4x192x128xf32, #tpu.memory_space<hbm>>
        tpu.wait_dma2 semaphore(%run_scoped3A : memref<!tpu.dma_semaphore, #tpu.memory_space<semaphore_mem>>) src(%arg71 : memref<4x192x128xf32, #tpu.memory_space<vmem>>) dst(%dma_wait3A_351 : memref<4x192x128xf32, #tpu.memory_space<hbm>>)
        tpu.yield
      }) : () -> ()
    } else {
    }
    %eq3A_278 = arith.constant 24 : i32
    %eq3A_279 = arith.cmpi eq, %add3A, %eq3A_278 : i32
    %convert_element_type3A_280 = arith.extui %eq3A_279 : i1 to i32
    %cond3A_281 = arith.constant 0 : i32
    %cond3A_282 = arith.cmpi ne, %convert_element_type3A_280, %cond3A_281 : i32
    scf.if %cond3A_282 {
      "tpu.region"() ({
        %run_scoped3A = tpu.sem_alloc : memref<!tpu.dma_semaphore, #tpu.memory_space<semaphore_mem>>
        %dma_start3A = arith.constant 0 : i32
        %dma_start3A_338 = arith.constant 0 : i32
        %dma_start3A_339 = arith.constant 0 : i32
        %dma_start3A_340 = tpu.memref_slice %arg59[%dma_start3A, %dma_start3A_338, %dma_start3A_339] : memref<4x192x195xf32, #tpu.memory_space<hbm>> -> memref<4x192x128xf32, #tpu.memory_space<hbm>>
        %dma_start3A_341 = arith.constant 0 : i32
        %dma_start3A_342 = arith.constant 0 : i32
        %dma_start3A_343 = arith.constant 0 : i32
        %dma_start3A_344 = tpu.memref_slice %arg59[%dma_start3A_341, %dma_start3A_342, %dma_start3A_343] : memref<4x192x195xf32, #tpu.memory_space<hbm>> -> memref<4x192x128xf32, #tpu.memory_space<hbm>>
        tpu.enqueue_dma source(%arg71 : memref<4x192x128xf32, #tpu.memory_space<vmem>>) target(%dma_start3A_344 : memref<4x192x128xf32, #tpu.memory_space<hbm>>) target_semaphore(%run_scoped3A : memref<!tpu.dma_semaphore, #tpu.memory_space<semaphore_mem>>)
        %dma_wait3A = arith.constant 0 : i32
        %dma_wait3A_345 = arith.constant 0 : i32
        %dma_wait3A_346 = arith.constant 0 : i32
        %dma_wait3A_347 = tpu.memref_slice %arg59[%dma_wait3A, %dma_wait3A_345, %dma_wait3A_346] : memref<4x192x195xf32, #tpu.memory_space<hbm>> -> memref<4x192x128xf32, #tpu.memory_space<hbm>>
        %dma_wait3A_348 = arith.constant 0 : i32
        %dma_wait3A_349 = arith.constant 0 : i32
        %dma_wait3A_350 = arith.constant 0 : i32
        %dma_wait3A_351 = tpu.memref_slice %arg59[%dma_wait3A_348, %dma_wait3A_349, %dma_wait3A_350] : memref<4x192x195xf32, #tpu.memory_space<hbm>> -> memref<4x192x128xf32, #tpu.memory_space<hbm>>
        tpu.wait_dma2 semaphore(%run_scoped3A : memref<!tpu.dma_semaphore, #tpu.memory_space<semaphore_mem>>) src(%arg71 : memref<4x192x128xf32, #tpu.memory_space<vmem>>) dst(%dma_wait3A_351 : memref<4x192x128xf32, #tpu.memory_space<hbm>>)
        tpu.yield
      }) : () -> ()
    } else {
    }
    %eq3A_283 = arith.constant 25 : i32
    %eq3A_284 = arith.cmpi eq, %add3A, %eq3A_283 : i32
    %convert_element_type3A_285 = arith.extui %eq3A_284 : i1 to i32
    %cond3A_286 = arith.constant 0 : i32
    %cond3A_287 = arith.cmpi ne, %convert_element_type3A_285, %cond3A_286 : i32
    scf.if %cond3A_287 {
      "tpu.region"() ({
        %run_scoped3A = tpu.sem_alloc : memref<!tpu.dma_semaphore, #tpu.memory_space<semaphore_mem>>
        %dma_start3A = arith.constant 0 : i32
        %dma_start3A_338 = arith.constant 0 : i32
        %dma_start3A_339 = arith.constant 0 : i32
        %dma_start3A_340 = tpu.memref_slice %arg60[%dma_start3A, %dma_start3A_338, %dma_start3A_339] : memref<4x192x195xf32, #tpu.memory_space<hbm>> -> memref<4x192x128xf32, #tpu.memory_space<hbm>>
        %dma_start3A_341 = arith.constant 0 : i32
        %dma_start3A_342 = arith.constant 0 : i32
        %dma_start3A_343 = arith.constant 0 : i32
        %dma_start3A_344 = tpu.memref_slice %arg60[%dma_start3A_341, %dma_start3A_342, %dma_start3A_343] : memref<4x192x195xf32, #tpu.memory_space<hbm>> -> memref<4x192x128xf32, #tpu.memory_space<hbm>>
        tpu.enqueue_dma source(%arg71 : memref<4x192x128xf32, #tpu.memory_space<vmem>>) target(%dma_start3A_344 : memref<4x192x128xf32, #tpu.memory_space<hbm>>) target_semaphore(%run_scoped3A : memref<!tpu.dma_semaphore, #tpu.memory_space<semaphore_mem>>)
        %dma_wait3A = arith.constant 0 : i32
        %dma_wait3A_345 = arith.constant 0 : i32
        %dma_wait3A_346 = arith.constant 0 : i32
        %dma_wait3A_347 = tpu.memref_slice %arg60[%dma_wait3A, %dma_wait3A_345, %dma_wait3A_346] : memref<4x192x195xf32, #tpu.memory_space<hbm>> -> memref<4x192x128xf32, #tpu.memory_space<hbm>>
        %dma_wait3A_348 = arith.constant 0 : i32
        %dma_wait3A_349 = arith.constant 0 : i32
        %dma_wait3A_350 = arith.constant 0 : i32
        %dma_wait3A_351 = tpu.memref_slice %arg60[%dma_wait3A_348, %dma_wait3A_349, %dma_wait3A_350] : memref<4x192x195xf32, #tpu.memory_space<hbm>> -> memref<4x192x128xf32, #tpu.memory_space<hbm>>
        tpu.wait_dma2 semaphore(%run_scoped3A : memref<!tpu.dma_semaphore, #tpu.memory_space<semaphore_mem>>) src(%arg71 : memref<4x192x128xf32, #tpu.memory_space<vmem>>) dst(%dma_wait3A_351 : memref<4x192x128xf32, #tpu.memory_space<hbm>>)
        tpu.yield
      }) : () -> ()
    } else {
    }
    %eq3A_288 = arith.constant 26 : i32
    %eq3A_289 = arith.cmpi eq, %add3A, %eq3A_288 : i32
    %convert_element_type3A_290 = arith.extui %eq3A_289 : i1 to i32
    %cond3A_291 = arith.constant 0 : i32
    %cond3A_292 = arith.cmpi ne, %convert_element_type3A_290, %cond3A_291 : i32
    scf.if %cond3A_292 {
      "tpu.region"() ({
        %run_scoped3A = tpu.sem_alloc : memref<!tpu.dma_semaphore, #tpu.memory_space<semaphore_mem>>
        %dma_start3A = arith.constant 0 : i32
        %dma_start3A_338 = arith.constant 0 : i32
        %dma_start3A_339 = arith.constant 0 : i32
        %dma_start3A_340 = tpu.memref_slice %arg61[%dma_start3A, %dma_start3A_338, %dma_start3A_339] : memref<4x192x195xf32, #tpu.memory_space<hbm>> -> memref<4x192x128xf32, #tpu.memory_space<hbm>>
        %dma_start3A_341 = arith.constant 0 : i32
        %dma_start3A_342 = arith.constant 0 : i32
        %dma_start3A_343 = arith.constant 0 : i32
        %dma_start3A_344 = tpu.memref_slice %arg61[%dma_start3A_341, %dma_start3A_342, %dma_start3A_343] : memref<4x192x195xf32, #tpu.memory_space<hbm>> -> memref<4x192x128xf32, #tpu.memory_space<hbm>>
        tpu.enqueue_dma source(%arg71 : memref<4x192x128xf32, #tpu.memory_space<vmem>>) target(%dma_start3A_344 : memref<4x192x128xf32, #tpu.memory_space<hbm>>) target_semaphore(%run_scoped3A : memref<!tpu.dma_semaphore, #tpu.memory_space<semaphore_mem>>)
        %dma_wait3A = arith.constant 0 : i32
        %dma_wait3A_345 = arith.constant 0 : i32
        %dma_wait3A_346 = arith.constant 0 : i32
        %dma_wait3A_347 = tpu.memref_slice %arg61[%dma_wait3A, %dma_wait3A_345, %dma_wait3A_346] : memref<4x192x195xf32, #tpu.memory_space<hbm>> -> memref<4x192x128xf32, #tpu.memory_space<hbm>>
        %dma_wait3A_348 = arith.constant 0 : i32
        %dma_wait3A_349 = arith.constant 0 : i32
        %dma_wait3A_350 = arith.constant 0 : i32
        %dma_wait3A_351 = tpu.memref_slice %arg61[%dma_wait3A_348, %dma_wait3A_349, %dma_wait3A_350] : memref<4x192x195xf32, #tpu.memory_space<hbm>> -> memref<4x192x128xf32, #tpu.memory_space<hbm>>
        tpu.wait_dma2 semaphore(%run_scoped3A : memref<!tpu.dma_semaphore, #tpu.memory_space<semaphore_mem>>) src(%arg71 : memref<4x192x128xf32, #tpu.memory_space<vmem>>) dst(%dma_wait3A_351 : memref<4x192x128xf32, #tpu.memory_space<hbm>>)
        tpu.yield
      }) : () -> ()
    } else {
    }
    %eq3A_293 = arith.constant 27 : i32
    %eq3A_294 = arith.cmpi eq, %add3A, %eq3A_293 : i32
    %convert_element_type3A_295 = arith.extui %eq3A_294 : i1 to i32
    %cond3A_296 = arith.constant 0 : i32
    %cond3A_297 = arith.cmpi ne, %convert_element_type3A_295, %cond3A_296 : i32
    scf.if %cond3A_297 {
      "tpu.region"() ({
        %run_scoped3A = tpu.sem_alloc : memref<!tpu.dma_semaphore, #tpu.memory_space<semaphore_mem>>
        %dma_start3A = arith.constant 0 : i32
        %dma_start3A_338 = arith.constant 0 : i32
        %dma_start3A_339 = arith.constant 0 : i32
        %dma_start3A_340 = tpu.memref_slice %arg62[%dma_start3A, %dma_start3A_338, %dma_start3A_339] : memref<4x192x195xf32, #tpu.memory_space<hbm>> -> memref<4x192x128xf32, #tpu.memory_space<hbm>>
        %dma_start3A_341 = arith.constant 0 : i32
        %dma_start3A_342 = arith.constant 0 : i32
        %dma_start3A_343 = arith.constant 0 : i32
        %dma_start3A_344 = tpu.memref_slice %arg62[%dma_start3A_341, %dma_start3A_342, %dma_start3A_343] : memref<4x192x195xf32, #tpu.memory_space<hbm>> -> memref<4x192x128xf32, #tpu.memory_space<hbm>>
        tpu.enqueue_dma source(%arg71 : memref<4x192x128xf32, #tpu.memory_space<vmem>>) target(%dma_start3A_344 : memref<4x192x128xf32, #tpu.memory_space<hbm>>) target_semaphore(%run_scoped3A : memref<!tpu.dma_semaphore, #tpu.memory_space<semaphore_mem>>)
        %dma_wait3A = arith.constant 0 : i32
        %dma_wait3A_345 = arith.constant 0 : i32
        %dma_wait3A_346 = arith.constant 0 : i32
        %dma_wait3A_347 = tpu.memref_slice %arg62[%dma_wait3A, %dma_wait3A_345, %dma_wait3A_346] : memref<4x192x195xf32, #tpu.memory_space<hbm>> -> memref<4x192x128xf32, #tpu.memory_space<hbm>>
        %dma_wait3A_348 = arith.constant 0 : i32
        %dma_wait3A_349 = arith.constant 0 : i32
        %dma_wait3A_350 = arith.constant 0 : i32
        %dma_wait3A_351 = tpu.memref_slice %arg62[%dma_wait3A_348, %dma_wait3A_349, %dma_wait3A_350] : memref<4x192x195xf32, #tpu.memory_space<hbm>> -> memref<4x192x128xf32, #tpu.memory_space<hbm>>
        tpu.wait_dma2 semaphore(%run_scoped3A : memref<!tpu.dma_semaphore, #tpu.memory_space<semaphore_mem>>) src(%arg71 : memref<4x192x128xf32, #tpu.memory_space<vmem>>) dst(%dma_wait3A_351 : memref<4x192x128xf32, #tpu.memory_space<hbm>>)
        tpu.yield
      }) : () -> ()
    } else {
    }
    %eq3A_298 = arith.constant 28 : i32
    %eq3A_299 = arith.cmpi eq, %add3A, %eq3A_298 : i32
    %convert_element_type3A_300 = arith.extui %eq3A_299 : i1 to i32
    %cond3A_301 = arith.constant 0 : i32
    %cond3A_302 = arith.cmpi ne, %convert_element_type3A_300, %cond3A_301 : i32
    scf.if %cond3A_302 {
      "tpu.region"() ({
        %run_scoped3A = tpu.sem_alloc : memref<!tpu.dma_semaphore, #tpu.memory_space<semaphore_mem>>
        %dma_start3A = arith.constant 0 : i32
        %dma_start3A_338 = arith.constant 0 : i32
        %dma_start3A_339 = arith.constant 0 : i32
        %dma_start3A_340 = tpu.memref_slice %arg63[%dma_start3A, %dma_start3A_338, %dma_start3A_339] : memref<4x192x195xf32, #tpu.memory_space<hbm>> -> memref<4x192x128xf32, #tpu.memory_space<hbm>>
        %dma_start3A_341 = arith.constant 0 : i32
        %dma_start3A_342 = arith.constant 0 : i32
        %dma_start3A_343 = arith.constant 0 : i32
        %dma_start3A_344 = tpu.memref_slice %arg63[%dma_start3A_341, %dma_start3A_342, %dma_start3A_343] : memref<4x192x195xf32, #tpu.memory_space<hbm>> -> memref<4x192x128xf32, #tpu.memory_space<hbm>>
        tpu.enqueue_dma source(%arg71 : memref<4x192x128xf32, #tpu.memory_space<vmem>>) target(%dma_start3A_344 : memref<4x192x128xf32, #tpu.memory_space<hbm>>) target_semaphore(%run_scoped3A : memref<!tpu.dma_semaphore, #tpu.memory_space<semaphore_mem>>)
        %dma_wait3A = arith.constant 0 : i32
        %dma_wait3A_345 = arith.constant 0 : i32
        %dma_wait3A_346 = arith.constant 0 : i32
        %dma_wait3A_347 = tpu.memref_slice %arg63[%dma_wait3A, %dma_wait3A_345, %dma_wait3A_346] : memref<4x192x195xf32, #tpu.memory_space<hbm>> -> memref<4x192x128xf32, #tpu.memory_space<hbm>>
        %dma_wait3A_348 = arith.constant 0 : i32
        %dma_wait3A_349 = arith.constant 0 : i32
        %dma_wait3A_350 = arith.constant 0 : i32
        %dma_wait3A_351 = tpu.memref_slice %arg63[%dma_wait3A_348, %dma_wait3A_349, %dma_wait3A_350] : memref<4x192x195xf32, #tpu.memory_space<hbm>> -> memref<4x192x128xf32, #tpu.memory_space<hbm>>
        tpu.wait_dma2 semaphore(%run_scoped3A : memref<!tpu.dma_semaphore, #tpu.memory_space<semaphore_mem>>) src(%arg71 : memref<4x192x128xf32, #tpu.memory_space<vmem>>) dst(%dma_wait3A_351 : memref<4x192x128xf32, #tpu.memory_space<hbm>>)
        tpu.yield
      }) : () -> ()
    } else {
    }
    %eq3A_303 = arith.constant 29 : i32
    %eq3A_304 = arith.cmpi eq, %add3A, %eq3A_303 : i32
    %convert_element_type3A_305 = arith.extui %eq3A_304 : i1 to i32
    %cond3A_306 = arith.constant 0 : i32
    %cond3A_307 = arith.cmpi ne, %convert_element_type3A_305, %cond3A_306 : i32
    scf.if %cond3A_307 {
      "tpu.region"() ({
        %run_scoped3A = tpu.sem_alloc : memref<!tpu.dma_semaphore, #tpu.memory_space<semaphore_mem>>
        %dma_start3A = arith.constant 0 : i32
        %dma_start3A_338 = arith.constant 0 : i32
        %dma_start3A_339 = arith.constant 0 : i32
        %dma_start3A_340 = tpu.memref_slice %arg64[%dma_start3A, %dma_start3A_338, %dma_start3A_339] : memref<4x192x195xf32, #tpu.memory_space<hbm>> -> memref<4x192x128xf32, #tpu.memory_space<hbm>>
        %dma_start3A_341 = arith.constant 0 : i32
        %dma_start3A_342 = arith.constant 0 : i32
        %dma_start3A_343 = arith.constant 0 : i32
        %dma_start3A_344 = tpu.memref_slice %arg64[%dma_start3A_341, %dma_start3A_342, %dma_start3A_343] : memref<4x192x195xf32, #tpu.memory_space<hbm>> -> memref<4x192x128xf32, #tpu.memory_space<hbm>>
        tpu.enqueue_dma source(%arg71 : memref<4x192x128xf32, #tpu.memory_space<vmem>>) target(%dma_start3A_344 : memref<4x192x128xf32, #tpu.memory_space<hbm>>) target_semaphore(%run_scoped3A : memref<!tpu.dma_semaphore, #tpu.memory_space<semaphore_mem>>)
        %dma_wait3A = arith.constant 0 : i32
        %dma_wait3A_345 = arith.constant 0 : i32
        %dma_wait3A_346 = arith.constant 0 : i32
        %dma_wait3A_347 = tpu.memref_slice %arg64[%dma_wait3A, %dma_wait3A_345, %dma_wait3A_346] : memref<4x192x195xf32, #tpu.memory_space<hbm>> -> memref<4x192x128xf32, #tpu.memory_space<hbm>>
        %dma_wait3A_348 = arith.constant 0 : i32
        %dma_wait3A_349 = arith.constant 0 : i32
        %dma_wait3A_350 = arith.constant 0 : i32
        %dma_wait3A_351 = tpu.memref_slice %arg64[%dma_wait3A_348, %dma_wait3A_349, %dma_wait3A_350] : memref<4x192x195xf32, #tpu.memory_space<hbm>> -> memref<4x192x128xf32, #tpu.memory_space<hbm>>
        tpu.wait_dma2 semaphore(%run_scoped3A : memref<!tpu.dma_semaphore, #tpu.memory_space<semaphore_mem>>) src(%arg71 : memref<4x192x128xf32, #tpu.memory_space<vmem>>) dst(%dma_wait3A_351 : memref<4x192x128xf32, #tpu.memory_space<hbm>>)
        tpu.yield
      }) : () -> ()
    } else {
    }
    %eq3A_308 = arith.constant 30 : i32
    %eq3A_309 = arith.cmpi eq, %add3A, %eq3A_308 : i32
    %convert_element_type3A_310 = arith.extui %eq3A_309 : i1 to i32
    %cond3A_311 = arith.constant 0 : i32
    %cond3A_312 = arith.cmpi ne, %convert_element_type3A_310, %cond3A_311 : i32
    scf.if %cond3A_312 {
      "tpu.region"() ({
        %run_scoped3A = tpu.sem_alloc : memref<!tpu.dma_semaphore, #tpu.memory_space<semaphore_mem>>
        %dma_start3A = arith.constant 0 : i32
        %dma_start3A_338 = arith.constant 0 : i32
        %dma_start3A_339 = arith.constant 0 : i32
        %dma_start3A_340 = tpu.memref_slice %arg65[%dma_start3A, %dma_start3A_338, %dma_start3A_339] : memref<4x192x195xf32, #tpu.memory_space<hbm>> -> memref<4x192x128xf32, #tpu.memory_space<hbm>>
        %dma_start3A_341 = arith.constant 0 : i32
        %dma_start3A_342 = arith.constant 0 : i32
        %dma_start3A_343 = arith.constant 0 : i32
        %dma_start3A_344 = tpu.memref_slice %arg65[%dma_start3A_341, %dma_start3A_342, %dma_start3A_343] : memref<4x192x195xf32, #tpu.memory_space<hbm>> -> memref<4x192x128xf32, #tpu.memory_space<hbm>>
        tpu.enqueue_dma source(%arg71 : memref<4x192x128xf32, #tpu.memory_space<vmem>>) target(%dma_start3A_344 : memref<4x192x128xf32, #tpu.memory_space<hbm>>) target_semaphore(%run_scoped3A : memref<!tpu.dma_semaphore, #tpu.memory_space<semaphore_mem>>)
        %dma_wait3A = arith.constant 0 : i32
        %dma_wait3A_345 = arith.constant 0 : i32
        %dma_wait3A_346 = arith.constant 0 : i32
        %dma_wait3A_347 = tpu.memref_slice %arg65[%dma_wait3A, %dma_wait3A_345, %dma_wait3A_346] : memref<4x192x195xf32, #tpu.memory_space<hbm>> -> memref<4x192x128xf32, #tpu.memory_space<hbm>>
        %dma_wait3A_348 = arith.constant 0 : i32
        %dma_wait3A_349 = arith.constant 0 : i32
        %dma_wait3A_350 = arith.constant 0 : i32
        %dma_wait3A_351 = tpu.memref_slice %arg65[%dma_wait3A_348, %dma_wait3A_349, %dma_wait3A_350] : memref<4x192x195xf32, #tpu.memory_space<hbm>> -> memref<4x192x128xf32, #tpu.memory_space<hbm>>
        tpu.wait_dma2 semaphore(%run_scoped3A : memref<!tpu.dma_semaphore, #tpu.memory_space<semaphore_mem>>) src(%arg71 : memref<4x192x128xf32, #tpu.memory_space<vmem>>) dst(%dma_wait3A_351 : memref<4x192x128xf32, #tpu.memory_space<hbm>>)
        tpu.yield
      }) : () -> ()
    } else {
    }
    %eq3A_313 = arith.constant 31 : i32
    %eq3A_314 = arith.cmpi eq, %add3A, %eq3A_313 : i32
    %convert_element_type3A_315 = arith.extui %eq3A_314 : i1 to i32
    %cond3A_316 = arith.constant 0 : i32
    %cond3A_317 = arith.cmpi ne, %convert_element_type3A_315, %cond3A_316 : i32
    scf.if %cond3A_317 {
      "tpu.region"() ({
        %run_scoped3A = tpu.sem_alloc : memref<!tpu.dma_semaphore, #tpu.memory_space<semaphore_mem>>
        %dma_start3A = arith.constant 0 : i32
        %dma_start3A_338 = arith.constant 0 : i32
        %dma_start3A_339 = arith.constant 0 : i32
        %dma_start3A_340 = tpu.memref_slice %arg66[%dma_start3A, %dma_start3A_338, %dma_start3A_339] : memref<4x192x195xf32, #tpu.memory_space<hbm>> -> memref<4x192x128xf32, #tpu.memory_space<hbm>>
        %dma_start3A_341 = arith.constant 0 : i32
        %dma_start3A_342 = arith.constant 0 : i32
        %dma_start3A_343 = arith.constant 0 : i32
        %dma_start3A_344 = tpu.memref_slice %arg66[%dma_start3A_341, %dma_start3A_342, %dma_start3A_343] : memref<4x192x195xf32, #tpu.memory_space<hbm>> -> memref<4x192x128xf32, #tpu.memory_space<hbm>>
        tpu.enqueue_dma source(%arg71 : memref<4x192x128xf32, #tpu.memory_space<vmem>>) target(%dma_start3A_344 : memref<4x192x128xf32, #tpu.memory_space<hbm>>) target_semaphore(%run_scoped3A : memref<!tpu.dma_semaphore, #tpu.memory_space<semaphore_mem>>)
        %dma_wait3A = arith.constant 0 : i32
        %dma_wait3A_345 = arith.constant 0 : i32
        %dma_wait3A_346 = arith.constant 0 : i32
        %dma_wait3A_347 = tpu.memref_slice %arg66[%dma_wait3A, %dma_wait3A_345, %dma_wait3A_346] : memref<4x192x195xf32, #tpu.memory_space<hbm>> -> memref<4x192x128xf32, #tpu.memory_space<hbm>>
        %dma_wait3A_348 = arith.constant 0 : i32
        %dma_wait3A_349 = arith.constant 0 : i32
        %dma_wait3A_350 = arith.constant 0 : i32
        %dma_wait3A_351 = tpu.memref_slice %arg66[%dma_wait3A_348, %dma_wait3A_349, %dma_wait3A_350] : memref<4x192x195xf32, #tpu.memory_space<hbm>> -> memref<4x192x128xf32, #tpu.memory_space<hbm>>
        tpu.wait_dma2 semaphore(%run_scoped3A : memref<!tpu.dma_semaphore, #tpu.memory_space<semaphore_mem>>) src(%arg71 : memref<4x192x128xf32, #tpu.memory_space<vmem>>) dst(%dma_wait3A_351 : memref<4x192x128xf32, #tpu.memory_space<hbm>>)
        tpu.yield
      }) : () -> ()
    } else {
    }
    %eq3A_318 = arith.constant 0 : i32
    %eq3A_319 = arith.cmpi eq, %add3A, %eq3A_318 : i32
    %convert_element_type3A_320 = arith.extui %eq3A_319 : i1 to i32
    %cond3A_321 = arith.constant 0 : i32
    %cond3A_322 = arith.cmpi ne, %convert_element_type3A_320, %cond3A_321 : i32
    scf.if %cond3A_322 {
      "tpu.region"() ({
        %run_scoped3A = tpu.sem_alloc : memref<!tpu.dma_semaphore, #tpu.memory_space<semaphore_mem>>
        %dma_start3A = arith.constant 0 : i32
        %dma_start3A_338 = arith.constant 0 : i32
        %dma_start3A_339 = arith.constant 0 : i32
        %dma_start3A_340 = tpu.memref_slice %arg67[%dma_start3A, %dma_start3A_338, %dma_start3A_339] : memref<4x192x195xf32, #tpu.memory_space<hbm>> -> memref<4x192x128xf32, #tpu.memory_space<hbm>>
        %dma_start3A_341 = arith.constant 0 : i32
        %dma_start3A_342 = arith.constant 0 : i32
        %dma_start3A_343 = arith.constant 0 : i32
        %dma_start3A_344 = tpu.memref_slice %arg67[%dma_start3A_341, %dma_start3A_342, %dma_start3A_343] : memref<4x192x195xf32, #tpu.memory_space<hbm>> -> memref<4x192x128xf32, #tpu.memory_space<hbm>>
        tpu.enqueue_dma source(%arg71 : memref<4x192x128xf32, #tpu.memory_space<vmem>>) target(%dma_start3A_344 : memref<4x192x128xf32, #tpu.memory_space<hbm>>) target_semaphore(%run_scoped3A : memref<!tpu.dma_semaphore, #tpu.memory_space<semaphore_mem>>)
        %dma_wait3A = arith.constant 0 : i32
        %dma_wait3A_345 = arith.constant 0 : i32
        %dma_wait3A_346 = arith.constant 0 : i32
        %dma_wait3A_347 = tpu.memref_slice %arg67[%dma_wait3A, %dma_wait3A_345, %dma_wait3A_346] : memref<4x192x195xf32, #tpu.memory_space<hbm>> -> memref<4x192x128xf32, #tpu.memory_space<hbm>>
        %dma_wait3A_348 = arith.constant 0 : i32
        %dma_wait3A_349 = arith.constant 0 : i32
        %dma_wait3A_350 = arith.constant 0 : i32
        %dma_wait3A_351 = tpu.memref_slice %arg67[%dma_wait3A_348, %dma_wait3A_349, %dma_wait3A_350] : memref<4x192x195xf32, #tpu.memory_space<hbm>> -> memref<4x192x128xf32, #tpu.memory_space<hbm>>
        tpu.wait_dma2 semaphore(%run_scoped3A : memref<!tpu.dma_semaphore, #tpu.memory_space<semaphore_mem>>) src(%arg71 : memref<4x192x128xf32, #tpu.memory_space<vmem>>) dst(%dma_wait3A_351 : memref<4x192x128xf32, #tpu.memory_space<hbm>>)
        tpu.yield
      }) : () -> ()
    } else {
    }
    %eq3A_323 = arith.constant 1 : i32
    %eq3A_324 = arith.cmpi eq, %add3A, %eq3A_323 : i32
    %convert_element_type3A_325 = arith.extui %eq3A_324 : i1 to i32
    %cond3A_326 = arith.constant 0 : i32
    %cond3A_327 = arith.cmpi ne, %convert_element_type3A_325, %cond3A_326 : i32
    scf.if %cond3A_327 {
      "tpu.region"() ({
        %run_scoped3A = tpu.sem_alloc : memref<!tpu.dma_semaphore, #tpu.memory_space<semaphore_mem>>
        %dma_start3A = arith.constant 0 : i32
        %dma_start3A_338 = arith.constant 0 : i32
        %dma_start3A_339 = arith.constant 0 : i32
        %dma_start3A_340 = tpu.memref_slice %arg68[%dma_start3A, %dma_start3A_338, %dma_start3A_339] : memref<4x192x195xf32, #tpu.memory_space<hbm>> -> memref<4x192x128xf32, #tpu.memory_space<hbm>>
        %dma_start3A_341 = arith.constant 0 : i32
        %dma_start3A_342 = arith.constant 0 : i32
        %dma_start3A_343 = arith.constant 0 : i32
        %dma_start3A_344 = tpu.memref_slice %arg68[%dma_start3A_341, %dma_start3A_342, %dma_start3A_343] : memref<4x192x195xf32, #tpu.memory_space<hbm>> -> memref<4x192x128xf32, #tpu.memory_space<hbm>>
        tpu.enqueue_dma source(%arg71 : memref<4x192x128xf32, #tpu.memory_space<vmem>>) target(%dma_start3A_344 : memref<4x192x128xf32, #tpu.memory_space<hbm>>) target_semaphore(%run_scoped3A : memref<!tpu.dma_semaphore, #tpu.memory_space<semaphore_mem>>)
        %dma_wait3A = arith.constant 0 : i32
        %dma_wait3A_345 = arith.constant 0 : i32
        %dma_wait3A_346 = arith.constant 0 : i32
        %dma_wait3A_347 = tpu.memref_slice %arg68[%dma_wait3A, %dma_wait3A_345, %dma_wait3A_346] : memref<4x192x195xf32, #tpu.memory_space<hbm>> -> memref<4x192x128xf32, #tpu.memory_space<hbm>>
        %dma_wait3A_348 = arith.constant 0 : i32
        %dma_wait3A_349 = arith.constant 0 : i32
        %dma_wait3A_350 = arith.constant 0 : i32
        %dma_wait3A_351 = tpu.memref_slice %arg68[%dma_wait3A_348, %dma_wait3A_349, %dma_wait3A_350] : memref<4x192x195xf32, #tpu.memory_space<hbm>> -> memref<4x192x128xf32, #tpu.memory_space<hbm>>
        tpu.wait_dma2 semaphore(%run_scoped3A : memref<!tpu.dma_semaphore, #tpu.memory_space<semaphore_mem>>) src(%arg71 : memref<4x192x128xf32, #tpu.memory_space<vmem>>) dst(%dma_wait3A_351 : memref<4x192x128xf32, #tpu.memory_space<hbm>>)
        tpu.yield
      }) : () -> ()
    } else {
    }
    %eq3A_328 = arith.constant 2 : i32
    %eq3A_329 = arith.cmpi eq, %add3A, %eq3A_328 : i32
    %convert_element_type3A_330 = arith.extui %eq3A_329 : i1 to i32
    %cond3A_331 = arith.constant 0 : i32
    %cond3A_332 = arith.cmpi ne, %convert_element_type3A_330, %cond3A_331 : i32
    scf.if %cond3A_332 {
      "tpu.region"() ({
        %run_scoped3A = tpu.sem_alloc : memref<!tpu.dma_semaphore, #tpu.memory_space<semaphore_mem>>
        %dma_start3A = arith.constant 0 : i32
        %dma_start3A_338 = arith.constant 0 : i32
        %dma_start3A_339 = arith.constant 0 : i32
        %dma_start3A_340 = tpu.memref_slice %arg69[%dma_start3A, %dma_start3A_338, %dma_start3A_339] : memref<4x192x195xf32, #tpu.memory_space<hbm>> -> memref<4x192x128xf32, #tpu.memory_space<hbm>>
        %dma_start3A_341 = arith.constant 0 : i32
        %dma_start3A_342 = arith.constant 0 : i32
        %dma_start3A_343 = arith.constant 0 : i32
        %dma_start3A_344 = tpu.memref_slice %arg69[%dma_start3A_341, %dma_start3A_342, %dma_start3A_343] : memref<4x192x195xf32, #tpu.memory_space<hbm>> -> memref<4x192x128xf32, #tpu.memory_space<hbm>>
        tpu.enqueue_dma source(%arg71 : memref<4x192x128xf32, #tpu.memory_space<vmem>>) target(%dma_start3A_344 : memref<4x192x128xf32, #tpu.memory_space<hbm>>) target_semaphore(%run_scoped3A : memref<!tpu.dma_semaphore, #tpu.memory_space<semaphore_mem>>)
        %dma_wait3A = arith.constant 0 : i32
        %dma_wait3A_345 = arith.constant 0 : i32
        %dma_wait3A_346 = arith.constant 0 : i32
        %dma_wait3A_347 = tpu.memref_slice %arg69[%dma_wait3A, %dma_wait3A_345, %dma_wait3A_346] : memref<4x192x195xf32, #tpu.memory_space<hbm>> -> memref<4x192x128xf32, #tpu.memory_space<hbm>>
        %dma_wait3A_348 = arith.constant 0 : i32
        %dma_wait3A_349 = arith.constant 0 : i32
        %dma_wait3A_350 = arith.constant 0 : i32
        %dma_wait3A_351 = tpu.memref_slice %arg69[%dma_wait3A_348, %dma_wait3A_349, %dma_wait3A_350] : memref<4x192x195xf32, #tpu.memory_space<hbm>> -> memref<4x192x128xf32, #tpu.memory_space<hbm>>
        tpu.wait_dma2 semaphore(%run_scoped3A : memref<!tpu.dma_semaphore, #tpu.memory_space<semaphore_mem>>) src(%arg71 : memref<4x192x128xf32, #tpu.memory_space<vmem>>) dst(%dma_wait3A_351 : memref<4x192x128xf32, #tpu.memory_space<hbm>>)
        tpu.yield
      }) : () -> ()
    } else {
    }
    %eq3A_333 = arith.constant 3 : i32
    %eq3A_334 = arith.cmpi eq, %add3A, %eq3A_333 : i32
    %convert_element_type3A_335 = arith.extui %eq3A_334 : i1 to i32
    %cond3A_336 = arith.constant 0 : i32
    %cond3A_337 = arith.cmpi ne, %convert_element_type3A_335, %cond3A_336 : i32
    scf.if %cond3A_337 {
      "tpu.region"() ({
        %run_scoped3A = tpu.sem_alloc : memref<!tpu.dma_semaphore, #tpu.memory_space<semaphore_mem>>
        %dma_start3A = arith.constant 0 : i32
        %dma_start3A_338 = arith.constant 0 : i32
        %dma_start3A_339 = arith.constant 0 : i32
        %dma_start3A_340 = tpu.memref_slice %arg70[%dma_start3A, %dma_start3A_338, %dma_start3A_339] : memref<4x192x195xf32, #tpu.memory_space<hbm>> -> memref<4x192x128xf32, #tpu.memory_space<hbm>>
        %dma_start3A_341 = arith.constant 0 : i32
        %dma_start3A_342 = arith.constant 0 : i32
        %dma_start3A_343 = arith.constant 0 : i32
        %dma_start3A_344 = tpu.memref_slice %arg70[%dma_start3A_341, %dma_start3A_342, %dma_start3A_343] : memref<4x192x195xf32, #tpu.memory_space<hbm>> -> memref<4x192x128xf32, #tpu.memory_space<hbm>>
        tpu.enqueue_dma source(%arg71 : memref<4x192x128xf32, #tpu.memory_space<vmem>>) target(%dma_start3A_344 : memref<4x192x128xf32, #tpu.memory_space<hbm>>) target_semaphore(%run_scoped3A : memref<!tpu.dma_semaphore, #tpu.memory_space<semaphore_mem>>)
        %dma_wait3A = arith.constant 0 : i32
        %dma_wait3A_345 = arith.constant 0 : i32
        %dma_wait3A_346 = arith.constant 0 : i32
        %dma_wait3A_347 = tpu.memref_slice %arg70[%dma_wait3A, %dma_wait3A_345, %dma_wait3A_346] : memref<4x192x195xf32, #tpu.memory_space<hbm>> -> memref<4x192x128xf32, #tpu.memory_space<hbm>>
        %dma_wait3A_348 = arith.constant 0 : i32
        %dma_wait3A_349 = arith.constant 0 : i32
        %dma_wait3A_350 = arith.constant 0 : i32
        %dma_wait3A_351 = tpu.memref_slice %arg70[%dma_wait3A_348, %dma_wait3A_349, %dma_wait3A_350] : memref<4x192x195xf32, #tpu.memory_space<hbm>> -> memref<4x192x128xf32, #tpu.memory_space<hbm>>
        tpu.wait_dma2 semaphore(%run_scoped3A : memref<!tpu.dma_semaphore, #tpu.memory_space<semaphore_mem>>) src(%arg71 : memref<4x192x128xf32, #tpu.memory_space<vmem>>) dst(%dma_wait3A_351 : memref<4x192x128xf32, #tpu.memory_space<hbm>>)
        tpu.yield
      }) : () -> ()
    } else {
    }
    return
  }
}

module attributes {stable_mosaic.version = 14 : i64} {
  func.func @_tc_main_body(%arg0: memref<4x192x196xf32, #tpu.memory_space<vmem>>, %arg1: memref<4x192x195xf32, #tpu.memory_space<any>>, %arg2: memref<4x192x195xf32, #tpu.memory_space<any>>, %arg3: memref<4x192x195xf32, #tpu.memory_space<any>>, %arg4: memref<4x192x195xf32, #tpu.memory_space<any>>, %arg5: memref<4x192x195xf32, #tpu.memory_space<any>>, %arg6: memref<4x192x195xf32, #tpu.memory_space<any>>, %arg7: memref<4x192x195xf32, #tpu.memory_space<any>>, %arg8: memref<4x192x195xf32, #tpu.memory_space<any>>, %arg9: memref<4x192x195xf32, #tpu.memory_space<any>>, %arg10: memref<4x192x195xf32, #tpu.memory_space<any>>, %arg11: memref<4x192x195xf32, #tpu.memory_space<any>>, %arg12: memref<4x192x195xf32, #tpu.memory_space<any>>, %arg13: memref<4x192x195xf32, #tpu.memory_space<any>>, %arg14: memref<4x192x195xf32, #tpu.memory_space<any>>, %arg15: memref<4x192x195xf32, #tpu.memory_space<any>>, %arg16: memref<4x192x195xf32, #tpu.memory_space<any>>, %arg17: memref<4x192x195xf32, #tpu.memory_space<any>>, %arg18: memref<4x192x195xf32, #tpu.memory_space<any>>, %arg19: memref<4x192x195xf32, #tpu.memory_space<any>>, %arg20: memref<4x192x195xf32, #tpu.memory_space<any>>, %arg21: memref<4x192x195xf32, #tpu.memory_space<any>>, %arg22: memref<4x192x195xf32, #tpu.memory_space<any>>, %arg23: memref<4x192x195xf32, #tpu.memory_space<any>>, %arg24: memref<4x192x195xf32, #tpu.memory_space<any>>, %arg25: memref<4x192x195xf32, #tpu.memory_space<any>>, %arg26: memref<4x192x195xf32, #tpu.memory_space<any>>, %arg27: memref<4x192x195xf32, #tpu.memory_space<any>>, %arg28: memref<4x192x195xf32, #tpu.memory_space<any>>, %arg29: memref<4x192x195xf32, #tpu.memory_space<any>>, %arg30: memref<4x192x195xf32, #tpu.memory_space<any>>, %arg31: memref<4x192x195xf32, #tpu.memory_space<any>>, %arg32: memref<4x192x195xf32, #tpu.memory_space<any>>, %arg33: memref<4x192x195xf32, #tpu.memory_space<any>>, %arg34: memref<4x192x195xf32, #tpu.memory_space<any>>, %arg35: memref<4x192x195xf32, #tpu.memory_space<any>>, %arg36: memref<4x192x195xf32, #tpu.memory_space<any>>, %arg37: memref<4x192x195xf32, #tpu.memory_space<any>>, %arg38: memref<4x192x195xf32, #tpu.memory_space<any>>, %arg39: memref<4x192x195xf32, #tpu.memory_space<any>>, %arg40: memref<4x192x195xf32, #tpu.memory_space<any>>, %arg41: memref<4x192x195xf32, #tpu.memory_space<any>>, %arg42: memref<4x192x195xf32, #tpu.memory_space<any>>, %arg43: memref<4x192x195xf32, #tpu.memory_space<any>>, %arg44: memref<4x192x195xf32, #tpu.memory_space<any>>, %arg45: memref<4x192x195xf32, #tpu.memory_space<any>>, %arg46: memref<4x192x195xf32, #tpu.memory_space<any>>, %arg47: memref<4x192x195xf32, #tpu.memory_space<any>>, %arg48: memref<4x192x195xf32, #tpu.memory_space<any>>, %arg49: memref<4x192x195xf32, #tpu.memory_space<any>>, %arg50: memref<4x192x195xf32, #tpu.memory_space<any>>, %arg51: memref<4x192x195xf32, #tpu.memory_space<any>>, %arg52: memref<4x192x195xf32, #tpu.memory_space<any>>, %arg53: memref<4x192x195xf32, #tpu.memory_space<any>>, %arg54: memref<4x192x195xf32, #tpu.memory_space<any>>, %arg55: memref<4x192x195xf32, #tpu.memory_space<any>>, %arg56: memref<4x192x195xf32, #tpu.memory_space<any>>, %arg57: memref<4x192x195xf32, #tpu.memory_space<any>>, %arg58: memref<4x192x195xf32, #tpu.memory_space<any>>, %arg59: memref<4x192x195xf32, #tpu.memory_space<any>>, %arg60: memref<4x192x195xf32, #tpu.memory_space<any>>, %arg61: memref<4x192x195xf32, #tpu.memory_space<any>>, %arg62: memref<4x192x195xf32, #tpu.memory_space<any>>, %arg63: memref<4x192x195xf32, #tpu.memory_space<any>>, %arg64: memref<4x192x195xf32, #tpu.memory_space<any>>, %arg65: memref<4x192x195xf32, #tpu.memory_space<any>>, %arg66: memref<4x192x195xf32, #tpu.memory_space<any>>, %arg67: memref<4x192x195xf32, #tpu.memory_space<any>>, %arg68: memref<4x192x195xf32, #tpu.memory_space<any>>, %arg69: memref<4x192x195xf32, #tpu.memory_space<any>>, %arg70: memref<4x192x195xf32, #tpu.memory_space<any>>, %arg71: memref<4x192x195xf32, #tpu.memory_space<any>>, %arg72: memref<4x192x195xf32, #tpu.memory_space<any>>, %arg73: memref<4x192x195xf32, #tpu.memory_space<any>>, %arg74: memref<4x192x195xf32, #tpu.memory_space<any>>, %arg75: memref<4x192x195xf32, #tpu.memory_space<any>>, %arg76: memref<4x192x195xf32, #tpu.memory_space<any>>, %arg77: memref<4x192x195xf32, #tpu.memory_space<any>>, %arg78: memref<4x192x195xf32, #tpu.memory_space<any>>, %arg79: memref<4x192x195xf32, #tpu.memory_space<any>>, %arg80: memref<4x192x195xf32, #tpu.memory_space<any>>, %arg81: memref<4x192x195xf32, #tpu.memory_space<any>>, %arg82: memref<4x192x195xf32, #tpu.memory_space<any>>, %arg83: memref<4x192x195xf32, #tpu.memory_space<any>>, %arg84: memref<4x192x195xf32, #tpu.memory_space<any>>, %arg85: memref<4x192x195xf32, #tpu.memory_space<any>>, %arg86: memref<4x192x195xf32, #tpu.memory_space<any>>, %arg87: memref<4x192x195xf32, #tpu.memory_space<any>>, %arg88: memref<4x192x195xf32, #tpu.memory_space<any>>, %arg89: memref<4x192x195xf32, #tpu.memory_space<any>>, %arg90: memref<4x192x195xf32, #tpu.memory_space<any>>, %arg91: memref<4x192x195xf32, #tpu.memory_space<any>>, %arg92: memref<4x192x195xf32, #tpu.memory_space<any>>, %arg93: memref<4x192x195xf32, #tpu.memory_space<any>>, %arg94: memref<4x192x195xf32, #tpu.memory_space<any>>, %arg95: memref<4x192x195xf32, #tpu.memory_space<any>>, %arg96: memref<4x192x195xf32, #tpu.memory_space<any>>, %arg97: memref<4x192x195xf32, #tpu.memory_space<any>>, %arg98: memref<4x192x195xf32, #tpu.memory_space<any>>, %arg99: memref<4x192x195xf32, #tpu.memory_space<any>>, %arg100: memref<4x192x195xf32, #tpu.memory_space<any>>, %arg101: memref<4x192x195xf32, #tpu.memory_space<any>>, %arg102: memref<4x192x195xf32, #tpu.memory_space<any>>, %arg103: memref<4x192x195xf32, #tpu.memory_space<any>>, %arg104: memref<4x192x195xf32, #tpu.memory_space<any>>, %arg105: memref<4x192x195xf32, #tpu.memory_space<any>>, %arg106: memref<4x192x195xf32, #tpu.memory_space<any>>, %arg107: memref<4x192x195xf32, #tpu.memory_space<any>>, %arg108: memref<4x192x195xf32, #tpu.memory_space<any>>, %arg109: memref<4x192x195xf32, #tpu.memory_space<any>>, %arg110: memref<4x192x195xf32, #tpu.memory_space<any>>, %arg111: memref<4x192x195xf32, #tpu.memory_space<any>>, %arg112: memref<4x192x195xf32, #tpu.memory_space<any>>, %arg113: memref<4x192x195xf32, #tpu.memory_space<any>>, %arg114: memref<4x192x195xf32, #tpu.memory_space<any>>, %arg115: memref<4x192x195xf32, #tpu.memory_space<any>>, %arg116: memref<4x192x195xf32, #tpu.memory_space<any>>, %arg117: memref<4x192x195xf32, #tpu.memory_space<any>>, %arg118: memref<4x192x195xf32, #tpu.memory_space<any>>, %arg119: memref<4x192x195xf32, #tpu.memory_space<any>>, %arg120: memref<4x192x195xf32, #tpu.memory_space<any>>, %arg121: memref<4x192x195xf32, #tpu.memory_space<any>>, %arg122: memref<4x192x195xf32, #tpu.memory_space<any>>, %arg123: memref<4x192x195xf32, #tpu.memory_space<any>>, %arg124: memref<4x192x195xf32, #tpu.memory_space<any>>, %arg125: memref<4x192x195xf32, #tpu.memory_space<any>>, %arg126: memref<4x192x195xf32, #tpu.memory_space<any>>, %arg127: memref<4x192x195xf32, #tpu.memory_space<any>>, %arg128: memref<4x192x195xf32, #tpu.memory_space<any>>, %arg129: memref<4x192x195xf32, #tpu.memory_space<vmem>>, %arg130: memref<4x192x195xf32, #tpu.memory_space<vmem>>, %arg131: memref<4x192x195xf32, #tpu.memory_space<vmem>>, %arg132: memref<4x192x195xf32, #tpu.memory_space<vmem>>, %arg133: memref<4x192x195xf32, #tpu.memory_space<vmem>>, %arg134: memref<4x192x195xf32, #tpu.memory_space<vmem>>, %arg135: memref<!tpu.dma_semaphore, #tpu.memory_space<semaphore_mem>>, %arg136: memref<!tpu.dma_semaphore, #tpu.memory_space<semaphore_mem>>, %arg137: memref<!tpu.dma_semaphore, #tpu.memory_space<semaphore_mem>>, %arg138: memref<!tpu.dma_semaphore, #tpu.memory_space<semaphore_mem>>, %arg139: memref<!tpu.dma_semaphore, #tpu.memory_space<semaphore_mem>>, %arg140: memref<!tpu.dma_semaphore, #tpu.memory_space<semaphore_mem>>) attributes {dimension_semantics = [], scalar_prefetch = 0 : i64, scratch_operands = 12 : i64, tpu.core_type = #tpu.core_type<tc>} {
    %get3A = arith.constant 0 : index
    %get3A_0 = arith.constant 0 : index
    %get3A_1 = arith.constant 0 : index
    %get3A_2 = vector.load %arg0[%get3A, %get3A_0, %get3A_1] : memref<4x192x196xf32, #tpu.memory_space<vmem>>, vector<4x192x195xf32>
    %get3A_3 = arith.constant 0 : index
    %get3A_4 = arith.constant 0 : index
    %get3A_5 = arith.constant 1 : index
    %get3A_6 = vector.load %arg0[%get3A_3, %get3A_4, %get3A_5] : memref<4x192x196xf32, #tpu.memory_space<vmem>>, vector<4x192x195xf32>
    %iota3A = tpu.iota {dimensions = array<i32: 2>} : vector<4x192x195xi32>
    %lt3A = arith.constant 0 : i32
    %lt3A_7 = vector.broadcast %lt3A : i32 to vector<4x192x195xi32>
    %lt3A_8 = arith.cmpi slt, %iota3A, %lt3A_7 : vector<4x192x195xi32>
    %select_n3A = arith.select %lt3A_8, %get3A_2, %get3A_6 : vector<4x192x195xi1>, vector<4x192x195xf32>
    %swap3A = arith.constant 0 : index
    %swap3A_9 = arith.constant 0 : index
    %swap3A_10 = arith.constant 0 : index
    %swap3A_11 = vector.load %arg129[%swap3A, %swap3A_9, %swap3A_10] : memref<4x192x195xf32, #tpu.memory_space<vmem>>, vector<4x192x195xf32>
    tpu.vector_store %arg129[%swap3A, %swap3A_9, %swap3A_10], %select_n3A {strides = array<i32>} : memref<4x192x195xf32, #tpu.memory_space<vmem>>, vector<4x192x195xf32>,
    tpu.enqueue_dma source(%arg129 : memref<4x192x195xf32, #tpu.memory_space<vmem>>) target(%arg1 : memref<4x192x195xf32, #tpu.memory_space<any>>) target_semaphore(%arg135 : memref<!tpu.dma_semaphore, #tpu.memory_space<semaphore_mem>>)
    %lt3A_12 = arith.constant 1 : i32
    %lt3A_13 = vector.broadcast %lt3A_12 : i32 to vector<4x192x195xi32>
    %lt3A_14 = arith.cmpi slt, %iota3A, %lt3A_13 : vector<4x192x195xi32>
    %select_n3A_15 = arith.select %lt3A_14, %get3A_2, %get3A_6 : vector<4x192x195xi1>, vector<4x192x195xf32>
    %swap3A_16 = arith.constant 0 : index
    %swap3A_17 = arith.constant 0 : index
    %swap3A_18 = arith.constant 0 : index
    %swap3A_19 = vector.load %arg130[%swap3A_16, %swap3A_17, %swap3A_18] : memref<4x192x195xf32, #tpu.memory_space<vmem>>, vector<4x192x195xf32>
    tpu.vector_store %arg130[%swap3A_16, %swap3A_17, %swap3A_18], %select_n3A_15 {strides = array<i32>} : memref<4x192x195xf32, #tpu.memory_space<vmem>>, vector<4x192x195xf32>,
    tpu.enqueue_dma source(%arg130 : memref<4x192x195xf32, #tpu.memory_space<vmem>>) target(%arg2 : memref<4x192x195xf32, #tpu.memory_space<any>>) target_semaphore(%arg136 : memref<!tpu.dma_semaphore, #tpu.memory_space<semaphore_mem>>)
    %lt3A_20 = arith.constant 2 : i32
    %lt3A_21 = vector.broadcast %lt3A_20 : i32 to vector<4x192x195xi32>
    %lt3A_22 = arith.cmpi slt, %iota3A, %lt3A_21 : vector<4x192x195xi32>
    %select_n3A_23 = arith.select %lt3A_22, %get3A_2, %get3A_6 : vector<4x192x195xi1>, vector<4x192x195xf32>
    %swap3A_24 = arith.constant 0 : index
    %swap3A_25 = arith.constant 0 : index
    %swap3A_26 = arith.constant 0 : index
    %swap3A_27 = vector.load %arg131[%swap3A_24, %swap3A_25, %swap3A_26] : memref<4x192x195xf32, #tpu.memory_space<vmem>>, vector<4x192x195xf32>
    tpu.vector_store %arg131[%swap3A_24, %swap3A_25, %swap3A_26], %select_n3A_23 {strides = array<i32>} : memref<4x192x195xf32, #tpu.memory_space<vmem>>, vector<4x192x195xf32>,
    tpu.enqueue_dma source(%arg131 : memref<4x192x195xf32, #tpu.memory_space<vmem>>) target(%arg3 : memref<4x192x195xf32, #tpu.memory_space<any>>) target_semaphore(%arg137 : memref<!tpu.dma_semaphore, #tpu.memory_space<semaphore_mem>>)
    %lt3A_28 = arith.constant 3 : i32
    %lt3A_29 = vector.broadcast %lt3A_28 : i32 to vector<4x192x195xi32>
    %lt3A_30 = arith.cmpi slt, %iota3A, %lt3A_29 : vector<4x192x195xi32>
    %select_n3A_31 = arith.select %lt3A_30, %get3A_2, %get3A_6 : vector<4x192x195xi1>, vector<4x192x195xf32>
    %swap3A_32 = arith.constant 0 : index
    %swap3A_33 = arith.constant 0 : index
    %swap3A_34 = arith.constant 0 : index
    %swap3A_35 = vector.load %arg132[%swap3A_32, %swap3A_33, %swap3A_34] : memref<4x192x195xf32, #tpu.memory_space<vmem>>, vector<4x192x195xf32>
    tpu.vector_store %arg132[%swap3A_32, %swap3A_33, %swap3A_34], %select_n3A_31 {strides = array<i32>} : memref<4x192x195xf32, #tpu.memory_space<vmem>>, vector<4x192x195xf32>,
    tpu.enqueue_dma source(%arg132 : memref<4x192x195xf32, #tpu.memory_space<vmem>>) target(%arg4 : memref<4x192x195xf32, #tpu.memory_space<any>>) target_semaphore(%arg138 : memref<!tpu.dma_semaphore, #tpu.memory_space<semaphore_mem>>)
    %lt3A_36 = arith.constant 4 : i32
    %lt3A_37 = vector.broadcast %lt3A_36 : i32 to vector<4x192x195xi32>
    %lt3A_38 = arith.cmpi slt, %iota3A, %lt3A_37 : vector<4x192x195xi32>
    %select_n3A_39 = arith.select %lt3A_38, %get3A_2, %get3A_6 : vector<4x192x195xi1>, vector<4x192x195xf32>
    %swap3A_40 = arith.constant 0 : index
    %swap3A_41 = arith.constant 0 : index
    %swap3A_42 = arith.constant 0 : index
    %swap3A_43 = vector.load %arg133[%swap3A_40, %swap3A_41, %swap3A_42] : memref<4x192x195xf32, #tpu.memory_space<vmem>>, vector<4x192x195xf32>
    tpu.vector_store %arg133[%swap3A_40, %swap3A_41, %swap3A_42], %select_n3A_39 {strides = array<i32>} : memref<4x192x195xf32, #tpu.memory_space<vmem>>, vector<4x192x195xf32>,
    tpu.enqueue_dma source(%arg133 : memref<4x192x195xf32, #tpu.memory_space<vmem>>) target(%arg5 : memref<4x192x195xf32, #tpu.memory_space<any>>) target_semaphore(%arg139 : memref<!tpu.dma_semaphore, #tpu.memory_space<semaphore_mem>>)
    %lt3A_44 = arith.constant 5 : i32
    %lt3A_45 = vector.broadcast %lt3A_44 : i32 to vector<4x192x195xi32>
    %lt3A_46 = arith.cmpi slt, %iota3A, %lt3A_45 : vector<4x192x195xi32>
    %select_n3A_47 = arith.select %lt3A_46, %get3A_2, %get3A_6 : vector<4x192x195xi1>, vector<4x192x195xf32>
    %swap3A_48 = arith.constant 0 : index
    %swap3A_49 = arith.constant 0 : index
    %swap3A_50 = arith.constant 0 : index
    %swap3A_51 = vector.load %arg134[%swap3A_48, %swap3A_49, %swap3A_50] : memref<4x192x195xf32, #tpu.memory_space<vmem>>, vector<4x192x195xf32>
    tpu.vector_store %arg134[%swap3A_48, %swap3A_49, %swap3A_50], %select_n3A_47 {strides = array<i32>} : memref<4x192x195xf32, #tpu.memory_space<vmem>>, vector<4x192x195xf32>,
    tpu.enqueue_dma source(%arg134 : memref<4x192x195xf32, #tpu.memory_space<vmem>>) target(%arg6 : memref<4x192x195xf32, #tpu.memory_space<any>>) target_semaphore(%arg140 : memref<!tpu.dma_semaphore, #tpu.memory_space<semaphore_mem>>)
    tpu.wait_dma2 semaphore(%arg135 : memref<!tpu.dma_semaphore, #tpu.memory_space<semaphore_mem>>) src(%arg129 : memref<4x192x195xf32, #tpu.memory_space<vmem>>) dst(%arg1 : memref<4x192x195xf32, #tpu.memory_space<any>>)
    %lt3A_52 = arith.constant 6 : i32
    %lt3A_53 = vector.broadcast %lt3A_52 : i32 to vector<4x192x195xi32>
    %lt3A_54 = arith.cmpi slt, %iota3A, %lt3A_53 : vector<4x192x195xi32>
    %select_n3A_55 = arith.select %lt3A_54, %get3A_2, %get3A_6 : vector<4x192x195xi1>, vector<4x192x195xf32>
    %swap3A_56 = arith.constant 0 : index
    %swap3A_57 = arith.constant 0 : index
    %swap3A_58 = arith.constant 0 : index
    %swap3A_59 = vector.load %arg129[%swap3A_56, %swap3A_57, %swap3A_58] : memref<4x192x195xf32, #tpu.memory_space<vmem>>, vector<4x192x195xf32>
    tpu.vector_store %arg129[%swap3A_56, %swap3A_57, %swap3A_58], %select_n3A_55 {strides = array<i32>} : memref<4x192x195xf32, #tpu.memory_space<vmem>>, vector<4x192x195xf32>,
    tpu.enqueue_dma source(%arg129 : memref<4x192x195xf32, #tpu.memory_space<vmem>>) target(%arg7 : memref<4x192x195xf32, #tpu.memory_space<any>>) target_semaphore(%arg135 : memref<!tpu.dma_semaphore, #tpu.memory_space<semaphore_mem>>)
    tpu.wait_dma2 semaphore(%arg136 : memref<!tpu.dma_semaphore, #tpu.memory_space<semaphore_mem>>) src(%arg130 : memref<4x192x195xf32, #tpu.memory_space<vmem>>) dst(%arg2 : memref<4x192x195xf32, #tpu.memory_space<any>>)
    %lt3A_60 = arith.constant 7 : i32
    %lt3A_61 = vector.broadcast %lt3A_60 : i32 to vector<4x192x195xi32>
    %lt3A_62 = arith.cmpi slt, %iota3A, %lt3A_61 : vector<4x192x195xi32>
    %select_n3A_63 = arith.select %lt3A_62, %get3A_2, %get3A_6 : vector<4x192x195xi1>, vector<4x192x195xf32>
    %swap3A_64 = arith.constant 0 : index
    %swap3A_65 = arith.constant 0 : index
    %swap3A_66 = arith.constant 0 : index
    %swap3A_67 = vector.load %arg130[%swap3A_64, %swap3A_65, %swap3A_66] : memref<4x192x195xf32, #tpu.memory_space<vmem>>, vector<4x192x195xf32>
    tpu.vector_store %arg130[%swap3A_64, %swap3A_65, %swap3A_66], %select_n3A_63 {strides = array<i32>} : memref<4x192x195xf32, #tpu.memory_space<vmem>>, vector<4x192x195xf32>,
    tpu.enqueue_dma source(%arg130 : memref<4x192x195xf32, #tpu.memory_space<vmem>>) target(%arg8 : memref<4x192x195xf32, #tpu.memory_space<any>>) target_semaphore(%arg136 : memref<!tpu.dma_semaphore, #tpu.memory_space<semaphore_mem>>)
    tpu.wait_dma2 semaphore(%arg137 : memref<!tpu.dma_semaphore, #tpu.memory_space<semaphore_mem>>) src(%arg131 : memref<4x192x195xf32, #tpu.memory_space<vmem>>) dst(%arg3 : memref<4x192x195xf32, #tpu.memory_space<any>>)
    %lt3A_68 = arith.constant 8 : i32
    %lt3A_69 = vector.broadcast %lt3A_68 : i32 to vector<4x192x195xi32>
    %lt3A_70 = arith.cmpi slt, %iota3A, %lt3A_69 : vector<4x192x195xi32>
    %select_n3A_71 = arith.select %lt3A_70, %get3A_2, %get3A_6 : vector<4x192x195xi1>, vector<4x192x195xf32>
    %swap3A_72 = arith.constant 0 : index
    %swap3A_73 = arith.constant 0 : index
    %swap3A_74 = arith.constant 0 : index
    %swap3A_75 = vector.load %arg131[%swap3A_72, %swap3A_73, %swap3A_74] : memref<4x192x195xf32, #tpu.memory_space<vmem>>, vector<4x192x195xf32>
    tpu.vector_store %arg131[%swap3A_72, %swap3A_73, %swap3A_74], %select_n3A_71 {strides = array<i32>} : memref<4x192x195xf32, #tpu.memory_space<vmem>>, vector<4x192x195xf32>,
    tpu.enqueue_dma source(%arg131 : memref<4x192x195xf32, #tpu.memory_space<vmem>>) target(%arg9 : memref<4x192x195xf32, #tpu.memory_space<any>>) target_semaphore(%arg137 : memref<!tpu.dma_semaphore, #tpu.memory_space<semaphore_mem>>)
    tpu.wait_dma2 semaphore(%arg138 : memref<!tpu.dma_semaphore, #tpu.memory_space<semaphore_mem>>) src(%arg132 : memref<4x192x195xf32, #tpu.memory_space<vmem>>) dst(%arg4 : memref<4x192x195xf32, #tpu.memory_space<any>>)
    %lt3A_76 = arith.constant 9 : i32
    %lt3A_77 = vector.broadcast %lt3A_76 : i32 to vector<4x192x195xi32>
    %lt3A_78 = arith.cmpi slt, %iota3A, %lt3A_77 : vector<4x192x195xi32>
    %select_n3A_79 = arith.select %lt3A_78, %get3A_2, %get3A_6 : vector<4x192x195xi1>, vector<4x192x195xf32>
    %swap3A_80 = arith.constant 0 : index
    %swap3A_81 = arith.constant 0 : index
    %swap3A_82 = arith.constant 0 : index
    %swap3A_83 = vector.load %arg132[%swap3A_80, %swap3A_81, %swap3A_82] : memref<4x192x195xf32, #tpu.memory_space<vmem>>, vector<4x192x195xf32>
    tpu.vector_store %arg132[%swap3A_80, %swap3A_81, %swap3A_82], %select_n3A_79 {strides = array<i32>} : memref<4x192x195xf32, #tpu.memory_space<vmem>>, vector<4x192x195xf32>,
    tpu.enqueue_dma source(%arg132 : memref<4x192x195xf32, #tpu.memory_space<vmem>>) target(%arg10 : memref<4x192x195xf32, #tpu.memory_space<any>>) target_semaphore(%arg138 : memref<!tpu.dma_semaphore, #tpu.memory_space<semaphore_mem>>)
    tpu.wait_dma2 semaphore(%arg139 : memref<!tpu.dma_semaphore, #tpu.memory_space<semaphore_mem>>) src(%arg133 : memref<4x192x195xf32, #tpu.memory_space<vmem>>) dst(%arg5 : memref<4x192x195xf32, #tpu.memory_space<any>>)
    %lt3A_84 = arith.constant 10 : i32
    %lt3A_85 = vector.broadcast %lt3A_84 : i32 to vector<4x192x195xi32>
    %lt3A_86 = arith.cmpi slt, %iota3A, %lt3A_85 : vector<4x192x195xi32>
    %select_n3A_87 = arith.select %lt3A_86, %get3A_2, %get3A_6 : vector<4x192x195xi1>, vector<4x192x195xf32>
    %swap3A_88 = arith.constant 0 : index
    %swap3A_89 = arith.constant 0 : index
    %swap3A_90 = arith.constant 0 : index
    %swap3A_91 = vector.load %arg133[%swap3A_88, %swap3A_89, %swap3A_90] : memref<4x192x195xf32, #tpu.memory_space<vmem>>, vector<4x192x195xf32>
    tpu.vector_store %arg133[%swap3A_88, %swap3A_89, %swap3A_90], %select_n3A_87 {strides = array<i32>} : memref<4x192x195xf32, #tpu.memory_space<vmem>>, vector<4x192x195xf32>,
    tpu.enqueue_dma source(%arg133 : memref<4x192x195xf32, #tpu.memory_space<vmem>>) target(%arg11 : memref<4x192x195xf32, #tpu.memory_space<any>>) target_semaphore(%arg139 : memref<!tpu.dma_semaphore, #tpu.memory_space<semaphore_mem>>)
    tpu.wait_dma2 semaphore(%arg140 : memref<!tpu.dma_semaphore, #tpu.memory_space<semaphore_mem>>) src(%arg134 : memref<4x192x195xf32, #tpu.memory_space<vmem>>) dst(%arg6 : memref<4x192x195xf32, #tpu.memory_space<any>>)
    %lt3A_92 = arith.constant 11 : i32
    %lt3A_93 = vector.broadcast %lt3A_92 : i32 to vector<4x192x195xi32>
    %lt3A_94 = arith.cmpi slt, %iota3A, %lt3A_93 : vector<4x192x195xi32>
    %select_n3A_95 = arith.select %lt3A_94, %get3A_2, %get3A_6 : vector<4x192x195xi1>, vector<4x192x195xf32>
    %swap3A_96 = arith.constant 0 : index
    %swap3A_97 = arith.constant 0 : index
    %swap3A_98 = arith.constant 0 : index
    %swap3A_99 = vector.load %arg134[%swap3A_96, %swap3A_97, %swap3A_98] : memref<4x192x195xf32, #tpu.memory_space<vmem>>, vector<4x192x195xf32>
    tpu.vector_store %arg134[%swap3A_96, %swap3A_97, %swap3A_98], %select_n3A_95 {strides = array<i32>} : memref<4x192x195xf32, #tpu.memory_space<vmem>>, vector<4x192x195xf32>,
    tpu.enqueue_dma source(%arg134 : memref<4x192x195xf32, #tpu.memory_space<vmem>>) target(%arg12 : memref<4x192x195xf32, #tpu.memory_space<any>>) target_semaphore(%arg140 : memref<!tpu.dma_semaphore, #tpu.memory_space<semaphore_mem>>)
    tpu.wait_dma2 semaphore(%arg135 : memref<!tpu.dma_semaphore, #tpu.memory_space<semaphore_mem>>) src(%arg129 : memref<4x192x195xf32, #tpu.memory_space<vmem>>) dst(%arg7 : memref<4x192x195xf32, #tpu.memory_space<any>>)
    %lt3A_100 = arith.constant 12 : i32
    %lt3A_101 = vector.broadcast %lt3A_100 : i32 to vector<4x192x195xi32>
    %lt3A_102 = arith.cmpi slt, %iota3A, %lt3A_101 : vector<4x192x195xi32>
    %select_n3A_103 = arith.select %lt3A_102, %get3A_2, %get3A_6 : vector<4x192x195xi1>, vector<4x192x195xf32>
    %swap3A_104 = arith.constant 0 : index
    %swap3A_105 = arith.constant 0 : index
    %swap3A_106 = arith.constant 0 : index
    %swap3A_107 = vector.load %arg129[%swap3A_104, %swap3A_105, %swap3A_106] : memref<4x192x195xf32, #tpu.memory_space<vmem>>, vector<4x192x195xf32>
    tpu.vector_store %arg129[%swap3A_104, %swap3A_105, %swap3A_106], %select_n3A_103 {strides = array<i32>} : memref<4x192x195xf32, #tpu.memory_space<vmem>>, vector<4x192x195xf32>,
    tpu.enqueue_dma source(%arg129 : memref<4x192x195xf32, #tpu.memory_space<vmem>>) target(%arg13 : memref<4x192x195xf32, #tpu.memory_space<any>>) target_semaphore(%arg135 : memref<!tpu.dma_semaphore, #tpu.memory_space<semaphore_mem>>)
    tpu.wait_dma2 semaphore(%arg136 : memref<!tpu.dma_semaphore, #tpu.memory_space<semaphore_mem>>) src(%arg130 : memref<4x192x195xf32, #tpu.memory_space<vmem>>) dst(%arg8 : memref<4x192x195xf32, #tpu.memory_space<any>>)
    %lt3A_108 = arith.constant 13 : i32
    %lt3A_109 = vector.broadcast %lt3A_108 : i32 to vector<4x192x195xi32>
    %lt3A_110 = arith.cmpi slt, %iota3A, %lt3A_109 : vector<4x192x195xi32>
    %select_n3A_111 = arith.select %lt3A_110, %get3A_2, %get3A_6 : vector<4x192x195xi1>, vector<4x192x195xf32>
    %swap3A_112 = arith.constant 0 : index
    %swap3A_113 = arith.constant 0 : index
    %swap3A_114 = arith.constant 0 : index
    %swap3A_115 = vector.load %arg130[%swap3A_112, %swap3A_113, %swap3A_114] : memref<4x192x195xf32, #tpu.memory_space<vmem>>, vector<4x192x195xf32>
    tpu.vector_store %arg130[%swap3A_112, %swap3A_113, %swap3A_114], %select_n3A_111 {strides = array<i32>} : memref<4x192x195xf32, #tpu.memory_space<vmem>>, vector<4x192x195xf32>,
    tpu.enqueue_dma source(%arg130 : memref<4x192x195xf32, #tpu.memory_space<vmem>>) target(%arg14 : memref<4x192x195xf32, #tpu.memory_space<any>>) target_semaphore(%arg136 : memref<!tpu.dma_semaphore, #tpu.memory_space<semaphore_mem>>)
    tpu.wait_dma2 semaphore(%arg137 : memref<!tpu.dma_semaphore, #tpu.memory_space<semaphore_mem>>) src(%arg131 : memref<4x192x195xf32, #tpu.memory_space<vmem>>) dst(%arg9 : memref<4x192x195xf32, #tpu.memory_space<any>>)
    %lt3A_116 = arith.constant 14 : i32
    %lt3A_117 = vector.broadcast %lt3A_116 : i32 to vector<4x192x195xi32>
    %lt3A_118 = arith.cmpi slt, %iota3A, %lt3A_117 : vector<4x192x195xi32>
    %select_n3A_119 = arith.select %lt3A_118, %get3A_2, %get3A_6 : vector<4x192x195xi1>, vector<4x192x195xf32>
    %swap3A_120 = arith.constant 0 : index
    %swap3A_121 = arith.constant 0 : index
    %swap3A_122 = arith.constant 0 : index
    %swap3A_123 = vector.load %arg131[%swap3A_120, %swap3A_121, %swap3A_122] : memref<4x192x195xf32, #tpu.memory_space<vmem>>, vector<4x192x195xf32>
    tpu.vector_store %arg131[%swap3A_120, %swap3A_121, %swap3A_122], %select_n3A_119 {strides = array<i32>} : memref<4x192x195xf32, #tpu.memory_space<vmem>>, vector<4x192x195xf32>,
    tpu.enqueue_dma source(%arg131 : memref<4x192x195xf32, #tpu.memory_space<vmem>>) target(%arg15 : memref<4x192x195xf32, #tpu.memory_space<any>>) target_semaphore(%arg137 : memref<!tpu.dma_semaphore, #tpu.memory_space<semaphore_mem>>)
    tpu.wait_dma2 semaphore(%arg138 : memref<!tpu.dma_semaphore, #tpu.memory_space<semaphore_mem>>) src(%arg132 : memref<4x192x195xf32, #tpu.memory_space<vmem>>) dst(%arg10 : memref<4x192x195xf32, #tpu.memory_space<any>>)
    %lt3A_124 = arith.constant 15 : i32
    %lt3A_125 = vector.broadcast %lt3A_124 : i32 to vector<4x192x195xi32>
    %lt3A_126 = arith.cmpi slt, %iota3A, %lt3A_125 : vector<4x192x195xi32>
    %select_n3A_127 = arith.select %lt3A_126, %get3A_2, %get3A_6 : vector<4x192x195xi1>, vector<4x192x195xf32>
    %swap3A_128 = arith.constant 0 : index
    %swap3A_129 = arith.constant 0 : index
    %swap3A_130 = arith.constant 0 : index
    %swap3A_131 = vector.load %arg132[%swap3A_128, %swap3A_129, %swap3A_130] : memref<4x192x195xf32, #tpu.memory_space<vmem>>, vector<4x192x195xf32>
    tpu.vector_store %arg132[%swap3A_128, %swap3A_129, %swap3A_130], %select_n3A_127 {strides = array<i32>} : memref<4x192x195xf32, #tpu.memory_space<vmem>>, vector<4x192x195xf32>,
    tpu.enqueue_dma source(%arg132 : memref<4x192x195xf32, #tpu.memory_space<vmem>>) target(%arg16 : memref<4x192x195xf32, #tpu.memory_space<any>>) target_semaphore(%arg138 : memref<!tpu.dma_semaphore, #tpu.memory_space<semaphore_mem>>)
    tpu.wait_dma2 semaphore(%arg139 : memref<!tpu.dma_semaphore, #tpu.memory_space<semaphore_mem>>) src(%arg133 : memref<4x192x195xf32, #tpu.memory_space<vmem>>) dst(%arg11 : memref<4x192x195xf32, #tpu.memory_space<any>>)
    %lt3A_132 = arith.constant 16 : i32
    %lt3A_133 = vector.broadcast %lt3A_132 : i32 to vector<4x192x195xi32>
    %lt3A_134 = arith.cmpi slt, %iota3A, %lt3A_133 : vector<4x192x195xi32>
    %select_n3A_135 = arith.select %lt3A_134, %get3A_2, %get3A_6 : vector<4x192x195xi1>, vector<4x192x195xf32>
    %swap3A_136 = arith.constant 0 : index
    %swap3A_137 = arith.constant 0 : index
    %swap3A_138 = arith.constant 0 : index
    %swap3A_139 = vector.load %arg133[%swap3A_136, %swap3A_137, %swap3A_138] : memref<4x192x195xf32, #tpu.memory_space<vmem>>, vector<4x192x195xf32>
    tpu.vector_store %arg133[%swap3A_136, %swap3A_137, %swap3A_138], %select_n3A_135 {strides = array<i32>} : memref<4x192x195xf32, #tpu.memory_space<vmem>>, vector<4x192x195xf32>,
    tpu.enqueue_dma source(%arg133 : memref<4x192x195xf32, #tpu.memory_space<vmem>>) target(%arg17 : memref<4x192x195xf32, #tpu.memory_space<any>>) target_semaphore(%arg139 : memref<!tpu.dma_semaphore, #tpu.memory_space<semaphore_mem>>)
    tpu.wait_dma2 semaphore(%arg140 : memref<!tpu.dma_semaphore, #tpu.memory_space<semaphore_mem>>) src(%arg134 : memref<4x192x195xf32, #tpu.memory_space<vmem>>) dst(%arg12 : memref<4x192x195xf32, #tpu.memory_space<any>>)
    %lt3A_140 = arith.constant 17 : i32
    %lt3A_141 = vector.broadcast %lt3A_140 : i32 to vector<4x192x195xi32>
    %lt3A_142 = arith.cmpi slt, %iota3A, %lt3A_141 : vector<4x192x195xi32>
    %select_n3A_143 = arith.select %lt3A_142, %get3A_2, %get3A_6 : vector<4x192x195xi1>, vector<4x192x195xf32>
    %swap3A_144 = arith.constant 0 : index
    %swap3A_145 = arith.constant 0 : index
    %swap3A_146 = arith.constant 0 : index
    %swap3A_147 = vector.load %arg134[%swap3A_144, %swap3A_145, %swap3A_146] : memref<4x192x195xf32, #tpu.memory_space<vmem>>, vector<4x192x195xf32>
    tpu.vector_store %arg134[%swap3A_144, %swap3A_145, %swap3A_146], %select_n3A_143 {strides = array<i32>} : memref<4x192x195xf32, #tpu.memory_space<vmem>>, vector<4x192x195xf32>,
    tpu.enqueue_dma source(%arg134 : memref<4x192x195xf32, #tpu.memory_space<vmem>>) target(%arg18 : memref<4x192x195xf32, #tpu.memory_space<any>>) target_semaphore(%arg140 : memref<!tpu.dma_semaphore, #tpu.memory_space<semaphore_mem>>)
    tpu.wait_dma2 semaphore(%arg135 : memref<!tpu.dma_semaphore, #tpu.memory_space<semaphore_mem>>) src(%arg129 : memref<4x192x195xf32, #tpu.memory_space<vmem>>) dst(%arg13 : memref<4x192x195xf32, #tpu.memory_space<any>>)
    %lt3A_148 = arith.constant 18 : i32
    %lt3A_149 = vector.broadcast %lt3A_148 : i32 to vector<4x192x195xi32>
    %lt3A_150 = arith.cmpi slt, %iota3A, %lt3A_149 : vector<4x192x195xi32>
    %select_n3A_151 = arith.select %lt3A_150, %get3A_2, %get3A_6 : vector<4x192x195xi1>, vector<4x192x195xf32>
    %swap3A_152 = arith.constant 0 : index
    %swap3A_153 = arith.constant 0 : index
    %swap3A_154 = arith.constant 0 : index
    %swap3A_155 = vector.load %arg129[%swap3A_152, %swap3A_153, %swap3A_154] : memref<4x192x195xf32, #tpu.memory_space<vmem>>, vector<4x192x195xf32>
    tpu.vector_store %arg129[%swap3A_152, %swap3A_153, %swap3A_154], %select_n3A_151 {strides = array<i32>} : memref<4x192x195xf32, #tpu.memory_space<vmem>>, vector<4x192x195xf32>,
    tpu.enqueue_dma source(%arg129 : memref<4x192x195xf32, #tpu.memory_space<vmem>>) target(%arg19 : memref<4x192x195xf32, #tpu.memory_space<any>>) target_semaphore(%arg135 : memref<!tpu.dma_semaphore, #tpu.memory_space<semaphore_mem>>)
    tpu.wait_dma2 semaphore(%arg136 : memref<!tpu.dma_semaphore, #tpu.memory_space<semaphore_mem>>) src(%arg130 : memref<4x192x195xf32, #tpu.memory_space<vmem>>) dst(%arg14 : memref<4x192x195xf32, #tpu.memory_space<any>>)
    %lt3A_156 = arith.constant 19 : i32
    %lt3A_157 = vector.broadcast %lt3A_156 : i32 to vector<4x192x195xi32>
    %lt3A_158 = arith.cmpi slt, %iota3A, %lt3A_157 : vector<4x192x195xi32>
    %select_n3A_159 = arith.select %lt3A_158, %get3A_2, %get3A_6 : vector<4x192x195xi1>, vector<4x192x195xf32>
    %swap3A_160 = arith.constant 0 : index
    %swap3A_161 = arith.constant 0 : index
    %swap3A_162 = arith.constant 0 : index
    %swap3A_163 = vector.load %arg130[%swap3A_160, %swap3A_161, %swap3A_162] : memref<4x192x195xf32, #tpu.memory_space<vmem>>, vector<4x192x195xf32>
    tpu.vector_store %arg130[%swap3A_160, %swap3A_161, %swap3A_162], %select_n3A_159 {strides = array<i32>} : memref<4x192x195xf32, #tpu.memory_space<vmem>>, vector<4x192x195xf32>,
    tpu.enqueue_dma source(%arg130 : memref<4x192x195xf32, #tpu.memory_space<vmem>>) target(%arg20 : memref<4x192x195xf32, #tpu.memory_space<any>>) target_semaphore(%arg136 : memref<!tpu.dma_semaphore, #tpu.memory_space<semaphore_mem>>)
    tpu.wait_dma2 semaphore(%arg137 : memref<!tpu.dma_semaphore, #tpu.memory_space<semaphore_mem>>) src(%arg131 : memref<4x192x195xf32, #tpu.memory_space<vmem>>) dst(%arg15 : memref<4x192x195xf32, #tpu.memory_space<any>>)
    %lt3A_164 = arith.constant 20 : i32
    %lt3A_165 = vector.broadcast %lt3A_164 : i32 to vector<4x192x195xi32>
    %lt3A_166 = arith.cmpi slt, %iota3A, %lt3A_165 : vector<4x192x195xi32>
    %select_n3A_167 = arith.select %lt3A_166, %get3A_2, %get3A_6 : vector<4x192x195xi1>, vector<4x192x195xf32>
    %swap3A_168 = arith.constant 0 : index
    %swap3A_169 = arith.constant 0 : index
    %swap3A_170 = arith.constant 0 : index
    %swap3A_171 = vector.load %arg131[%swap3A_168, %swap3A_169, %swap3A_170] : memref<4x192x195xf32, #tpu.memory_space<vmem>>, vector<4x192x195xf32>
    tpu.vector_store %arg131[%swap3A_168, %swap3A_169, %swap3A_170], %select_n3A_167 {strides = array<i32>} : memref<4x192x195xf32, #tpu.memory_space<vmem>>, vector<4x192x195xf32>,
    tpu.enqueue_dma source(%arg131 : memref<4x192x195xf32, #tpu.memory_space<vmem>>) target(%arg21 : memref<4x192x195xf32, #tpu.memory_space<any>>) target_semaphore(%arg137 : memref<!tpu.dma_semaphore, #tpu.memory_space<semaphore_mem>>)
    tpu.wait_dma2 semaphore(%arg138 : memref<!tpu.dma_semaphore, #tpu.memory_space<semaphore_mem>>) src(%arg132 : memref<4x192x195xf32, #tpu.memory_space<vmem>>) dst(%arg16 : memref<4x192x195xf32, #tpu.memory_space<any>>)
    %lt3A_172 = arith.constant 21 : i32
    %lt3A_173 = vector.broadcast %lt3A_172 : i32 to vector<4x192x195xi32>
    %lt3A_174 = arith.cmpi slt, %iota3A, %lt3A_173 : vector<4x192x195xi32>
    %select_n3A_175 = arith.select %lt3A_174, %get3A_2, %get3A_6 : vector<4x192x195xi1>, vector<4x192x195xf32>
    %swap3A_176 = arith.constant 0 : index
    %swap3A_177 = arith.constant 0 : index
    %swap3A_178 = arith.constant 0 : index
    %swap3A_179 = vector.load %arg132[%swap3A_176, %swap3A_177, %swap3A_178] : memref<4x192x195xf32, #tpu.memory_space<vmem>>, vector<4x192x195xf32>
    tpu.vector_store %arg132[%swap3A_176, %swap3A_177, %swap3A_178], %select_n3A_175 {strides = array<i32>} : memref<4x192x195xf32, #tpu.memory_space<vmem>>, vector<4x192x195xf32>,
    tpu.enqueue_dma source(%arg132 : memref<4x192x195xf32, #tpu.memory_space<vmem>>) target(%arg22 : memref<4x192x195xf32, #tpu.memory_space<any>>) target_semaphore(%arg138 : memref<!tpu.dma_semaphore, #tpu.memory_space<semaphore_mem>>)
    tpu.wait_dma2 semaphore(%arg139 : memref<!tpu.dma_semaphore, #tpu.memory_space<semaphore_mem>>) src(%arg133 : memref<4x192x195xf32, #tpu.memory_space<vmem>>) dst(%arg17 : memref<4x192x195xf32, #tpu.memory_space<any>>)
    %lt3A_180 = arith.constant 22 : i32
    %lt3A_181 = vector.broadcast %lt3A_180 : i32 to vector<4x192x195xi32>
    %lt3A_182 = arith.cmpi slt, %iota3A, %lt3A_181 : vector<4x192x195xi32>
    %select_n3A_183 = arith.select %lt3A_182, %get3A_2, %get3A_6 : vector<4x192x195xi1>, vector<4x192x195xf32>
    %swap3A_184 = arith.constant 0 : index
    %swap3A_185 = arith.constant 0 : index
    %swap3A_186 = arith.constant 0 : index
    %swap3A_187 = vector.load %arg133[%swap3A_184, %swap3A_185, %swap3A_186] : memref<4x192x195xf32, #tpu.memory_space<vmem>>, vector<4x192x195xf32>
    tpu.vector_store %arg133[%swap3A_184, %swap3A_185, %swap3A_186], %select_n3A_183 {strides = array<i32>} : memref<4x192x195xf32, #tpu.memory_space<vmem>>, vector<4x192x195xf32>,
    tpu.enqueue_dma source(%arg133 : memref<4x192x195xf32, #tpu.memory_space<vmem>>) target(%arg23 : memref<4x192x195xf32, #tpu.memory_space<any>>) target_semaphore(%arg139 : memref<!tpu.dma_semaphore, #tpu.memory_space<semaphore_mem>>)
    tpu.wait_dma2 semaphore(%arg140 : memref<!tpu.dma_semaphore, #tpu.memory_space<semaphore_mem>>) src(%arg134 : memref<4x192x195xf32, #tpu.memory_space<vmem>>) dst(%arg18 : memref<4x192x195xf32, #tpu.memory_space<any>>)
    %lt3A_188 = arith.constant 23 : i32
    %lt3A_189 = vector.broadcast %lt3A_188 : i32 to vector<4x192x195xi32>
    %lt3A_190 = arith.cmpi slt, %iota3A, %lt3A_189 : vector<4x192x195xi32>
    %select_n3A_191 = arith.select %lt3A_190, %get3A_2, %get3A_6 : vector<4x192x195xi1>, vector<4x192x195xf32>
    %swap3A_192 = arith.constant 0 : index
    %swap3A_193 = arith.constant 0 : index
    %swap3A_194 = arith.constant 0 : index
    %swap3A_195 = vector.load %arg134[%swap3A_192, %swap3A_193, %swap3A_194] : memref<4x192x195xf32, #tpu.memory_space<vmem>>, vector<4x192x195xf32>
    tpu.vector_store %arg134[%swap3A_192, %swap3A_193, %swap3A_194], %select_n3A_191 {strides = array<i32>} : memref<4x192x195xf32, #tpu.memory_space<vmem>>, vector<4x192x195xf32>,
    tpu.enqueue_dma source(%arg134 : memref<4x192x195xf32, #tpu.memory_space<vmem>>) target(%arg24 : memref<4x192x195xf32, #tpu.memory_space<any>>) target_semaphore(%arg140 : memref<!tpu.dma_semaphore, #tpu.memory_space<semaphore_mem>>)
    tpu.wait_dma2 semaphore(%arg135 : memref<!tpu.dma_semaphore, #tpu.memory_space<semaphore_mem>>) src(%arg129 : memref<4x192x195xf32, #tpu.memory_space<vmem>>) dst(%arg19 : memref<4x192x195xf32, #tpu.memory_space<any>>)
    %lt3A_196 = arith.constant 24 : i32
    %lt3A_197 = vector.broadcast %lt3A_196 : i32 to vector<4x192x195xi32>
    %lt3A_198 = arith.cmpi slt, %iota3A, %lt3A_197 : vector<4x192x195xi32>
    %select_n3A_199 = arith.select %lt3A_198, %get3A_2, %get3A_6 : vector<4x192x195xi1>, vector<4x192x195xf32>
    %swap3A_200 = arith.constant 0 : index
    %swap3A_201 = arith.constant 0 : index
    %swap3A_202 = arith.constant 0 : index
    %swap3A_203 = vector.load %arg129[%swap3A_200, %swap3A_201, %swap3A_202] : memref<4x192x195xf32, #tpu.memory_space<vmem>>, vector<4x192x195xf32>
    tpu.vector_store %arg129[%swap3A_200, %swap3A_201, %swap3A_202], %select_n3A_199 {strides = array<i32>} : memref<4x192x195xf32, #tpu.memory_space<vmem>>, vector<4x192x195xf32>,
    tpu.enqueue_dma source(%arg129 : memref<4x192x195xf32, #tpu.memory_space<vmem>>) target(%arg25 : memref<4x192x195xf32, #tpu.memory_space<any>>) target_semaphore(%arg135 : memref<!tpu.dma_semaphore, #tpu.memory_space<semaphore_mem>>)
    tpu.wait_dma2 semaphore(%arg136 : memref<!tpu.dma_semaphore, #tpu.memory_space<semaphore_mem>>) src(%arg130 : memref<4x192x195xf32, #tpu.memory_space<vmem>>) dst(%arg20 : memref<4x192x195xf32, #tpu.memory_space<any>>)
    %lt3A_204 = arith.constant 25 : i32
    %lt3A_205 = vector.broadcast %lt3A_204 : i32 to vector<4x192x195xi32>
    %lt3A_206 = arith.cmpi slt, %iota3A, %lt3A_205 : vector<4x192x195xi32>
    %select_n3A_207 = arith.select %lt3A_206, %get3A_2, %get3A_6 : vector<4x192x195xi1>, vector<4x192x195xf32>
    %swap3A_208 = arith.constant 0 : index
    %swap3A_209 = arith.constant 0 : index
    %swap3A_210 = arith.constant 0 : index
    %swap3A_211 = vector.load %arg130[%swap3A_208, %swap3A_209, %swap3A_210] : memref<4x192x195xf32, #tpu.memory_space<vmem>>, vector<4x192x195xf32>
    tpu.vector_store %arg130[%swap3A_208, %swap3A_209, %swap3A_210], %select_n3A_207 {strides = array<i32>} : memref<4x192x195xf32, #tpu.memory_space<vmem>>, vector<4x192x195xf32>,
    tpu.enqueue_dma source(%arg130 : memref<4x192x195xf32, #tpu.memory_space<vmem>>) target(%arg26 : memref<4x192x195xf32, #tpu.memory_space<any>>) target_semaphore(%arg136 : memref<!tpu.dma_semaphore, #tpu.memory_space<semaphore_mem>>)
    tpu.wait_dma2 semaphore(%arg137 : memref<!tpu.dma_semaphore, #tpu.memory_space<semaphore_mem>>) src(%arg131 : memref<4x192x195xf32, #tpu.memory_space<vmem>>) dst(%arg21 : memref<4x192x195xf32, #tpu.memory_space<any>>)
    %lt3A_212 = arith.constant 26 : i32
    %lt3A_213 = vector.broadcast %lt3A_212 : i32 to vector<4x192x195xi32>
    %lt3A_214 = arith.cmpi slt, %iota3A, %lt3A_213 : vector<4x192x195xi32>
    %select_n3A_215 = arith.select %lt3A_214, %get3A_2, %get3A_6 : vector<4x192x195xi1>, vector<4x192x195xf32>
    %swap3A_216 = arith.constant 0 : index
    %swap3A_217 = arith.constant 0 : index
    %swap3A_218 = arith.constant 0 : index
    %swap3A_219 = vector.load %arg131[%swap3A_216, %swap3A_217, %swap3A_218] : memref<4x192x195xf32, #tpu.memory_space<vmem>>, vector<4x192x195xf32>
    tpu.vector_store %arg131[%swap3A_216, %swap3A_217, %swap3A_218], %select_n3A_215 {strides = array<i32>} : memref<4x192x195xf32, #tpu.memory_space<vmem>>, vector<4x192x195xf32>,
    tpu.enqueue_dma source(%arg131 : memref<4x192x195xf32, #tpu.memory_space<vmem>>) target(%arg27 : memref<4x192x195xf32, #tpu.memory_space<any>>) target_semaphore(%arg137 : memref<!tpu.dma_semaphore, #tpu.memory_space<semaphore_mem>>)
    tpu.wait_dma2 semaphore(%arg138 : memref<!tpu.dma_semaphore, #tpu.memory_space<semaphore_mem>>) src(%arg132 : memref<4x192x195xf32, #tpu.memory_space<vmem>>) dst(%arg22 : memref<4x192x195xf32, #tpu.memory_space<any>>)
    %lt3A_220 = arith.constant 27 : i32
    %lt3A_221 = vector.broadcast %lt3A_220 : i32 to vector<4x192x195xi32>
    %lt3A_222 = arith.cmpi slt, %iota3A, %lt3A_221 : vector<4x192x195xi32>
    %select_n3A_223 = arith.select %lt3A_222, %get3A_2, %get3A_6 : vector<4x192x195xi1>, vector<4x192x195xf32>
    %swap3A_224 = arith.constant 0 : index
    %swap3A_225 = arith.constant 0 : index
    %swap3A_226 = arith.constant 0 : index
    %swap3A_227 = vector.load %arg132[%swap3A_224, %swap3A_225, %swap3A_226] : memref<4x192x195xf32, #tpu.memory_space<vmem>>, vector<4x192x195xf32>
    tpu.vector_store %arg132[%swap3A_224, %swap3A_225, %swap3A_226], %select_n3A_223 {strides = array<i32>} : memref<4x192x195xf32, #tpu.memory_space<vmem>>, vector<4x192x195xf32>,
    tpu.enqueue_dma source(%arg132 : memref<4x192x195xf32, #tpu.memory_space<vmem>>) target(%arg28 : memref<4x192x195xf32, #tpu.memory_space<any>>) target_semaphore(%arg138 : memref<!tpu.dma_semaphore, #tpu.memory_space<semaphore_mem>>)
    tpu.wait_dma2 semaphore(%arg139 : memref<!tpu.dma_semaphore, #tpu.memory_space<semaphore_mem>>) src(%arg133 : memref<4x192x195xf32, #tpu.memory_space<vmem>>) dst(%arg23 : memref<4x192x195xf32, #tpu.memory_space<any>>)
    %lt3A_228 = arith.constant 28 : i32
    %lt3A_229 = vector.broadcast %lt3A_228 : i32 to vector<4x192x195xi32>
    %lt3A_230 = arith.cmpi slt, %iota3A, %lt3A_229 : vector<4x192x195xi32>
    %select_n3A_231 = arith.select %lt3A_230, %get3A_2, %get3A_6 : vector<4x192x195xi1>, vector<4x192x195xf32>
    %swap3A_232 = arith.constant 0 : index
    %swap3A_233 = arith.constant 0 : index
    %swap3A_234 = arith.constant 0 : index
    %swap3A_235 = vector.load %arg133[%swap3A_232, %swap3A_233, %swap3A_234] : memref<4x192x195xf32, #tpu.memory_space<vmem>>, vector<4x192x195xf32>
    tpu.vector_store %arg133[%swap3A_232, %swap3A_233, %swap3A_234], %select_n3A_231 {strides = array<i32>} : memref<4x192x195xf32, #tpu.memory_space<vmem>>, vector<4x192x195xf32>,
    tpu.enqueue_dma source(%arg133 : memref<4x192x195xf32, #tpu.memory_space<vmem>>) target(%arg29 : memref<4x192x195xf32, #tpu.memory_space<any>>) target_semaphore(%arg139 : memref<!tpu.dma_semaphore, #tpu.memory_space<semaphore_mem>>)
    tpu.wait_dma2 semaphore(%arg140 : memref<!tpu.dma_semaphore, #tpu.memory_space<semaphore_mem>>) src(%arg134 : memref<4x192x195xf32, #tpu.memory_space<vmem>>) dst(%arg24 : memref<4x192x195xf32, #tpu.memory_space<any>>)
    %lt3A_236 = arith.constant 29 : i32
    %lt3A_237 = vector.broadcast %lt3A_236 : i32 to vector<4x192x195xi32>
    %lt3A_238 = arith.cmpi slt, %iota3A, %lt3A_237 : vector<4x192x195xi32>
    %select_n3A_239 = arith.select %lt3A_238, %get3A_2, %get3A_6 : vector<4x192x195xi1>, vector<4x192x195xf32>
    %swap3A_240 = arith.constant 0 : index
    %swap3A_241 = arith.constant 0 : index
    %swap3A_242 = arith.constant 0 : index
    %swap3A_243 = vector.load %arg134[%swap3A_240, %swap3A_241, %swap3A_242] : memref<4x192x195xf32, #tpu.memory_space<vmem>>, vector<4x192x195xf32>
    tpu.vector_store %arg134[%swap3A_240, %swap3A_241, %swap3A_242], %select_n3A_239 {strides = array<i32>} : memref<4x192x195xf32, #tpu.memory_space<vmem>>, vector<4x192x195xf32>,
    tpu.enqueue_dma source(%arg134 : memref<4x192x195xf32, #tpu.memory_space<vmem>>) target(%arg30 : memref<4x192x195xf32, #tpu.memory_space<any>>) target_semaphore(%arg140 : memref<!tpu.dma_semaphore, #tpu.memory_space<semaphore_mem>>)
    tpu.wait_dma2 semaphore(%arg135 : memref<!tpu.dma_semaphore, #tpu.memory_space<semaphore_mem>>) src(%arg129 : memref<4x192x195xf32, #tpu.memory_space<vmem>>) dst(%arg25 : memref<4x192x195xf32, #tpu.memory_space<any>>)
    %lt3A_244 = arith.constant 30 : i32
    %lt3A_245 = vector.broadcast %lt3A_244 : i32 to vector<4x192x195xi32>
    %lt3A_246 = arith.cmpi slt, %iota3A, %lt3A_245 : vector<4x192x195xi32>
    %select_n3A_247 = arith.select %lt3A_246, %get3A_2, %get3A_6 : vector<4x192x195xi1>, vector<4x192x195xf32>
    %swap3A_248 = arith.constant 0 : index
    %swap3A_249 = arith.constant 0 : index
    %swap3A_250 = arith.constant 0 : index
    %swap3A_251 = vector.load %arg129[%swap3A_248, %swap3A_249, %swap3A_250] : memref<4x192x195xf32, #tpu.memory_space<vmem>>, vector<4x192x195xf32>
    tpu.vector_store %arg129[%swap3A_248, %swap3A_249, %swap3A_250], %select_n3A_247 {strides = array<i32>} : memref<4x192x195xf32, #tpu.memory_space<vmem>>, vector<4x192x195xf32>,
    tpu.enqueue_dma source(%arg129 : memref<4x192x195xf32, #tpu.memory_space<vmem>>) target(%arg31 : memref<4x192x195xf32, #tpu.memory_space<any>>) target_semaphore(%arg135 : memref<!tpu.dma_semaphore, #tpu.memory_space<semaphore_mem>>)
    tpu.wait_dma2 semaphore(%arg136 : memref<!tpu.dma_semaphore, #tpu.memory_space<semaphore_mem>>) src(%arg130 : memref<4x192x195xf32, #tpu.memory_space<vmem>>) dst(%arg26 : memref<4x192x195xf32, #tpu.memory_space<any>>)
    %lt3A_252 = arith.constant 31 : i32
    %lt3A_253 = vector.broadcast %lt3A_252 : i32 to vector<4x192x195xi32>
    %lt3A_254 = arith.cmpi slt, %iota3A, %lt3A_253 : vector<4x192x195xi32>
    %select_n3A_255 = arith.select %lt3A_254, %get3A_2, %get3A_6 : vector<4x192x195xi1>, vector<4x192x195xf32>
    %swap3A_256 = arith.constant 0 : index
    %swap3A_257 = arith.constant 0 : index
    %swap3A_258 = arith.constant 0 : index
    %swap3A_259 = vector.load %arg130[%swap3A_256, %swap3A_257, %swap3A_258] : memref<4x192x195xf32, #tpu.memory_space<vmem>>, vector<4x192x195xf32>
    tpu.vector_store %arg130[%swap3A_256, %swap3A_257, %swap3A_258], %select_n3A_255 {strides = array<i32>} : memref<4x192x195xf32, #tpu.memory_space<vmem>>, vector<4x192x195xf32>,
    tpu.enqueue_dma source(%arg130 : memref<4x192x195xf32, #tpu.memory_space<vmem>>) target(%arg32 : memref<4x192x195xf32, #tpu.memory_space<any>>) target_semaphore(%arg136 : memref<!tpu.dma_semaphore, #tpu.memory_space<semaphore_mem>>)
    tpu.wait_dma2 semaphore(%arg137 : memref<!tpu.dma_semaphore, #tpu.memory_space<semaphore_mem>>) src(%arg131 : memref<4x192x195xf32, #tpu.memory_space<vmem>>) dst(%arg27 : memref<4x192x195xf32, #tpu.memory_space<any>>)
    %lt3A_260 = arith.constant 32 : i32
    %lt3A_261 = vector.broadcast %lt3A_260 : i32 to vector<4x192x195xi32>
    %lt3A_262 = arith.cmpi slt, %iota3A, %lt3A_261 : vector<4x192x195xi32>
    %select_n3A_263 = arith.select %lt3A_262, %get3A_2, %get3A_6 : vector<4x192x195xi1>, vector<4x192x195xf32>
    %swap3A_264 = arith.constant 0 : index
    %swap3A_265 = arith.constant 0 : index
    %swap3A_266 = arith.constant 0 : index
    %swap3A_267 = vector.load %arg131[%swap3A_264, %swap3A_265, %swap3A_266] : memref<4x192x195xf32, #tpu.memory_space<vmem>>, vector<4x192x195xf32>
    tpu.vector_store %arg131[%swap3A_264, %swap3A_265, %swap3A_266], %select_n3A_263 {strides = array<i32>} : memref<4x192x195xf32, #tpu.memory_space<vmem>>, vector<4x192x195xf32>,
    tpu.enqueue_dma source(%arg131 : memref<4x192x195xf32, #tpu.memory_space<vmem>>) target(%arg33 : memref<4x192x195xf32, #tpu.memory_space<any>>) target_semaphore(%arg137 : memref<!tpu.dma_semaphore, #tpu.memory_space<semaphore_mem>>)
    tpu.wait_dma2 semaphore(%arg138 : memref<!tpu.dma_semaphore, #tpu.memory_space<semaphore_mem>>) src(%arg132 : memref<4x192x195xf32, #tpu.memory_space<vmem>>) dst(%arg28 : memref<4x192x195xf32, #tpu.memory_space<any>>)
    %lt3A_268 = arith.constant 33 : i32
    %lt3A_269 = vector.broadcast %lt3A_268 : i32 to vector<4x192x195xi32>
    %lt3A_270 = arith.cmpi slt, %iota3A, %lt3A_269 : vector<4x192x195xi32>
    %select_n3A_271 = arith.select %lt3A_270, %get3A_2, %get3A_6 : vector<4x192x195xi1>, vector<4x192x195xf32>
    %swap3A_272 = arith.constant 0 : index
    %swap3A_273 = arith.constant 0 : index
    %swap3A_274 = arith.constant 0 : index
    %swap3A_275 = vector.load %arg132[%swap3A_272, %swap3A_273, %swap3A_274] : memref<4x192x195xf32, #tpu.memory_space<vmem>>, vector<4x192x195xf32>
    tpu.vector_store %arg132[%swap3A_272, %swap3A_273, %swap3A_274], %select_n3A_271 {strides = array<i32>} : memref<4x192x195xf32, #tpu.memory_space<vmem>>, vector<4x192x195xf32>,
    tpu.enqueue_dma source(%arg132 : memref<4x192x195xf32, #tpu.memory_space<vmem>>) target(%arg34 : memref<4x192x195xf32, #tpu.memory_space<any>>) target_semaphore(%arg138 : memref<!tpu.dma_semaphore, #tpu.memory_space<semaphore_mem>>)
    tpu.wait_dma2 semaphore(%arg139 : memref<!tpu.dma_semaphore, #tpu.memory_space<semaphore_mem>>) src(%arg133 : memref<4x192x195xf32, #tpu.memory_space<vmem>>) dst(%arg29 : memref<4x192x195xf32, #tpu.memory_space<any>>)
    %lt3A_276 = arith.constant 34 : i32
    %lt3A_277 = vector.broadcast %lt3A_276 : i32 to vector<4x192x195xi32>
    %lt3A_278 = arith.cmpi slt, %iota3A, %lt3A_277 : vector<4x192x195xi32>
    %select_n3A_279 = arith.select %lt3A_278, %get3A_2, %get3A_6 : vector<4x192x195xi1>, vector<4x192x195xf32>
    %swap3A_280 = arith.constant 0 : index
    %swap3A_281 = arith.constant 0 : index
    %swap3A_282 = arith.constant 0 : index
    %swap3A_283 = vector.load %arg133[%swap3A_280, %swap3A_281, %swap3A_282] : memref<4x192x195xf32, #tpu.memory_space<vmem>>, vector<4x192x195xf32>
    tpu.vector_store %arg133[%swap3A_280, %swap3A_281, %swap3A_282], %select_n3A_279 {strides = array<i32>} : memref<4x192x195xf32, #tpu.memory_space<vmem>>, vector<4x192x195xf32>,
    tpu.enqueue_dma source(%arg133 : memref<4x192x195xf32, #tpu.memory_space<vmem>>) target(%arg35 : memref<4x192x195xf32, #tpu.memory_space<any>>) target_semaphore(%arg139 : memref<!tpu.dma_semaphore, #tpu.memory_space<semaphore_mem>>)
    tpu.wait_dma2 semaphore(%arg140 : memref<!tpu.dma_semaphore, #tpu.memory_space<semaphore_mem>>) src(%arg134 : memref<4x192x195xf32, #tpu.memory_space<vmem>>) dst(%arg30 : memref<4x192x195xf32, #tpu.memory_space<any>>)
    %lt3A_284 = arith.constant 35 : i32
    %lt3A_285 = vector.broadcast %lt3A_284 : i32 to vector<4x192x195xi32>
    %lt3A_286 = arith.cmpi slt, %iota3A, %lt3A_285 : vector<4x192x195xi32>
    %select_n3A_287 = arith.select %lt3A_286, %get3A_2, %get3A_6 : vector<4x192x195xi1>, vector<4x192x195xf32>
    %swap3A_288 = arith.constant 0 : index
    %swap3A_289 = arith.constant 0 : index
    %swap3A_290 = arith.constant 0 : index
    %swap3A_291 = vector.load %arg134[%swap3A_288, %swap3A_289, %swap3A_290] : memref<4x192x195xf32, #tpu.memory_space<vmem>>, vector<4x192x195xf32>
    tpu.vector_store %arg134[%swap3A_288, %swap3A_289, %swap3A_290], %select_n3A_287 {strides = array<i32>} : memref<4x192x195xf32, #tpu.memory_space<vmem>>, vector<4x192x195xf32>,
    tpu.enqueue_dma source(%arg134 : memref<4x192x195xf32, #tpu.memory_space<vmem>>) target(%arg36 : memref<4x192x195xf32, #tpu.memory_space<any>>) target_semaphore(%arg140 : memref<!tpu.dma_semaphore, #tpu.memory_space<semaphore_mem>>)
    tpu.wait_dma2 semaphore(%arg135 : memref<!tpu.dma_semaphore, #tpu.memory_space<semaphore_mem>>) src(%arg129 : memref<4x192x195xf32, #tpu.memory_space<vmem>>) dst(%arg31 : memref<4x192x195xf32, #tpu.memory_space<any>>)
    %lt3A_292 = arith.constant 36 : i32
    %lt3A_293 = vector.broadcast %lt3A_292 : i32 to vector<4x192x195xi32>
    %lt3A_294 = arith.cmpi slt, %iota3A, %lt3A_293 : vector<4x192x195xi32>
    %select_n3A_295 = arith.select %lt3A_294, %get3A_2, %get3A_6 : vector<4x192x195xi1>, vector<4x192x195xf32>
    %swap3A_296 = arith.constant 0 : index
    %swap3A_297 = arith.constant 0 : index
    %swap3A_298 = arith.constant 0 : index
    %swap3A_299 = vector.load %arg129[%swap3A_296, %swap3A_297, %swap3A_298] : memref<4x192x195xf32, #tpu.memory_space<vmem>>, vector<4x192x195xf32>
    tpu.vector_store %arg129[%swap3A_296, %swap3A_297, %swap3A_298], %select_n3A_295 {strides = array<i32>} : memref<4x192x195xf32, #tpu.memory_space<vmem>>, vector<4x192x195xf32>,
    tpu.enqueue_dma source(%arg129 : memref<4x192x195xf32, #tpu.memory_space<vmem>>) target(%arg37 : memref<4x192x195xf32, #tpu.memory_space<any>>) target_semaphore(%arg135 : memref<!tpu.dma_semaphore, #tpu.memory_space<semaphore_mem>>)
    tpu.wait_dma2 semaphore(%arg136 : memref<!tpu.dma_semaphore, #tpu.memory_space<semaphore_mem>>) src(%arg130 : memref<4x192x195xf32, #tpu.memory_space<vmem>>) dst(%arg32 : memref<4x192x195xf32, #tpu.memory_space<any>>)
    %lt3A_300 = arith.constant 37 : i32
    %lt3A_301 = vector.broadcast %lt3A_300 : i32 to vector<4x192x195xi32>
    %lt3A_302 = arith.cmpi slt, %iota3A, %lt3A_301 : vector<4x192x195xi32>
    %select_n3A_303 = arith.select %lt3A_302, %get3A_2, %get3A_6 : vector<4x192x195xi1>, vector<4x192x195xf32>
    %swap3A_304 = arith.constant 0 : index
    %swap3A_305 = arith.constant 0 : index
    %swap3A_306 = arith.constant 0 : index
    %swap3A_307 = vector.load %arg130[%swap3A_304, %swap3A_305, %swap3A_306] : memref<4x192x195xf32, #tpu.memory_space<vmem>>, vector<4x192x195xf32>
    tpu.vector_store %arg130[%swap3A_304, %swap3A_305, %swap3A_306], %select_n3A_303 {strides = array<i32>} : memref<4x192x195xf32, #tpu.memory_space<vmem>>, vector<4x192x195xf32>,
    tpu.enqueue_dma source(%arg130 : memref<4x192x195xf32, #tpu.memory_space<vmem>>) target(%arg38 : memref<4x192x195xf32, #tpu.memory_space<any>>) target_semaphore(%arg136 : memref<!tpu.dma_semaphore, #tpu.memory_space<semaphore_mem>>)
    tpu.wait_dma2 semaphore(%arg137 : memref<!tpu.dma_semaphore, #tpu.memory_space<semaphore_mem>>) src(%arg131 : memref<4x192x195xf32, #tpu.memory_space<vmem>>) dst(%arg33 : memref<4x192x195xf32, #tpu.memory_space<any>>)
    %lt3A_308 = arith.constant 38 : i32
    %lt3A_309 = vector.broadcast %lt3A_308 : i32 to vector<4x192x195xi32>
    %lt3A_310 = arith.cmpi slt, %iota3A, %lt3A_309 : vector<4x192x195xi32>
    %select_n3A_311 = arith.select %lt3A_310, %get3A_2, %get3A_6 : vector<4x192x195xi1>, vector<4x192x195xf32>
    %swap3A_312 = arith.constant 0 : index
    %swap3A_313 = arith.constant 0 : index
    %swap3A_314 = arith.constant 0 : index
    %swap3A_315 = vector.load %arg131[%swap3A_312, %swap3A_313, %swap3A_314] : memref<4x192x195xf32, #tpu.memory_space<vmem>>, vector<4x192x195xf32>
    tpu.vector_store %arg131[%swap3A_312, %swap3A_313, %swap3A_314], %select_n3A_311 {strides = array<i32>} : memref<4x192x195xf32, #tpu.memory_space<vmem>>, vector<4x192x195xf32>,
    tpu.enqueue_dma source(%arg131 : memref<4x192x195xf32, #tpu.memory_space<vmem>>) target(%arg39 : memref<4x192x195xf32, #tpu.memory_space<any>>) target_semaphore(%arg137 : memref<!tpu.dma_semaphore, #tpu.memory_space<semaphore_mem>>)
    tpu.wait_dma2 semaphore(%arg138 : memref<!tpu.dma_semaphore, #tpu.memory_space<semaphore_mem>>) src(%arg132 : memref<4x192x195xf32, #tpu.memory_space<vmem>>) dst(%arg34 : memref<4x192x195xf32, #tpu.memory_space<any>>)
    %lt3A_316 = arith.constant 39 : i32
    %lt3A_317 = vector.broadcast %lt3A_316 : i32 to vector<4x192x195xi32>
    %lt3A_318 = arith.cmpi slt, %iota3A, %lt3A_317 : vector<4x192x195xi32>
    %select_n3A_319 = arith.select %lt3A_318, %get3A_2, %get3A_6 : vector<4x192x195xi1>, vector<4x192x195xf32>
    %swap3A_320 = arith.constant 0 : index
    %swap3A_321 = arith.constant 0 : index
    %swap3A_322 = arith.constant 0 : index
    %swap3A_323 = vector.load %arg132[%swap3A_320, %swap3A_321, %swap3A_322] : memref<4x192x195xf32, #tpu.memory_space<vmem>>, vector<4x192x195xf32>
    tpu.vector_store %arg132[%swap3A_320, %swap3A_321, %swap3A_322], %select_n3A_319 {strides = array<i32>} : memref<4x192x195xf32, #tpu.memory_space<vmem>>, vector<4x192x195xf32>,
    tpu.enqueue_dma source(%arg132 : memref<4x192x195xf32, #tpu.memory_space<vmem>>) target(%arg40 : memref<4x192x195xf32, #tpu.memory_space<any>>) target_semaphore(%arg138 : memref<!tpu.dma_semaphore, #tpu.memory_space<semaphore_mem>>)
    tpu.wait_dma2 semaphore(%arg139 : memref<!tpu.dma_semaphore, #tpu.memory_space<semaphore_mem>>) src(%arg133 : memref<4x192x195xf32, #tpu.memory_space<vmem>>) dst(%arg35 : memref<4x192x195xf32, #tpu.memory_space<any>>)
    %lt3A_324 = arith.constant 40 : i32
    %lt3A_325 = vector.broadcast %lt3A_324 : i32 to vector<4x192x195xi32>
    %lt3A_326 = arith.cmpi slt, %iota3A, %lt3A_325 : vector<4x192x195xi32>
    %select_n3A_327 = arith.select %lt3A_326, %get3A_2, %get3A_6 : vector<4x192x195xi1>, vector<4x192x195xf32>
    %swap3A_328 = arith.constant 0 : index
    %swap3A_329 = arith.constant 0 : index
    %swap3A_330 = arith.constant 0 : index
    %swap3A_331 = vector.load %arg133[%swap3A_328, %swap3A_329, %swap3A_330] : memref<4x192x195xf32, #tpu.memory_space<vmem>>, vector<4x192x195xf32>
    tpu.vector_store %arg133[%swap3A_328, %swap3A_329, %swap3A_330], %select_n3A_327 {strides = array<i32>} : memref<4x192x195xf32, #tpu.memory_space<vmem>>, vector<4x192x195xf32>,
    tpu.enqueue_dma source(%arg133 : memref<4x192x195xf32, #tpu.memory_space<vmem>>) target(%arg41 : memref<4x192x195xf32, #tpu.memory_space<any>>) target_semaphore(%arg139 : memref<!tpu.dma_semaphore, #tpu.memory_space<semaphore_mem>>)
    tpu.wait_dma2 semaphore(%arg140 : memref<!tpu.dma_semaphore, #tpu.memory_space<semaphore_mem>>) src(%arg134 : memref<4x192x195xf32, #tpu.memory_space<vmem>>) dst(%arg36 : memref<4x192x195xf32, #tpu.memory_space<any>>)
    %lt3A_332 = arith.constant 41 : i32
    %lt3A_333 = vector.broadcast %lt3A_332 : i32 to vector<4x192x195xi32>
    %lt3A_334 = arith.cmpi slt, %iota3A, %lt3A_333 : vector<4x192x195xi32>
    %select_n3A_335 = arith.select %lt3A_334, %get3A_2, %get3A_6 : vector<4x192x195xi1>, vector<4x192x195xf32>
    %swap3A_336 = arith.constant 0 : index
    %swap3A_337 = arith.constant 0 : index
    %swap3A_338 = arith.constant 0 : index
    %swap3A_339 = vector.load %arg134[%swap3A_336, %swap3A_337, %swap3A_338] : memref<4x192x195xf32, #tpu.memory_space<vmem>>, vector<4x192x195xf32>
    tpu.vector_store %arg134[%swap3A_336, %swap3A_337, %swap3A_338], %select_n3A_335 {strides = array<i32>} : memref<4x192x195xf32, #tpu.memory_space<vmem>>, vector<4x192x195xf32>,
    tpu.enqueue_dma source(%arg134 : memref<4x192x195xf32, #tpu.memory_space<vmem>>) target(%arg42 : memref<4x192x195xf32, #tpu.memory_space<any>>) target_semaphore(%arg140 : memref<!tpu.dma_semaphore, #tpu.memory_space<semaphore_mem>>)
    tpu.wait_dma2 semaphore(%arg135 : memref<!tpu.dma_semaphore, #tpu.memory_space<semaphore_mem>>) src(%arg129 : memref<4x192x195xf32, #tpu.memory_space<vmem>>) dst(%arg37 : memref<4x192x195xf32, #tpu.memory_space<any>>)
    %lt3A_340 = arith.constant 42 : i32
    %lt3A_341 = vector.broadcast %lt3A_340 : i32 to vector<4x192x195xi32>
    %lt3A_342 = arith.cmpi slt, %iota3A, %lt3A_341 : vector<4x192x195xi32>
    %select_n3A_343 = arith.select %lt3A_342, %get3A_2, %get3A_6 : vector<4x192x195xi1>, vector<4x192x195xf32>
    %swap3A_344 = arith.constant 0 : index
    %swap3A_345 = arith.constant 0 : index
    %swap3A_346 = arith.constant 0 : index
    %swap3A_347 = vector.load %arg129[%swap3A_344, %swap3A_345, %swap3A_346] : memref<4x192x195xf32, #tpu.memory_space<vmem>>, vector<4x192x195xf32>
    tpu.vector_store %arg129[%swap3A_344, %swap3A_345, %swap3A_346], %select_n3A_343 {strides = array<i32>} : memref<4x192x195xf32, #tpu.memory_space<vmem>>, vector<4x192x195xf32>,
    tpu.enqueue_dma source(%arg129 : memref<4x192x195xf32, #tpu.memory_space<vmem>>) target(%arg43 : memref<4x192x195xf32, #tpu.memory_space<any>>) target_semaphore(%arg135 : memref<!tpu.dma_semaphore, #tpu.memory_space<semaphore_mem>>)
    tpu.wait_dma2 semaphore(%arg136 : memref<!tpu.dma_semaphore, #tpu.memory_space<semaphore_mem>>) src(%arg130 : memref<4x192x195xf32, #tpu.memory_space<vmem>>) dst(%arg38 : memref<4x192x195xf32, #tpu.memory_space<any>>)
    %lt3A_348 = arith.constant 43 : i32
    %lt3A_349 = vector.broadcast %lt3A_348 : i32 to vector<4x192x195xi32>
    %lt3A_350 = arith.cmpi slt, %iota3A, %lt3A_349 : vector<4x192x195xi32>
    %select_n3A_351 = arith.select %lt3A_350, %get3A_2, %get3A_6 : vector<4x192x195xi1>, vector<4x192x195xf32>
    %swap3A_352 = arith.constant 0 : index
    %swap3A_353 = arith.constant 0 : index
    %swap3A_354 = arith.constant 0 : index
    %swap3A_355 = vector.load %arg130[%swap3A_352, %swap3A_353, %swap3A_354] : memref<4x192x195xf32, #tpu.memory_space<vmem>>, vector<4x192x195xf32>
    tpu.vector_store %arg130[%swap3A_352, %swap3A_353, %swap3A_354], %select_n3A_351 {strides = array<i32>} : memref<4x192x195xf32, #tpu.memory_space<vmem>>, vector<4x192x195xf32>,
    tpu.enqueue_dma source(%arg130 : memref<4x192x195xf32, #tpu.memory_space<vmem>>) target(%arg44 : memref<4x192x195xf32, #tpu.memory_space<any>>) target_semaphore(%arg136 : memref<!tpu.dma_semaphore, #tpu.memory_space<semaphore_mem>>)
    tpu.wait_dma2 semaphore(%arg137 : memref<!tpu.dma_semaphore, #tpu.memory_space<semaphore_mem>>) src(%arg131 : memref<4x192x195xf32, #tpu.memory_space<vmem>>) dst(%arg39 : memref<4x192x195xf32, #tpu.memory_space<any>>)
    %lt3A_356 = arith.constant 44 : i32
    %lt3A_357 = vector.broadcast %lt3A_356 : i32 to vector<4x192x195xi32>
    %lt3A_358 = arith.cmpi slt, %iota3A, %lt3A_357 : vector<4x192x195xi32>
    %select_n3A_359 = arith.select %lt3A_358, %get3A_2, %get3A_6 : vector<4x192x195xi1>, vector<4x192x195xf32>
    %swap3A_360 = arith.constant 0 : index
    %swap3A_361 = arith.constant 0 : index
    %swap3A_362 = arith.constant 0 : index
    %swap3A_363 = vector.load %arg131[%swap3A_360, %swap3A_361, %swap3A_362] : memref<4x192x195xf32, #tpu.memory_space<vmem>>, vector<4x192x195xf32>
    tpu.vector_store %arg131[%swap3A_360, %swap3A_361, %swap3A_362], %select_n3A_359 {strides = array<i32>} : memref<4x192x195xf32, #tpu.memory_space<vmem>>, vector<4x192x195xf32>,
    tpu.enqueue_dma source(%arg131 : memref<4x192x195xf32, #tpu.memory_space<vmem>>) target(%arg45 : memref<4x192x195xf32, #tpu.memory_space<any>>) target_semaphore(%arg137 : memref<!tpu.dma_semaphore, #tpu.memory_space<semaphore_mem>>)
    tpu.wait_dma2 semaphore(%arg138 : memref<!tpu.dma_semaphore, #tpu.memory_space<semaphore_mem>>) src(%arg132 : memref<4x192x195xf32, #tpu.memory_space<vmem>>) dst(%arg40 : memref<4x192x195xf32, #tpu.memory_space<any>>)
    %lt3A_364 = arith.constant 45 : i32
    %lt3A_365 = vector.broadcast %lt3A_364 : i32 to vector<4x192x195xi32>
    %lt3A_366 = arith.cmpi slt, %iota3A, %lt3A_365 : vector<4x192x195xi32>
    %select_n3A_367 = arith.select %lt3A_366, %get3A_2, %get3A_6 : vector<4x192x195xi1>, vector<4x192x195xf32>
    %swap3A_368 = arith.constant 0 : index
    %swap3A_369 = arith.constant 0 : index
    %swap3A_370 = arith.constant 0 : index
    %swap3A_371 = vector.load %arg132[%swap3A_368, %swap3A_369, %swap3A_370] : memref<4x192x195xf32, #tpu.memory_space<vmem>>, vector<4x192x195xf32>
    tpu.vector_store %arg132[%swap3A_368, %swap3A_369, %swap3A_370], %select_n3A_367 {strides = array<i32>} : memref<4x192x195xf32, #tpu.memory_space<vmem>>, vector<4x192x195xf32>,
    tpu.enqueue_dma source(%arg132 : memref<4x192x195xf32, #tpu.memory_space<vmem>>) target(%arg46 : memref<4x192x195xf32, #tpu.memory_space<any>>) target_semaphore(%arg138 : memref<!tpu.dma_semaphore, #tpu.memory_space<semaphore_mem>>)
    tpu.wait_dma2 semaphore(%arg139 : memref<!tpu.dma_semaphore, #tpu.memory_space<semaphore_mem>>) src(%arg133 : memref<4x192x195xf32, #tpu.memory_space<vmem>>) dst(%arg41 : memref<4x192x195xf32, #tpu.memory_space<any>>)
    %lt3A_372 = arith.constant 46 : i32
    %lt3A_373 = vector.broadcast %lt3A_372 : i32 to vector<4x192x195xi32>
    %lt3A_374 = arith.cmpi slt, %iota3A, %lt3A_373 : vector<4x192x195xi32>
    %select_n3A_375 = arith.select %lt3A_374, %get3A_2, %get3A_6 : vector<4x192x195xi1>, vector<4x192x195xf32>
    %swap3A_376 = arith.constant 0 : index
    %swap3A_377 = arith.constant 0 : index
    %swap3A_378 = arith.constant 0 : index
    %swap3A_379 = vector.load %arg133[%swap3A_376, %swap3A_377, %swap3A_378] : memref<4x192x195xf32, #tpu.memory_space<vmem>>, vector<4x192x195xf32>
    tpu.vector_store %arg133[%swap3A_376, %swap3A_377, %swap3A_378], %select_n3A_375 {strides = array<i32>} : memref<4x192x195xf32, #tpu.memory_space<vmem>>, vector<4x192x195xf32>,
    tpu.enqueue_dma source(%arg133 : memref<4x192x195xf32, #tpu.memory_space<vmem>>) target(%arg47 : memref<4x192x195xf32, #tpu.memory_space<any>>) target_semaphore(%arg139 : memref<!tpu.dma_semaphore, #tpu.memory_space<semaphore_mem>>)
    tpu.wait_dma2 semaphore(%arg140 : memref<!tpu.dma_semaphore, #tpu.memory_space<semaphore_mem>>) src(%arg134 : memref<4x192x195xf32, #tpu.memory_space<vmem>>) dst(%arg42 : memref<4x192x195xf32, #tpu.memory_space<any>>)
    %lt3A_380 = arith.constant 47 : i32
    %lt3A_381 = vector.broadcast %lt3A_380 : i32 to vector<4x192x195xi32>
    %lt3A_382 = arith.cmpi slt, %iota3A, %lt3A_381 : vector<4x192x195xi32>
    %select_n3A_383 = arith.select %lt3A_382, %get3A_2, %get3A_6 : vector<4x192x195xi1>, vector<4x192x195xf32>
    %swap3A_384 = arith.constant 0 : index
    %swap3A_385 = arith.constant 0 : index
    %swap3A_386 = arith.constant 0 : index
    %swap3A_387 = vector.load %arg134[%swap3A_384, %swap3A_385, %swap3A_386] : memref<4x192x195xf32, #tpu.memory_space<vmem>>, vector<4x192x195xf32>
    tpu.vector_store %arg134[%swap3A_384, %swap3A_385, %swap3A_386], %select_n3A_383 {strides = array<i32>} : memref<4x192x195xf32, #tpu.memory_space<vmem>>, vector<4x192x195xf32>,
    tpu.enqueue_dma source(%arg134 : memref<4x192x195xf32, #tpu.memory_space<vmem>>) target(%arg48 : memref<4x192x195xf32, #tpu.memory_space<any>>) target_semaphore(%arg140 : memref<!tpu.dma_semaphore, #tpu.memory_space<semaphore_mem>>)
    tpu.wait_dma2 semaphore(%arg135 : memref<!tpu.dma_semaphore, #tpu.memory_space<semaphore_mem>>) src(%arg129 : memref<4x192x195xf32, #tpu.memory_space<vmem>>) dst(%arg43 : memref<4x192x195xf32, #tpu.memory_space<any>>)
    %lt3A_388 = arith.constant 48 : i32
    %lt3A_389 = vector.broadcast %lt3A_388 : i32 to vector<4x192x195xi32>
    %lt3A_390 = arith.cmpi slt, %iota3A, %lt3A_389 : vector<4x192x195xi32>
    %select_n3A_391 = arith.select %lt3A_390, %get3A_2, %get3A_6 : vector<4x192x195xi1>, vector<4x192x195xf32>
    %swap3A_392 = arith.constant 0 : index
    %swap3A_393 = arith.constant 0 : index
    %swap3A_394 = arith.constant 0 : index
    %swap3A_395 = vector.load %arg129[%swap3A_392, %swap3A_393, %swap3A_394] : memref<4x192x195xf32, #tpu.memory_space<vmem>>, vector<4x192x195xf32>
    tpu.vector_store %arg129[%swap3A_392, %swap3A_393, %swap3A_394], %select_n3A_391 {strides = array<i32>} : memref<4x192x195xf32, #tpu.memory_space<vmem>>, vector<4x192x195xf32>,
    tpu.enqueue_dma source(%arg129 : memref<4x192x195xf32, #tpu.memory_space<vmem>>) target(%arg49 : memref<4x192x195xf32, #tpu.memory_space<any>>) target_semaphore(%arg135 : memref<!tpu.dma_semaphore, #tpu.memory_space<semaphore_mem>>)
    tpu.wait_dma2 semaphore(%arg136 : memref<!tpu.dma_semaphore, #tpu.memory_space<semaphore_mem>>) src(%arg130 : memref<4x192x195xf32, #tpu.memory_space<vmem>>) dst(%arg44 : memref<4x192x195xf32, #tpu.memory_space<any>>)
    %lt3A_396 = arith.constant 49 : i32
    %lt3A_397 = vector.broadcast %lt3A_396 : i32 to vector<4x192x195xi32>
    %lt3A_398 = arith.cmpi slt, %iota3A, %lt3A_397 : vector<4x192x195xi32>
    %select_n3A_399 = arith.select %lt3A_398, %get3A_2, %get3A_6 : vector<4x192x195xi1>, vector<4x192x195xf32>
    %swap3A_400 = arith.constant 0 : index
    %swap3A_401 = arith.constant 0 : index
    %swap3A_402 = arith.constant 0 : index
    %swap3A_403 = vector.load %arg130[%swap3A_400, %swap3A_401, %swap3A_402] : memref<4x192x195xf32, #tpu.memory_space<vmem>>, vector<4x192x195xf32>
    tpu.vector_store %arg130[%swap3A_400, %swap3A_401, %swap3A_402], %select_n3A_399 {strides = array<i32>} : memref<4x192x195xf32, #tpu.memory_space<vmem>>, vector<4x192x195xf32>,
    tpu.enqueue_dma source(%arg130 : memref<4x192x195xf32, #tpu.memory_space<vmem>>) target(%arg50 : memref<4x192x195xf32, #tpu.memory_space<any>>) target_semaphore(%arg136 : memref<!tpu.dma_semaphore, #tpu.memory_space<semaphore_mem>>)
    tpu.wait_dma2 semaphore(%arg137 : memref<!tpu.dma_semaphore, #tpu.memory_space<semaphore_mem>>) src(%arg131 : memref<4x192x195xf32, #tpu.memory_space<vmem>>) dst(%arg45 : memref<4x192x195xf32, #tpu.memory_space<any>>)
    %lt3A_404 = arith.constant 50 : i32
    %lt3A_405 = vector.broadcast %lt3A_404 : i32 to vector<4x192x195xi32>
    %lt3A_406 = arith.cmpi slt, %iota3A, %lt3A_405 : vector<4x192x195xi32>
    %select_n3A_407 = arith.select %lt3A_406, %get3A_2, %get3A_6 : vector<4x192x195xi1>, vector<4x192x195xf32>
    %swap3A_408 = arith.constant 0 : index
    %swap3A_409 = arith.constant 0 : index
    %swap3A_410 = arith.constant 0 : index
    %swap3A_411 = vector.load %arg131[%swap3A_408, %swap3A_409, %swap3A_410] : memref<4x192x195xf32, #tpu.memory_space<vmem>>, vector<4x192x195xf32>
    tpu.vector_store %arg131[%swap3A_408, %swap3A_409, %swap3A_410], %select_n3A_407 {strides = array<i32>} : memref<4x192x195xf32, #tpu.memory_space<vmem>>, vector<4x192x195xf32>,
    tpu.enqueue_dma source(%arg131 : memref<4x192x195xf32, #tpu.memory_space<vmem>>) target(%arg51 : memref<4x192x195xf32, #tpu.memory_space<any>>) target_semaphore(%arg137 : memref<!tpu.dma_semaphore, #tpu.memory_space<semaphore_mem>>)
    tpu.wait_dma2 semaphore(%arg138 : memref<!tpu.dma_semaphore, #tpu.memory_space<semaphore_mem>>) src(%arg132 : memref<4x192x195xf32, #tpu.memory_space<vmem>>) dst(%arg46 : memref<4x192x195xf32, #tpu.memory_space<any>>)
    %lt3A_412 = arith.constant 51 : i32
    %lt3A_413 = vector.broadcast %lt3A_412 : i32 to vector<4x192x195xi32>
    %lt3A_414 = arith.cmpi slt, %iota3A, %lt3A_413 : vector<4x192x195xi32>
    %select_n3A_415 = arith.select %lt3A_414, %get3A_2, %get3A_6 : vector<4x192x195xi1>, vector<4x192x195xf32>
    %swap3A_416 = arith.constant 0 : index
    %swap3A_417 = arith.constant 0 : index
    %swap3A_418 = arith.constant 0 : index
    %swap3A_419 = vector.load %arg132[%swap3A_416, %swap3A_417, %swap3A_418] : memref<4x192x195xf32, #tpu.memory_space<vmem>>, vector<4x192x195xf32>
    tpu.vector_store %arg132[%swap3A_416, %swap3A_417, %swap3A_418], %select_n3A_415 {strides = array<i32>} : memref<4x192x195xf32, #tpu.memory_space<vmem>>, vector<4x192x195xf32>,
    tpu.enqueue_dma source(%arg132 : memref<4x192x195xf32, #tpu.memory_space<vmem>>) target(%arg52 : memref<4x192x195xf32, #tpu.memory_space<any>>) target_semaphore(%arg138 : memref<!tpu.dma_semaphore, #tpu.memory_space<semaphore_mem>>)
    tpu.wait_dma2 semaphore(%arg139 : memref<!tpu.dma_semaphore, #tpu.memory_space<semaphore_mem>>) src(%arg133 : memref<4x192x195xf32, #tpu.memory_space<vmem>>) dst(%arg47 : memref<4x192x195xf32, #tpu.memory_space<any>>)
    %lt3A_420 = arith.constant 52 : i32
    %lt3A_421 = vector.broadcast %lt3A_420 : i32 to vector<4x192x195xi32>
    %lt3A_422 = arith.cmpi slt, %iota3A, %lt3A_421 : vector<4x192x195xi32>
    %select_n3A_423 = arith.select %lt3A_422, %get3A_2, %get3A_6 : vector<4x192x195xi1>, vector<4x192x195xf32>
    %swap3A_424 = arith.constant 0 : index
    %swap3A_425 = arith.constant 0 : index
    %swap3A_426 = arith.constant 0 : index
    %swap3A_427 = vector.load %arg133[%swap3A_424, %swap3A_425, %swap3A_426] : memref<4x192x195xf32, #tpu.memory_space<vmem>>, vector<4x192x195xf32>
    tpu.vector_store %arg133[%swap3A_424, %swap3A_425, %swap3A_426], %select_n3A_423 {strides = array<i32>} : memref<4x192x195xf32, #tpu.memory_space<vmem>>, vector<4x192x195xf32>,
    tpu.enqueue_dma source(%arg133 : memref<4x192x195xf32, #tpu.memory_space<vmem>>) target(%arg53 : memref<4x192x195xf32, #tpu.memory_space<any>>) target_semaphore(%arg139 : memref<!tpu.dma_semaphore, #tpu.memory_space<semaphore_mem>>)
    tpu.wait_dma2 semaphore(%arg140 : memref<!tpu.dma_semaphore, #tpu.memory_space<semaphore_mem>>) src(%arg134 : memref<4x192x195xf32, #tpu.memory_space<vmem>>) dst(%arg48 : memref<4x192x195xf32, #tpu.memory_space<any>>)
    %lt3A_428 = arith.constant 53 : i32
    %lt3A_429 = vector.broadcast %lt3A_428 : i32 to vector<4x192x195xi32>
    %lt3A_430 = arith.cmpi slt, %iota3A, %lt3A_429 : vector<4x192x195xi32>
    %select_n3A_431 = arith.select %lt3A_430, %get3A_2, %get3A_6 : vector<4x192x195xi1>, vector<4x192x195xf32>
    %swap3A_432 = arith.constant 0 : index
    %swap3A_433 = arith.constant 0 : index
    %swap3A_434 = arith.constant 0 : index
    %swap3A_435 = vector.load %arg134[%swap3A_432, %swap3A_433, %swap3A_434] : memref<4x192x195xf32, #tpu.memory_space<vmem>>, vector<4x192x195xf32>
    tpu.vector_store %arg134[%swap3A_432, %swap3A_433, %swap3A_434], %select_n3A_431 {strides = array<i32>} : memref<4x192x195xf32, #tpu.memory_space<vmem>>, vector<4x192x195xf32>,
    tpu.enqueue_dma source(%arg134 : memref<4x192x195xf32, #tpu.memory_space<vmem>>) target(%arg54 : memref<4x192x195xf32, #tpu.memory_space<any>>) target_semaphore(%arg140 : memref<!tpu.dma_semaphore, #tpu.memory_space<semaphore_mem>>)
    tpu.wait_dma2 semaphore(%arg135 : memref<!tpu.dma_semaphore, #tpu.memory_space<semaphore_mem>>) src(%arg129 : memref<4x192x195xf32, #tpu.memory_space<vmem>>) dst(%arg49 : memref<4x192x195xf32, #tpu.memory_space<any>>)
    %lt3A_436 = arith.constant 54 : i32
    %lt3A_437 = vector.broadcast %lt3A_436 : i32 to vector<4x192x195xi32>
    %lt3A_438 = arith.cmpi slt, %iota3A, %lt3A_437 : vector<4x192x195xi32>
    %select_n3A_439 = arith.select %lt3A_438, %get3A_2, %get3A_6 : vector<4x192x195xi1>, vector<4x192x195xf32>
    %swap3A_440 = arith.constant 0 : index
    %swap3A_441 = arith.constant 0 : index
    %swap3A_442 = arith.constant 0 : index
    %swap3A_443 = vector.load %arg129[%swap3A_440, %swap3A_441, %swap3A_442] : memref<4x192x195xf32, #tpu.memory_space<vmem>>, vector<4x192x195xf32>
    tpu.vector_store %arg129[%swap3A_440, %swap3A_441, %swap3A_442], %select_n3A_439 {strides = array<i32>} : memref<4x192x195xf32, #tpu.memory_space<vmem>>, vector<4x192x195xf32>,
    tpu.enqueue_dma source(%arg129 : memref<4x192x195xf32, #tpu.memory_space<vmem>>) target(%arg55 : memref<4x192x195xf32, #tpu.memory_space<any>>) target_semaphore(%arg135 : memref<!tpu.dma_semaphore, #tpu.memory_space<semaphore_mem>>)
    tpu.wait_dma2 semaphore(%arg136 : memref<!tpu.dma_semaphore, #tpu.memory_space<semaphore_mem>>) src(%arg130 : memref<4x192x195xf32, #tpu.memory_space<vmem>>) dst(%arg50 : memref<4x192x195xf32, #tpu.memory_space<any>>)
    %lt3A_444 = arith.constant 55 : i32
    %lt3A_445 = vector.broadcast %lt3A_444 : i32 to vector<4x192x195xi32>
    %lt3A_446 = arith.cmpi slt, %iota3A, %lt3A_445 : vector<4x192x195xi32>
    %select_n3A_447 = arith.select %lt3A_446, %get3A_2, %get3A_6 : vector<4x192x195xi1>, vector<4x192x195xf32>
    %swap3A_448 = arith.constant 0 : index
    %swap3A_449 = arith.constant 0 : index
    %swap3A_450 = arith.constant 0 : index
    %swap3A_451 = vector.load %arg130[%swap3A_448, %swap3A_449, %swap3A_450] : memref<4x192x195xf32, #tpu.memory_space<vmem>>, vector<4x192x195xf32>
    tpu.vector_store %arg130[%swap3A_448, %swap3A_449, %swap3A_450], %select_n3A_447 {strides = array<i32>} : memref<4x192x195xf32, #tpu.memory_space<vmem>>, vector<4x192x195xf32>,
    tpu.enqueue_dma source(%arg130 : memref<4x192x195xf32, #tpu.memory_space<vmem>>) target(%arg56 : memref<4x192x195xf32, #tpu.memory_space<any>>) target_semaphore(%arg136 : memref<!tpu.dma_semaphore, #tpu.memory_space<semaphore_mem>>)
    tpu.wait_dma2 semaphore(%arg137 : memref<!tpu.dma_semaphore, #tpu.memory_space<semaphore_mem>>) src(%arg131 : memref<4x192x195xf32, #tpu.memory_space<vmem>>) dst(%arg51 : memref<4x192x195xf32, #tpu.memory_space<any>>)
    %lt3A_452 = arith.constant 56 : i32
    %lt3A_453 = vector.broadcast %lt3A_452 : i32 to vector<4x192x195xi32>
    %lt3A_454 = arith.cmpi slt, %iota3A, %lt3A_453 : vector<4x192x195xi32>
    %select_n3A_455 = arith.select %lt3A_454, %get3A_2, %get3A_6 : vector<4x192x195xi1>, vector<4x192x195xf32>
    %swap3A_456 = arith.constant 0 : index
    %swap3A_457 = arith.constant 0 : index
    %swap3A_458 = arith.constant 0 : index
    %swap3A_459 = vector.load %arg131[%swap3A_456, %swap3A_457, %swap3A_458] : memref<4x192x195xf32, #tpu.memory_space<vmem>>, vector<4x192x195xf32>
    tpu.vector_store %arg131[%swap3A_456, %swap3A_457, %swap3A_458], %select_n3A_455 {strides = array<i32>} : memref<4x192x195xf32, #tpu.memory_space<vmem>>, vector<4x192x195xf32>,
    tpu.enqueue_dma source(%arg131 : memref<4x192x195xf32, #tpu.memory_space<vmem>>) target(%arg57 : memref<4x192x195xf32, #tpu.memory_space<any>>) target_semaphore(%arg137 : memref<!tpu.dma_semaphore, #tpu.memory_space<semaphore_mem>>)
    tpu.wait_dma2 semaphore(%arg138 : memref<!tpu.dma_semaphore, #tpu.memory_space<semaphore_mem>>) src(%arg132 : memref<4x192x195xf32, #tpu.memory_space<vmem>>) dst(%arg52 : memref<4x192x195xf32, #tpu.memory_space<any>>)
    %lt3A_460 = arith.constant 57 : i32
    %lt3A_461 = vector.broadcast %lt3A_460 : i32 to vector<4x192x195xi32>
    %lt3A_462 = arith.cmpi slt, %iota3A, %lt3A_461 : vector<4x192x195xi32>
    %select_n3A_463 = arith.select %lt3A_462, %get3A_2, %get3A_6 : vector<4x192x195xi1>, vector<4x192x195xf32>
    %swap3A_464 = arith.constant 0 : index
    %swap3A_465 = arith.constant 0 : index
    %swap3A_466 = arith.constant 0 : index
    %swap3A_467 = vector.load %arg132[%swap3A_464, %swap3A_465, %swap3A_466] : memref<4x192x195xf32, #tpu.memory_space<vmem>>, vector<4x192x195xf32>
    tpu.vector_store %arg132[%swap3A_464, %swap3A_465, %swap3A_466], %select_n3A_463 {strides = array<i32>} : memref<4x192x195xf32, #tpu.memory_space<vmem>>, vector<4x192x195xf32>,
    tpu.enqueue_dma source(%arg132 : memref<4x192x195xf32, #tpu.memory_space<vmem>>) target(%arg58 : memref<4x192x195xf32, #tpu.memory_space<any>>) target_semaphore(%arg138 : memref<!tpu.dma_semaphore, #tpu.memory_space<semaphore_mem>>)
    tpu.wait_dma2 semaphore(%arg139 : memref<!tpu.dma_semaphore, #tpu.memory_space<semaphore_mem>>) src(%arg133 : memref<4x192x195xf32, #tpu.memory_space<vmem>>) dst(%arg53 : memref<4x192x195xf32, #tpu.memory_space<any>>)
    %lt3A_468 = arith.constant 58 : i32
    %lt3A_469 = vector.broadcast %lt3A_468 : i32 to vector<4x192x195xi32>
    %lt3A_470 = arith.cmpi slt, %iota3A, %lt3A_469 : vector<4x192x195xi32>
    %select_n3A_471 = arith.select %lt3A_470, %get3A_2, %get3A_6 : vector<4x192x195xi1>, vector<4x192x195xf32>
    %swap3A_472 = arith.constant 0 : index
    %swap3A_473 = arith.constant 0 : index
    %swap3A_474 = arith.constant 0 : index
    %swap3A_475 = vector.load %arg133[%swap3A_472, %swap3A_473, %swap3A_474] : memref<4x192x195xf32, #tpu.memory_space<vmem>>, vector<4x192x195xf32>
    tpu.vector_store %arg133[%swap3A_472, %swap3A_473, %swap3A_474], %select_n3A_471 {strides = array<i32>} : memref<4x192x195xf32, #tpu.memory_space<vmem>>, vector<4x192x195xf32>,
    tpu.enqueue_dma source(%arg133 : memref<4x192x195xf32, #tpu.memory_space<vmem>>) target(%arg59 : memref<4x192x195xf32, #tpu.memory_space<any>>) target_semaphore(%arg139 : memref<!tpu.dma_semaphore, #tpu.memory_space<semaphore_mem>>)
    tpu.wait_dma2 semaphore(%arg140 : memref<!tpu.dma_semaphore, #tpu.memory_space<semaphore_mem>>) src(%arg134 : memref<4x192x195xf32, #tpu.memory_space<vmem>>) dst(%arg54 : memref<4x192x195xf32, #tpu.memory_space<any>>)
    %lt3A_476 = arith.constant 59 : i32
    %lt3A_477 = vector.broadcast %lt3A_476 : i32 to vector<4x192x195xi32>
    %lt3A_478 = arith.cmpi slt, %iota3A, %lt3A_477 : vector<4x192x195xi32>
    %select_n3A_479 = arith.select %lt3A_478, %get3A_2, %get3A_6 : vector<4x192x195xi1>, vector<4x192x195xf32>
    %swap3A_480 = arith.constant 0 : index
    %swap3A_481 = arith.constant 0 : index
    %swap3A_482 = arith.constant 0 : index
    %swap3A_483 = vector.load %arg134[%swap3A_480, %swap3A_481, %swap3A_482] : memref<4x192x195xf32, #tpu.memory_space<vmem>>, vector<4x192x195xf32>
    tpu.vector_store %arg134[%swap3A_480, %swap3A_481, %swap3A_482], %select_n3A_479 {strides = array<i32>} : memref<4x192x195xf32, #tpu.memory_space<vmem>>, vector<4x192x195xf32>,
    tpu.enqueue_dma source(%arg134 : memref<4x192x195xf32, #tpu.memory_space<vmem>>) target(%arg60 : memref<4x192x195xf32, #tpu.memory_space<any>>) target_semaphore(%arg140 : memref<!tpu.dma_semaphore, #tpu.memory_space<semaphore_mem>>)
    tpu.wait_dma2 semaphore(%arg135 : memref<!tpu.dma_semaphore, #tpu.memory_space<semaphore_mem>>) src(%arg129 : memref<4x192x195xf32, #tpu.memory_space<vmem>>) dst(%arg55 : memref<4x192x195xf32, #tpu.memory_space<any>>)
    %lt3A_484 = arith.constant 60 : i32
    %lt3A_485 = vector.broadcast %lt3A_484 : i32 to vector<4x192x195xi32>
    %lt3A_486 = arith.cmpi slt, %iota3A, %lt3A_485 : vector<4x192x195xi32>
    %select_n3A_487 = arith.select %lt3A_486, %get3A_2, %get3A_6 : vector<4x192x195xi1>, vector<4x192x195xf32>
    %swap3A_488 = arith.constant 0 : index
    %swap3A_489 = arith.constant 0 : index
    %swap3A_490 = arith.constant 0 : index
    %swap3A_491 = vector.load %arg129[%swap3A_488, %swap3A_489, %swap3A_490] : memref<4x192x195xf32, #tpu.memory_space<vmem>>, vector<4x192x195xf32>
    tpu.vector_store %arg129[%swap3A_488, %swap3A_489, %swap3A_490], %select_n3A_487 {strides = array<i32>} : memref<4x192x195xf32, #tpu.memory_space<vmem>>, vector<4x192x195xf32>,
    tpu.enqueue_dma source(%arg129 : memref<4x192x195xf32, #tpu.memory_space<vmem>>) target(%arg61 : memref<4x192x195xf32, #tpu.memory_space<any>>) target_semaphore(%arg135 : memref<!tpu.dma_semaphore, #tpu.memory_space<semaphore_mem>>)
    tpu.wait_dma2 semaphore(%arg136 : memref<!tpu.dma_semaphore, #tpu.memory_space<semaphore_mem>>) src(%arg130 : memref<4x192x195xf32, #tpu.memory_space<vmem>>) dst(%arg56 : memref<4x192x195xf32, #tpu.memory_space<any>>)
    %lt3A_492 = arith.constant 61 : i32
    %lt3A_493 = vector.broadcast %lt3A_492 : i32 to vector<4x192x195xi32>
    %lt3A_494 = arith.cmpi slt, %iota3A, %lt3A_493 : vector<4x192x195xi32>
    %select_n3A_495 = arith.select %lt3A_494, %get3A_2, %get3A_6 : vector<4x192x195xi1>, vector<4x192x195xf32>
    %swap3A_496 = arith.constant 0 : index
    %swap3A_497 = arith.constant 0 : index
    %swap3A_498 = arith.constant 0 : index
    %swap3A_499 = vector.load %arg130[%swap3A_496, %swap3A_497, %swap3A_498] : memref<4x192x195xf32, #tpu.memory_space<vmem>>, vector<4x192x195xf32>
    tpu.vector_store %arg130[%swap3A_496, %swap3A_497, %swap3A_498], %select_n3A_495 {strides = array<i32>} : memref<4x192x195xf32, #tpu.memory_space<vmem>>, vector<4x192x195xf32>,
    tpu.enqueue_dma source(%arg130 : memref<4x192x195xf32, #tpu.memory_space<vmem>>) target(%arg62 : memref<4x192x195xf32, #tpu.memory_space<any>>) target_semaphore(%arg136 : memref<!tpu.dma_semaphore, #tpu.memory_space<semaphore_mem>>)
    tpu.wait_dma2 semaphore(%arg137 : memref<!tpu.dma_semaphore, #tpu.memory_space<semaphore_mem>>) src(%arg131 : memref<4x192x195xf32, #tpu.memory_space<vmem>>) dst(%arg57 : memref<4x192x195xf32, #tpu.memory_space<any>>)
    %lt3A_500 = arith.constant 62 : i32
    %lt3A_501 = vector.broadcast %lt3A_500 : i32 to vector<4x192x195xi32>
    %lt3A_502 = arith.cmpi slt, %iota3A, %lt3A_501 : vector<4x192x195xi32>
    %select_n3A_503 = arith.select %lt3A_502, %get3A_2, %get3A_6 : vector<4x192x195xi1>, vector<4x192x195xf32>
    %swap3A_504 = arith.constant 0 : index
    %swap3A_505 = arith.constant 0 : index
    %swap3A_506 = arith.constant 0 : index
    %swap3A_507 = vector.load %arg131[%swap3A_504, %swap3A_505, %swap3A_506] : memref<4x192x195xf32, #tpu.memory_space<vmem>>, vector<4x192x195xf32>
    tpu.vector_store %arg131[%swap3A_504, %swap3A_505, %swap3A_506], %select_n3A_503 {strides = array<i32>} : memref<4x192x195xf32, #tpu.memory_space<vmem>>, vector<4x192x195xf32>,
    tpu.enqueue_dma source(%arg131 : memref<4x192x195xf32, #tpu.memory_space<vmem>>) target(%arg63 : memref<4x192x195xf32, #tpu.memory_space<any>>) target_semaphore(%arg137 : memref<!tpu.dma_semaphore, #tpu.memory_space<semaphore_mem>>)
    tpu.wait_dma2 semaphore(%arg138 : memref<!tpu.dma_semaphore, #tpu.memory_space<semaphore_mem>>) src(%arg132 : memref<4x192x195xf32, #tpu.memory_space<vmem>>) dst(%arg58 : memref<4x192x195xf32, #tpu.memory_space<any>>)
    %lt3A_508 = arith.constant 63 : i32
    %lt3A_509 = vector.broadcast %lt3A_508 : i32 to vector<4x192x195xi32>
    %lt3A_510 = arith.cmpi slt, %iota3A, %lt3A_509 : vector<4x192x195xi32>
    %select_n3A_511 = arith.select %lt3A_510, %get3A_2, %get3A_6 : vector<4x192x195xi1>, vector<4x192x195xf32>
    %swap3A_512 = arith.constant 0 : index
    %swap3A_513 = arith.constant 0 : index
    %swap3A_514 = arith.constant 0 : index
    %swap3A_515 = vector.load %arg132[%swap3A_512, %swap3A_513, %swap3A_514] : memref<4x192x195xf32, #tpu.memory_space<vmem>>, vector<4x192x195xf32>
    tpu.vector_store %arg132[%swap3A_512, %swap3A_513, %swap3A_514], %select_n3A_511 {strides = array<i32>} : memref<4x192x195xf32, #tpu.memory_space<vmem>>, vector<4x192x195xf32>,
    tpu.enqueue_dma source(%arg132 : memref<4x192x195xf32, #tpu.memory_space<vmem>>) target(%arg64 : memref<4x192x195xf32, #tpu.memory_space<any>>) target_semaphore(%arg138 : memref<!tpu.dma_semaphore, #tpu.memory_space<semaphore_mem>>)
    tpu.wait_dma2 semaphore(%arg139 : memref<!tpu.dma_semaphore, #tpu.memory_space<semaphore_mem>>) src(%arg133 : memref<4x192x195xf32, #tpu.memory_space<vmem>>) dst(%arg59 : memref<4x192x195xf32, #tpu.memory_space<any>>)
    %lt3A_516 = arith.constant 64 : i32
    %lt3A_517 = vector.broadcast %lt3A_516 : i32 to vector<4x192x195xi32>
    %lt3A_518 = arith.cmpi slt, %iota3A, %lt3A_517 : vector<4x192x195xi32>
    %select_n3A_519 = arith.select %lt3A_518, %get3A_2, %get3A_6 : vector<4x192x195xi1>, vector<4x192x195xf32>
    %swap3A_520 = arith.constant 0 : index
    %swap3A_521 = arith.constant 0 : index
    %swap3A_522 = arith.constant 0 : index
    %swap3A_523 = vector.load %arg133[%swap3A_520, %swap3A_521, %swap3A_522] : memref<4x192x195xf32, #tpu.memory_space<vmem>>, vector<4x192x195xf32>
    tpu.vector_store %arg133[%swap3A_520, %swap3A_521, %swap3A_522], %select_n3A_519 {strides = array<i32>} : memref<4x192x195xf32, #tpu.memory_space<vmem>>, vector<4x192x195xf32>,
    tpu.enqueue_dma source(%arg133 : memref<4x192x195xf32, #tpu.memory_space<vmem>>) target(%arg65 : memref<4x192x195xf32, #tpu.memory_space<any>>) target_semaphore(%arg139 : memref<!tpu.dma_semaphore, #tpu.memory_space<semaphore_mem>>)
    tpu.wait_dma2 semaphore(%arg140 : memref<!tpu.dma_semaphore, #tpu.memory_space<semaphore_mem>>) src(%arg134 : memref<4x192x195xf32, #tpu.memory_space<vmem>>) dst(%arg60 : memref<4x192x195xf32, #tpu.memory_space<any>>)
    %lt3A_524 = arith.constant 65 : i32
    %lt3A_525 = vector.broadcast %lt3A_524 : i32 to vector<4x192x195xi32>
    %lt3A_526 = arith.cmpi slt, %iota3A, %lt3A_525 : vector<4x192x195xi32>
    %select_n3A_527 = arith.select %lt3A_526, %get3A_2, %get3A_6 : vector<4x192x195xi1>, vector<4x192x195xf32>
    %swap3A_528 = arith.constant 0 : index
    %swap3A_529 = arith.constant 0 : index
    %swap3A_530 = arith.constant 0 : index
    %swap3A_531 = vector.load %arg134[%swap3A_528, %swap3A_529, %swap3A_530] : memref<4x192x195xf32, #tpu.memory_space<vmem>>, vector<4x192x195xf32>
    tpu.vector_store %arg134[%swap3A_528, %swap3A_529, %swap3A_530], %select_n3A_527 {strides = array<i32>} : memref<4x192x195xf32, #tpu.memory_space<vmem>>, vector<4x192x195xf32>,
    tpu.enqueue_dma source(%arg134 : memref<4x192x195xf32, #tpu.memory_space<vmem>>) target(%arg66 : memref<4x192x195xf32, #tpu.memory_space<any>>) target_semaphore(%arg140 : memref<!tpu.dma_semaphore, #tpu.memory_space<semaphore_mem>>)
    tpu.wait_dma2 semaphore(%arg135 : memref<!tpu.dma_semaphore, #tpu.memory_space<semaphore_mem>>) src(%arg129 : memref<4x192x195xf32, #tpu.memory_space<vmem>>) dst(%arg61 : memref<4x192x195xf32, #tpu.memory_space<any>>)
    %lt3A_532 = arith.constant 66 : i32
    %lt3A_533 = vector.broadcast %lt3A_532 : i32 to vector<4x192x195xi32>
    %lt3A_534 = arith.cmpi slt, %iota3A, %lt3A_533 : vector<4x192x195xi32>
    %select_n3A_535 = arith.select %lt3A_534, %get3A_2, %get3A_6 : vector<4x192x195xi1>, vector<4x192x195xf32>
    %swap3A_536 = arith.constant 0 : index
    %swap3A_537 = arith.constant 0 : index
    %swap3A_538 = arith.constant 0 : index
    %swap3A_539 = vector.load %arg129[%swap3A_536, %swap3A_537, %swap3A_538] : memref<4x192x195xf32, #tpu.memory_space<vmem>>, vector<4x192x195xf32>
    tpu.vector_store %arg129[%swap3A_536, %swap3A_537, %swap3A_538], %select_n3A_535 {strides = array<i32>} : memref<4x192x195xf32, #tpu.memory_space<vmem>>, vector<4x192x195xf32>,
    tpu.enqueue_dma source(%arg129 : memref<4x192x195xf32, #tpu.memory_space<vmem>>) target(%arg67 : memref<4x192x195xf32, #tpu.memory_space<any>>) target_semaphore(%arg135 : memref<!tpu.dma_semaphore, #tpu.memory_space<semaphore_mem>>)
    tpu.wait_dma2 semaphore(%arg136 : memref<!tpu.dma_semaphore, #tpu.memory_space<semaphore_mem>>) src(%arg130 : memref<4x192x195xf32, #tpu.memory_space<vmem>>) dst(%arg62 : memref<4x192x195xf32, #tpu.memory_space<any>>)
    %lt3A_540 = arith.constant 67 : i32
    %lt3A_541 = vector.broadcast %lt3A_540 : i32 to vector<4x192x195xi32>
    %lt3A_542 = arith.cmpi slt, %iota3A, %lt3A_541 : vector<4x192x195xi32>
    %select_n3A_543 = arith.select %lt3A_542, %get3A_2, %get3A_6 : vector<4x192x195xi1>, vector<4x192x195xf32>
    %swap3A_544 = arith.constant 0 : index
    %swap3A_545 = arith.constant 0 : index
    %swap3A_546 = arith.constant 0 : index
    %swap3A_547 = vector.load %arg130[%swap3A_544, %swap3A_545, %swap3A_546] : memref<4x192x195xf32, #tpu.memory_space<vmem>>, vector<4x192x195xf32>
    tpu.vector_store %arg130[%swap3A_544, %swap3A_545, %swap3A_546], %select_n3A_543 {strides = array<i32>} : memref<4x192x195xf32, #tpu.memory_space<vmem>>, vector<4x192x195xf32>,
    tpu.enqueue_dma source(%arg130 : memref<4x192x195xf32, #tpu.memory_space<vmem>>) target(%arg68 : memref<4x192x195xf32, #tpu.memory_space<any>>) target_semaphore(%arg136 : memref<!tpu.dma_semaphore, #tpu.memory_space<semaphore_mem>>)
    tpu.wait_dma2 semaphore(%arg137 : memref<!tpu.dma_semaphore, #tpu.memory_space<semaphore_mem>>) src(%arg131 : memref<4x192x195xf32, #tpu.memory_space<vmem>>) dst(%arg63 : memref<4x192x195xf32, #tpu.memory_space<any>>)
    %lt3A_548 = arith.constant 68 : i32
    %lt3A_549 = vector.broadcast %lt3A_548 : i32 to vector<4x192x195xi32>
    %lt3A_550 = arith.cmpi slt, %iota3A, %lt3A_549 : vector<4x192x195xi32>
    %select_n3A_551 = arith.select %lt3A_550, %get3A_2, %get3A_6 : vector<4x192x195xi1>, vector<4x192x195xf32>
    %swap3A_552 = arith.constant 0 : index
    %swap3A_553 = arith.constant 0 : index
    %swap3A_554 = arith.constant 0 : index
    %swap3A_555 = vector.load %arg131[%swap3A_552, %swap3A_553, %swap3A_554] : memref<4x192x195xf32, #tpu.memory_space<vmem>>, vector<4x192x195xf32>
    tpu.vector_store %arg131[%swap3A_552, %swap3A_553, %swap3A_554], %select_n3A_551 {strides = array<i32>} : memref<4x192x195xf32, #tpu.memory_space<vmem>>, vector<4x192x195xf32>,
    tpu.enqueue_dma source(%arg131 : memref<4x192x195xf32, #tpu.memory_space<vmem>>) target(%arg69 : memref<4x192x195xf32, #tpu.memory_space<any>>) target_semaphore(%arg137 : memref<!tpu.dma_semaphore, #tpu.memory_space<semaphore_mem>>)
    tpu.wait_dma2 semaphore(%arg138 : memref<!tpu.dma_semaphore, #tpu.memory_space<semaphore_mem>>) src(%arg132 : memref<4x192x195xf32, #tpu.memory_space<vmem>>) dst(%arg64 : memref<4x192x195xf32, #tpu.memory_space<any>>)
    %lt3A_556 = arith.constant 69 : i32
    %lt3A_557 = vector.broadcast %lt3A_556 : i32 to vector<4x192x195xi32>
    %lt3A_558 = arith.cmpi slt, %iota3A, %lt3A_557 : vector<4x192x195xi32>
    %select_n3A_559 = arith.select %lt3A_558, %get3A_2, %get3A_6 : vector<4x192x195xi1>, vector<4x192x195xf32>
    %swap3A_560 = arith.constant 0 : index
    %swap3A_561 = arith.constant 0 : index
    %swap3A_562 = arith.constant 0 : index
    %swap3A_563 = vector.load %arg132[%swap3A_560, %swap3A_561, %swap3A_562] : memref<4x192x195xf32, #tpu.memory_space<vmem>>, vector<4x192x195xf32>
    tpu.vector_store %arg132[%swap3A_560, %swap3A_561, %swap3A_562], %select_n3A_559 {strides = array<i32>} : memref<4x192x195xf32, #tpu.memory_space<vmem>>, vector<4x192x195xf32>,
    tpu.enqueue_dma source(%arg132 : memref<4x192x195xf32, #tpu.memory_space<vmem>>) target(%arg70 : memref<4x192x195xf32, #tpu.memory_space<any>>) target_semaphore(%arg138 : memref<!tpu.dma_semaphore, #tpu.memory_space<semaphore_mem>>)
    tpu.wait_dma2 semaphore(%arg139 : memref<!tpu.dma_semaphore, #tpu.memory_space<semaphore_mem>>) src(%arg133 : memref<4x192x195xf32, #tpu.memory_space<vmem>>) dst(%arg65 : memref<4x192x195xf32, #tpu.memory_space<any>>)
    %lt3A_564 = arith.constant 70 : i32
    %lt3A_565 = vector.broadcast %lt3A_564 : i32 to vector<4x192x195xi32>
    %lt3A_566 = arith.cmpi slt, %iota3A, %lt3A_565 : vector<4x192x195xi32>
    %select_n3A_567 = arith.select %lt3A_566, %get3A_2, %get3A_6 : vector<4x192x195xi1>, vector<4x192x195xf32>
    %swap3A_568 = arith.constant 0 : index
    %swap3A_569 = arith.constant 0 : index
    %swap3A_570 = arith.constant 0 : index
    %swap3A_571 = vector.load %arg133[%swap3A_568, %swap3A_569, %swap3A_570] : memref<4x192x195xf32, #tpu.memory_space<vmem>>, vector<4x192x195xf32>
    tpu.vector_store %arg133[%swap3A_568, %swap3A_569, %swap3A_570], %select_n3A_567 {strides = array<i32>} : memref<4x192x195xf32, #tpu.memory_space<vmem>>, vector<4x192x195xf32>,
    tpu.enqueue_dma source(%arg133 : memref<4x192x195xf32, #tpu.memory_space<vmem>>) target(%arg71 : memref<4x192x195xf32, #tpu.memory_space<any>>) target_semaphore(%arg139 : memref<!tpu.dma_semaphore, #tpu.memory_space<semaphore_mem>>)
    tpu.wait_dma2 semaphore(%arg140 : memref<!tpu.dma_semaphore, #tpu.memory_space<semaphore_mem>>) src(%arg134 : memref<4x192x195xf32, #tpu.memory_space<vmem>>) dst(%arg66 : memref<4x192x195xf32, #tpu.memory_space<any>>)
    %lt3A_572 = arith.constant 71 : i32
    %lt3A_573 = vector.broadcast %lt3A_572 : i32 to vector<4x192x195xi32>
    %lt3A_574 = arith.cmpi slt, %iota3A, %lt3A_573 : vector<4x192x195xi32>
    %select_n3A_575 = arith.select %lt3A_574, %get3A_2, %get3A_6 : vector<4x192x195xi1>, vector<4x192x195xf32>
    %swap3A_576 = arith.constant 0 : index
    %swap3A_577 = arith.constant 0 : index
    %swap3A_578 = arith.constant 0 : index
    %swap3A_579 = vector.load %arg134[%swap3A_576, %swap3A_577, %swap3A_578] : memref<4x192x195xf32, #tpu.memory_space<vmem>>, vector<4x192x195xf32>
    tpu.vector_store %arg134[%swap3A_576, %swap3A_577, %swap3A_578], %select_n3A_575 {strides = array<i32>} : memref<4x192x195xf32, #tpu.memory_space<vmem>>, vector<4x192x195xf32>,
    tpu.enqueue_dma source(%arg134 : memref<4x192x195xf32, #tpu.memory_space<vmem>>) target(%arg72 : memref<4x192x195xf32, #tpu.memory_space<any>>) target_semaphore(%arg140 : memref<!tpu.dma_semaphore, #tpu.memory_space<semaphore_mem>>)
    tpu.wait_dma2 semaphore(%arg135 : memref<!tpu.dma_semaphore, #tpu.memory_space<semaphore_mem>>) src(%arg129 : memref<4x192x195xf32, #tpu.memory_space<vmem>>) dst(%arg67 : memref<4x192x195xf32, #tpu.memory_space<any>>)
    %lt3A_580 = arith.constant 72 : i32
    %lt3A_581 = vector.broadcast %lt3A_580 : i32 to vector<4x192x195xi32>
    %lt3A_582 = arith.cmpi slt, %iota3A, %lt3A_581 : vector<4x192x195xi32>
    %select_n3A_583 = arith.select %lt3A_582, %get3A_2, %get3A_6 : vector<4x192x195xi1>, vector<4x192x195xf32>
    %swap3A_584 = arith.constant 0 : index
    %swap3A_585 = arith.constant 0 : index
    %swap3A_586 = arith.constant 0 : index
    %swap3A_587 = vector.load %arg129[%swap3A_584, %swap3A_585, %swap3A_586] : memref<4x192x195xf32, #tpu.memory_space<vmem>>, vector<4x192x195xf32>
    tpu.vector_store %arg129[%swap3A_584, %swap3A_585, %swap3A_586], %select_n3A_583 {strides = array<i32>} : memref<4x192x195xf32, #tpu.memory_space<vmem>>, vector<4x192x195xf32>,
    tpu.enqueue_dma source(%arg129 : memref<4x192x195xf32, #tpu.memory_space<vmem>>) target(%arg73 : memref<4x192x195xf32, #tpu.memory_space<any>>) target_semaphore(%arg135 : memref<!tpu.dma_semaphore, #tpu.memory_space<semaphore_mem>>)
    tpu.wait_dma2 semaphore(%arg136 : memref<!tpu.dma_semaphore, #tpu.memory_space<semaphore_mem>>) src(%arg130 : memref<4x192x195xf32, #tpu.memory_space<vmem>>) dst(%arg68 : memref<4x192x195xf32, #tpu.memory_space<any>>)
    %lt3A_588 = arith.constant 73 : i32
    %lt3A_589 = vector.broadcast %lt3A_588 : i32 to vector<4x192x195xi32>
    %lt3A_590 = arith.cmpi slt, %iota3A, %lt3A_589 : vector<4x192x195xi32>
    %select_n3A_591 = arith.select %lt3A_590, %get3A_2, %get3A_6 : vector<4x192x195xi1>, vector<4x192x195xf32>
    %swap3A_592 = arith.constant 0 : index
    %swap3A_593 = arith.constant 0 : index
    %swap3A_594 = arith.constant 0 : index
    %swap3A_595 = vector.load %arg130[%swap3A_592, %swap3A_593, %swap3A_594] : memref<4x192x195xf32, #tpu.memory_space<vmem>>, vector<4x192x195xf32>
    tpu.vector_store %arg130[%swap3A_592, %swap3A_593, %swap3A_594], %select_n3A_591 {strides = array<i32>} : memref<4x192x195xf32, #tpu.memory_space<vmem>>, vector<4x192x195xf32>,
    tpu.enqueue_dma source(%arg130 : memref<4x192x195xf32, #tpu.memory_space<vmem>>) target(%arg74 : memref<4x192x195xf32, #tpu.memory_space<any>>) target_semaphore(%arg136 : memref<!tpu.dma_semaphore, #tpu.memory_space<semaphore_mem>>)
    tpu.wait_dma2 semaphore(%arg137 : memref<!tpu.dma_semaphore, #tpu.memory_space<semaphore_mem>>) src(%arg131 : memref<4x192x195xf32, #tpu.memory_space<vmem>>) dst(%arg69 : memref<4x192x195xf32, #tpu.memory_space<any>>)
    %lt3A_596 = arith.constant 74 : i32
    %lt3A_597 = vector.broadcast %lt3A_596 : i32 to vector<4x192x195xi32>
    %lt3A_598 = arith.cmpi slt, %iota3A, %lt3A_597 : vector<4x192x195xi32>
    %select_n3A_599 = arith.select %lt3A_598, %get3A_2, %get3A_6 : vector<4x192x195xi1>, vector<4x192x195xf32>
    %swap3A_600 = arith.constant 0 : index
    %swap3A_601 = arith.constant 0 : index
    %swap3A_602 = arith.constant 0 : index
    %swap3A_603 = vector.load %arg131[%swap3A_600, %swap3A_601, %swap3A_602] : memref<4x192x195xf32, #tpu.memory_space<vmem>>, vector<4x192x195xf32>
    tpu.vector_store %arg131[%swap3A_600, %swap3A_601, %swap3A_602], %select_n3A_599 {strides = array<i32>} : memref<4x192x195xf32, #tpu.memory_space<vmem>>, vector<4x192x195xf32>,
    tpu.enqueue_dma source(%arg131 : memref<4x192x195xf32, #tpu.memory_space<vmem>>) target(%arg75 : memref<4x192x195xf32, #tpu.memory_space<any>>) target_semaphore(%arg137 : memref<!tpu.dma_semaphore, #tpu.memory_space<semaphore_mem>>)
    tpu.wait_dma2 semaphore(%arg138 : memref<!tpu.dma_semaphore, #tpu.memory_space<semaphore_mem>>) src(%arg132 : memref<4x192x195xf32, #tpu.memory_space<vmem>>) dst(%arg70 : memref<4x192x195xf32, #tpu.memory_space<any>>)
    %lt3A_604 = arith.constant 75 : i32
    %lt3A_605 = vector.broadcast %lt3A_604 : i32 to vector<4x192x195xi32>
    %lt3A_606 = arith.cmpi slt, %iota3A, %lt3A_605 : vector<4x192x195xi32>
    %select_n3A_607 = arith.select %lt3A_606, %get3A_2, %get3A_6 : vector<4x192x195xi1>, vector<4x192x195xf32>
    %swap3A_608 = arith.constant 0 : index
    %swap3A_609 = arith.constant 0 : index
    %swap3A_610 = arith.constant 0 : index
    %swap3A_611 = vector.load %arg132[%swap3A_608, %swap3A_609, %swap3A_610] : memref<4x192x195xf32, #tpu.memory_space<vmem>>, vector<4x192x195xf32>
    tpu.vector_store %arg132[%swap3A_608, %swap3A_609, %swap3A_610], %select_n3A_607 {strides = array<i32>} : memref<4x192x195xf32, #tpu.memory_space<vmem>>, vector<4x192x195xf32>,
    tpu.enqueue_dma source(%arg132 : memref<4x192x195xf32, #tpu.memory_space<vmem>>) target(%arg76 : memref<4x192x195xf32, #tpu.memory_space<any>>) target_semaphore(%arg138 : memref<!tpu.dma_semaphore, #tpu.memory_space<semaphore_mem>>)
    tpu.wait_dma2 semaphore(%arg139 : memref<!tpu.dma_semaphore, #tpu.memory_space<semaphore_mem>>) src(%arg133 : memref<4x192x195xf32, #tpu.memory_space<vmem>>) dst(%arg71 : memref<4x192x195xf32, #tpu.memory_space<any>>)
    %lt3A_612 = arith.constant 76 : i32
    %lt3A_613 = vector.broadcast %lt3A_612 : i32 to vector<4x192x195xi32>
    %lt3A_614 = arith.cmpi slt, %iota3A, %lt3A_613 : vector<4x192x195xi32>
    %select_n3A_615 = arith.select %lt3A_614, %get3A_2, %get3A_6 : vector<4x192x195xi1>, vector<4x192x195xf32>
    %swap3A_616 = arith.constant 0 : index
    %swap3A_617 = arith.constant 0 : index
    %swap3A_618 = arith.constant 0 : index
    %swap3A_619 = vector.load %arg133[%swap3A_616, %swap3A_617, %swap3A_618] : memref<4x192x195xf32, #tpu.memory_space<vmem>>, vector<4x192x195xf32>
    tpu.vector_store %arg133[%swap3A_616, %swap3A_617, %swap3A_618], %select_n3A_615 {strides = array<i32>} : memref<4x192x195xf32, #tpu.memory_space<vmem>>, vector<4x192x195xf32>,
    tpu.enqueue_dma source(%arg133 : memref<4x192x195xf32, #tpu.memory_space<vmem>>) target(%arg77 : memref<4x192x195xf32, #tpu.memory_space<any>>) target_semaphore(%arg139 : memref<!tpu.dma_semaphore, #tpu.memory_space<semaphore_mem>>)
    tpu.wait_dma2 semaphore(%arg140 : memref<!tpu.dma_semaphore, #tpu.memory_space<semaphore_mem>>) src(%arg134 : memref<4x192x195xf32, #tpu.memory_space<vmem>>) dst(%arg72 : memref<4x192x195xf32, #tpu.memory_space<any>>)
    %lt3A_620 = arith.constant 77 : i32
    %lt3A_621 = vector.broadcast %lt3A_620 : i32 to vector<4x192x195xi32>
    %lt3A_622 = arith.cmpi slt, %iota3A, %lt3A_621 : vector<4x192x195xi32>
    %select_n3A_623 = arith.select %lt3A_622, %get3A_2, %get3A_6 : vector<4x192x195xi1>, vector<4x192x195xf32>
    %swap3A_624 = arith.constant 0 : index
    %swap3A_625 = arith.constant 0 : index
    %swap3A_626 = arith.constant 0 : index
    %swap3A_627 = vector.load %arg134[%swap3A_624, %swap3A_625, %swap3A_626] : memref<4x192x195xf32, #tpu.memory_space<vmem>>, vector<4x192x195xf32>
    tpu.vector_store %arg134[%swap3A_624, %swap3A_625, %swap3A_626], %select_n3A_623 {strides = array<i32>} : memref<4x192x195xf32, #tpu.memory_space<vmem>>, vector<4x192x195xf32>,
    tpu.enqueue_dma source(%arg134 : memref<4x192x195xf32, #tpu.memory_space<vmem>>) target(%arg78 : memref<4x192x195xf32, #tpu.memory_space<any>>) target_semaphore(%arg140 : memref<!tpu.dma_semaphore, #tpu.memory_space<semaphore_mem>>)
    tpu.wait_dma2 semaphore(%arg135 : memref<!tpu.dma_semaphore, #tpu.memory_space<semaphore_mem>>) src(%arg129 : memref<4x192x195xf32, #tpu.memory_space<vmem>>) dst(%arg73 : memref<4x192x195xf32, #tpu.memory_space<any>>)
    %lt3A_628 = arith.constant 78 : i32
    %lt3A_629 = vector.broadcast %lt3A_628 : i32 to vector<4x192x195xi32>
    %lt3A_630 = arith.cmpi slt, %iota3A, %lt3A_629 : vector<4x192x195xi32>
    %select_n3A_631 = arith.select %lt3A_630, %get3A_2, %get3A_6 : vector<4x192x195xi1>, vector<4x192x195xf32>
    %swap3A_632 = arith.constant 0 : index
    %swap3A_633 = arith.constant 0 : index
    %swap3A_634 = arith.constant 0 : index
    %swap3A_635 = vector.load %arg129[%swap3A_632, %swap3A_633, %swap3A_634] : memref<4x192x195xf32, #tpu.memory_space<vmem>>, vector<4x192x195xf32>
    tpu.vector_store %arg129[%swap3A_632, %swap3A_633, %swap3A_634], %select_n3A_631 {strides = array<i32>} : memref<4x192x195xf32, #tpu.memory_space<vmem>>, vector<4x192x195xf32>,
    tpu.enqueue_dma source(%arg129 : memref<4x192x195xf32, #tpu.memory_space<vmem>>) target(%arg79 : memref<4x192x195xf32, #tpu.memory_space<any>>) target_semaphore(%arg135 : memref<!tpu.dma_semaphore, #tpu.memory_space<semaphore_mem>>)
    tpu.wait_dma2 semaphore(%arg136 : memref<!tpu.dma_semaphore, #tpu.memory_space<semaphore_mem>>) src(%arg130 : memref<4x192x195xf32, #tpu.memory_space<vmem>>) dst(%arg74 : memref<4x192x195xf32, #tpu.memory_space<any>>)
    %lt3A_636 = arith.constant 79 : i32
    %lt3A_637 = vector.broadcast %lt3A_636 : i32 to vector<4x192x195xi32>
    %lt3A_638 = arith.cmpi slt, %iota3A, %lt3A_637 : vector<4x192x195xi32>
    %select_n3A_639 = arith.select %lt3A_638, %get3A_2, %get3A_6 : vector<4x192x195xi1>, vector<4x192x195xf32>
    %swap3A_640 = arith.constant 0 : index
    %swap3A_641 = arith.constant 0 : index
    %swap3A_642 = arith.constant 0 : index
    %swap3A_643 = vector.load %arg130[%swap3A_640, %swap3A_641, %swap3A_642] : memref<4x192x195xf32, #tpu.memory_space<vmem>>, vector<4x192x195xf32>
    tpu.vector_store %arg130[%swap3A_640, %swap3A_641, %swap3A_642], %select_n3A_639 {strides = array<i32>} : memref<4x192x195xf32, #tpu.memory_space<vmem>>, vector<4x192x195xf32>,
    tpu.enqueue_dma source(%arg130 : memref<4x192x195xf32, #tpu.memory_space<vmem>>) target(%arg80 : memref<4x192x195xf32, #tpu.memory_space<any>>) target_semaphore(%arg136 : memref<!tpu.dma_semaphore, #tpu.memory_space<semaphore_mem>>)
    tpu.wait_dma2 semaphore(%arg137 : memref<!tpu.dma_semaphore, #tpu.memory_space<semaphore_mem>>) src(%arg131 : memref<4x192x195xf32, #tpu.memory_space<vmem>>) dst(%arg75 : memref<4x192x195xf32, #tpu.memory_space<any>>)
    %lt3A_644 = arith.constant 80 : i32
    %lt3A_645 = vector.broadcast %lt3A_644 : i32 to vector<4x192x195xi32>
    %lt3A_646 = arith.cmpi slt, %iota3A, %lt3A_645 : vector<4x192x195xi32>
    %select_n3A_647 = arith.select %lt3A_646, %get3A_2, %get3A_6 : vector<4x192x195xi1>, vector<4x192x195xf32>
    %swap3A_648 = arith.constant 0 : index
    %swap3A_649 = arith.constant 0 : index
    %swap3A_650 = arith.constant 0 : index
    %swap3A_651 = vector.load %arg131[%swap3A_648, %swap3A_649, %swap3A_650] : memref<4x192x195xf32, #tpu.memory_space<vmem>>, vector<4x192x195xf32>
    tpu.vector_store %arg131[%swap3A_648, %swap3A_649, %swap3A_650], %select_n3A_647 {strides = array<i32>} : memref<4x192x195xf32, #tpu.memory_space<vmem>>, vector<4x192x195xf32>,
    tpu.enqueue_dma source(%arg131 : memref<4x192x195xf32, #tpu.memory_space<vmem>>) target(%arg81 : memref<4x192x195xf32, #tpu.memory_space<any>>) target_semaphore(%arg137 : memref<!tpu.dma_semaphore, #tpu.memory_space<semaphore_mem>>)
    tpu.wait_dma2 semaphore(%arg138 : memref<!tpu.dma_semaphore, #tpu.memory_space<semaphore_mem>>) src(%arg132 : memref<4x192x195xf32, #tpu.memory_space<vmem>>) dst(%arg76 : memref<4x192x195xf32, #tpu.memory_space<any>>)
    %lt3A_652 = arith.constant 81 : i32
    %lt3A_653 = vector.broadcast %lt3A_652 : i32 to vector<4x192x195xi32>
    %lt3A_654 = arith.cmpi slt, %iota3A, %lt3A_653 : vector<4x192x195xi32>
    %select_n3A_655 = arith.select %lt3A_654, %get3A_2, %get3A_6 : vector<4x192x195xi1>, vector<4x192x195xf32>
    %swap3A_656 = arith.constant 0 : index
    %swap3A_657 = arith.constant 0 : index
    %swap3A_658 = arith.constant 0 : index
    %swap3A_659 = vector.load %arg132[%swap3A_656, %swap3A_657, %swap3A_658] : memref<4x192x195xf32, #tpu.memory_space<vmem>>, vector<4x192x195xf32>
    tpu.vector_store %arg132[%swap3A_656, %swap3A_657, %swap3A_658], %select_n3A_655 {strides = array<i32>} : memref<4x192x195xf32, #tpu.memory_space<vmem>>, vector<4x192x195xf32>,
    tpu.enqueue_dma source(%arg132 : memref<4x192x195xf32, #tpu.memory_space<vmem>>) target(%arg82 : memref<4x192x195xf32, #tpu.memory_space<any>>) target_semaphore(%arg138 : memref<!tpu.dma_semaphore, #tpu.memory_space<semaphore_mem>>)
    tpu.wait_dma2 semaphore(%arg139 : memref<!tpu.dma_semaphore, #tpu.memory_space<semaphore_mem>>) src(%arg133 : memref<4x192x195xf32, #tpu.memory_space<vmem>>) dst(%arg77 : memref<4x192x195xf32, #tpu.memory_space<any>>)
    %lt3A_660 = arith.constant 82 : i32
    %lt3A_661 = vector.broadcast %lt3A_660 : i32 to vector<4x192x195xi32>
    %lt3A_662 = arith.cmpi slt, %iota3A, %lt3A_661 : vector<4x192x195xi32>
    %select_n3A_663 = arith.select %lt3A_662, %get3A_2, %get3A_6 : vector<4x192x195xi1>, vector<4x192x195xf32>
    %swap3A_664 = arith.constant 0 : index
    %swap3A_665 = arith.constant 0 : index
    %swap3A_666 = arith.constant 0 : index
    %swap3A_667 = vector.load %arg133[%swap3A_664, %swap3A_665, %swap3A_666] : memref<4x192x195xf32, #tpu.memory_space<vmem>>, vector<4x192x195xf32>
    tpu.vector_store %arg133[%swap3A_664, %swap3A_665, %swap3A_666], %select_n3A_663 {strides = array<i32>} : memref<4x192x195xf32, #tpu.memory_space<vmem>>, vector<4x192x195xf32>,
    tpu.enqueue_dma source(%arg133 : memref<4x192x195xf32, #tpu.memory_space<vmem>>) target(%arg83 : memref<4x192x195xf32, #tpu.memory_space<any>>) target_semaphore(%arg139 : memref<!tpu.dma_semaphore, #tpu.memory_space<semaphore_mem>>)
    tpu.wait_dma2 semaphore(%arg140 : memref<!tpu.dma_semaphore, #tpu.memory_space<semaphore_mem>>) src(%arg134 : memref<4x192x195xf32, #tpu.memory_space<vmem>>) dst(%arg78 : memref<4x192x195xf32, #tpu.memory_space<any>>)
    %lt3A_668 = arith.constant 83 : i32
    %lt3A_669 = vector.broadcast %lt3A_668 : i32 to vector<4x192x195xi32>
    %lt3A_670 = arith.cmpi slt, %iota3A, %lt3A_669 : vector<4x192x195xi32>
    %select_n3A_671 = arith.select %lt3A_670, %get3A_2, %get3A_6 : vector<4x192x195xi1>, vector<4x192x195xf32>
    %swap3A_672 = arith.constant 0 : index
    %swap3A_673 = arith.constant 0 : index
    %swap3A_674 = arith.constant 0 : index
    %swap3A_675 = vector.load %arg134[%swap3A_672, %swap3A_673, %swap3A_674] : memref<4x192x195xf32, #tpu.memory_space<vmem>>, vector<4x192x195xf32>
    tpu.vector_store %arg134[%swap3A_672, %swap3A_673, %swap3A_674], %select_n3A_671 {strides = array<i32>} : memref<4x192x195xf32, #tpu.memory_space<vmem>>, vector<4x192x195xf32>,
    tpu.enqueue_dma source(%arg134 : memref<4x192x195xf32, #tpu.memory_space<vmem>>) target(%arg84 : memref<4x192x195xf32, #tpu.memory_space<any>>) target_semaphore(%arg140 : memref<!tpu.dma_semaphore, #tpu.memory_space<semaphore_mem>>)
    tpu.wait_dma2 semaphore(%arg135 : memref<!tpu.dma_semaphore, #tpu.memory_space<semaphore_mem>>) src(%arg129 : memref<4x192x195xf32, #tpu.memory_space<vmem>>) dst(%arg79 : memref<4x192x195xf32, #tpu.memory_space<any>>)
    %lt3A_676 = arith.constant 84 : i32
    %lt3A_677 = vector.broadcast %lt3A_676 : i32 to vector<4x192x195xi32>
    %lt3A_678 = arith.cmpi slt, %iota3A, %lt3A_677 : vector<4x192x195xi32>
    %select_n3A_679 = arith.select %lt3A_678, %get3A_2, %get3A_6 : vector<4x192x195xi1>, vector<4x192x195xf32>
    %swap3A_680 = arith.constant 0 : index
    %swap3A_681 = arith.constant 0 : index
    %swap3A_682 = arith.constant 0 : index
    %swap3A_683 = vector.load %arg129[%swap3A_680, %swap3A_681, %swap3A_682] : memref<4x192x195xf32, #tpu.memory_space<vmem>>, vector<4x192x195xf32>
    tpu.vector_store %arg129[%swap3A_680, %swap3A_681, %swap3A_682], %select_n3A_679 {strides = array<i32>} : memref<4x192x195xf32, #tpu.memory_space<vmem>>, vector<4x192x195xf32>,
    tpu.enqueue_dma source(%arg129 : memref<4x192x195xf32, #tpu.memory_space<vmem>>) target(%arg85 : memref<4x192x195xf32, #tpu.memory_space<any>>) target_semaphore(%arg135 : memref<!tpu.dma_semaphore, #tpu.memory_space<semaphore_mem>>)
    tpu.wait_dma2 semaphore(%arg136 : memref<!tpu.dma_semaphore, #tpu.memory_space<semaphore_mem>>) src(%arg130 : memref<4x192x195xf32, #tpu.memory_space<vmem>>) dst(%arg80 : memref<4x192x195xf32, #tpu.memory_space<any>>)
    %lt3A_684 = arith.constant 85 : i32
    %lt3A_685 = vector.broadcast %lt3A_684 : i32 to vector<4x192x195xi32>
    %lt3A_686 = arith.cmpi slt, %iota3A, %lt3A_685 : vector<4x192x195xi32>
    %select_n3A_687 = arith.select %lt3A_686, %get3A_2, %get3A_6 : vector<4x192x195xi1>, vector<4x192x195xf32>
    %swap3A_688 = arith.constant 0 : index
    %swap3A_689 = arith.constant 0 : index
    %swap3A_690 = arith.constant 0 : index
    %swap3A_691 = vector.load %arg130[%swap3A_688, %swap3A_689, %swap3A_690] : memref<4x192x195xf32, #tpu.memory_space<vmem>>, vector<4x192x195xf32>
    tpu.vector_store %arg130[%swap3A_688, %swap3A_689, %swap3A_690], %select_n3A_687 {strides = array<i32>} : memref<4x192x195xf32, #tpu.memory_space<vmem>>, vector<4x192x195xf32>,
    tpu.enqueue_dma source(%arg130 : memref<4x192x195xf32, #tpu.memory_space<vmem>>) target(%arg86 : memref<4x192x195xf32, #tpu.memory_space<any>>) target_semaphore(%arg136 : memref<!tpu.dma_semaphore, #tpu.memory_space<semaphore_mem>>)
    tpu.wait_dma2 semaphore(%arg137 : memref<!tpu.dma_semaphore, #tpu.memory_space<semaphore_mem>>) src(%arg131 : memref<4x192x195xf32, #tpu.memory_space<vmem>>) dst(%arg81 : memref<4x192x195xf32, #tpu.memory_space<any>>)
    %lt3A_692 = arith.constant 86 : i32
    %lt3A_693 = vector.broadcast %lt3A_692 : i32 to vector<4x192x195xi32>
    %lt3A_694 = arith.cmpi slt, %iota3A, %lt3A_693 : vector<4x192x195xi32>
    %select_n3A_695 = arith.select %lt3A_694, %get3A_2, %get3A_6 : vector<4x192x195xi1>, vector<4x192x195xf32>
    %swap3A_696 = arith.constant 0 : index
    %swap3A_697 = arith.constant 0 : index
    %swap3A_698 = arith.constant 0 : index
    %swap3A_699 = vector.load %arg131[%swap3A_696, %swap3A_697, %swap3A_698] : memref<4x192x195xf32, #tpu.memory_space<vmem>>, vector<4x192x195xf32>
    tpu.vector_store %arg131[%swap3A_696, %swap3A_697, %swap3A_698], %select_n3A_695 {strides = array<i32>} : memref<4x192x195xf32, #tpu.memory_space<vmem>>, vector<4x192x195xf32>,
    tpu.enqueue_dma source(%arg131 : memref<4x192x195xf32, #tpu.memory_space<vmem>>) target(%arg87 : memref<4x192x195xf32, #tpu.memory_space<any>>) target_semaphore(%arg137 : memref<!tpu.dma_semaphore, #tpu.memory_space<semaphore_mem>>)
    tpu.wait_dma2 semaphore(%arg138 : memref<!tpu.dma_semaphore, #tpu.memory_space<semaphore_mem>>) src(%arg132 : memref<4x192x195xf32, #tpu.memory_space<vmem>>) dst(%arg82 : memref<4x192x195xf32, #tpu.memory_space<any>>)
    %lt3A_700 = arith.constant 87 : i32
    %lt3A_701 = vector.broadcast %lt3A_700 : i32 to vector<4x192x195xi32>
    %lt3A_702 = arith.cmpi slt, %iota3A, %lt3A_701 : vector<4x192x195xi32>
    %select_n3A_703 = arith.select %lt3A_702, %get3A_2, %get3A_6 : vector<4x192x195xi1>, vector<4x192x195xf32>
    %swap3A_704 = arith.constant 0 : index
    %swap3A_705 = arith.constant 0 : index
    %swap3A_706 = arith.constant 0 : index
    %swap3A_707 = vector.load %arg132[%swap3A_704, %swap3A_705, %swap3A_706] : memref<4x192x195xf32, #tpu.memory_space<vmem>>, vector<4x192x195xf32>
    tpu.vector_store %arg132[%swap3A_704, %swap3A_705, %swap3A_706], %select_n3A_703 {strides = array<i32>} : memref<4x192x195xf32, #tpu.memory_space<vmem>>, vector<4x192x195xf32>,
    tpu.enqueue_dma source(%arg132 : memref<4x192x195xf32, #tpu.memory_space<vmem>>) target(%arg88 : memref<4x192x195xf32, #tpu.memory_space<any>>) target_semaphore(%arg138 : memref<!tpu.dma_semaphore, #tpu.memory_space<semaphore_mem>>)
    tpu.wait_dma2 semaphore(%arg139 : memref<!tpu.dma_semaphore, #tpu.memory_space<semaphore_mem>>) src(%arg133 : memref<4x192x195xf32, #tpu.memory_space<vmem>>) dst(%arg83 : memref<4x192x195xf32, #tpu.memory_space<any>>)
    %lt3A_708 = arith.constant 88 : i32
    %lt3A_709 = vector.broadcast %lt3A_708 : i32 to vector<4x192x195xi32>
    %lt3A_710 = arith.cmpi slt, %iota3A, %lt3A_709 : vector<4x192x195xi32>
    %select_n3A_711 = arith.select %lt3A_710, %get3A_2, %get3A_6 : vector<4x192x195xi1>, vector<4x192x195xf32>
    %swap3A_712 = arith.constant 0 : index
    %swap3A_713 = arith.constant 0 : index
    %swap3A_714 = arith.constant 0 : index
    %swap3A_715 = vector.load %arg133[%swap3A_712, %swap3A_713, %swap3A_714] : memref<4x192x195xf32, #tpu.memory_space<vmem>>, vector<4x192x195xf32>
    tpu.vector_store %arg133[%swap3A_712, %swap3A_713, %swap3A_714], %select_n3A_711 {strides = array<i32>} : memref<4x192x195xf32, #tpu.memory_space<vmem>>, vector<4x192x195xf32>,
    tpu.enqueue_dma source(%arg133 : memref<4x192x195xf32, #tpu.memory_space<vmem>>) target(%arg89 : memref<4x192x195xf32, #tpu.memory_space<any>>) target_semaphore(%arg139 : memref<!tpu.dma_semaphore, #tpu.memory_space<semaphore_mem>>)
    tpu.wait_dma2 semaphore(%arg140 : memref<!tpu.dma_semaphore, #tpu.memory_space<semaphore_mem>>) src(%arg134 : memref<4x192x195xf32, #tpu.memory_space<vmem>>) dst(%arg84 : memref<4x192x195xf32, #tpu.memory_space<any>>)
    %lt3A_716 = arith.constant 89 : i32
    %lt3A_717 = vector.broadcast %lt3A_716 : i32 to vector<4x192x195xi32>
    %lt3A_718 = arith.cmpi slt, %iota3A, %lt3A_717 : vector<4x192x195xi32>
    %select_n3A_719 = arith.select %lt3A_718, %get3A_2, %get3A_6 : vector<4x192x195xi1>, vector<4x192x195xf32>
    %swap3A_720 = arith.constant 0 : index
    %swap3A_721 = arith.constant 0 : index
    %swap3A_722 = arith.constant 0 : index
    %swap3A_723 = vector.load %arg134[%swap3A_720, %swap3A_721, %swap3A_722] : memref<4x192x195xf32, #tpu.memory_space<vmem>>, vector<4x192x195xf32>
    tpu.vector_store %arg134[%swap3A_720, %swap3A_721, %swap3A_722], %select_n3A_719 {strides = array<i32>} : memref<4x192x195xf32, #tpu.memory_space<vmem>>, vector<4x192x195xf32>,
    tpu.enqueue_dma source(%arg134 : memref<4x192x195xf32, #tpu.memory_space<vmem>>) target(%arg90 : memref<4x192x195xf32, #tpu.memory_space<any>>) target_semaphore(%arg140 : memref<!tpu.dma_semaphore, #tpu.memory_space<semaphore_mem>>)
    tpu.wait_dma2 semaphore(%arg135 : memref<!tpu.dma_semaphore, #tpu.memory_space<semaphore_mem>>) src(%arg129 : memref<4x192x195xf32, #tpu.memory_space<vmem>>) dst(%arg85 : memref<4x192x195xf32, #tpu.memory_space<any>>)
    %lt3A_724 = arith.constant 90 : i32
    %lt3A_725 = vector.broadcast %lt3A_724 : i32 to vector<4x192x195xi32>
    %lt3A_726 = arith.cmpi slt, %iota3A, %lt3A_725 : vector<4x192x195xi32>
    %select_n3A_727 = arith.select %lt3A_726, %get3A_2, %get3A_6 : vector<4x192x195xi1>, vector<4x192x195xf32>
    %swap3A_728 = arith.constant 0 : index
    %swap3A_729 = arith.constant 0 : index
    %swap3A_730 = arith.constant 0 : index
    %swap3A_731 = vector.load %arg129[%swap3A_728, %swap3A_729, %swap3A_730] : memref<4x192x195xf32, #tpu.memory_space<vmem>>, vector<4x192x195xf32>
    tpu.vector_store %arg129[%swap3A_728, %swap3A_729, %swap3A_730], %select_n3A_727 {strides = array<i32>} : memref<4x192x195xf32, #tpu.memory_space<vmem>>, vector<4x192x195xf32>,
    tpu.enqueue_dma source(%arg129 : memref<4x192x195xf32, #tpu.memory_space<vmem>>) target(%arg91 : memref<4x192x195xf32, #tpu.memory_space<any>>) target_semaphore(%arg135 : memref<!tpu.dma_semaphore, #tpu.memory_space<semaphore_mem>>)
    tpu.wait_dma2 semaphore(%arg136 : memref<!tpu.dma_semaphore, #tpu.memory_space<semaphore_mem>>) src(%arg130 : memref<4x192x195xf32, #tpu.memory_space<vmem>>) dst(%arg86 : memref<4x192x195xf32, #tpu.memory_space<any>>)
    %lt3A_732 = arith.constant 91 : i32
    %lt3A_733 = vector.broadcast %lt3A_732 : i32 to vector<4x192x195xi32>
    %lt3A_734 = arith.cmpi slt, %iota3A, %lt3A_733 : vector<4x192x195xi32>
    %select_n3A_735 = arith.select %lt3A_734, %get3A_2, %get3A_6 : vector<4x192x195xi1>, vector<4x192x195xf32>
    %swap3A_736 = arith.constant 0 : index
    %swap3A_737 = arith.constant 0 : index
    %swap3A_738 = arith.constant 0 : index
    %swap3A_739 = vector.load %arg130[%swap3A_736, %swap3A_737, %swap3A_738] : memref<4x192x195xf32, #tpu.memory_space<vmem>>, vector<4x192x195xf32>
    tpu.vector_store %arg130[%swap3A_736, %swap3A_737, %swap3A_738], %select_n3A_735 {strides = array<i32>} : memref<4x192x195xf32, #tpu.memory_space<vmem>>, vector<4x192x195xf32>,
    tpu.enqueue_dma source(%arg130 : memref<4x192x195xf32, #tpu.memory_space<vmem>>) target(%arg92 : memref<4x192x195xf32, #tpu.memory_space<any>>) target_semaphore(%arg136 : memref<!tpu.dma_semaphore, #tpu.memory_space<semaphore_mem>>)
    tpu.wait_dma2 semaphore(%arg137 : memref<!tpu.dma_semaphore, #tpu.memory_space<semaphore_mem>>) src(%arg131 : memref<4x192x195xf32, #tpu.memory_space<vmem>>) dst(%arg87 : memref<4x192x195xf32, #tpu.memory_space<any>>)
    %lt3A_740 = arith.constant 92 : i32
    %lt3A_741 = vector.broadcast %lt3A_740 : i32 to vector<4x192x195xi32>
    %lt3A_742 = arith.cmpi slt, %iota3A, %lt3A_741 : vector<4x192x195xi32>
    %select_n3A_743 = arith.select %lt3A_742, %get3A_2, %get3A_6 : vector<4x192x195xi1>, vector<4x192x195xf32>
    %swap3A_744 = arith.constant 0 : index
    %swap3A_745 = arith.constant 0 : index
    %swap3A_746 = arith.constant 0 : index
    %swap3A_747 = vector.load %arg131[%swap3A_744, %swap3A_745, %swap3A_746] : memref<4x192x195xf32, #tpu.memory_space<vmem>>, vector<4x192x195xf32>
    tpu.vector_store %arg131[%swap3A_744, %swap3A_745, %swap3A_746], %select_n3A_743 {strides = array<i32>} : memref<4x192x195xf32, #tpu.memory_space<vmem>>, vector<4x192x195xf32>,
    tpu.enqueue_dma source(%arg131 : memref<4x192x195xf32, #tpu.memory_space<vmem>>) target(%arg93 : memref<4x192x195xf32, #tpu.memory_space<any>>) target_semaphore(%arg137 : memref<!tpu.dma_semaphore, #tpu.memory_space<semaphore_mem>>)
    tpu.wait_dma2 semaphore(%arg138 : memref<!tpu.dma_semaphore, #tpu.memory_space<semaphore_mem>>) src(%arg132 : memref<4x192x195xf32, #tpu.memory_space<vmem>>) dst(%arg88 : memref<4x192x195xf32, #tpu.memory_space<any>>)
    %lt3A_748 = arith.constant 93 : i32
    %lt3A_749 = vector.broadcast %lt3A_748 : i32 to vector<4x192x195xi32>
    %lt3A_750 = arith.cmpi slt, %iota3A, %lt3A_749 : vector<4x192x195xi32>
    %select_n3A_751 = arith.select %lt3A_750, %get3A_2, %get3A_6 : vector<4x192x195xi1>, vector<4x192x195xf32>
    %swap3A_752 = arith.constant 0 : index
    %swap3A_753 = arith.constant 0 : index
    %swap3A_754 = arith.constant 0 : index
    %swap3A_755 = vector.load %arg132[%swap3A_752, %swap3A_753, %swap3A_754] : memref<4x192x195xf32, #tpu.memory_space<vmem>>, vector<4x192x195xf32>
    tpu.vector_store %arg132[%swap3A_752, %swap3A_753, %swap3A_754], %select_n3A_751 {strides = array<i32>} : memref<4x192x195xf32, #tpu.memory_space<vmem>>, vector<4x192x195xf32>,
    tpu.enqueue_dma source(%arg132 : memref<4x192x195xf32, #tpu.memory_space<vmem>>) target(%arg94 : memref<4x192x195xf32, #tpu.memory_space<any>>) target_semaphore(%arg138 : memref<!tpu.dma_semaphore, #tpu.memory_space<semaphore_mem>>)
    tpu.wait_dma2 semaphore(%arg139 : memref<!tpu.dma_semaphore, #tpu.memory_space<semaphore_mem>>) src(%arg133 : memref<4x192x195xf32, #tpu.memory_space<vmem>>) dst(%arg89 : memref<4x192x195xf32, #tpu.memory_space<any>>)
    %lt3A_756 = arith.constant 94 : i32
    %lt3A_757 = vector.broadcast %lt3A_756 : i32 to vector<4x192x195xi32>
    %lt3A_758 = arith.cmpi slt, %iota3A, %lt3A_757 : vector<4x192x195xi32>
    %select_n3A_759 = arith.select %lt3A_758, %get3A_2, %get3A_6 : vector<4x192x195xi1>, vector<4x192x195xf32>
    %swap3A_760 = arith.constant 0 : index
    %swap3A_761 = arith.constant 0 : index
    %swap3A_762 = arith.constant 0 : index
    %swap3A_763 = vector.load %arg133[%swap3A_760, %swap3A_761, %swap3A_762] : memref<4x192x195xf32, #tpu.memory_space<vmem>>, vector<4x192x195xf32>
    tpu.vector_store %arg133[%swap3A_760, %swap3A_761, %swap3A_762], %select_n3A_759 {strides = array<i32>} : memref<4x192x195xf32, #tpu.memory_space<vmem>>, vector<4x192x195xf32>,
    tpu.enqueue_dma source(%arg133 : memref<4x192x195xf32, #tpu.memory_space<vmem>>) target(%arg95 : memref<4x192x195xf32, #tpu.memory_space<any>>) target_semaphore(%arg139 : memref<!tpu.dma_semaphore, #tpu.memory_space<semaphore_mem>>)
    tpu.wait_dma2 semaphore(%arg140 : memref<!tpu.dma_semaphore, #tpu.memory_space<semaphore_mem>>) src(%arg134 : memref<4x192x195xf32, #tpu.memory_space<vmem>>) dst(%arg90 : memref<4x192x195xf32, #tpu.memory_space<any>>)
    %lt3A_764 = arith.constant 95 : i32
    %lt3A_765 = vector.broadcast %lt3A_764 : i32 to vector<4x192x195xi32>
    %lt3A_766 = arith.cmpi slt, %iota3A, %lt3A_765 : vector<4x192x195xi32>
    %select_n3A_767 = arith.select %lt3A_766, %get3A_2, %get3A_6 : vector<4x192x195xi1>, vector<4x192x195xf32>
    %swap3A_768 = arith.constant 0 : index
    %swap3A_769 = arith.constant 0 : index
    %swap3A_770 = arith.constant 0 : index
    %swap3A_771 = vector.load %arg134[%swap3A_768, %swap3A_769, %swap3A_770] : memref<4x192x195xf32, #tpu.memory_space<vmem>>, vector<4x192x195xf32>
    tpu.vector_store %arg134[%swap3A_768, %swap3A_769, %swap3A_770], %select_n3A_767 {strides = array<i32>} : memref<4x192x195xf32, #tpu.memory_space<vmem>>, vector<4x192x195xf32>,
    tpu.enqueue_dma source(%arg134 : memref<4x192x195xf32, #tpu.memory_space<vmem>>) target(%arg96 : memref<4x192x195xf32, #tpu.memory_space<any>>) target_semaphore(%arg140 : memref<!tpu.dma_semaphore, #tpu.memory_space<semaphore_mem>>)
    tpu.wait_dma2 semaphore(%arg135 : memref<!tpu.dma_semaphore, #tpu.memory_space<semaphore_mem>>) src(%arg129 : memref<4x192x195xf32, #tpu.memory_space<vmem>>) dst(%arg91 : memref<4x192x195xf32, #tpu.memory_space<any>>)
    %lt3A_772 = arith.constant 96 : i32
    %lt3A_773 = vector.broadcast %lt3A_772 : i32 to vector<4x192x195xi32>
    %lt3A_774 = arith.cmpi slt, %iota3A, %lt3A_773 : vector<4x192x195xi32>
    %select_n3A_775 = arith.select %lt3A_774, %get3A_2, %get3A_6 : vector<4x192x195xi1>, vector<4x192x195xf32>
    %swap3A_776 = arith.constant 0 : index
    %swap3A_777 = arith.constant 0 : index
    %swap3A_778 = arith.constant 0 : index
    %swap3A_779 = vector.load %arg129[%swap3A_776, %swap3A_777, %swap3A_778] : memref<4x192x195xf32, #tpu.memory_space<vmem>>, vector<4x192x195xf32>
    tpu.vector_store %arg129[%swap3A_776, %swap3A_777, %swap3A_778], %select_n3A_775 {strides = array<i32>} : memref<4x192x195xf32, #tpu.memory_space<vmem>>, vector<4x192x195xf32>,
    tpu.enqueue_dma source(%arg129 : memref<4x192x195xf32, #tpu.memory_space<vmem>>) target(%arg97 : memref<4x192x195xf32, #tpu.memory_space<any>>) target_semaphore(%arg135 : memref<!tpu.dma_semaphore, #tpu.memory_space<semaphore_mem>>)
    tpu.wait_dma2 semaphore(%arg136 : memref<!tpu.dma_semaphore, #tpu.memory_space<semaphore_mem>>) src(%arg130 : memref<4x192x195xf32, #tpu.memory_space<vmem>>) dst(%arg92 : memref<4x192x195xf32, #tpu.memory_space<any>>)
    %lt3A_780 = arith.constant 97 : i32
    %lt3A_781 = vector.broadcast %lt3A_780 : i32 to vector<4x192x195xi32>
    %lt3A_782 = arith.cmpi slt, %iota3A, %lt3A_781 : vector<4x192x195xi32>
    %select_n3A_783 = arith.select %lt3A_782, %get3A_2, %get3A_6 : vector<4x192x195xi1>, vector<4x192x195xf32>
    %swap3A_784 = arith.constant 0 : index
    %swap3A_785 = arith.constant 0 : index
    %swap3A_786 = arith.constant 0 : index
    %swap3A_787 = vector.load %arg130[%swap3A_784, %swap3A_785, %swap3A_786] : memref<4x192x195xf32, #tpu.memory_space<vmem>>, vector<4x192x195xf32>
    tpu.vector_store %arg130[%swap3A_784, %swap3A_785, %swap3A_786], %select_n3A_783 {strides = array<i32>} : memref<4x192x195xf32, #tpu.memory_space<vmem>>, vector<4x192x195xf32>,
    tpu.enqueue_dma source(%arg130 : memref<4x192x195xf32, #tpu.memory_space<vmem>>) target(%arg98 : memref<4x192x195xf32, #tpu.memory_space<any>>) target_semaphore(%arg136 : memref<!tpu.dma_semaphore, #tpu.memory_space<semaphore_mem>>)
    tpu.wait_dma2 semaphore(%arg137 : memref<!tpu.dma_semaphore, #tpu.memory_space<semaphore_mem>>) src(%arg131 : memref<4x192x195xf32, #tpu.memory_space<vmem>>) dst(%arg93 : memref<4x192x195xf32, #tpu.memory_space<any>>)
    %lt3A_788 = arith.constant 98 : i32
    %lt3A_789 = vector.broadcast %lt3A_788 : i32 to vector<4x192x195xi32>
    %lt3A_790 = arith.cmpi slt, %iota3A, %lt3A_789 : vector<4x192x195xi32>
    %select_n3A_791 = arith.select %lt3A_790, %get3A_2, %get3A_6 : vector<4x192x195xi1>, vector<4x192x195xf32>
    %swap3A_792 = arith.constant 0 : index
    %swap3A_793 = arith.constant 0 : index
    %swap3A_794 = arith.constant 0 : index
    %swap3A_795 = vector.load %arg131[%swap3A_792, %swap3A_793, %swap3A_794] : memref<4x192x195xf32, #tpu.memory_space<vmem>>, vector<4x192x195xf32>
    tpu.vector_store %arg131[%swap3A_792, %swap3A_793, %swap3A_794], %select_n3A_791 {strides = array<i32>} : memref<4x192x195xf32, #tpu.memory_space<vmem>>, vector<4x192x195xf32>,
    tpu.enqueue_dma source(%arg131 : memref<4x192x195xf32, #tpu.memory_space<vmem>>) target(%arg99 : memref<4x192x195xf32, #tpu.memory_space<any>>) target_semaphore(%arg137 : memref<!tpu.dma_semaphore, #tpu.memory_space<semaphore_mem>>)
    tpu.wait_dma2 semaphore(%arg138 : memref<!tpu.dma_semaphore, #tpu.memory_space<semaphore_mem>>) src(%arg132 : memref<4x192x195xf32, #tpu.memory_space<vmem>>) dst(%arg94 : memref<4x192x195xf32, #tpu.memory_space<any>>)
    %lt3A_796 = arith.constant 99 : i32
    %lt3A_797 = vector.broadcast %lt3A_796 : i32 to vector<4x192x195xi32>
    %lt3A_798 = arith.cmpi slt, %iota3A, %lt3A_797 : vector<4x192x195xi32>
    %select_n3A_799 = arith.select %lt3A_798, %get3A_2, %get3A_6 : vector<4x192x195xi1>, vector<4x192x195xf32>
    %swap3A_800 = arith.constant 0 : index
    %swap3A_801 = arith.constant 0 : index
    %swap3A_802 = arith.constant 0 : index
    %swap3A_803 = vector.load %arg132[%swap3A_800, %swap3A_801, %swap3A_802] : memref<4x192x195xf32, #tpu.memory_space<vmem>>, vector<4x192x195xf32>
    tpu.vector_store %arg132[%swap3A_800, %swap3A_801, %swap3A_802], %select_n3A_799 {strides = array<i32>} : memref<4x192x195xf32, #tpu.memory_space<vmem>>, vector<4x192x195xf32>,
    tpu.enqueue_dma source(%arg132 : memref<4x192x195xf32, #tpu.memory_space<vmem>>) target(%arg100 : memref<4x192x195xf32, #tpu.memory_space<any>>) target_semaphore(%arg138 : memref<!tpu.dma_semaphore, #tpu.memory_space<semaphore_mem>>)
    tpu.wait_dma2 semaphore(%arg139 : memref<!tpu.dma_semaphore, #tpu.memory_space<semaphore_mem>>) src(%arg133 : memref<4x192x195xf32, #tpu.memory_space<vmem>>) dst(%arg95 : memref<4x192x195xf32, #tpu.memory_space<any>>)
    %lt3A_804 = arith.constant 100 : i32
    %lt3A_805 = vector.broadcast %lt3A_804 : i32 to vector<4x192x195xi32>
    %lt3A_806 = arith.cmpi slt, %iota3A, %lt3A_805 : vector<4x192x195xi32>
    %select_n3A_807 = arith.select %lt3A_806, %get3A_2, %get3A_6 : vector<4x192x195xi1>, vector<4x192x195xf32>
    %swap3A_808 = arith.constant 0 : index
    %swap3A_809 = arith.constant 0 : index
    %swap3A_810 = arith.constant 0 : index
    %swap3A_811 = vector.load %arg133[%swap3A_808, %swap3A_809, %swap3A_810] : memref<4x192x195xf32, #tpu.memory_space<vmem>>, vector<4x192x195xf32>
    tpu.vector_store %arg133[%swap3A_808, %swap3A_809, %swap3A_810], %select_n3A_807 {strides = array<i32>} : memref<4x192x195xf32, #tpu.memory_space<vmem>>, vector<4x192x195xf32>,
    tpu.enqueue_dma source(%arg133 : memref<4x192x195xf32, #tpu.memory_space<vmem>>) target(%arg101 : memref<4x192x195xf32, #tpu.memory_space<any>>) target_semaphore(%arg139 : memref<!tpu.dma_semaphore, #tpu.memory_space<semaphore_mem>>)
    tpu.wait_dma2 semaphore(%arg140 : memref<!tpu.dma_semaphore, #tpu.memory_space<semaphore_mem>>) src(%arg134 : memref<4x192x195xf32, #tpu.memory_space<vmem>>) dst(%arg96 : memref<4x192x195xf32, #tpu.memory_space<any>>)
    %lt3A_812 = arith.constant 101 : i32
    %lt3A_813 = vector.broadcast %lt3A_812 : i32 to vector<4x192x195xi32>
    %lt3A_814 = arith.cmpi slt, %iota3A, %lt3A_813 : vector<4x192x195xi32>
    %select_n3A_815 = arith.select %lt3A_814, %get3A_2, %get3A_6 : vector<4x192x195xi1>, vector<4x192x195xf32>
    %swap3A_816 = arith.constant 0 : index
    %swap3A_817 = arith.constant 0 : index
    %swap3A_818 = arith.constant 0 : index
    %swap3A_819 = vector.load %arg134[%swap3A_816, %swap3A_817, %swap3A_818] : memref<4x192x195xf32, #tpu.memory_space<vmem>>, vector<4x192x195xf32>
    tpu.vector_store %arg134[%swap3A_816, %swap3A_817, %swap3A_818], %select_n3A_815 {strides = array<i32>} : memref<4x192x195xf32, #tpu.memory_space<vmem>>, vector<4x192x195xf32>,
    tpu.enqueue_dma source(%arg134 : memref<4x192x195xf32, #tpu.memory_space<vmem>>) target(%arg102 : memref<4x192x195xf32, #tpu.memory_space<any>>) target_semaphore(%arg140 : memref<!tpu.dma_semaphore, #tpu.memory_space<semaphore_mem>>)
    tpu.wait_dma2 semaphore(%arg135 : memref<!tpu.dma_semaphore, #tpu.memory_space<semaphore_mem>>) src(%arg129 : memref<4x192x195xf32, #tpu.memory_space<vmem>>) dst(%arg97 : memref<4x192x195xf32, #tpu.memory_space<any>>)
    %lt3A_820 = arith.constant 102 : i32
    %lt3A_821 = vector.broadcast %lt3A_820 : i32 to vector<4x192x195xi32>
    %lt3A_822 = arith.cmpi slt, %iota3A, %lt3A_821 : vector<4x192x195xi32>
    %select_n3A_823 = arith.select %lt3A_822, %get3A_2, %get3A_6 : vector<4x192x195xi1>, vector<4x192x195xf32>
    %swap3A_824 = arith.constant 0 : index
    %swap3A_825 = arith.constant 0 : index
    %swap3A_826 = arith.constant 0 : index
    %swap3A_827 = vector.load %arg129[%swap3A_824, %swap3A_825, %swap3A_826] : memref<4x192x195xf32, #tpu.memory_space<vmem>>, vector<4x192x195xf32>
    tpu.vector_store %arg129[%swap3A_824, %swap3A_825, %swap3A_826], %select_n3A_823 {strides = array<i32>} : memref<4x192x195xf32, #tpu.memory_space<vmem>>, vector<4x192x195xf32>,
    tpu.enqueue_dma source(%arg129 : memref<4x192x195xf32, #tpu.memory_space<vmem>>) target(%arg103 : memref<4x192x195xf32, #tpu.memory_space<any>>) target_semaphore(%arg135 : memref<!tpu.dma_semaphore, #tpu.memory_space<semaphore_mem>>)
    tpu.wait_dma2 semaphore(%arg136 : memref<!tpu.dma_semaphore, #tpu.memory_space<semaphore_mem>>) src(%arg130 : memref<4x192x195xf32, #tpu.memory_space<vmem>>) dst(%arg98 : memref<4x192x195xf32, #tpu.memory_space<any>>)
    %lt3A_828 = arith.constant 103 : i32
    %lt3A_829 = vector.broadcast %lt3A_828 : i32 to vector<4x192x195xi32>
    %lt3A_830 = arith.cmpi slt, %iota3A, %lt3A_829 : vector<4x192x195xi32>
    %select_n3A_831 = arith.select %lt3A_830, %get3A_2, %get3A_6 : vector<4x192x195xi1>, vector<4x192x195xf32>
    %swap3A_832 = arith.constant 0 : index
    %swap3A_833 = arith.constant 0 : index
    %swap3A_834 = arith.constant 0 : index
    %swap3A_835 = vector.load %arg130[%swap3A_832, %swap3A_833, %swap3A_834] : memref<4x192x195xf32, #tpu.memory_space<vmem>>, vector<4x192x195xf32>
    tpu.vector_store %arg130[%swap3A_832, %swap3A_833, %swap3A_834], %select_n3A_831 {strides = array<i32>} : memref<4x192x195xf32, #tpu.memory_space<vmem>>, vector<4x192x195xf32>,
    tpu.enqueue_dma source(%arg130 : memref<4x192x195xf32, #tpu.memory_space<vmem>>) target(%arg104 : memref<4x192x195xf32, #tpu.memory_space<any>>) target_semaphore(%arg136 : memref<!tpu.dma_semaphore, #tpu.memory_space<semaphore_mem>>)
    tpu.wait_dma2 semaphore(%arg137 : memref<!tpu.dma_semaphore, #tpu.memory_space<semaphore_mem>>) src(%arg131 : memref<4x192x195xf32, #tpu.memory_space<vmem>>) dst(%arg99 : memref<4x192x195xf32, #tpu.memory_space<any>>)
    %lt3A_836 = arith.constant 104 : i32
    %lt3A_837 = vector.broadcast %lt3A_836 : i32 to vector<4x192x195xi32>
    %lt3A_838 = arith.cmpi slt, %iota3A, %lt3A_837 : vector<4x192x195xi32>
    %select_n3A_839 = arith.select %lt3A_838, %get3A_2, %get3A_6 : vector<4x192x195xi1>, vector<4x192x195xf32>
    %swap3A_840 = arith.constant 0 : index
    %swap3A_841 = arith.constant 0 : index
    %swap3A_842 = arith.constant 0 : index
    %swap3A_843 = vector.load %arg131[%swap3A_840, %swap3A_841, %swap3A_842] : memref<4x192x195xf32, #tpu.memory_space<vmem>>, vector<4x192x195xf32>
    tpu.vector_store %arg131[%swap3A_840, %swap3A_841, %swap3A_842], %select_n3A_839 {strides = array<i32>} : memref<4x192x195xf32, #tpu.memory_space<vmem>>, vector<4x192x195xf32>,
    tpu.enqueue_dma source(%arg131 : memref<4x192x195xf32, #tpu.memory_space<vmem>>) target(%arg105 : memref<4x192x195xf32, #tpu.memory_space<any>>) target_semaphore(%arg137 : memref<!tpu.dma_semaphore, #tpu.memory_space<semaphore_mem>>)
    tpu.wait_dma2 semaphore(%arg138 : memref<!tpu.dma_semaphore, #tpu.memory_space<semaphore_mem>>) src(%arg132 : memref<4x192x195xf32, #tpu.memory_space<vmem>>) dst(%arg100 : memref<4x192x195xf32, #tpu.memory_space<any>>)
    %lt3A_844 = arith.constant 105 : i32
    %lt3A_845 = vector.broadcast %lt3A_844 : i32 to vector<4x192x195xi32>
    %lt3A_846 = arith.cmpi slt, %iota3A, %lt3A_845 : vector<4x192x195xi32>
    %select_n3A_847 = arith.select %lt3A_846, %get3A_2, %get3A_6 : vector<4x192x195xi1>, vector<4x192x195xf32>
    %swap3A_848 = arith.constant 0 : index
    %swap3A_849 = arith.constant 0 : index
    %swap3A_850 = arith.constant 0 : index
    %swap3A_851 = vector.load %arg132[%swap3A_848, %swap3A_849, %swap3A_850] : memref<4x192x195xf32, #tpu.memory_space<vmem>>, vector<4x192x195xf32>
    tpu.vector_store %arg132[%swap3A_848, %swap3A_849, %swap3A_850], %select_n3A_847 {strides = array<i32>} : memref<4x192x195xf32, #tpu.memory_space<vmem>>, vector<4x192x195xf32>,
    tpu.enqueue_dma source(%arg132 : memref<4x192x195xf32, #tpu.memory_space<vmem>>) target(%arg106 : memref<4x192x195xf32, #tpu.memory_space<any>>) target_semaphore(%arg138 : memref<!tpu.dma_semaphore, #tpu.memory_space<semaphore_mem>>)
    tpu.wait_dma2 semaphore(%arg139 : memref<!tpu.dma_semaphore, #tpu.memory_space<semaphore_mem>>) src(%arg133 : memref<4x192x195xf32, #tpu.memory_space<vmem>>) dst(%arg101 : memref<4x192x195xf32, #tpu.memory_space<any>>)
    %lt3A_852 = arith.constant 106 : i32
    %lt3A_853 = vector.broadcast %lt3A_852 : i32 to vector<4x192x195xi32>
    %lt3A_854 = arith.cmpi slt, %iota3A, %lt3A_853 : vector<4x192x195xi32>
    %select_n3A_855 = arith.select %lt3A_854, %get3A_2, %get3A_6 : vector<4x192x195xi1>, vector<4x192x195xf32>
    %swap3A_856 = arith.constant 0 : index
    %swap3A_857 = arith.constant 0 : index
    %swap3A_858 = arith.constant 0 : index
    %swap3A_859 = vector.load %arg133[%swap3A_856, %swap3A_857, %swap3A_858] : memref<4x192x195xf32, #tpu.memory_space<vmem>>, vector<4x192x195xf32>
    tpu.vector_store %arg133[%swap3A_856, %swap3A_857, %swap3A_858], %select_n3A_855 {strides = array<i32>} : memref<4x192x195xf32, #tpu.memory_space<vmem>>, vector<4x192x195xf32>,
    tpu.enqueue_dma source(%arg133 : memref<4x192x195xf32, #tpu.memory_space<vmem>>) target(%arg107 : memref<4x192x195xf32, #tpu.memory_space<any>>) target_semaphore(%arg139 : memref<!tpu.dma_semaphore, #tpu.memory_space<semaphore_mem>>)
    tpu.wait_dma2 semaphore(%arg140 : memref<!tpu.dma_semaphore, #tpu.memory_space<semaphore_mem>>) src(%arg134 : memref<4x192x195xf32, #tpu.memory_space<vmem>>) dst(%arg102 : memref<4x192x195xf32, #tpu.memory_space<any>>)
    %lt3A_860 = arith.constant 107 : i32
    %lt3A_861 = vector.broadcast %lt3A_860 : i32 to vector<4x192x195xi32>
    %lt3A_862 = arith.cmpi slt, %iota3A, %lt3A_861 : vector<4x192x195xi32>
    %select_n3A_863 = arith.select %lt3A_862, %get3A_2, %get3A_6 : vector<4x192x195xi1>, vector<4x192x195xf32>
    %swap3A_864 = arith.constant 0 : index
    %swap3A_865 = arith.constant 0 : index
    %swap3A_866 = arith.constant 0 : index
    %swap3A_867 = vector.load %arg134[%swap3A_864, %swap3A_865, %swap3A_866] : memref<4x192x195xf32, #tpu.memory_space<vmem>>, vector<4x192x195xf32>
    tpu.vector_store %arg134[%swap3A_864, %swap3A_865, %swap3A_866], %select_n3A_863 {strides = array<i32>} : memref<4x192x195xf32, #tpu.memory_space<vmem>>, vector<4x192x195xf32>,
    tpu.enqueue_dma source(%arg134 : memref<4x192x195xf32, #tpu.memory_space<vmem>>) target(%arg108 : memref<4x192x195xf32, #tpu.memory_space<any>>) target_semaphore(%arg140 : memref<!tpu.dma_semaphore, #tpu.memory_space<semaphore_mem>>)
    tpu.wait_dma2 semaphore(%arg135 : memref<!tpu.dma_semaphore, #tpu.memory_space<semaphore_mem>>) src(%arg129 : memref<4x192x195xf32, #tpu.memory_space<vmem>>) dst(%arg103 : memref<4x192x195xf32, #tpu.memory_space<any>>)
    %lt3A_868 = arith.constant 108 : i32
    %lt3A_869 = vector.broadcast %lt3A_868 : i32 to vector<4x192x195xi32>
    %lt3A_870 = arith.cmpi slt, %iota3A, %lt3A_869 : vector<4x192x195xi32>
    %select_n3A_871 = arith.select %lt3A_870, %get3A_2, %get3A_6 : vector<4x192x195xi1>, vector<4x192x195xf32>
    %swap3A_872 = arith.constant 0 : index
    %swap3A_873 = arith.constant 0 : index
    %swap3A_874 = arith.constant 0 : index
    %swap3A_875 = vector.load %arg129[%swap3A_872, %swap3A_873, %swap3A_874] : memref<4x192x195xf32, #tpu.memory_space<vmem>>, vector<4x192x195xf32>
    tpu.vector_store %arg129[%swap3A_872, %swap3A_873, %swap3A_874], %select_n3A_871 {strides = array<i32>} : memref<4x192x195xf32, #tpu.memory_space<vmem>>, vector<4x192x195xf32>,
    tpu.enqueue_dma source(%arg129 : memref<4x192x195xf32, #tpu.memory_space<vmem>>) target(%arg109 : memref<4x192x195xf32, #tpu.memory_space<any>>) target_semaphore(%arg135 : memref<!tpu.dma_semaphore, #tpu.memory_space<semaphore_mem>>)
    tpu.wait_dma2 semaphore(%arg136 : memref<!tpu.dma_semaphore, #tpu.memory_space<semaphore_mem>>) src(%arg130 : memref<4x192x195xf32, #tpu.memory_space<vmem>>) dst(%arg104 : memref<4x192x195xf32, #tpu.memory_space<any>>)
    %lt3A_876 = arith.constant 109 : i32
    %lt3A_877 = vector.broadcast %lt3A_876 : i32 to vector<4x192x195xi32>
    %lt3A_878 = arith.cmpi slt, %iota3A, %lt3A_877 : vector<4x192x195xi32>
    %select_n3A_879 = arith.select %lt3A_878, %get3A_2, %get3A_6 : vector<4x192x195xi1>, vector<4x192x195xf32>
    %swap3A_880 = arith.constant 0 : index
    %swap3A_881 = arith.constant 0 : index
    %swap3A_882 = arith.constant 0 : index
    %swap3A_883 = vector.load %arg130[%swap3A_880, %swap3A_881, %swap3A_882] : memref<4x192x195xf32, #tpu.memory_space<vmem>>, vector<4x192x195xf32>
    tpu.vector_store %arg130[%swap3A_880, %swap3A_881, %swap3A_882], %select_n3A_879 {strides = array<i32>} : memref<4x192x195xf32, #tpu.memory_space<vmem>>, vector<4x192x195xf32>,
    tpu.enqueue_dma source(%arg130 : memref<4x192x195xf32, #tpu.memory_space<vmem>>) target(%arg110 : memref<4x192x195xf32, #tpu.memory_space<any>>) target_semaphore(%arg136 : memref<!tpu.dma_semaphore, #tpu.memory_space<semaphore_mem>>)
    tpu.wait_dma2 semaphore(%arg137 : memref<!tpu.dma_semaphore, #tpu.memory_space<semaphore_mem>>) src(%arg131 : memref<4x192x195xf32, #tpu.memory_space<vmem>>) dst(%arg105 : memref<4x192x195xf32, #tpu.memory_space<any>>)
    %lt3A_884 = arith.constant 110 : i32
    %lt3A_885 = vector.broadcast %lt3A_884 : i32 to vector<4x192x195xi32>
    %lt3A_886 = arith.cmpi slt, %iota3A, %lt3A_885 : vector<4x192x195xi32>
    %select_n3A_887 = arith.select %lt3A_886, %get3A_2, %get3A_6 : vector<4x192x195xi1>, vector<4x192x195xf32>
    %swap3A_888 = arith.constant 0 : index
    %swap3A_889 = arith.constant 0 : index
    %swap3A_890 = arith.constant 0 : index
    %swap3A_891 = vector.load %arg131[%swap3A_888, %swap3A_889, %swap3A_890] : memref<4x192x195xf32, #tpu.memory_space<vmem>>, vector<4x192x195xf32>
    tpu.vector_store %arg131[%swap3A_888, %swap3A_889, %swap3A_890], %select_n3A_887 {strides = array<i32>} : memref<4x192x195xf32, #tpu.memory_space<vmem>>, vector<4x192x195xf32>,
    tpu.enqueue_dma source(%arg131 : memref<4x192x195xf32, #tpu.memory_space<vmem>>) target(%arg111 : memref<4x192x195xf32, #tpu.memory_space<any>>) target_semaphore(%arg137 : memref<!tpu.dma_semaphore, #tpu.memory_space<semaphore_mem>>)
    tpu.wait_dma2 semaphore(%arg138 : memref<!tpu.dma_semaphore, #tpu.memory_space<semaphore_mem>>) src(%arg132 : memref<4x192x195xf32, #tpu.memory_space<vmem>>) dst(%arg106 : memref<4x192x195xf32, #tpu.memory_space<any>>)
    %lt3A_892 = arith.constant 111 : i32
    %lt3A_893 = vector.broadcast %lt3A_892 : i32 to vector<4x192x195xi32>
    %lt3A_894 = arith.cmpi slt, %iota3A, %lt3A_893 : vector<4x192x195xi32>
    %select_n3A_895 = arith.select %lt3A_894, %get3A_2, %get3A_6 : vector<4x192x195xi1>, vector<4x192x195xf32>
    %swap3A_896 = arith.constant 0 : index
    %swap3A_897 = arith.constant 0 : index
    %swap3A_898 = arith.constant 0 : index
    %swap3A_899 = vector.load %arg132[%swap3A_896, %swap3A_897, %swap3A_898] : memref<4x192x195xf32, #tpu.memory_space<vmem>>, vector<4x192x195xf32>
    tpu.vector_store %arg132[%swap3A_896, %swap3A_897, %swap3A_898], %select_n3A_895 {strides = array<i32>} : memref<4x192x195xf32, #tpu.memory_space<vmem>>, vector<4x192x195xf32>,
    tpu.enqueue_dma source(%arg132 : memref<4x192x195xf32, #tpu.memory_space<vmem>>) target(%arg112 : memref<4x192x195xf32, #tpu.memory_space<any>>) target_semaphore(%arg138 : memref<!tpu.dma_semaphore, #tpu.memory_space<semaphore_mem>>)
    tpu.wait_dma2 semaphore(%arg139 : memref<!tpu.dma_semaphore, #tpu.memory_space<semaphore_mem>>) src(%arg133 : memref<4x192x195xf32, #tpu.memory_space<vmem>>) dst(%arg107 : memref<4x192x195xf32, #tpu.memory_space<any>>)
    %lt3A_900 = arith.constant 112 : i32
    %lt3A_901 = vector.broadcast %lt3A_900 : i32 to vector<4x192x195xi32>
    %lt3A_902 = arith.cmpi slt, %iota3A, %lt3A_901 : vector<4x192x195xi32>
    %select_n3A_903 = arith.select %lt3A_902, %get3A_2, %get3A_6 : vector<4x192x195xi1>, vector<4x192x195xf32>
    %swap3A_904 = arith.constant 0 : index
    %swap3A_905 = arith.constant 0 : index
    %swap3A_906 = arith.constant 0 : index
    %swap3A_907 = vector.load %arg133[%swap3A_904, %swap3A_905, %swap3A_906] : memref<4x192x195xf32, #tpu.memory_space<vmem>>, vector<4x192x195xf32>
    tpu.vector_store %arg133[%swap3A_904, %swap3A_905, %swap3A_906], %select_n3A_903 {strides = array<i32>} : memref<4x192x195xf32, #tpu.memory_space<vmem>>, vector<4x192x195xf32>,
    tpu.enqueue_dma source(%arg133 : memref<4x192x195xf32, #tpu.memory_space<vmem>>) target(%arg113 : memref<4x192x195xf32, #tpu.memory_space<any>>) target_semaphore(%arg139 : memref<!tpu.dma_semaphore, #tpu.memory_space<semaphore_mem>>)
    tpu.wait_dma2 semaphore(%arg140 : memref<!tpu.dma_semaphore, #tpu.memory_space<semaphore_mem>>) src(%arg134 : memref<4x192x195xf32, #tpu.memory_space<vmem>>) dst(%arg108 : memref<4x192x195xf32, #tpu.memory_space<any>>)
    %lt3A_908 = arith.constant 113 : i32
    %lt3A_909 = vector.broadcast %lt3A_908 : i32 to vector<4x192x195xi32>
    %lt3A_910 = arith.cmpi slt, %iota3A, %lt3A_909 : vector<4x192x195xi32>
    %select_n3A_911 = arith.select %lt3A_910, %get3A_2, %get3A_6 : vector<4x192x195xi1>, vector<4x192x195xf32>
    %swap3A_912 = arith.constant 0 : index
    %swap3A_913 = arith.constant 0 : index
    %swap3A_914 = arith.constant 0 : index
    %swap3A_915 = vector.load %arg134[%swap3A_912, %swap3A_913, %swap3A_914] : memref<4x192x195xf32, #tpu.memory_space<vmem>>, vector<4x192x195xf32>
    tpu.vector_store %arg134[%swap3A_912, %swap3A_913, %swap3A_914], %select_n3A_911 {strides = array<i32>} : memref<4x192x195xf32, #tpu.memory_space<vmem>>, vector<4x192x195xf32>,
    tpu.enqueue_dma source(%arg134 : memref<4x192x195xf32, #tpu.memory_space<vmem>>) target(%arg114 : memref<4x192x195xf32, #tpu.memory_space<any>>) target_semaphore(%arg140 : memref<!tpu.dma_semaphore, #tpu.memory_space<semaphore_mem>>)
    tpu.wait_dma2 semaphore(%arg135 : memref<!tpu.dma_semaphore, #tpu.memory_space<semaphore_mem>>) src(%arg129 : memref<4x192x195xf32, #tpu.memory_space<vmem>>) dst(%arg109 : memref<4x192x195xf32, #tpu.memory_space<any>>)
    %lt3A_916 = arith.constant 114 : i32
    %lt3A_917 = vector.broadcast %lt3A_916 : i32 to vector<4x192x195xi32>
    %lt3A_918 = arith.cmpi slt, %iota3A, %lt3A_917 : vector<4x192x195xi32>
    %select_n3A_919 = arith.select %lt3A_918, %get3A_2, %get3A_6 : vector<4x192x195xi1>, vector<4x192x195xf32>
    %swap3A_920 = arith.constant 0 : index
    %swap3A_921 = arith.constant 0 : index
    %swap3A_922 = arith.constant 0 : index
    %swap3A_923 = vector.load %arg129[%swap3A_920, %swap3A_921, %swap3A_922] : memref<4x192x195xf32, #tpu.memory_space<vmem>>, vector<4x192x195xf32>
    tpu.vector_store %arg129[%swap3A_920, %swap3A_921, %swap3A_922], %select_n3A_919 {strides = array<i32>} : memref<4x192x195xf32, #tpu.memory_space<vmem>>, vector<4x192x195xf32>,
    tpu.enqueue_dma source(%arg129 : memref<4x192x195xf32, #tpu.memory_space<vmem>>) target(%arg115 : memref<4x192x195xf32, #tpu.memory_space<any>>) target_semaphore(%arg135 : memref<!tpu.dma_semaphore, #tpu.memory_space<semaphore_mem>>)
    tpu.wait_dma2 semaphore(%arg136 : memref<!tpu.dma_semaphore, #tpu.memory_space<semaphore_mem>>) src(%arg130 : memref<4x192x195xf32, #tpu.memory_space<vmem>>) dst(%arg110 : memref<4x192x195xf32, #tpu.memory_space<any>>)
    %lt3A_924 = arith.constant 115 : i32
    %lt3A_925 = vector.broadcast %lt3A_924 : i32 to vector<4x192x195xi32>
    %lt3A_926 = arith.cmpi slt, %iota3A, %lt3A_925 : vector<4x192x195xi32>
    %select_n3A_927 = arith.select %lt3A_926, %get3A_2, %get3A_6 : vector<4x192x195xi1>, vector<4x192x195xf32>
    %swap3A_928 = arith.constant 0 : index
    %swap3A_929 = arith.constant 0 : index
    %swap3A_930 = arith.constant 0 : index
    %swap3A_931 = vector.load %arg130[%swap3A_928, %swap3A_929, %swap3A_930] : memref<4x192x195xf32, #tpu.memory_space<vmem>>, vector<4x192x195xf32>
    tpu.vector_store %arg130[%swap3A_928, %swap3A_929, %swap3A_930], %select_n3A_927 {strides = array<i32>} : memref<4x192x195xf32, #tpu.memory_space<vmem>>, vector<4x192x195xf32>,
    tpu.enqueue_dma source(%arg130 : memref<4x192x195xf32, #tpu.memory_space<vmem>>) target(%arg116 : memref<4x192x195xf32, #tpu.memory_space<any>>) target_semaphore(%arg136 : memref<!tpu.dma_semaphore, #tpu.memory_space<semaphore_mem>>)
    tpu.wait_dma2 semaphore(%arg137 : memref<!tpu.dma_semaphore, #tpu.memory_space<semaphore_mem>>) src(%arg131 : memref<4x192x195xf32, #tpu.memory_space<vmem>>) dst(%arg111 : memref<4x192x195xf32, #tpu.memory_space<any>>)
    %lt3A_932 = arith.constant 116 : i32
    %lt3A_933 = vector.broadcast %lt3A_932 : i32 to vector<4x192x195xi32>
    %lt3A_934 = arith.cmpi slt, %iota3A, %lt3A_933 : vector<4x192x195xi32>
    %select_n3A_935 = arith.select %lt3A_934, %get3A_2, %get3A_6 : vector<4x192x195xi1>, vector<4x192x195xf32>
    %swap3A_936 = arith.constant 0 : index
    %swap3A_937 = arith.constant 0 : index
    %swap3A_938 = arith.constant 0 : index
    %swap3A_939 = vector.load %arg131[%swap3A_936, %swap3A_937, %swap3A_938] : memref<4x192x195xf32, #tpu.memory_space<vmem>>, vector<4x192x195xf32>
    tpu.vector_store %arg131[%swap3A_936, %swap3A_937, %swap3A_938], %select_n3A_935 {strides = array<i32>} : memref<4x192x195xf32, #tpu.memory_space<vmem>>, vector<4x192x195xf32>,
    tpu.enqueue_dma source(%arg131 : memref<4x192x195xf32, #tpu.memory_space<vmem>>) target(%arg117 : memref<4x192x195xf32, #tpu.memory_space<any>>) target_semaphore(%arg137 : memref<!tpu.dma_semaphore, #tpu.memory_space<semaphore_mem>>)
    tpu.wait_dma2 semaphore(%arg138 : memref<!tpu.dma_semaphore, #tpu.memory_space<semaphore_mem>>) src(%arg132 : memref<4x192x195xf32, #tpu.memory_space<vmem>>) dst(%arg112 : memref<4x192x195xf32, #tpu.memory_space<any>>)
    %lt3A_940 = arith.constant 117 : i32
    %lt3A_941 = vector.broadcast %lt3A_940 : i32 to vector<4x192x195xi32>
    %lt3A_942 = arith.cmpi slt, %iota3A, %lt3A_941 : vector<4x192x195xi32>
    %select_n3A_943 = arith.select %lt3A_942, %get3A_2, %get3A_6 : vector<4x192x195xi1>, vector<4x192x195xf32>
    %swap3A_944 = arith.constant 0 : index
    %swap3A_945 = arith.constant 0 : index
    %swap3A_946 = arith.constant 0 : index
    %swap3A_947 = vector.load %arg132[%swap3A_944, %swap3A_945, %swap3A_946] : memref<4x192x195xf32, #tpu.memory_space<vmem>>, vector<4x192x195xf32>
    tpu.vector_store %arg132[%swap3A_944, %swap3A_945, %swap3A_946], %select_n3A_943 {strides = array<i32>} : memref<4x192x195xf32, #tpu.memory_space<vmem>>, vector<4x192x195xf32>,
    tpu.enqueue_dma source(%arg132 : memref<4x192x195xf32, #tpu.memory_space<vmem>>) target(%arg118 : memref<4x192x195xf32, #tpu.memory_space<any>>) target_semaphore(%arg138 : memref<!tpu.dma_semaphore, #tpu.memory_space<semaphore_mem>>)
    tpu.wait_dma2 semaphore(%arg139 : memref<!tpu.dma_semaphore, #tpu.memory_space<semaphore_mem>>) src(%arg133 : memref<4x192x195xf32, #tpu.memory_space<vmem>>) dst(%arg113 : memref<4x192x195xf32, #tpu.memory_space<any>>)
    %lt3A_948 = arith.constant 118 : i32
    %lt3A_949 = vector.broadcast %lt3A_948 : i32 to vector<4x192x195xi32>
    %lt3A_950 = arith.cmpi slt, %iota3A, %lt3A_949 : vector<4x192x195xi32>
    %select_n3A_951 = arith.select %lt3A_950, %get3A_2, %get3A_6 : vector<4x192x195xi1>, vector<4x192x195xf32>
    %swap3A_952 = arith.constant 0 : index
    %swap3A_953 = arith.constant 0 : index
    %swap3A_954 = arith.constant 0 : index
    %swap3A_955 = vector.load %arg133[%swap3A_952, %swap3A_953, %swap3A_954] : memref<4x192x195xf32, #tpu.memory_space<vmem>>, vector<4x192x195xf32>
    tpu.vector_store %arg133[%swap3A_952, %swap3A_953, %swap3A_954], %select_n3A_951 {strides = array<i32>} : memref<4x192x195xf32, #tpu.memory_space<vmem>>, vector<4x192x195xf32>,
    tpu.enqueue_dma source(%arg133 : memref<4x192x195xf32, #tpu.memory_space<vmem>>) target(%arg119 : memref<4x192x195xf32, #tpu.memory_space<any>>) target_semaphore(%arg139 : memref<!tpu.dma_semaphore, #tpu.memory_space<semaphore_mem>>)
    tpu.wait_dma2 semaphore(%arg140 : memref<!tpu.dma_semaphore, #tpu.memory_space<semaphore_mem>>) src(%arg134 : memref<4x192x195xf32, #tpu.memory_space<vmem>>) dst(%arg114 : memref<4x192x195xf32, #tpu.memory_space<any>>)
    %lt3A_956 = arith.constant 119 : i32
    %lt3A_957 = vector.broadcast %lt3A_956 : i32 to vector<4x192x195xi32>
    %lt3A_958 = arith.cmpi slt, %iota3A, %lt3A_957 : vector<4x192x195xi32>
    %select_n3A_959 = arith.select %lt3A_958, %get3A_2, %get3A_6 : vector<4x192x195xi1>, vector<4x192x195xf32>
    %swap3A_960 = arith.constant 0 : index
    %swap3A_961 = arith.constant 0 : index
    %swap3A_962 = arith.constant 0 : index
    %swap3A_963 = vector.load %arg134[%swap3A_960, %swap3A_961, %swap3A_962] : memref<4x192x195xf32, #tpu.memory_space<vmem>>, vector<4x192x195xf32>
    tpu.vector_store %arg134[%swap3A_960, %swap3A_961, %swap3A_962], %select_n3A_959 {strides = array<i32>} : memref<4x192x195xf32, #tpu.memory_space<vmem>>, vector<4x192x195xf32>,
    tpu.enqueue_dma source(%arg134 : memref<4x192x195xf32, #tpu.memory_space<vmem>>) target(%arg120 : memref<4x192x195xf32, #tpu.memory_space<any>>) target_semaphore(%arg140 : memref<!tpu.dma_semaphore, #tpu.memory_space<semaphore_mem>>)
    tpu.wait_dma2 semaphore(%arg135 : memref<!tpu.dma_semaphore, #tpu.memory_space<semaphore_mem>>) src(%arg129 : memref<4x192x195xf32, #tpu.memory_space<vmem>>) dst(%arg115 : memref<4x192x195xf32, #tpu.memory_space<any>>)
    %lt3A_964 = arith.constant 120 : i32
    %lt3A_965 = vector.broadcast %lt3A_964 : i32 to vector<4x192x195xi32>
    %lt3A_966 = arith.cmpi slt, %iota3A, %lt3A_965 : vector<4x192x195xi32>
    %select_n3A_967 = arith.select %lt3A_966, %get3A_2, %get3A_6 : vector<4x192x195xi1>, vector<4x192x195xf32>
    %swap3A_968 = arith.constant 0 : index
    %swap3A_969 = arith.constant 0 : index
    %swap3A_970 = arith.constant 0 : index
    %swap3A_971 = vector.load %arg129[%swap3A_968, %swap3A_969, %swap3A_970] : memref<4x192x195xf32, #tpu.memory_space<vmem>>, vector<4x192x195xf32>
    tpu.vector_store %arg129[%swap3A_968, %swap3A_969, %swap3A_970], %select_n3A_967 {strides = array<i32>} : memref<4x192x195xf32, #tpu.memory_space<vmem>>, vector<4x192x195xf32>,
    tpu.enqueue_dma source(%arg129 : memref<4x192x195xf32, #tpu.memory_space<vmem>>) target(%arg121 : memref<4x192x195xf32, #tpu.memory_space<any>>) target_semaphore(%arg135 : memref<!tpu.dma_semaphore, #tpu.memory_space<semaphore_mem>>)
    tpu.wait_dma2 semaphore(%arg136 : memref<!tpu.dma_semaphore, #tpu.memory_space<semaphore_mem>>) src(%arg130 : memref<4x192x195xf32, #tpu.memory_space<vmem>>) dst(%arg116 : memref<4x192x195xf32, #tpu.memory_space<any>>)
    %lt3A_972 = arith.constant 121 : i32
    %lt3A_973 = vector.broadcast %lt3A_972 : i32 to vector<4x192x195xi32>
    %lt3A_974 = arith.cmpi slt, %iota3A, %lt3A_973 : vector<4x192x195xi32>
    %select_n3A_975 = arith.select %lt3A_974, %get3A_2, %get3A_6 : vector<4x192x195xi1>, vector<4x192x195xf32>
    %swap3A_976 = arith.constant 0 : index
    %swap3A_977 = arith.constant 0 : index
    %swap3A_978 = arith.constant 0 : index
    %swap3A_979 = vector.load %arg130[%swap3A_976, %swap3A_977, %swap3A_978] : memref<4x192x195xf32, #tpu.memory_space<vmem>>, vector<4x192x195xf32>
    tpu.vector_store %arg130[%swap3A_976, %swap3A_977, %swap3A_978], %select_n3A_975 {strides = array<i32>} : memref<4x192x195xf32, #tpu.memory_space<vmem>>, vector<4x192x195xf32>,
    tpu.enqueue_dma source(%arg130 : memref<4x192x195xf32, #tpu.memory_space<vmem>>) target(%arg122 : memref<4x192x195xf32, #tpu.memory_space<any>>) target_semaphore(%arg136 : memref<!tpu.dma_semaphore, #tpu.memory_space<semaphore_mem>>)
    tpu.wait_dma2 semaphore(%arg137 : memref<!tpu.dma_semaphore, #tpu.memory_space<semaphore_mem>>) src(%arg131 : memref<4x192x195xf32, #tpu.memory_space<vmem>>) dst(%arg117 : memref<4x192x195xf32, #tpu.memory_space<any>>)
    %lt3A_980 = arith.constant 122 : i32
    %lt3A_981 = vector.broadcast %lt3A_980 : i32 to vector<4x192x195xi32>
    %lt3A_982 = arith.cmpi slt, %iota3A, %lt3A_981 : vector<4x192x195xi32>
    %select_n3A_983 = arith.select %lt3A_982, %get3A_2, %get3A_6 : vector<4x192x195xi1>, vector<4x192x195xf32>
    %swap3A_984 = arith.constant 0 : index
    %swap3A_985 = arith.constant 0 : index
    %swap3A_986 = arith.constant 0 : index
    %swap3A_987 = vector.load %arg131[%swap3A_984, %swap3A_985, %swap3A_986] : memref<4x192x195xf32, #tpu.memory_space<vmem>>, vector<4x192x195xf32>
    tpu.vector_store %arg131[%swap3A_984, %swap3A_985, %swap3A_986], %select_n3A_983 {strides = array<i32>} : memref<4x192x195xf32, #tpu.memory_space<vmem>>, vector<4x192x195xf32>,
    tpu.enqueue_dma source(%arg131 : memref<4x192x195xf32, #tpu.memory_space<vmem>>) target(%arg123 : memref<4x192x195xf32, #tpu.memory_space<any>>) target_semaphore(%arg137 : memref<!tpu.dma_semaphore, #tpu.memory_space<semaphore_mem>>)
    tpu.wait_dma2 semaphore(%arg138 : memref<!tpu.dma_semaphore, #tpu.memory_space<semaphore_mem>>) src(%arg132 : memref<4x192x195xf32, #tpu.memory_space<vmem>>) dst(%arg118 : memref<4x192x195xf32, #tpu.memory_space<any>>)
    %lt3A_988 = arith.constant 123 : i32
    %lt3A_989 = vector.broadcast %lt3A_988 : i32 to vector<4x192x195xi32>
    %lt3A_990 = arith.cmpi slt, %iota3A, %lt3A_989 : vector<4x192x195xi32>
    %select_n3A_991 = arith.select %lt3A_990, %get3A_2, %get3A_6 : vector<4x192x195xi1>, vector<4x192x195xf32>
    %swap3A_992 = arith.constant 0 : index
    %swap3A_993 = arith.constant 0 : index
    %swap3A_994 = arith.constant 0 : index
    %swap3A_995 = vector.load %arg132[%swap3A_992, %swap3A_993, %swap3A_994] : memref<4x192x195xf32, #tpu.memory_space<vmem>>, vector<4x192x195xf32>
    tpu.vector_store %arg132[%swap3A_992, %swap3A_993, %swap3A_994], %select_n3A_991 {strides = array<i32>} : memref<4x192x195xf32, #tpu.memory_space<vmem>>, vector<4x192x195xf32>,
    tpu.enqueue_dma source(%arg132 : memref<4x192x195xf32, #tpu.memory_space<vmem>>) target(%arg124 : memref<4x192x195xf32, #tpu.memory_space<any>>) target_semaphore(%arg138 : memref<!tpu.dma_semaphore, #tpu.memory_space<semaphore_mem>>)
    tpu.wait_dma2 semaphore(%arg139 : memref<!tpu.dma_semaphore, #tpu.memory_space<semaphore_mem>>) src(%arg133 : memref<4x192x195xf32, #tpu.memory_space<vmem>>) dst(%arg119 : memref<4x192x195xf32, #tpu.memory_space<any>>)
    %lt3A_996 = arith.constant 124 : i32
    %lt3A_997 = vector.broadcast %lt3A_996 : i32 to vector<4x192x195xi32>
    %lt3A_998 = arith.cmpi slt, %iota3A, %lt3A_997 : vector<4x192x195xi32>
    %select_n3A_999 = arith.select %lt3A_998, %get3A_2, %get3A_6 : vector<4x192x195xi1>, vector<4x192x195xf32>
    %swap3A_1000 = arith.constant 0 : index
    %swap3A_1001 = arith.constant 0 : index
    %swap3A_1002 = arith.constant 0 : index
    %swap3A_1003 = vector.load %arg133[%swap3A_1000, %swap3A_1001, %swap3A_1002] : memref<4x192x195xf32, #tpu.memory_space<vmem>>, vector<4x192x195xf32>
    tpu.vector_store %arg133[%swap3A_1000, %swap3A_1001, %swap3A_1002], %select_n3A_999 {strides = array<i32>} : memref<4x192x195xf32, #tpu.memory_space<vmem>>, vector<4x192x195xf32>,
    tpu.enqueue_dma source(%arg133 : memref<4x192x195xf32, #tpu.memory_space<vmem>>) target(%arg125 : memref<4x192x195xf32, #tpu.memory_space<any>>) target_semaphore(%arg139 : memref<!tpu.dma_semaphore, #tpu.memory_space<semaphore_mem>>)
    tpu.wait_dma2 semaphore(%arg140 : memref<!tpu.dma_semaphore, #tpu.memory_space<semaphore_mem>>) src(%arg134 : memref<4x192x195xf32, #tpu.memory_space<vmem>>) dst(%arg120 : memref<4x192x195xf32, #tpu.memory_space<any>>)
    %lt3A_1004 = arith.constant 125 : i32
    %lt3A_1005 = vector.broadcast %lt3A_1004 : i32 to vector<4x192x195xi32>
    %lt3A_1006 = arith.cmpi slt, %iota3A, %lt3A_1005 : vector<4x192x195xi32>
    %select_n3A_1007 = arith.select %lt3A_1006, %get3A_2, %get3A_6 : vector<4x192x195xi1>, vector<4x192x195xf32>
    %swap3A_1008 = arith.constant 0 : index
    %swap3A_1009 = arith.constant 0 : index
    %swap3A_1010 = arith.constant 0 : index
    %swap3A_1011 = vector.load %arg134[%swap3A_1008, %swap3A_1009, %swap3A_1010] : memref<4x192x195xf32, #tpu.memory_space<vmem>>, vector<4x192x195xf32>
    tpu.vector_store %arg134[%swap3A_1008, %swap3A_1009, %swap3A_1010], %select_n3A_1007 {strides = array<i32>} : memref<4x192x195xf32, #tpu.memory_space<vmem>>, vector<4x192x195xf32>,
    tpu.enqueue_dma source(%arg134 : memref<4x192x195xf32, #tpu.memory_space<vmem>>) target(%arg126 : memref<4x192x195xf32, #tpu.memory_space<any>>) target_semaphore(%arg140 : memref<!tpu.dma_semaphore, #tpu.memory_space<semaphore_mem>>)
    tpu.wait_dma2 semaphore(%arg135 : memref<!tpu.dma_semaphore, #tpu.memory_space<semaphore_mem>>) src(%arg129 : memref<4x192x195xf32, #tpu.memory_space<vmem>>) dst(%arg121 : memref<4x192x195xf32, #tpu.memory_space<any>>)
    %lt3A_1012 = arith.constant 126 : i32
    %lt3A_1013 = vector.broadcast %lt3A_1012 : i32 to vector<4x192x195xi32>
    %lt3A_1014 = arith.cmpi slt, %iota3A, %lt3A_1013 : vector<4x192x195xi32>
    %select_n3A_1015 = arith.select %lt3A_1014, %get3A_2, %get3A_6 : vector<4x192x195xi1>, vector<4x192x195xf32>
    %swap3A_1016 = arith.constant 0 : index
    %swap3A_1017 = arith.constant 0 : index
    %swap3A_1018 = arith.constant 0 : index
    %swap3A_1019 = vector.load %arg129[%swap3A_1016, %swap3A_1017, %swap3A_1018] : memref<4x192x195xf32, #tpu.memory_space<vmem>>, vector<4x192x195xf32>
    tpu.vector_store %arg129[%swap3A_1016, %swap3A_1017, %swap3A_1018], %select_n3A_1015 {strides = array<i32>} : memref<4x192x195xf32, #tpu.memory_space<vmem>>, vector<4x192x195xf32>,
    tpu.enqueue_dma source(%arg129 : memref<4x192x195xf32, #tpu.memory_space<vmem>>) target(%arg127 : memref<4x192x195xf32, #tpu.memory_space<any>>) target_semaphore(%arg135 : memref<!tpu.dma_semaphore, #tpu.memory_space<semaphore_mem>>)
    tpu.wait_dma2 semaphore(%arg136 : memref<!tpu.dma_semaphore, #tpu.memory_space<semaphore_mem>>) src(%arg130 : memref<4x192x195xf32, #tpu.memory_space<vmem>>) dst(%arg122 : memref<4x192x195xf32, #tpu.memory_space<any>>)
    %lt3A_1020 = arith.constant 127 : i32
    %lt3A_1021 = vector.broadcast %lt3A_1020 : i32 to vector<4x192x195xi32>
    %lt3A_1022 = arith.cmpi slt, %iota3A, %lt3A_1021 : vector<4x192x195xi32>
    %select_n3A_1023 = arith.select %lt3A_1022, %get3A_2, %get3A_6 : vector<4x192x195xi1>, vector<4x192x195xf32>
    %swap3A_1024 = arith.constant 0 : index
    %swap3A_1025 = arith.constant 0 : index
    %swap3A_1026 = arith.constant 0 : index
    %swap3A_1027 = vector.load %arg130[%swap3A_1024, %swap3A_1025, %swap3A_1026] : memref<4x192x195xf32, #tpu.memory_space<vmem>>, vector<4x192x195xf32>
    tpu.vector_store %arg130[%swap3A_1024, %swap3A_1025, %swap3A_1026], %select_n3A_1023 {strides = array<i32>} : memref<4x192x195xf32, #tpu.memory_space<vmem>>, vector<4x192x195xf32>,
    tpu.enqueue_dma source(%arg130 : memref<4x192x195xf32, #tpu.memory_space<vmem>>) target(%arg128 : memref<4x192x195xf32, #tpu.memory_space<any>>) target_semaphore(%arg136 : memref<!tpu.dma_semaphore, #tpu.memory_space<semaphore_mem>>)
    tpu.wait_dma2 semaphore(%arg135 : memref<!tpu.dma_semaphore, #tpu.memory_space<semaphore_mem>>) src(%arg129 : memref<4x192x195xf32, #tpu.memory_space<vmem>>) dst(%arg127 : memref<4x192x195xf32, #tpu.memory_space<any>>)
    tpu.wait_dma2 semaphore(%arg136 : memref<!tpu.dma_semaphore, #tpu.memory_space<semaphore_mem>>) src(%arg130 : memref<4x192x195xf32, #tpu.memory_space<vmem>>) dst(%arg128 : memref<4x192x195xf32, #tpu.memory_space<any>>)
    tpu.wait_dma2 semaphore(%arg137 : memref<!tpu.dma_semaphore, #tpu.memory_space<semaphore_mem>>) src(%arg131 : memref<4x192x195xf32, #tpu.memory_space<vmem>>) dst(%arg123 : memref<4x192x195xf32, #tpu.memory_space<any>>)
    tpu.wait_dma2 semaphore(%arg138 : memref<!tpu.dma_semaphore, #tpu.memory_space<semaphore_mem>>) src(%arg132 : memref<4x192x195xf32, #tpu.memory_space<vmem>>) dst(%arg124 : memref<4x192x195xf32, #tpu.memory_space<any>>)
    tpu.wait_dma2 semaphore(%arg139 : memref<!tpu.dma_semaphore, #tpu.memory_space<semaphore_mem>>) src(%arg133 : memref<4x192x195xf32, #tpu.memory_space<vmem>>) dst(%arg125 : memref<4x192x195xf32, #tpu.memory_space<any>>)
    tpu.wait_dma2 semaphore(%arg140 : memref<!tpu.dma_semaphore, #tpu.memory_space<semaphore_mem>>) src(%arg134 : memref<4x192x195xf32, #tpu.memory_space<vmem>>) dst(%arg126 : memref<4x192x195xf32, #tpu.memory_space<any>>)
    return
  }
}

module attributes {stable_mosaic.version = 14 : i64} {
  func.func @_tc_fin_body(%arg0: memref<4x192x196xf32, #tpu.memory_space<vmem>>, %arg1: memref<4x192x195xf32, #tpu.memory_space<any>>, %arg2: memref<4x192x195xf32, #tpu.memory_space<any>>, %arg3: memref<4x192x195xf32, #tpu.memory_space<any>>, %arg4: memref<4x192x195xf32, #tpu.memory_space<any>>, %arg5: memref<4x192x195xf32, #tpu.memory_space<any>>, %arg6: memref<4x192x195xf32, #tpu.memory_space<any>>, %arg7: memref<4x192x195xf32, #tpu.memory_space<any>>, %arg8: memref<4x192x195xf32, #tpu.memory_space<any>>, %arg9: memref<4x192x195xf32, #tpu.memory_space<any>>, %arg10: memref<4x192x195xf32, #tpu.memory_space<any>>, %arg11: memref<4x192x195xf32, #tpu.memory_space<any>>, %arg12: memref<4x192x195xf32, #tpu.memory_space<any>>, %arg13: memref<4x192x195xf32, #tpu.memory_space<any>>, %arg14: memref<4x192x195xf32, #tpu.memory_space<any>>, %arg15: memref<4x192x195xf32, #tpu.memory_space<any>>, %arg16: memref<4x192x195xf32, #tpu.memory_space<any>>, %arg17: memref<4x192x195xf32, #tpu.memory_space<any>>, %arg18: memref<4x192x195xf32, #tpu.memory_space<any>>, %arg19: memref<4x192x195xf32, #tpu.memory_space<any>>, %arg20: memref<4x192x195xf32, #tpu.memory_space<any>>, %arg21: memref<4x192x195xf32, #tpu.memory_space<any>>, %arg22: memref<4x192x195xf32, #tpu.memory_space<any>>, %arg23: memref<4x192x195xf32, #tpu.memory_space<any>>, %arg24: memref<4x192x195xf32, #tpu.memory_space<any>>, %arg25: memref<4x192x195xf32, #tpu.memory_space<any>>, %arg26: memref<4x192x195xf32, #tpu.memory_space<any>>, %arg27: memref<4x192x195xf32, #tpu.memory_space<any>>, %arg28: memref<4x192x195xf32, #tpu.memory_space<any>>, %arg29: memref<4x192x195xf32, #tpu.memory_space<any>>, %arg30: memref<4x192x195xf32, #tpu.memory_space<any>>, %arg31: memref<4x192x195xf32, #tpu.memory_space<any>>, %arg32: memref<4x192x195xf32, #tpu.memory_space<any>>, %arg33: memref<4x192x195xf32, #tpu.memory_space<any>>, %arg34: memref<4x192x195xf32, #tpu.memory_space<any>>, %arg35: memref<4x192x195xf32, #tpu.memory_space<any>>, %arg36: memref<4x192x195xf32, #tpu.memory_space<any>>, %arg37: memref<4x192x195xf32, #tpu.memory_space<any>>, %arg38: memref<4x192x195xf32, #tpu.memory_space<any>>, %arg39: memref<4x192x195xf32, #tpu.memory_space<any>>, %arg40: memref<4x192x195xf32, #tpu.memory_space<any>>, %arg41: memref<4x192x195xf32, #tpu.memory_space<any>>, %arg42: memref<4x192x195xf32, #tpu.memory_space<any>>, %arg43: memref<4x192x195xf32, #tpu.memory_space<any>>, %arg44: memref<4x192x195xf32, #tpu.memory_space<any>>, %arg45: memref<4x192x195xf32, #tpu.memory_space<any>>, %arg46: memref<4x192x195xf32, #tpu.memory_space<any>>, %arg47: memref<4x192x195xf32, #tpu.memory_space<any>>, %arg48: memref<4x192x195xf32, #tpu.memory_space<any>>, %arg49: memref<4x192x195xf32, #tpu.memory_space<any>>, %arg50: memref<4x192x195xf32, #tpu.memory_space<any>>, %arg51: memref<4x192x195xf32, #tpu.memory_space<any>>, %arg52: memref<4x192x195xf32, #tpu.memory_space<any>>, %arg53: memref<4x192x195xf32, #tpu.memory_space<any>>, %arg54: memref<4x192x195xf32, #tpu.memory_space<any>>, %arg55: memref<4x192x195xf32, #tpu.memory_space<any>>, %arg56: memref<4x192x195xf32, #tpu.memory_space<any>>, %arg57: memref<4x192x195xf32, #tpu.memory_space<any>>, %arg58: memref<4x192x195xf32, #tpu.memory_space<any>>, %arg59: memref<4x192x195xf32, #tpu.memory_space<any>>, %arg60: memref<4x192x195xf32, #tpu.memory_space<any>>, %arg61: memref<4x192x195xf32, #tpu.memory_space<any>>, %arg62: memref<4x192x195xf32, #tpu.memory_space<any>>, %arg63: memref<4x192x195xf32, #tpu.memory_space<any>>, %arg64: memref<4x192x195xf32, #tpu.memory_space<any>>, %arg65: memref<4x192x195xf32, #tpu.memory_space<any>>, %arg66: memref<4x192x195xf32, #tpu.memory_space<any>>, %arg67: memref<4x192x195xf32, #tpu.memory_space<any>>, %arg68: memref<4x192x195xf32, #tpu.memory_space<any>>, %arg69: memref<4x192x195xf32, #tpu.memory_space<any>>, %arg70: memref<4x192x195xf32, #tpu.memory_space<any>>, %arg71: memref<4x192x195xf32, #tpu.memory_space<any>>, %arg72: memref<4x192x195xf32, #tpu.memory_space<any>>, %arg73: memref<4x192x195xf32, #tpu.memory_space<any>>, %arg74: memref<4x192x195xf32, #tpu.memory_space<any>>, %arg75: memref<4x192x195xf32, #tpu.memory_space<any>>, %arg76: memref<4x192x195xf32, #tpu.memory_space<any>>, %arg77: memref<4x192x195xf32, #tpu.memory_space<any>>, %arg78: memref<4x192x195xf32, #tpu.memory_space<any>>, %arg79: memref<4x192x195xf32, #tpu.memory_space<any>>, %arg80: memref<4x192x195xf32, #tpu.memory_space<any>>, %arg81: memref<4x192x195xf32, #tpu.memory_space<any>>, %arg82: memref<4x192x195xf32, #tpu.memory_space<any>>, %arg83: memref<4x192x195xf32, #tpu.memory_space<any>>, %arg84: memref<4x192x195xf32, #tpu.memory_space<any>>, %arg85: memref<4x192x195xf32, #tpu.memory_space<any>>, %arg86: memref<4x192x195xf32, #tpu.memory_space<any>>, %arg87: memref<4x192x195xf32, #tpu.memory_space<any>>, %arg88: memref<4x192x195xf32, #tpu.memory_space<any>>, %arg89: memref<4x192x195xf32, #tpu.memory_space<any>>, %arg90: memref<4x192x195xf32, #tpu.memory_space<any>>, %arg91: memref<4x192x195xf32, #tpu.memory_space<any>>, %arg92: memref<4x192x195xf32, #tpu.memory_space<any>>, %arg93: memref<4x192x195xf32, #tpu.memory_space<any>>, %arg94: memref<4x192x195xf32, #tpu.memory_space<any>>, %arg95: memref<4x192x195xf32, #tpu.memory_space<any>>, %arg96: memref<4x192x195xf32, #tpu.memory_space<any>>, %arg97: memref<4x192x195xf32, #tpu.memory_space<any>>, %arg98: memref<4x192x195xf32, #tpu.memory_space<any>>, %arg99: memref<4x192x195xf32, #tpu.memory_space<any>>, %arg100: memref<4x192x195xf32, #tpu.memory_space<any>>, %arg101: memref<4x192x195xf32, #tpu.memory_space<any>>, %arg102: memref<4x192x195xf32, #tpu.memory_space<any>>, %arg103: memref<4x192x195xf32, #tpu.memory_space<any>>, %arg104: memref<4x192x195xf32, #tpu.memory_space<any>>, %arg105: memref<4x192x195xf32, #tpu.memory_space<any>>, %arg106: memref<4x192x195xf32, #tpu.memory_space<any>>, %arg107: memref<4x192x195xf32, #tpu.memory_space<any>>, %arg108: memref<4x192x195xf32, #tpu.memory_space<any>>, %arg109: memref<4x192x195xf32, #tpu.memory_space<any>>, %arg110: memref<4x192x195xf32, #tpu.memory_space<any>>, %arg111: memref<4x192x195xf32, #tpu.memory_space<any>>, %arg112: memref<4x192x195xf32, #tpu.memory_space<any>>, %arg113: memref<4x192x195xf32, #tpu.memory_space<any>>, %arg114: memref<4x192x195xf32, #tpu.memory_space<any>>, %arg115: memref<4x192x195xf32, #tpu.memory_space<any>>, %arg116: memref<4x192x195xf32, #tpu.memory_space<any>>, %arg117: memref<4x192x195xf32, #tpu.memory_space<any>>, %arg118: memref<4x192x195xf32, #tpu.memory_space<any>>, %arg119: memref<4x192x195xf32, #tpu.memory_space<any>>, %arg120: memref<4x192x195xf32, #tpu.memory_space<any>>, %arg121: memref<4x192x195xf32, #tpu.memory_space<any>>, %arg122: memref<4x192x195xf32, #tpu.memory_space<any>>, %arg123: memref<4x192x195xf32, #tpu.memory_space<any>>, %arg124: memref<4x192x195xf32, #tpu.memory_space<any>>, %arg125: memref<4x192x195xf32, #tpu.memory_space<any>>, %arg126: memref<4x192x195xf32, #tpu.memory_space<any>>, %arg127: memref<4x192x195xf32, #tpu.memory_space<any>>, %arg128: memref<4x192x195xf32, #tpu.memory_space<any>>, %arg129: memref<4x192x195xf32, #tpu.memory_space<any>>, %arg130: memref<4x192x195xf32, #tpu.memory_space<any>>, %arg131: memref<4x192x195xf32, #tpu.memory_space<any>>, %arg132: memref<4x192x195xf32, #tpu.memory_space<any>>, %arg133: memref<4x192x195xf32, #tpu.memory_space<any>>, %arg134: memref<4x192x195xf32, #tpu.memory_space<any>>, %arg135: memref<4x192x195xf32, #tpu.memory_space<any>>, %arg136: memref<4x192x195xf32, #tpu.memory_space<any>>, %arg137: memref<4x192x67xf32, #tpu.memory_space<vmem>>, %arg138: memref<4x192x67xf32, #tpu.memory_space<vmem>>, %arg139: memref<4x192x67xf32, #tpu.memory_space<vmem>>, %arg140: memref<4x192x67xf32, #tpu.memory_space<vmem>>, %arg141: memref<4x192x67xf32, #tpu.memory_space<vmem>>, %arg142: memref<4x192x67xf32, #tpu.memory_space<vmem>>, %arg143: memref<!tpu.dma_semaphore, #tpu.memory_space<semaphore_mem>>, %arg144: memref<!tpu.dma_semaphore, #tpu.memory_space<semaphore_mem>>, %arg145: memref<!tpu.dma_semaphore, #tpu.memory_space<semaphore_mem>>, %arg146: memref<!tpu.dma_semaphore, #tpu.memory_space<semaphore_mem>>, %arg147: memref<!tpu.dma_semaphore, #tpu.memory_space<semaphore_mem>>, %arg148: memref<!tpu.dma_semaphore, #tpu.memory_space<semaphore_mem>>) attributes {dimension_semantics = [], scalar_prefetch = 0 : i64, scratch_operands = 12 : i64, tpu.core_type = #tpu.core_type<tc>} {
    %get3A = arith.constant 0 : index
    %get3A_0 = arith.constant 0 : index
    %get3A_1 = arith.constant 128 : index
    %get3A_2 = vector.load %arg0[%get3A, %get3A_0, %get3A_1] : memref<4x192x196xf32, #tpu.memory_space<vmem>>, vector<4x192x67xf32>
    %get3A_3 = arith.constant 0 : index
    %get3A_4 = arith.constant 0 : index
    %get3A_5 = arith.constant 129 : index
    %get3A_6 = vector.load %arg0[%get3A_3, %get3A_4, %get3A_5] : memref<4x192x196xf32, #tpu.memory_space<vmem>>, vector<4x192x67xf32>
    %iota3A = tpu.iota {dimensions = array<i32: 2>} : vector<4x192x67xi32>
    %add3A = arith.constant 128 : i32
    %add3A_7 = vector.broadcast %add3A : i32 to vector<4x192x67xi32>
    %add3A_8 = arith.addi %iota3A, %add3A_7 : vector<4x192x67xi32>
    %lt3A = arith.constant 128 : i32
    %lt3A_9 = vector.broadcast %lt3A : i32 to vector<4x192x67xi32>
    %lt3A_10 = arith.cmpi slt, %add3A_8, %lt3A_9 : vector<4x192x67xi32>
    %select_n3A = arith.select %lt3A_10, %get3A_2, %get3A_6 : vector<4x192x67xi1>, vector<4x192x67xf32>
    %swap3A = arith.constant 0 : index
    %swap3A_11 = arith.constant 0 : index
    %swap3A_12 = arith.constant 0 : index
    %swap3A_13 = vector.load %arg137[%swap3A, %swap3A_11, %swap3A_12] : memref<4x192x67xf32, #tpu.memory_space<vmem>>, vector<4x192x67xf32>
    tpu.vector_store %arg137[%swap3A, %swap3A_11, %swap3A_12], %select_n3A {strides = array<i32>} : memref<4x192x67xf32, #tpu.memory_space<vmem>>, vector<4x192x67xf32>,
    %dma_start3A = arith.constant 0 : i32
    %dma_start3A_14 = arith.constant 0 : i32
    %dma_start3A_15 = arith.constant 128 : i32
    %dma_start3A_16 = tpu.memref_slice %arg69[%dma_start3A, %dma_start3A_14, %dma_start3A_15] : memref<4x192x195xf32, #tpu.memory_space<any>> -> memref<4x192x67xf32, #tpu.memory_space<any>>
    tpu.enqueue_dma source(%arg137 : memref<4x192x67xf32, #tpu.memory_space<vmem>>) target(%dma_start3A_16 : memref<4x192x67xf32, #tpu.memory_space<any>>) target_semaphore(%arg143 : memref<!tpu.dma_semaphore, #tpu.memory_space<semaphore_mem>>)
    %lt3A_17 = arith.constant 129 : i32
    %lt3A_18 = vector.broadcast %lt3A_17 : i32 to vector<4x192x67xi32>
    %lt3A_19 = arith.cmpi slt, %add3A_8, %lt3A_18 : vector<4x192x67xi32>
    %select_n3A_20 = arith.select %lt3A_19, %get3A_2, %get3A_6 : vector<4x192x67xi1>, vector<4x192x67xf32>
    %swap3A_21 = arith.constant 0 : index
    %swap3A_22 = arith.constant 0 : index
    %swap3A_23 = arith.constant 0 : index
    %swap3A_24 = vector.load %arg138[%swap3A_21, %swap3A_22, %swap3A_23] : memref<4x192x67xf32, #tpu.memory_space<vmem>>, vector<4x192x67xf32>
    tpu.vector_store %arg138[%swap3A_21, %swap3A_22, %swap3A_23], %select_n3A_20 {strides = array<i32>} : memref<4x192x67xf32, #tpu.memory_space<vmem>>, vector<4x192x67xf32>,
    %dma_start3A_25 = arith.constant 0 : i32
    %dma_start3A_26 = arith.constant 0 : i32
    %dma_start3A_27 = arith.constant 128 : i32
    %dma_start3A_28 = tpu.memref_slice %arg70[%dma_start3A_25, %dma_start3A_26, %dma_start3A_27] : memref<4x192x195xf32, #tpu.memory_space<any>> -> memref<4x192x67xf32, #tpu.memory_space<any>>
    tpu.enqueue_dma source(%arg138 : memref<4x192x67xf32, #tpu.memory_space<vmem>>) target(%dma_start3A_28 : memref<4x192x67xf32, #tpu.memory_space<any>>) target_semaphore(%arg144 : memref<!tpu.dma_semaphore, #tpu.memory_space<semaphore_mem>>)
    %lt3A_29 = arith.constant 130 : i32
    %lt3A_30 = vector.broadcast %lt3A_29 : i32 to vector<4x192x67xi32>
    %lt3A_31 = arith.cmpi slt, %add3A_8, %lt3A_30 : vector<4x192x67xi32>
    %select_n3A_32 = arith.select %lt3A_31, %get3A_2, %get3A_6 : vector<4x192x67xi1>, vector<4x192x67xf32>
    %swap3A_33 = arith.constant 0 : index
    %swap3A_34 = arith.constant 0 : index
    %swap3A_35 = arith.constant 0 : index
    %swap3A_36 = vector.load %arg139[%swap3A_33, %swap3A_34, %swap3A_35] : memref<4x192x67xf32, #tpu.memory_space<vmem>>, vector<4x192x67xf32>
    tpu.vector_store %arg139[%swap3A_33, %swap3A_34, %swap3A_35], %select_n3A_32 {strides = array<i32>} : memref<4x192x67xf32, #tpu.memory_space<vmem>>, vector<4x192x67xf32>,
    %dma_start3A_37 = arith.constant 0 : i32
    %dma_start3A_38 = arith.constant 0 : i32
    %dma_start3A_39 = arith.constant 128 : i32
    %dma_start3A_40 = tpu.memref_slice %arg71[%dma_start3A_37, %dma_start3A_38, %dma_start3A_39] : memref<4x192x195xf32, #tpu.memory_space<any>> -> memref<4x192x67xf32, #tpu.memory_space<any>>
    tpu.enqueue_dma source(%arg139 : memref<4x192x67xf32, #tpu.memory_space<vmem>>) target(%dma_start3A_40 : memref<4x192x67xf32, #tpu.memory_space<any>>) target_semaphore(%arg145 : memref<!tpu.dma_semaphore, #tpu.memory_space<semaphore_mem>>)
    %lt3A_41 = arith.constant 131 : i32
    %lt3A_42 = vector.broadcast %lt3A_41 : i32 to vector<4x192x67xi32>
    %lt3A_43 = arith.cmpi slt, %add3A_8, %lt3A_42 : vector<4x192x67xi32>
    %select_n3A_44 = arith.select %lt3A_43, %get3A_2, %get3A_6 : vector<4x192x67xi1>, vector<4x192x67xf32>
    %swap3A_45 = arith.constant 0 : index
    %swap3A_46 = arith.constant 0 : index
    %swap3A_47 = arith.constant 0 : index
    %swap3A_48 = vector.load %arg140[%swap3A_45, %swap3A_46, %swap3A_47] : memref<4x192x67xf32, #tpu.memory_space<vmem>>, vector<4x192x67xf32>
    tpu.vector_store %arg140[%swap3A_45, %swap3A_46, %swap3A_47], %select_n3A_44 {strides = array<i32>} : memref<4x192x67xf32, #tpu.memory_space<vmem>>, vector<4x192x67xf32>,
    %dma_start3A_49 = arith.constant 0 : i32
    %dma_start3A_50 = arith.constant 0 : i32
    %dma_start3A_51 = arith.constant 128 : i32
    %dma_start3A_52 = tpu.memref_slice %arg72[%dma_start3A_49, %dma_start3A_50, %dma_start3A_51] : memref<4x192x195xf32, #tpu.memory_space<any>> -> memref<4x192x67xf32, #tpu.memory_space<any>>
    tpu.enqueue_dma source(%arg140 : memref<4x192x67xf32, #tpu.memory_space<vmem>>) target(%dma_start3A_52 : memref<4x192x67xf32, #tpu.memory_space<any>>) target_semaphore(%arg146 : memref<!tpu.dma_semaphore, #tpu.memory_space<semaphore_mem>>)
    %lt3A_53 = arith.constant 132 : i32
    %lt3A_54 = vector.broadcast %lt3A_53 : i32 to vector<4x192x67xi32>
    %lt3A_55 = arith.cmpi slt, %add3A_8, %lt3A_54 : vector<4x192x67xi32>
    %select_n3A_56 = arith.select %lt3A_55, %get3A_2, %get3A_6 : vector<4x192x67xi1>, vector<4x192x67xf32>
    %swap3A_57 = arith.constant 0 : index
    %swap3A_58 = arith.constant 0 : index
    %swap3A_59 = arith.constant 0 : index
    %swap3A_60 = vector.load %arg141[%swap3A_57, %swap3A_58, %swap3A_59] : memref<4x192x67xf32, #tpu.memory_space<vmem>>, vector<4x192x67xf32>
    tpu.vector_store %arg141[%swap3A_57, %swap3A_58, %swap3A_59], %select_n3A_56 {strides = array<i32>} : memref<4x192x67xf32, #tpu.memory_space<vmem>>, vector<4x192x67xf32>,
    %dma_start3A_61 = arith.constant 0 : i32
    %dma_start3A_62 = arith.constant 0 : i32
    %dma_start3A_63 = arith.constant 128 : i32
    %dma_start3A_64 = tpu.memref_slice %arg73[%dma_start3A_61, %dma_start3A_62, %dma_start3A_63] : memref<4x192x195xf32, #tpu.memory_space<any>> -> memref<4x192x67xf32, #tpu.memory_space<any>>
    tpu.enqueue_dma source(%arg141 : memref<4x192x67xf32, #tpu.memory_space<vmem>>) target(%dma_start3A_64 : memref<4x192x67xf32, #tpu.memory_space<any>>) target_semaphore(%arg147 : memref<!tpu.dma_semaphore, #tpu.memory_space<semaphore_mem>>)
    %lt3A_65 = arith.constant 133 : i32
    %lt3A_66 = vector.broadcast %lt3A_65 : i32 to vector<4x192x67xi32>
    %lt3A_67 = arith.cmpi slt, %add3A_8, %lt3A_66 : vector<4x192x67xi32>
    %select_n3A_68 = arith.select %lt3A_67, %get3A_2, %get3A_6 : vector<4x192x67xi1>, vector<4x192x67xf32>
    %swap3A_69 = arith.constant 0 : index
    %swap3A_70 = arith.constant 0 : index
    %swap3A_71 = arith.constant 0 : index
    %swap3A_72 = vector.load %arg142[%swap3A_69, %swap3A_70, %swap3A_71] : memref<4x192x67xf32, #tpu.memory_space<vmem>>, vector<4x192x67xf32>
    tpu.vector_store %arg142[%swap3A_69, %swap3A_70, %swap3A_71], %select_n3A_68 {strides = array<i32>} : memref<4x192x67xf32, #tpu.memory_space<vmem>>, vector<4x192x67xf32>,
    %dma_start3A_73 = arith.constant 0 : i32
    %dma_start3A_74 = arith.constant 0 : i32
    %dma_start3A_75 = arith.constant 128 : i32
    %dma_start3A_76 = tpu.memref_slice %arg74[%dma_start3A_73, %dma_start3A_74, %dma_start3A_75] : memref<4x192x195xf32, #tpu.memory_space<any>> -> memref<4x192x67xf32, #tpu.memory_space<any>>
    tpu.enqueue_dma source(%arg142 : memref<4x192x67xf32, #tpu.memory_space<vmem>>) target(%dma_start3A_76 : memref<4x192x67xf32, #tpu.memory_space<any>>) target_semaphore(%arg148 : memref<!tpu.dma_semaphore, #tpu.memory_space<semaphore_mem>>)
    %dma_wait3A = arith.constant 0 : i32
    %dma_wait3A_77 = arith.constant 0 : i32
    %dma_wait3A_78 = arith.constant 128 : i32
    %dma_wait3A_79 = tpu.memref_slice %arg69[%dma_wait3A, %dma_wait3A_77, %dma_wait3A_78] : memref<4x192x195xf32, #tpu.memory_space<any>> -> memref<4x192x67xf32, #tpu.memory_space<any>>
    tpu.wait_dma2 semaphore(%arg143 : memref<!tpu.dma_semaphore, #tpu.memory_space<semaphore_mem>>) src(%arg137 : memref<4x192x67xf32, #tpu.memory_space<vmem>>) dst(%dma_wait3A_79 : memref<4x192x67xf32, #tpu.memory_space<any>>)
    %lt3A_80 = arith.constant 134 : i32
    %lt3A_81 = vector.broadcast %lt3A_80 : i32 to vector<4x192x67xi32>
    %lt3A_82 = arith.cmpi slt, %add3A_8, %lt3A_81 : vector<4x192x67xi32>
    %select_n3A_83 = arith.select %lt3A_82, %get3A_2, %get3A_6 : vector<4x192x67xi1>, vector<4x192x67xf32>
    %swap3A_84 = arith.constant 0 : index
    %swap3A_85 = arith.constant 0 : index
    %swap3A_86 = arith.constant 0 : index
    %swap3A_87 = vector.load %arg137[%swap3A_84, %swap3A_85, %swap3A_86] : memref<4x192x67xf32, #tpu.memory_space<vmem>>, vector<4x192x67xf32>
    tpu.vector_store %arg137[%swap3A_84, %swap3A_85, %swap3A_86], %select_n3A_83 {strides = array<i32>} : memref<4x192x67xf32, #tpu.memory_space<vmem>>, vector<4x192x67xf32>,
    %dma_start3A_88 = arith.constant 0 : i32
    %dma_start3A_89 = arith.constant 0 : i32
    %dma_start3A_90 = arith.constant 128 : i32
    %dma_start3A_91 = tpu.memref_slice %arg75[%dma_start3A_88, %dma_start3A_89, %dma_start3A_90] : memref<4x192x195xf32, #tpu.memory_space<any>> -> memref<4x192x67xf32, #tpu.memory_space<any>>
    tpu.enqueue_dma source(%arg137 : memref<4x192x67xf32, #tpu.memory_space<vmem>>) target(%dma_start3A_91 : memref<4x192x67xf32, #tpu.memory_space<any>>) target_semaphore(%arg143 : memref<!tpu.dma_semaphore, #tpu.memory_space<semaphore_mem>>)
    %dma_wait3A_92 = arith.constant 0 : i32
    %dma_wait3A_93 = arith.constant 0 : i32
    %dma_wait3A_94 = arith.constant 128 : i32
    %dma_wait3A_95 = tpu.memref_slice %arg70[%dma_wait3A_92, %dma_wait3A_93, %dma_wait3A_94] : memref<4x192x195xf32, #tpu.memory_space<any>> -> memref<4x192x67xf32, #tpu.memory_space<any>>
    tpu.wait_dma2 semaphore(%arg144 : memref<!tpu.dma_semaphore, #tpu.memory_space<semaphore_mem>>) src(%arg138 : memref<4x192x67xf32, #tpu.memory_space<vmem>>) dst(%dma_wait3A_95 : memref<4x192x67xf32, #tpu.memory_space<any>>)
    %lt3A_96 = arith.constant 135 : i32
    %lt3A_97 = vector.broadcast %lt3A_96 : i32 to vector<4x192x67xi32>
    %lt3A_98 = arith.cmpi slt, %add3A_8, %lt3A_97 : vector<4x192x67xi32>
    %select_n3A_99 = arith.select %lt3A_98, %get3A_2, %get3A_6 : vector<4x192x67xi1>, vector<4x192x67xf32>
    %swap3A_100 = arith.constant 0 : index
    %swap3A_101 = arith.constant 0 : index
    %swap3A_102 = arith.constant 0 : index
    %swap3A_103 = vector.load %arg138[%swap3A_100, %swap3A_101, %swap3A_102] : memref<4x192x67xf32, #tpu.memory_space<vmem>>, vector<4x192x67xf32>
    tpu.vector_store %arg138[%swap3A_100, %swap3A_101, %swap3A_102], %select_n3A_99 {strides = array<i32>} : memref<4x192x67xf32, #tpu.memory_space<vmem>>, vector<4x192x67xf32>,
    %dma_start3A_104 = arith.constant 0 : i32
    %dma_start3A_105 = arith.constant 0 : i32
    %dma_start3A_106 = arith.constant 128 : i32
    %dma_start3A_107 = tpu.memref_slice %arg76[%dma_start3A_104, %dma_start3A_105, %dma_start3A_106] : memref<4x192x195xf32, #tpu.memory_space<any>> -> memref<4x192x67xf32, #tpu.memory_space<any>>
    tpu.enqueue_dma source(%arg138 : memref<4x192x67xf32, #tpu.memory_space<vmem>>) target(%dma_start3A_107 : memref<4x192x67xf32, #tpu.memory_space<any>>) target_semaphore(%arg144 : memref<!tpu.dma_semaphore, #tpu.memory_space<semaphore_mem>>)
    %dma_wait3A_108 = arith.constant 0 : i32
    %dma_wait3A_109 = arith.constant 0 : i32
    %dma_wait3A_110 = arith.constant 128 : i32
    %dma_wait3A_111 = tpu.memref_slice %arg71[%dma_wait3A_108, %dma_wait3A_109, %dma_wait3A_110] : memref<4x192x195xf32, #tpu.memory_space<any>> -> memref<4x192x67xf32, #tpu.memory_space<any>>
    tpu.wait_dma2 semaphore(%arg145 : memref<!tpu.dma_semaphore, #tpu.memory_space<semaphore_mem>>) src(%arg139 : memref<4x192x67xf32, #tpu.memory_space<vmem>>) dst(%dma_wait3A_111 : memref<4x192x67xf32, #tpu.memory_space<any>>)
    %lt3A_112 = arith.constant 136 : i32
    %lt3A_113 = vector.broadcast %lt3A_112 : i32 to vector<4x192x67xi32>
    %lt3A_114 = arith.cmpi slt, %add3A_8, %lt3A_113 : vector<4x192x67xi32>
    %select_n3A_115 = arith.select %lt3A_114, %get3A_2, %get3A_6 : vector<4x192x67xi1>, vector<4x192x67xf32>
    %swap3A_116 = arith.constant 0 : index
    %swap3A_117 = arith.constant 0 : index
    %swap3A_118 = arith.constant 0 : index
    %swap3A_119 = vector.load %arg139[%swap3A_116, %swap3A_117, %swap3A_118] : memref<4x192x67xf32, #tpu.memory_space<vmem>>, vector<4x192x67xf32>
    tpu.vector_store %arg139[%swap3A_116, %swap3A_117, %swap3A_118], %select_n3A_115 {strides = array<i32>} : memref<4x192x67xf32, #tpu.memory_space<vmem>>, vector<4x192x67xf32>,
    %dma_start3A_120 = arith.constant 0 : i32
    %dma_start3A_121 = arith.constant 0 : i32
    %dma_start3A_122 = arith.constant 128 : i32
    %dma_start3A_123 = tpu.memref_slice %arg77[%dma_start3A_120, %dma_start3A_121, %dma_start3A_122] : memref<4x192x195xf32, #tpu.memory_space<any>> -> memref<4x192x67xf32, #tpu.memory_space<any>>
    tpu.enqueue_dma source(%arg139 : memref<4x192x67xf32, #tpu.memory_space<vmem>>) target(%dma_start3A_123 : memref<4x192x67xf32, #tpu.memory_space<any>>) target_semaphore(%arg145 : memref<!tpu.dma_semaphore, #tpu.memory_space<semaphore_mem>>)
    %dma_wait3A_124 = arith.constant 0 : i32
    %dma_wait3A_125 = arith.constant 0 : i32
    %dma_wait3A_126 = arith.constant 128 : i32
    %dma_wait3A_127 = tpu.memref_slice %arg72[%dma_wait3A_124, %dma_wait3A_125, %dma_wait3A_126] : memref<4x192x195xf32, #tpu.memory_space<any>> -> memref<4x192x67xf32, #tpu.memory_space<any>>
    tpu.wait_dma2 semaphore(%arg146 : memref<!tpu.dma_semaphore, #tpu.memory_space<semaphore_mem>>) src(%arg140 : memref<4x192x67xf32, #tpu.memory_space<vmem>>) dst(%dma_wait3A_127 : memref<4x192x67xf32, #tpu.memory_space<any>>)
    %lt3A_128 = arith.constant 137 : i32
    %lt3A_129 = vector.broadcast %lt3A_128 : i32 to vector<4x192x67xi32>
    %lt3A_130 = arith.cmpi slt, %add3A_8, %lt3A_129 : vector<4x192x67xi32>
    %select_n3A_131 = arith.select %lt3A_130, %get3A_2, %get3A_6 : vector<4x192x67xi1>, vector<4x192x67xf32>
    %swap3A_132 = arith.constant 0 : index
    %swap3A_133 = arith.constant 0 : index
    %swap3A_134 = arith.constant 0 : index
    %swap3A_135 = vector.load %arg140[%swap3A_132, %swap3A_133, %swap3A_134] : memref<4x192x67xf32, #tpu.memory_space<vmem>>, vector<4x192x67xf32>
    tpu.vector_store %arg140[%swap3A_132, %swap3A_133, %swap3A_134], %select_n3A_131 {strides = array<i32>} : memref<4x192x67xf32, #tpu.memory_space<vmem>>, vector<4x192x67xf32>,
    %dma_start3A_136 = arith.constant 0 : i32
    %dma_start3A_137 = arith.constant 0 : i32
    %dma_start3A_138 = arith.constant 128 : i32
    %dma_start3A_139 = tpu.memref_slice %arg78[%dma_start3A_136, %dma_start3A_137, %dma_start3A_138] : memref<4x192x195xf32, #tpu.memory_space<any>> -> memref<4x192x67xf32, #tpu.memory_space<any>>
    tpu.enqueue_dma source(%arg140 : memref<4x192x67xf32, #tpu.memory_space<vmem>>) target(%dma_start3A_139 : memref<4x192x67xf32, #tpu.memory_space<any>>) target_semaphore(%arg146 : memref<!tpu.dma_semaphore, #tpu.memory_space<semaphore_mem>>)
    %dma_wait3A_140 = arith.constant 0 : i32
    %dma_wait3A_141 = arith.constant 0 : i32
    %dma_wait3A_142 = arith.constant 128 : i32
    %dma_wait3A_143 = tpu.memref_slice %arg73[%dma_wait3A_140, %dma_wait3A_141, %dma_wait3A_142] : memref<4x192x195xf32, #tpu.memory_space<any>> -> memref<4x192x67xf32, #tpu.memory_space<any>>
    tpu.wait_dma2 semaphore(%arg147 : memref<!tpu.dma_semaphore, #tpu.memory_space<semaphore_mem>>) src(%arg141 : memref<4x192x67xf32, #tpu.memory_space<vmem>>) dst(%dma_wait3A_143 : memref<4x192x67xf32, #tpu.memory_space<any>>)
    %lt3A_144 = arith.constant 138 : i32
    %lt3A_145 = vector.broadcast %lt3A_144 : i32 to vector<4x192x67xi32>
    %lt3A_146 = arith.cmpi slt, %add3A_8, %lt3A_145 : vector<4x192x67xi32>
    %select_n3A_147 = arith.select %lt3A_146, %get3A_2, %get3A_6 : vector<4x192x67xi1>, vector<4x192x67xf32>
    %swap3A_148 = arith.constant 0 : index
    %swap3A_149 = arith.constant 0 : index
    %swap3A_150 = arith.constant 0 : index
    %swap3A_151 = vector.load %arg141[%swap3A_148, %swap3A_149, %swap3A_150] : memref<4x192x67xf32, #tpu.memory_space<vmem>>, vector<4x192x67xf32>
    tpu.vector_store %arg141[%swap3A_148, %swap3A_149, %swap3A_150], %select_n3A_147 {strides = array<i32>} : memref<4x192x67xf32, #tpu.memory_space<vmem>>, vector<4x192x67xf32>,
    %dma_start3A_152 = arith.constant 0 : i32
    %dma_start3A_153 = arith.constant 0 : i32
    %dma_start3A_154 = arith.constant 128 : i32
    %dma_start3A_155 = tpu.memref_slice %arg79[%dma_start3A_152, %dma_start3A_153, %dma_start3A_154] : memref<4x192x195xf32, #tpu.memory_space<any>> -> memref<4x192x67xf32, #tpu.memory_space<any>>
    tpu.enqueue_dma source(%arg141 : memref<4x192x67xf32, #tpu.memory_space<vmem>>) target(%dma_start3A_155 : memref<4x192x67xf32, #tpu.memory_space<any>>) target_semaphore(%arg147 : memref<!tpu.dma_semaphore, #tpu.memory_space<semaphore_mem>>)
    %dma_wait3A_156 = arith.constant 0 : i32
    %dma_wait3A_157 = arith.constant 0 : i32
    %dma_wait3A_158 = arith.constant 128 : i32
    %dma_wait3A_159 = tpu.memref_slice %arg74[%dma_wait3A_156, %dma_wait3A_157, %dma_wait3A_158] : memref<4x192x195xf32, #tpu.memory_space<any>> -> memref<4x192x67xf32, #tpu.memory_space<any>>
    tpu.wait_dma2 semaphore(%arg148 : memref<!tpu.dma_semaphore, #tpu.memory_space<semaphore_mem>>) src(%arg142 : memref<4x192x67xf32, #tpu.memory_space<vmem>>) dst(%dma_wait3A_159 : memref<4x192x67xf32, #tpu.memory_space<any>>)
    %lt3A_160 = arith.constant 139 : i32
    %lt3A_161 = vector.broadcast %lt3A_160 : i32 to vector<4x192x67xi32>
    %lt3A_162 = arith.cmpi slt, %add3A_8, %lt3A_161 : vector<4x192x67xi32>
    %select_n3A_163 = arith.select %lt3A_162, %get3A_2, %get3A_6 : vector<4x192x67xi1>, vector<4x192x67xf32>
    %swap3A_164 = arith.constant 0 : index
    %swap3A_165 = arith.constant 0 : index
    %swap3A_166 = arith.constant 0 : index
    %swap3A_167 = vector.load %arg142[%swap3A_164, %swap3A_165, %swap3A_166] : memref<4x192x67xf32, #tpu.memory_space<vmem>>, vector<4x192x67xf32>
    tpu.vector_store %arg142[%swap3A_164, %swap3A_165, %swap3A_166], %select_n3A_163 {strides = array<i32>} : memref<4x192x67xf32, #tpu.memory_space<vmem>>, vector<4x192x67xf32>,
    %dma_start3A_168 = arith.constant 0 : i32
    %dma_start3A_169 = arith.constant 0 : i32
    %dma_start3A_170 = arith.constant 128 : i32
    %dma_start3A_171 = tpu.memref_slice %arg80[%dma_start3A_168, %dma_start3A_169, %dma_start3A_170] : memref<4x192x195xf32, #tpu.memory_space<any>> -> memref<4x192x67xf32, #tpu.memory_space<any>>
    tpu.enqueue_dma source(%arg142 : memref<4x192x67xf32, #tpu.memory_space<vmem>>) target(%dma_start3A_171 : memref<4x192x67xf32, #tpu.memory_space<any>>) target_semaphore(%arg148 : memref<!tpu.dma_semaphore, #tpu.memory_space<semaphore_mem>>)
    %dma_wait3A_172 = arith.constant 0 : i32
    %dma_wait3A_173 = arith.constant 0 : i32
    %dma_wait3A_174 = arith.constant 128 : i32
    %dma_wait3A_175 = tpu.memref_slice %arg75[%dma_wait3A_172, %dma_wait3A_173, %dma_wait3A_174] : memref<4x192x195xf32, #tpu.memory_space<any>> -> memref<4x192x67xf32, #tpu.memory_space<any>>
    tpu.wait_dma2 semaphore(%arg143 : memref<!tpu.dma_semaphore, #tpu.memory_space<semaphore_mem>>) src(%arg137 : memref<4x192x67xf32, #tpu.memory_space<vmem>>) dst(%dma_wait3A_175 : memref<4x192x67xf32, #tpu.memory_space<any>>)
    %lt3A_176 = arith.constant 140 : i32
    %lt3A_177 = vector.broadcast %lt3A_176 : i32 to vector<4x192x67xi32>
    %lt3A_178 = arith.cmpi slt, %add3A_8, %lt3A_177 : vector<4x192x67xi32>
    %select_n3A_179 = arith.select %lt3A_178, %get3A_2, %get3A_6 : vector<4x192x67xi1>, vector<4x192x67xf32>
    %swap3A_180 = arith.constant 0 : index
    %swap3A_181 = arith.constant 0 : index
    %swap3A_182 = arith.constant 0 : index
    %swap3A_183 = vector.load %arg137[%swap3A_180, %swap3A_181, %swap3A_182] : memref<4x192x67xf32, #tpu.memory_space<vmem>>, vector<4x192x67xf32>
    tpu.vector_store %arg137[%swap3A_180, %swap3A_181, %swap3A_182], %select_n3A_179 {strides = array<i32>} : memref<4x192x67xf32, #tpu.memory_space<vmem>>, vector<4x192x67xf32>,
    %dma_start3A_184 = arith.constant 0 : i32
    %dma_start3A_185 = arith.constant 0 : i32
    %dma_start3A_186 = arith.constant 128 : i32
    %dma_start3A_187 = tpu.memref_slice %arg81[%dma_start3A_184, %dma_start3A_185, %dma_start3A_186] : memref<4x192x195xf32, #tpu.memory_space<any>> -> memref<4x192x67xf32, #tpu.memory_space<any>>
    tpu.enqueue_dma source(%arg137 : memref<4x192x67xf32, #tpu.memory_space<vmem>>) target(%dma_start3A_187 : memref<4x192x67xf32, #tpu.memory_space<any>>) target_semaphore(%arg143 : memref<!tpu.dma_semaphore, #tpu.memory_space<semaphore_mem>>)
    %dma_wait3A_188 = arith.constant 0 : i32
    %dma_wait3A_189 = arith.constant 0 : i32
    %dma_wait3A_190 = arith.constant 128 : i32
    %dma_wait3A_191 = tpu.memref_slice %arg76[%dma_wait3A_188, %dma_wait3A_189, %dma_wait3A_190] : memref<4x192x195xf32, #tpu.memory_space<any>> -> memref<4x192x67xf32, #tpu.memory_space<any>>
    tpu.wait_dma2 semaphore(%arg144 : memref<!tpu.dma_semaphore, #tpu.memory_space<semaphore_mem>>) src(%arg138 : memref<4x192x67xf32, #tpu.memory_space<vmem>>) dst(%dma_wait3A_191 : memref<4x192x67xf32, #tpu.memory_space<any>>)
    %lt3A_192 = arith.constant 141 : i32
    %lt3A_193 = vector.broadcast %lt3A_192 : i32 to vector<4x192x67xi32>
    %lt3A_194 = arith.cmpi slt, %add3A_8, %lt3A_193 : vector<4x192x67xi32>
    %select_n3A_195 = arith.select %lt3A_194, %get3A_2, %get3A_6 : vector<4x192x67xi1>, vector<4x192x67xf32>
    %swap3A_196 = arith.constant 0 : index
    %swap3A_197 = arith.constant 0 : index
    %swap3A_198 = arith.constant 0 : index
    %swap3A_199 = vector.load %arg138[%swap3A_196, %swap3A_197, %swap3A_198] : memref<4x192x67xf32, #tpu.memory_space<vmem>>, vector<4x192x67xf32>
    tpu.vector_store %arg138[%swap3A_196, %swap3A_197, %swap3A_198], %select_n3A_195 {strides = array<i32>} : memref<4x192x67xf32, #tpu.memory_space<vmem>>, vector<4x192x67xf32>,
    %dma_start3A_200 = arith.constant 0 : i32
    %dma_start3A_201 = arith.constant 0 : i32
    %dma_start3A_202 = arith.constant 128 : i32
    %dma_start3A_203 = tpu.memref_slice %arg82[%dma_start3A_200, %dma_start3A_201, %dma_start3A_202] : memref<4x192x195xf32, #tpu.memory_space<any>> -> memref<4x192x67xf32, #tpu.memory_space<any>>
    tpu.enqueue_dma source(%arg138 : memref<4x192x67xf32, #tpu.memory_space<vmem>>) target(%dma_start3A_203 : memref<4x192x67xf32, #tpu.memory_space<any>>) target_semaphore(%arg144 : memref<!tpu.dma_semaphore, #tpu.memory_space<semaphore_mem>>)
    %dma_wait3A_204 = arith.constant 0 : i32
    %dma_wait3A_205 = arith.constant 0 : i32
    %dma_wait3A_206 = arith.constant 128 : i32
    %dma_wait3A_207 = tpu.memref_slice %arg77[%dma_wait3A_204, %dma_wait3A_205, %dma_wait3A_206] : memref<4x192x195xf32, #tpu.memory_space<any>> -> memref<4x192x67xf32, #tpu.memory_space<any>>
    tpu.wait_dma2 semaphore(%arg145 : memref<!tpu.dma_semaphore, #tpu.memory_space<semaphore_mem>>) src(%arg139 : memref<4x192x67xf32, #tpu.memory_space<vmem>>) dst(%dma_wait3A_207 : memref<4x192x67xf32, #tpu.memory_space<any>>)
    %lt3A_208 = arith.constant 142 : i32
    %lt3A_209 = vector.broadcast %lt3A_208 : i32 to vector<4x192x67xi32>
    %lt3A_210 = arith.cmpi slt, %add3A_8, %lt3A_209 : vector<4x192x67xi32>
    %select_n3A_211 = arith.select %lt3A_210, %get3A_2, %get3A_6 : vector<4x192x67xi1>, vector<4x192x67xf32>
    %swap3A_212 = arith.constant 0 : index
    %swap3A_213 = arith.constant 0 : index
    %swap3A_214 = arith.constant 0 : index
    %swap3A_215 = vector.load %arg139[%swap3A_212, %swap3A_213, %swap3A_214] : memref<4x192x67xf32, #tpu.memory_space<vmem>>, vector<4x192x67xf32>
    tpu.vector_store %arg139[%swap3A_212, %swap3A_213, %swap3A_214], %select_n3A_211 {strides = array<i32>} : memref<4x192x67xf32, #tpu.memory_space<vmem>>, vector<4x192x67xf32>,
    %dma_start3A_216 = arith.constant 0 : i32
    %dma_start3A_217 = arith.constant 0 : i32
    %dma_start3A_218 = arith.constant 128 : i32
    %dma_start3A_219 = tpu.memref_slice %arg83[%dma_start3A_216, %dma_start3A_217, %dma_start3A_218] : memref<4x192x195xf32, #tpu.memory_space<any>> -> memref<4x192x67xf32, #tpu.memory_space<any>>
    tpu.enqueue_dma source(%arg139 : memref<4x192x67xf32, #tpu.memory_space<vmem>>) target(%dma_start3A_219 : memref<4x192x67xf32, #tpu.memory_space<any>>) target_semaphore(%arg145 : memref<!tpu.dma_semaphore, #tpu.memory_space<semaphore_mem>>)
    %dma_wait3A_220 = arith.constant 0 : i32
    %dma_wait3A_221 = arith.constant 0 : i32
    %dma_wait3A_222 = arith.constant 128 : i32
    %dma_wait3A_223 = tpu.memref_slice %arg78[%dma_wait3A_220, %dma_wait3A_221, %dma_wait3A_222] : memref<4x192x195xf32, #tpu.memory_space<any>> -> memref<4x192x67xf32, #tpu.memory_space<any>>
    tpu.wait_dma2 semaphore(%arg146 : memref<!tpu.dma_semaphore, #tpu.memory_space<semaphore_mem>>) src(%arg140 : memref<4x192x67xf32, #tpu.memory_space<vmem>>) dst(%dma_wait3A_223 : memref<4x192x67xf32, #tpu.memory_space<any>>)
    %lt3A_224 = arith.constant 143 : i32
    %lt3A_225 = vector.broadcast %lt3A_224 : i32 to vector<4x192x67xi32>
    %lt3A_226 = arith.cmpi slt, %add3A_8, %lt3A_225 : vector<4x192x67xi32>
    %select_n3A_227 = arith.select %lt3A_226, %get3A_2, %get3A_6 : vector<4x192x67xi1>, vector<4x192x67xf32>
    %swap3A_228 = arith.constant 0 : index
    %swap3A_229 = arith.constant 0 : index
    %swap3A_230 = arith.constant 0 : index
    %swap3A_231 = vector.load %arg140[%swap3A_228, %swap3A_229, %swap3A_230] : memref<4x192x67xf32, #tpu.memory_space<vmem>>, vector<4x192x67xf32>
    tpu.vector_store %arg140[%swap3A_228, %swap3A_229, %swap3A_230], %select_n3A_227 {strides = array<i32>} : memref<4x192x67xf32, #tpu.memory_space<vmem>>, vector<4x192x67xf32>,
    %dma_start3A_232 = arith.constant 0 : i32
    %dma_start3A_233 = arith.constant 0 : i32
    %dma_start3A_234 = arith.constant 128 : i32
    %dma_start3A_235 = tpu.memref_slice %arg84[%dma_start3A_232, %dma_start3A_233, %dma_start3A_234] : memref<4x192x195xf32, #tpu.memory_space<any>> -> memref<4x192x67xf32, #tpu.memory_space<any>>
    tpu.enqueue_dma source(%arg140 : memref<4x192x67xf32, #tpu.memory_space<vmem>>) target(%dma_start3A_235 : memref<4x192x67xf32, #tpu.memory_space<any>>) target_semaphore(%arg146 : memref<!tpu.dma_semaphore, #tpu.memory_space<semaphore_mem>>)
    %dma_wait3A_236 = arith.constant 0 : i32
    %dma_wait3A_237 = arith.constant 0 : i32
    %dma_wait3A_238 = arith.constant 128 : i32
    %dma_wait3A_239 = tpu.memref_slice %arg79[%dma_wait3A_236, %dma_wait3A_237, %dma_wait3A_238] : memref<4x192x195xf32, #tpu.memory_space<any>> -> memref<4x192x67xf32, #tpu.memory_space<any>>
    tpu.wait_dma2 semaphore(%arg147 : memref<!tpu.dma_semaphore, #tpu.memory_space<semaphore_mem>>) src(%arg141 : memref<4x192x67xf32, #tpu.memory_space<vmem>>) dst(%dma_wait3A_239 : memref<4x192x67xf32, #tpu.memory_space<any>>)
    %lt3A_240 = arith.constant 144 : i32
    %lt3A_241 = vector.broadcast %lt3A_240 : i32 to vector<4x192x67xi32>
    %lt3A_242 = arith.cmpi slt, %add3A_8, %lt3A_241 : vector<4x192x67xi32>
    %select_n3A_243 = arith.select %lt3A_242, %get3A_2, %get3A_6 : vector<4x192x67xi1>, vector<4x192x67xf32>
    %swap3A_244 = arith.constant 0 : index
    %swap3A_245 = arith.constant 0 : index
    %swap3A_246 = arith.constant 0 : index
    %swap3A_247 = vector.load %arg141[%swap3A_244, %swap3A_245, %swap3A_246] : memref<4x192x67xf32, #tpu.memory_space<vmem>>, vector<4x192x67xf32>
    tpu.vector_store %arg141[%swap3A_244, %swap3A_245, %swap3A_246], %select_n3A_243 {strides = array<i32>} : memref<4x192x67xf32, #tpu.memory_space<vmem>>, vector<4x192x67xf32>,
    %dma_start3A_248 = arith.constant 0 : i32
    %dma_start3A_249 = arith.constant 0 : i32
    %dma_start3A_250 = arith.constant 128 : i32
    %dma_start3A_251 = tpu.memref_slice %arg85[%dma_start3A_248, %dma_start3A_249, %dma_start3A_250] : memref<4x192x195xf32, #tpu.memory_space<any>> -> memref<4x192x67xf32, #tpu.memory_space<any>>
    tpu.enqueue_dma source(%arg141 : memref<4x192x67xf32, #tpu.memory_space<vmem>>) target(%dma_start3A_251 : memref<4x192x67xf32, #tpu.memory_space<any>>) target_semaphore(%arg147 : memref<!tpu.dma_semaphore, #tpu.memory_space<semaphore_mem>>)
    %dma_wait3A_252 = arith.constant 0 : i32
    %dma_wait3A_253 = arith.constant 0 : i32
    %dma_wait3A_254 = arith.constant 128 : i32
    %dma_wait3A_255 = tpu.memref_slice %arg80[%dma_wait3A_252, %dma_wait3A_253, %dma_wait3A_254] : memref<4x192x195xf32, #tpu.memory_space<any>> -> memref<4x192x67xf32, #tpu.memory_space<any>>
    tpu.wait_dma2 semaphore(%arg148 : memref<!tpu.dma_semaphore, #tpu.memory_space<semaphore_mem>>) src(%arg142 : memref<4x192x67xf32, #tpu.memory_space<vmem>>) dst(%dma_wait3A_255 : memref<4x192x67xf32, #tpu.memory_space<any>>)
    %lt3A_256 = arith.constant 145 : i32
    %lt3A_257 = vector.broadcast %lt3A_256 : i32 to vector<4x192x67xi32>
    %lt3A_258 = arith.cmpi slt, %add3A_8, %lt3A_257 : vector<4x192x67xi32>
    %select_n3A_259 = arith.select %lt3A_258, %get3A_2, %get3A_6 : vector<4x192x67xi1>, vector<4x192x67xf32>
    %swap3A_260 = arith.constant 0 : index
    %swap3A_261 = arith.constant 0 : index
    %swap3A_262 = arith.constant 0 : index
    %swap3A_263 = vector.load %arg142[%swap3A_260, %swap3A_261, %swap3A_262] : memref<4x192x67xf32, #tpu.memory_space<vmem>>, vector<4x192x67xf32>
    tpu.vector_store %arg142[%swap3A_260, %swap3A_261, %swap3A_262], %select_n3A_259 {strides = array<i32>} : memref<4x192x67xf32, #tpu.memory_space<vmem>>, vector<4x192x67xf32>,
    %dma_start3A_264 = arith.constant 0 : i32
    %dma_start3A_265 = arith.constant 0 : i32
    %dma_start3A_266 = arith.constant 128 : i32
    %dma_start3A_267 = tpu.memref_slice %arg86[%dma_start3A_264, %dma_start3A_265, %dma_start3A_266] : memref<4x192x195xf32, #tpu.memory_space<any>> -> memref<4x192x67xf32, #tpu.memory_space<any>>
    tpu.enqueue_dma source(%arg142 : memref<4x192x67xf32, #tpu.memory_space<vmem>>) target(%dma_start3A_267 : memref<4x192x67xf32, #tpu.memory_space<any>>) target_semaphore(%arg148 : memref<!tpu.dma_semaphore, #tpu.memory_space<semaphore_mem>>)
    %dma_wait3A_268 = arith.constant 0 : i32
    %dma_wait3A_269 = arith.constant 0 : i32
    %dma_wait3A_270 = arith.constant 128 : i32
    %dma_wait3A_271 = tpu.memref_slice %arg81[%dma_wait3A_268, %dma_wait3A_269, %dma_wait3A_270] : memref<4x192x195xf32, #tpu.memory_space<any>> -> memref<4x192x67xf32, #tpu.memory_space<any>>
    tpu.wait_dma2 semaphore(%arg143 : memref<!tpu.dma_semaphore, #tpu.memory_space<semaphore_mem>>) src(%arg137 : memref<4x192x67xf32, #tpu.memory_space<vmem>>) dst(%dma_wait3A_271 : memref<4x192x67xf32, #tpu.memory_space<any>>)
    %lt3A_272 = arith.constant 146 : i32
    %lt3A_273 = vector.broadcast %lt3A_272 : i32 to vector<4x192x67xi32>
    %lt3A_274 = arith.cmpi slt, %add3A_8, %lt3A_273 : vector<4x192x67xi32>
    %select_n3A_275 = arith.select %lt3A_274, %get3A_2, %get3A_6 : vector<4x192x67xi1>, vector<4x192x67xf32>
    %swap3A_276 = arith.constant 0 : index
    %swap3A_277 = arith.constant 0 : index
    %swap3A_278 = arith.constant 0 : index
    %swap3A_279 = vector.load %arg137[%swap3A_276, %swap3A_277, %swap3A_278] : memref<4x192x67xf32, #tpu.memory_space<vmem>>, vector<4x192x67xf32>
    tpu.vector_store %arg137[%swap3A_276, %swap3A_277, %swap3A_278], %select_n3A_275 {strides = array<i32>} : memref<4x192x67xf32, #tpu.memory_space<vmem>>, vector<4x192x67xf32>,
    %dma_start3A_280 = arith.constant 0 : i32
    %dma_start3A_281 = arith.constant 0 : i32
    %dma_start3A_282 = arith.constant 128 : i32
    %dma_start3A_283 = tpu.memref_slice %arg87[%dma_start3A_280, %dma_start3A_281, %dma_start3A_282] : memref<4x192x195xf32, #tpu.memory_space<any>> -> memref<4x192x67xf32, #tpu.memory_space<any>>
    tpu.enqueue_dma source(%arg137 : memref<4x192x67xf32, #tpu.memory_space<vmem>>) target(%dma_start3A_283 : memref<4x192x67xf32, #tpu.memory_space<any>>) target_semaphore(%arg143 : memref<!tpu.dma_semaphore, #tpu.memory_space<semaphore_mem>>)
    %dma_wait3A_284 = arith.constant 0 : i32
    %dma_wait3A_285 = arith.constant 0 : i32
    %dma_wait3A_286 = arith.constant 128 : i32
    %dma_wait3A_287 = tpu.memref_slice %arg82[%dma_wait3A_284, %dma_wait3A_285, %dma_wait3A_286] : memref<4x192x195xf32, #tpu.memory_space<any>> -> memref<4x192x67xf32, #tpu.memory_space<any>>
    tpu.wait_dma2 semaphore(%arg144 : memref<!tpu.dma_semaphore, #tpu.memory_space<semaphore_mem>>) src(%arg138 : memref<4x192x67xf32, #tpu.memory_space<vmem>>) dst(%dma_wait3A_287 : memref<4x192x67xf32, #tpu.memory_space<any>>)
    %lt3A_288 = arith.constant 147 : i32
    %lt3A_289 = vector.broadcast %lt3A_288 : i32 to vector<4x192x67xi32>
    %lt3A_290 = arith.cmpi slt, %add3A_8, %lt3A_289 : vector<4x192x67xi32>
    %select_n3A_291 = arith.select %lt3A_290, %get3A_2, %get3A_6 : vector<4x192x67xi1>, vector<4x192x67xf32>
    %swap3A_292 = arith.constant 0 : index
    %swap3A_293 = arith.constant 0 : index
    %swap3A_294 = arith.constant 0 : index
    %swap3A_295 = vector.load %arg138[%swap3A_292, %swap3A_293, %swap3A_294] : memref<4x192x67xf32, #tpu.memory_space<vmem>>, vector<4x192x67xf32>
    tpu.vector_store %arg138[%swap3A_292, %swap3A_293, %swap3A_294], %select_n3A_291 {strides = array<i32>} : memref<4x192x67xf32, #tpu.memory_space<vmem>>, vector<4x192x67xf32>,
    %dma_start3A_296 = arith.constant 0 : i32
    %dma_start3A_297 = arith.constant 0 : i32
    %dma_start3A_298 = arith.constant 128 : i32
    %dma_start3A_299 = tpu.memref_slice %arg88[%dma_start3A_296, %dma_start3A_297, %dma_start3A_298] : memref<4x192x195xf32, #tpu.memory_space<any>> -> memref<4x192x67xf32, #tpu.memory_space<any>>
    tpu.enqueue_dma source(%arg138 : memref<4x192x67xf32, #tpu.memory_space<vmem>>) target(%dma_start3A_299 : memref<4x192x67xf32, #tpu.memory_space<any>>) target_semaphore(%arg144 : memref<!tpu.dma_semaphore, #tpu.memory_space<semaphore_mem>>)
    %dma_wait3A_300 = arith.constant 0 : i32
    %dma_wait3A_301 = arith.constant 0 : i32
    %dma_wait3A_302 = arith.constant 128 : i32
    %dma_wait3A_303 = tpu.memref_slice %arg83[%dma_wait3A_300, %dma_wait3A_301, %dma_wait3A_302] : memref<4x192x195xf32, #tpu.memory_space<any>> -> memref<4x192x67xf32, #tpu.memory_space<any>>
    tpu.wait_dma2 semaphore(%arg145 : memref<!tpu.dma_semaphore, #tpu.memory_space<semaphore_mem>>) src(%arg139 : memref<4x192x67xf32, #tpu.memory_space<vmem>>) dst(%dma_wait3A_303 : memref<4x192x67xf32, #tpu.memory_space<any>>)
    %lt3A_304 = arith.constant 148 : i32
    %lt3A_305 = vector.broadcast %lt3A_304 : i32 to vector<4x192x67xi32>
    %lt3A_306 = arith.cmpi slt, %add3A_8, %lt3A_305 : vector<4x192x67xi32>
    %select_n3A_307 = arith.select %lt3A_306, %get3A_2, %get3A_6 : vector<4x192x67xi1>, vector<4x192x67xf32>
    %swap3A_308 = arith.constant 0 : index
    %swap3A_309 = arith.constant 0 : index
    %swap3A_310 = arith.constant 0 : index
    %swap3A_311 = vector.load %arg139[%swap3A_308, %swap3A_309, %swap3A_310] : memref<4x192x67xf32, #tpu.memory_space<vmem>>, vector<4x192x67xf32>
    tpu.vector_store %arg139[%swap3A_308, %swap3A_309, %swap3A_310], %select_n3A_307 {strides = array<i32>} : memref<4x192x67xf32, #tpu.memory_space<vmem>>, vector<4x192x67xf32>,
    %dma_start3A_312 = arith.constant 0 : i32
    %dma_start3A_313 = arith.constant 0 : i32
    %dma_start3A_314 = arith.constant 128 : i32
    %dma_start3A_315 = tpu.memref_slice %arg89[%dma_start3A_312, %dma_start3A_313, %dma_start3A_314] : memref<4x192x195xf32, #tpu.memory_space<any>> -> memref<4x192x67xf32, #tpu.memory_space<any>>
    tpu.enqueue_dma source(%arg139 : memref<4x192x67xf32, #tpu.memory_space<vmem>>) target(%dma_start3A_315 : memref<4x192x67xf32, #tpu.memory_space<any>>) target_semaphore(%arg145 : memref<!tpu.dma_semaphore, #tpu.memory_space<semaphore_mem>>)
    %dma_wait3A_316 = arith.constant 0 : i32
    %dma_wait3A_317 = arith.constant 0 : i32
    %dma_wait3A_318 = arith.constant 128 : i32
    %dma_wait3A_319 = tpu.memref_slice %arg84[%dma_wait3A_316, %dma_wait3A_317, %dma_wait3A_318] : memref<4x192x195xf32, #tpu.memory_space<any>> -> memref<4x192x67xf32, #tpu.memory_space<any>>
    tpu.wait_dma2 semaphore(%arg146 : memref<!tpu.dma_semaphore, #tpu.memory_space<semaphore_mem>>) src(%arg140 : memref<4x192x67xf32, #tpu.memory_space<vmem>>) dst(%dma_wait3A_319 : memref<4x192x67xf32, #tpu.memory_space<any>>)
    %lt3A_320 = arith.constant 149 : i32
    %lt3A_321 = vector.broadcast %lt3A_320 : i32 to vector<4x192x67xi32>
    %lt3A_322 = arith.cmpi slt, %add3A_8, %lt3A_321 : vector<4x192x67xi32>
    %select_n3A_323 = arith.select %lt3A_322, %get3A_2, %get3A_6 : vector<4x192x67xi1>, vector<4x192x67xf32>
    %swap3A_324 = arith.constant 0 : index
    %swap3A_325 = arith.constant 0 : index
    %swap3A_326 = arith.constant 0 : index
    %swap3A_327 = vector.load %arg140[%swap3A_324, %swap3A_325, %swap3A_326] : memref<4x192x67xf32, #tpu.memory_space<vmem>>, vector<4x192x67xf32>
    tpu.vector_store %arg140[%swap3A_324, %swap3A_325, %swap3A_326], %select_n3A_323 {strides = array<i32>} : memref<4x192x67xf32, #tpu.memory_space<vmem>>, vector<4x192x67xf32>,
    %dma_start3A_328 = arith.constant 0 : i32
    %dma_start3A_329 = arith.constant 0 : i32
    %dma_start3A_330 = arith.constant 128 : i32
    %dma_start3A_331 = tpu.memref_slice %arg90[%dma_start3A_328, %dma_start3A_329, %dma_start3A_330] : memref<4x192x195xf32, #tpu.memory_space<any>> -> memref<4x192x67xf32, #tpu.memory_space<any>>
    tpu.enqueue_dma source(%arg140 : memref<4x192x67xf32, #tpu.memory_space<vmem>>) target(%dma_start3A_331 : memref<4x192x67xf32, #tpu.memory_space<any>>) target_semaphore(%arg146 : memref<!tpu.dma_semaphore, #tpu.memory_space<semaphore_mem>>)
    %dma_wait3A_332 = arith.constant 0 : i32
    %dma_wait3A_333 = arith.constant 0 : i32
    %dma_wait3A_334 = arith.constant 128 : i32
    %dma_wait3A_335 = tpu.memref_slice %arg85[%dma_wait3A_332, %dma_wait3A_333, %dma_wait3A_334] : memref<4x192x195xf32, #tpu.memory_space<any>> -> memref<4x192x67xf32, #tpu.memory_space<any>>
    tpu.wait_dma2 semaphore(%arg147 : memref<!tpu.dma_semaphore, #tpu.memory_space<semaphore_mem>>) src(%arg141 : memref<4x192x67xf32, #tpu.memory_space<vmem>>) dst(%dma_wait3A_335 : memref<4x192x67xf32, #tpu.memory_space<any>>)
    %lt3A_336 = arith.constant 150 : i32
    %lt3A_337 = vector.broadcast %lt3A_336 : i32 to vector<4x192x67xi32>
    %lt3A_338 = arith.cmpi slt, %add3A_8, %lt3A_337 : vector<4x192x67xi32>
    %select_n3A_339 = arith.select %lt3A_338, %get3A_2, %get3A_6 : vector<4x192x67xi1>, vector<4x192x67xf32>
    %swap3A_340 = arith.constant 0 : index
    %swap3A_341 = arith.constant 0 : index
    %swap3A_342 = arith.constant 0 : index
    %swap3A_343 = vector.load %arg141[%swap3A_340, %swap3A_341, %swap3A_342] : memref<4x192x67xf32, #tpu.memory_space<vmem>>, vector<4x192x67xf32>
    tpu.vector_store %arg141[%swap3A_340, %swap3A_341, %swap3A_342], %select_n3A_339 {strides = array<i32>} : memref<4x192x67xf32, #tpu.memory_space<vmem>>, vector<4x192x67xf32>,
    %dma_start3A_344 = arith.constant 0 : i32
    %dma_start3A_345 = arith.constant 0 : i32
    %dma_start3A_346 = arith.constant 128 : i32
    %dma_start3A_347 = tpu.memref_slice %arg91[%dma_start3A_344, %dma_start3A_345, %dma_start3A_346] : memref<4x192x195xf32, #tpu.memory_space<any>> -> memref<4x192x67xf32, #tpu.memory_space<any>>
    tpu.enqueue_dma source(%arg141 : memref<4x192x67xf32, #tpu.memory_space<vmem>>) target(%dma_start3A_347 : memref<4x192x67xf32, #tpu.memory_space<any>>) target_semaphore(%arg147 : memref<!tpu.dma_semaphore, #tpu.memory_space<semaphore_mem>>)
    %dma_wait3A_348 = arith.constant 0 : i32
    %dma_wait3A_349 = arith.constant 0 : i32
    %dma_wait3A_350 = arith.constant 128 : i32
    %dma_wait3A_351 = tpu.memref_slice %arg86[%dma_wait3A_348, %dma_wait3A_349, %dma_wait3A_350] : memref<4x192x195xf32, #tpu.memory_space<any>> -> memref<4x192x67xf32, #tpu.memory_space<any>>
    tpu.wait_dma2 semaphore(%arg148 : memref<!tpu.dma_semaphore, #tpu.memory_space<semaphore_mem>>) src(%arg142 : memref<4x192x67xf32, #tpu.memory_space<vmem>>) dst(%dma_wait3A_351 : memref<4x192x67xf32, #tpu.memory_space<any>>)
    %lt3A_352 = arith.constant 151 : i32
    %lt3A_353 = vector.broadcast %lt3A_352 : i32 to vector<4x192x67xi32>
    %lt3A_354 = arith.cmpi slt, %add3A_8, %lt3A_353 : vector<4x192x67xi32>
    %select_n3A_355 = arith.select %lt3A_354, %get3A_2, %get3A_6 : vector<4x192x67xi1>, vector<4x192x67xf32>
    %swap3A_356 = arith.constant 0 : index
    %swap3A_357 = arith.constant 0 : index
    %swap3A_358 = arith.constant 0 : index
    %swap3A_359 = vector.load %arg142[%swap3A_356, %swap3A_357, %swap3A_358] : memref<4x192x67xf32, #tpu.memory_space<vmem>>, vector<4x192x67xf32>
    tpu.vector_store %arg142[%swap3A_356, %swap3A_357, %swap3A_358], %select_n3A_355 {strides = array<i32>} : memref<4x192x67xf32, #tpu.memory_space<vmem>>, vector<4x192x67xf32>,
    %dma_start3A_360 = arith.constant 0 : i32
    %dma_start3A_361 = arith.constant 0 : i32
    %dma_start3A_362 = arith.constant 128 : i32
    %dma_start3A_363 = tpu.memref_slice %arg92[%dma_start3A_360, %dma_start3A_361, %dma_start3A_362] : memref<4x192x195xf32, #tpu.memory_space<any>> -> memref<4x192x67xf32, #tpu.memory_space<any>>
    tpu.enqueue_dma source(%arg142 : memref<4x192x67xf32, #tpu.memory_space<vmem>>) target(%dma_start3A_363 : memref<4x192x67xf32, #tpu.memory_space<any>>) target_semaphore(%arg148 : memref<!tpu.dma_semaphore, #tpu.memory_space<semaphore_mem>>)
    %dma_wait3A_364 = arith.constant 0 : i32
    %dma_wait3A_365 = arith.constant 0 : i32
    %dma_wait3A_366 = arith.constant 128 : i32
    %dma_wait3A_367 = tpu.memref_slice %arg87[%dma_wait3A_364, %dma_wait3A_365, %dma_wait3A_366] : memref<4x192x195xf32, #tpu.memory_space<any>> -> memref<4x192x67xf32, #tpu.memory_space<any>>
    tpu.wait_dma2 semaphore(%arg143 : memref<!tpu.dma_semaphore, #tpu.memory_space<semaphore_mem>>) src(%arg137 : memref<4x192x67xf32, #tpu.memory_space<vmem>>) dst(%dma_wait3A_367 : memref<4x192x67xf32, #tpu.memory_space<any>>)
    %lt3A_368 = arith.constant 152 : i32
    %lt3A_369 = vector.broadcast %lt3A_368 : i32 to vector<4x192x67xi32>
    %lt3A_370 = arith.cmpi slt, %add3A_8, %lt3A_369 : vector<4x192x67xi32>
    %select_n3A_371 = arith.select %lt3A_370, %get3A_2, %get3A_6 : vector<4x192x67xi1>, vector<4x192x67xf32>
    %swap3A_372 = arith.constant 0 : index
    %swap3A_373 = arith.constant 0 : index
    %swap3A_374 = arith.constant 0 : index
    %swap3A_375 = vector.load %arg137[%swap3A_372, %swap3A_373, %swap3A_374] : memref<4x192x67xf32, #tpu.memory_space<vmem>>, vector<4x192x67xf32>
    tpu.vector_store %arg137[%swap3A_372, %swap3A_373, %swap3A_374], %select_n3A_371 {strides = array<i32>} : memref<4x192x67xf32, #tpu.memory_space<vmem>>, vector<4x192x67xf32>,
    %dma_start3A_376 = arith.constant 0 : i32
    %dma_start3A_377 = arith.constant 0 : i32
    %dma_start3A_378 = arith.constant 128 : i32
    %dma_start3A_379 = tpu.memref_slice %arg93[%dma_start3A_376, %dma_start3A_377, %dma_start3A_378] : memref<4x192x195xf32, #tpu.memory_space<any>> -> memref<4x192x67xf32, #tpu.memory_space<any>>
    tpu.enqueue_dma source(%arg137 : memref<4x192x67xf32, #tpu.memory_space<vmem>>) target(%dma_start3A_379 : memref<4x192x67xf32, #tpu.memory_space<any>>) target_semaphore(%arg143 : memref<!tpu.dma_semaphore, #tpu.memory_space<semaphore_mem>>)
    %dma_wait3A_380 = arith.constant 0 : i32
    %dma_wait3A_381 = arith.constant 0 : i32
    %dma_wait3A_382 = arith.constant 128 : i32
    %dma_wait3A_383 = tpu.memref_slice %arg88[%dma_wait3A_380, %dma_wait3A_381, %dma_wait3A_382] : memref<4x192x195xf32, #tpu.memory_space<any>> -> memref<4x192x67xf32, #tpu.memory_space<any>>
    tpu.wait_dma2 semaphore(%arg144 : memref<!tpu.dma_semaphore, #tpu.memory_space<semaphore_mem>>) src(%arg138 : memref<4x192x67xf32, #tpu.memory_space<vmem>>) dst(%dma_wait3A_383 : memref<4x192x67xf32, #tpu.memory_space<any>>)
    %lt3A_384 = arith.constant 153 : i32
    %lt3A_385 = vector.broadcast %lt3A_384 : i32 to vector<4x192x67xi32>
    %lt3A_386 = arith.cmpi slt, %add3A_8, %lt3A_385 : vector<4x192x67xi32>
    %select_n3A_387 = arith.select %lt3A_386, %get3A_2, %get3A_6 : vector<4x192x67xi1>, vector<4x192x67xf32>
    %swap3A_388 = arith.constant 0 : index
    %swap3A_389 = arith.constant 0 : index
    %swap3A_390 = arith.constant 0 : index
    %swap3A_391 = vector.load %arg138[%swap3A_388, %swap3A_389, %swap3A_390] : memref<4x192x67xf32, #tpu.memory_space<vmem>>, vector<4x192x67xf32>
    tpu.vector_store %arg138[%swap3A_388, %swap3A_389, %swap3A_390], %select_n3A_387 {strides = array<i32>} : memref<4x192x67xf32, #tpu.memory_space<vmem>>, vector<4x192x67xf32>,
    %dma_start3A_392 = arith.constant 0 : i32
    %dma_start3A_393 = arith.constant 0 : i32
    %dma_start3A_394 = arith.constant 128 : i32
    %dma_start3A_395 = tpu.memref_slice %arg94[%dma_start3A_392, %dma_start3A_393, %dma_start3A_394] : memref<4x192x195xf32, #tpu.memory_space<any>> -> memref<4x192x67xf32, #tpu.memory_space<any>>
    tpu.enqueue_dma source(%arg138 : memref<4x192x67xf32, #tpu.memory_space<vmem>>) target(%dma_start3A_395 : memref<4x192x67xf32, #tpu.memory_space<any>>) target_semaphore(%arg144 : memref<!tpu.dma_semaphore, #tpu.memory_space<semaphore_mem>>)
    %dma_wait3A_396 = arith.constant 0 : i32
    %dma_wait3A_397 = arith.constant 0 : i32
    %dma_wait3A_398 = arith.constant 128 : i32
    %dma_wait3A_399 = tpu.memref_slice %arg89[%dma_wait3A_396, %dma_wait3A_397, %dma_wait3A_398] : memref<4x192x195xf32, #tpu.memory_space<any>> -> memref<4x192x67xf32, #tpu.memory_space<any>>
    tpu.wait_dma2 semaphore(%arg145 : memref<!tpu.dma_semaphore, #tpu.memory_space<semaphore_mem>>) src(%arg139 : memref<4x192x67xf32, #tpu.memory_space<vmem>>) dst(%dma_wait3A_399 : memref<4x192x67xf32, #tpu.memory_space<any>>)
    %lt3A_400 = arith.constant 154 : i32
    %lt3A_401 = vector.broadcast %lt3A_400 : i32 to vector<4x192x67xi32>
    %lt3A_402 = arith.cmpi slt, %add3A_8, %lt3A_401 : vector<4x192x67xi32>
    %select_n3A_403 = arith.select %lt3A_402, %get3A_2, %get3A_6 : vector<4x192x67xi1>, vector<4x192x67xf32>
    %swap3A_404 = arith.constant 0 : index
    %swap3A_405 = arith.constant 0 : index
    %swap3A_406 = arith.constant 0 : index
    %swap3A_407 = vector.load %arg139[%swap3A_404, %swap3A_405, %swap3A_406] : memref<4x192x67xf32, #tpu.memory_space<vmem>>, vector<4x192x67xf32>
    tpu.vector_store %arg139[%swap3A_404, %swap3A_405, %swap3A_406], %select_n3A_403 {strides = array<i32>} : memref<4x192x67xf32, #tpu.memory_space<vmem>>, vector<4x192x67xf32>,
    %dma_start3A_408 = arith.constant 0 : i32
    %dma_start3A_409 = arith.constant 0 : i32
    %dma_start3A_410 = arith.constant 128 : i32
    %dma_start3A_411 = tpu.memref_slice %arg95[%dma_start3A_408, %dma_start3A_409, %dma_start3A_410] : memref<4x192x195xf32, #tpu.memory_space<any>> -> memref<4x192x67xf32, #tpu.memory_space<any>>
    tpu.enqueue_dma source(%arg139 : memref<4x192x67xf32, #tpu.memory_space<vmem>>) target(%dma_start3A_411 : memref<4x192x67xf32, #tpu.memory_space<any>>) target_semaphore(%arg145 : memref<!tpu.dma_semaphore, #tpu.memory_space<semaphore_mem>>)
    %dma_wait3A_412 = arith.constant 0 : i32
    %dma_wait3A_413 = arith.constant 0 : i32
    %dma_wait3A_414 = arith.constant 128 : i32
    %dma_wait3A_415 = tpu.memref_slice %arg90[%dma_wait3A_412, %dma_wait3A_413, %dma_wait3A_414] : memref<4x192x195xf32, #tpu.memory_space<any>> -> memref<4x192x67xf32, #tpu.memory_space<any>>
    tpu.wait_dma2 semaphore(%arg146 : memref<!tpu.dma_semaphore, #tpu.memory_space<semaphore_mem>>) src(%arg140 : memref<4x192x67xf32, #tpu.memory_space<vmem>>) dst(%dma_wait3A_415 : memref<4x192x67xf32, #tpu.memory_space<any>>)
    %lt3A_416 = arith.constant 155 : i32
    %lt3A_417 = vector.broadcast %lt3A_416 : i32 to vector<4x192x67xi32>
    %lt3A_418 = arith.cmpi slt, %add3A_8, %lt3A_417 : vector<4x192x67xi32>
    %select_n3A_419 = arith.select %lt3A_418, %get3A_2, %get3A_6 : vector<4x192x67xi1>, vector<4x192x67xf32>
    %swap3A_420 = arith.constant 0 : index
    %swap3A_421 = arith.constant 0 : index
    %swap3A_422 = arith.constant 0 : index
    %swap3A_423 = vector.load %arg140[%swap3A_420, %swap3A_421, %swap3A_422] : memref<4x192x67xf32, #tpu.memory_space<vmem>>, vector<4x192x67xf32>
    tpu.vector_store %arg140[%swap3A_420, %swap3A_421, %swap3A_422], %select_n3A_419 {strides = array<i32>} : memref<4x192x67xf32, #tpu.memory_space<vmem>>, vector<4x192x67xf32>,
    %dma_start3A_424 = arith.constant 0 : i32
    %dma_start3A_425 = arith.constant 0 : i32
    %dma_start3A_426 = arith.constant 128 : i32
    %dma_start3A_427 = tpu.memref_slice %arg96[%dma_start3A_424, %dma_start3A_425, %dma_start3A_426] : memref<4x192x195xf32, #tpu.memory_space<any>> -> memref<4x192x67xf32, #tpu.memory_space<any>>
    tpu.enqueue_dma source(%arg140 : memref<4x192x67xf32, #tpu.memory_space<vmem>>) target(%dma_start3A_427 : memref<4x192x67xf32, #tpu.memory_space<any>>) target_semaphore(%arg146 : memref<!tpu.dma_semaphore, #tpu.memory_space<semaphore_mem>>)
    %dma_wait3A_428 = arith.constant 0 : i32
    %dma_wait3A_429 = arith.constant 0 : i32
    %dma_wait3A_430 = arith.constant 128 : i32
    %dma_wait3A_431 = tpu.memref_slice %arg91[%dma_wait3A_428, %dma_wait3A_429, %dma_wait3A_430] : memref<4x192x195xf32, #tpu.memory_space<any>> -> memref<4x192x67xf32, #tpu.memory_space<any>>
    tpu.wait_dma2 semaphore(%arg147 : memref<!tpu.dma_semaphore, #tpu.memory_space<semaphore_mem>>) src(%arg141 : memref<4x192x67xf32, #tpu.memory_space<vmem>>) dst(%dma_wait3A_431 : memref<4x192x67xf32, #tpu.memory_space<any>>)
    %lt3A_432 = arith.constant 156 : i32
    %lt3A_433 = vector.broadcast %lt3A_432 : i32 to vector<4x192x67xi32>
    %lt3A_434 = arith.cmpi slt, %add3A_8, %lt3A_433 : vector<4x192x67xi32>
    %select_n3A_435 = arith.select %lt3A_434, %get3A_2, %get3A_6 : vector<4x192x67xi1>, vector<4x192x67xf32>
    %swap3A_436 = arith.constant 0 : index
    %swap3A_437 = arith.constant 0 : index
    %swap3A_438 = arith.constant 0 : index
    %swap3A_439 = vector.load %arg141[%swap3A_436, %swap3A_437, %swap3A_438] : memref<4x192x67xf32, #tpu.memory_space<vmem>>, vector<4x192x67xf32>
    tpu.vector_store %arg141[%swap3A_436, %swap3A_437, %swap3A_438], %select_n3A_435 {strides = array<i32>} : memref<4x192x67xf32, #tpu.memory_space<vmem>>, vector<4x192x67xf32>,
    %dma_start3A_440 = arith.constant 0 : i32
    %dma_start3A_441 = arith.constant 0 : i32
    %dma_start3A_442 = arith.constant 128 : i32
    %dma_start3A_443 = tpu.memref_slice %arg97[%dma_start3A_440, %dma_start3A_441, %dma_start3A_442] : memref<4x192x195xf32, #tpu.memory_space<any>> -> memref<4x192x67xf32, #tpu.memory_space<any>>
    tpu.enqueue_dma source(%arg141 : memref<4x192x67xf32, #tpu.memory_space<vmem>>) target(%dma_start3A_443 : memref<4x192x67xf32, #tpu.memory_space<any>>) target_semaphore(%arg147 : memref<!tpu.dma_semaphore, #tpu.memory_space<semaphore_mem>>)
    %dma_wait3A_444 = arith.constant 0 : i32
    %dma_wait3A_445 = arith.constant 0 : i32
    %dma_wait3A_446 = arith.constant 128 : i32
    %dma_wait3A_447 = tpu.memref_slice %arg92[%dma_wait3A_444, %dma_wait3A_445, %dma_wait3A_446] : memref<4x192x195xf32, #tpu.memory_space<any>> -> memref<4x192x67xf32, #tpu.memory_space<any>>
    tpu.wait_dma2 semaphore(%arg148 : memref<!tpu.dma_semaphore, #tpu.memory_space<semaphore_mem>>) src(%arg142 : memref<4x192x67xf32, #tpu.memory_space<vmem>>) dst(%dma_wait3A_447 : memref<4x192x67xf32, #tpu.memory_space<any>>)
    %lt3A_448 = arith.constant 157 : i32
    %lt3A_449 = vector.broadcast %lt3A_448 : i32 to vector<4x192x67xi32>
    %lt3A_450 = arith.cmpi slt, %add3A_8, %lt3A_449 : vector<4x192x67xi32>
    %select_n3A_451 = arith.select %lt3A_450, %get3A_2, %get3A_6 : vector<4x192x67xi1>, vector<4x192x67xf32>
    %swap3A_452 = arith.constant 0 : index
    %swap3A_453 = arith.constant 0 : index
    %swap3A_454 = arith.constant 0 : index
    %swap3A_455 = vector.load %arg142[%swap3A_452, %swap3A_453, %swap3A_454] : memref<4x192x67xf32, #tpu.memory_space<vmem>>, vector<4x192x67xf32>
    tpu.vector_store %arg142[%swap3A_452, %swap3A_453, %swap3A_454], %select_n3A_451 {strides = array<i32>} : memref<4x192x67xf32, #tpu.memory_space<vmem>>, vector<4x192x67xf32>,
    %dma_start3A_456 = arith.constant 0 : i32
    %dma_start3A_457 = arith.constant 0 : i32
    %dma_start3A_458 = arith.constant 128 : i32
    %dma_start3A_459 = tpu.memref_slice %arg98[%dma_start3A_456, %dma_start3A_457, %dma_start3A_458] : memref<4x192x195xf32, #tpu.memory_space<any>> -> memref<4x192x67xf32, #tpu.memory_space<any>>
    tpu.enqueue_dma source(%arg142 : memref<4x192x67xf32, #tpu.memory_space<vmem>>) target(%dma_start3A_459 : memref<4x192x67xf32, #tpu.memory_space<any>>) target_semaphore(%arg148 : memref<!tpu.dma_semaphore, #tpu.memory_space<semaphore_mem>>)
    %dma_wait3A_460 = arith.constant 0 : i32
    %dma_wait3A_461 = arith.constant 0 : i32
    %dma_wait3A_462 = arith.constant 128 : i32
    %dma_wait3A_463 = tpu.memref_slice %arg93[%dma_wait3A_460, %dma_wait3A_461, %dma_wait3A_462] : memref<4x192x195xf32, #tpu.memory_space<any>> -> memref<4x192x67xf32, #tpu.memory_space<any>>
    tpu.wait_dma2 semaphore(%arg143 : memref<!tpu.dma_semaphore, #tpu.memory_space<semaphore_mem>>) src(%arg137 : memref<4x192x67xf32, #tpu.memory_space<vmem>>) dst(%dma_wait3A_463 : memref<4x192x67xf32, #tpu.memory_space<any>>)
    %lt3A_464 = arith.constant 158 : i32
    %lt3A_465 = vector.broadcast %lt3A_464 : i32 to vector<4x192x67xi32>
    %lt3A_466 = arith.cmpi slt, %add3A_8, %lt3A_465 : vector<4x192x67xi32>
    %select_n3A_467 = arith.select %lt3A_466, %get3A_2, %get3A_6 : vector<4x192x67xi1>, vector<4x192x67xf32>
    %swap3A_468 = arith.constant 0 : index
    %swap3A_469 = arith.constant 0 : index
    %swap3A_470 = arith.constant 0 : index
    %swap3A_471 = vector.load %arg137[%swap3A_468, %swap3A_469, %swap3A_470] : memref<4x192x67xf32, #tpu.memory_space<vmem>>, vector<4x192x67xf32>
    tpu.vector_store %arg137[%swap3A_468, %swap3A_469, %swap3A_470], %select_n3A_467 {strides = array<i32>} : memref<4x192x67xf32, #tpu.memory_space<vmem>>, vector<4x192x67xf32>,
    %dma_start3A_472 = arith.constant 0 : i32
    %dma_start3A_473 = arith.constant 0 : i32
    %dma_start3A_474 = arith.constant 128 : i32
    %dma_start3A_475 = tpu.memref_slice %arg99[%dma_start3A_472, %dma_start3A_473, %dma_start3A_474] : memref<4x192x195xf32, #tpu.memory_space<any>> -> memref<4x192x67xf32, #tpu.memory_space<any>>
    tpu.enqueue_dma source(%arg137 : memref<4x192x67xf32, #tpu.memory_space<vmem>>) target(%dma_start3A_475 : memref<4x192x67xf32, #tpu.memory_space<any>>) target_semaphore(%arg143 : memref<!tpu.dma_semaphore, #tpu.memory_space<semaphore_mem>>)
    %dma_wait3A_476 = arith.constant 0 : i32
    %dma_wait3A_477 = arith.constant 0 : i32
    %dma_wait3A_478 = arith.constant 128 : i32
    %dma_wait3A_479 = tpu.memref_slice %arg94[%dma_wait3A_476, %dma_wait3A_477, %dma_wait3A_478] : memref<4x192x195xf32, #tpu.memory_space<any>> -> memref<4x192x67xf32, #tpu.memory_space<any>>
    tpu.wait_dma2 semaphore(%arg144 : memref<!tpu.dma_semaphore, #tpu.memory_space<semaphore_mem>>) src(%arg138 : memref<4x192x67xf32, #tpu.memory_space<vmem>>) dst(%dma_wait3A_479 : memref<4x192x67xf32, #tpu.memory_space<any>>)
    %lt3A_480 = arith.constant 159 : i32
    %lt3A_481 = vector.broadcast %lt3A_480 : i32 to vector<4x192x67xi32>
    %lt3A_482 = arith.cmpi slt, %add3A_8, %lt3A_481 : vector<4x192x67xi32>
    %select_n3A_483 = arith.select %lt3A_482, %get3A_2, %get3A_6 : vector<4x192x67xi1>, vector<4x192x67xf32>
    %swap3A_484 = arith.constant 0 : index
    %swap3A_485 = arith.constant 0 : index
    %swap3A_486 = arith.constant 0 : index
    %swap3A_487 = vector.load %arg138[%swap3A_484, %swap3A_485, %swap3A_486] : memref<4x192x67xf32, #tpu.memory_space<vmem>>, vector<4x192x67xf32>
    tpu.vector_store %arg138[%swap3A_484, %swap3A_485, %swap3A_486], %select_n3A_483 {strides = array<i32>} : memref<4x192x67xf32, #tpu.memory_space<vmem>>, vector<4x192x67xf32>,
    %dma_start3A_488 = arith.constant 0 : i32
    %dma_start3A_489 = arith.constant 0 : i32
    %dma_start3A_490 = arith.constant 128 : i32
    %dma_start3A_491 = tpu.memref_slice %arg100[%dma_start3A_488, %dma_start3A_489, %dma_start3A_490] : memref<4x192x195xf32, #tpu.memory_space<any>> -> memref<4x192x67xf32, #tpu.memory_space<any>>
    tpu.enqueue_dma source(%arg138 : memref<4x192x67xf32, #tpu.memory_space<vmem>>) target(%dma_start3A_491 : memref<4x192x67xf32, #tpu.memory_space<any>>) target_semaphore(%arg144 : memref<!tpu.dma_semaphore, #tpu.memory_space<semaphore_mem>>)
    %dma_wait3A_492 = arith.constant 0 : i32
    %dma_wait3A_493 = arith.constant 0 : i32
    %dma_wait3A_494 = arith.constant 128 : i32
    %dma_wait3A_495 = tpu.memref_slice %arg95[%dma_wait3A_492, %dma_wait3A_493, %dma_wait3A_494] : memref<4x192x195xf32, #tpu.memory_space<any>> -> memref<4x192x67xf32, #tpu.memory_space<any>>
    tpu.wait_dma2 semaphore(%arg145 : memref<!tpu.dma_semaphore, #tpu.memory_space<semaphore_mem>>) src(%arg139 : memref<4x192x67xf32, #tpu.memory_space<vmem>>) dst(%dma_wait3A_495 : memref<4x192x67xf32, #tpu.memory_space<any>>)
    %lt3A_496 = arith.constant 160 : i32
    %lt3A_497 = vector.broadcast %lt3A_496 : i32 to vector<4x192x67xi32>
    %lt3A_498 = arith.cmpi slt, %add3A_8, %lt3A_497 : vector<4x192x67xi32>
    %select_n3A_499 = arith.select %lt3A_498, %get3A_2, %get3A_6 : vector<4x192x67xi1>, vector<4x192x67xf32>
    %swap3A_500 = arith.constant 0 : index
    %swap3A_501 = arith.constant 0 : index
    %swap3A_502 = arith.constant 0 : index
    %swap3A_503 = vector.load %arg139[%swap3A_500, %swap3A_501, %swap3A_502] : memref<4x192x67xf32, #tpu.memory_space<vmem>>, vector<4x192x67xf32>
    tpu.vector_store %arg139[%swap3A_500, %swap3A_501, %swap3A_502], %select_n3A_499 {strides = array<i32>} : memref<4x192x67xf32, #tpu.memory_space<vmem>>, vector<4x192x67xf32>,
    %dma_start3A_504 = arith.constant 0 : i32
    %dma_start3A_505 = arith.constant 0 : i32
    %dma_start3A_506 = arith.constant 128 : i32
    %dma_start3A_507 = tpu.memref_slice %arg101[%dma_start3A_504, %dma_start3A_505, %dma_start3A_506] : memref<4x192x195xf32, #tpu.memory_space<any>> -> memref<4x192x67xf32, #tpu.memory_space<any>>
    tpu.enqueue_dma source(%arg139 : memref<4x192x67xf32, #tpu.memory_space<vmem>>) target(%dma_start3A_507 : memref<4x192x67xf32, #tpu.memory_space<any>>) target_semaphore(%arg145 : memref<!tpu.dma_semaphore, #tpu.memory_space<semaphore_mem>>)
    %dma_wait3A_508 = arith.constant 0 : i32
    %dma_wait3A_509 = arith.constant 0 : i32
    %dma_wait3A_510 = arith.constant 128 : i32
    %dma_wait3A_511 = tpu.memref_slice %arg96[%dma_wait3A_508, %dma_wait3A_509, %dma_wait3A_510] : memref<4x192x195xf32, #tpu.memory_space<any>> -> memref<4x192x67xf32, #tpu.memory_space<any>>
    tpu.wait_dma2 semaphore(%arg146 : memref<!tpu.dma_semaphore, #tpu.memory_space<semaphore_mem>>) src(%arg140 : memref<4x192x67xf32, #tpu.memory_space<vmem>>) dst(%dma_wait3A_511 : memref<4x192x67xf32, #tpu.memory_space<any>>)
    %lt3A_512 = arith.constant 161 : i32
    %lt3A_513 = vector.broadcast %lt3A_512 : i32 to vector<4x192x67xi32>
    %lt3A_514 = arith.cmpi slt, %add3A_8, %lt3A_513 : vector<4x192x67xi32>
    %select_n3A_515 = arith.select %lt3A_514, %get3A_2, %get3A_6 : vector<4x192x67xi1>, vector<4x192x67xf32>
    %swap3A_516 = arith.constant 0 : index
    %swap3A_517 = arith.constant 0 : index
    %swap3A_518 = arith.constant 0 : index
    %swap3A_519 = vector.load %arg140[%swap3A_516, %swap3A_517, %swap3A_518] : memref<4x192x67xf32, #tpu.memory_space<vmem>>, vector<4x192x67xf32>
    tpu.vector_store %arg140[%swap3A_516, %swap3A_517, %swap3A_518], %select_n3A_515 {strides = array<i32>} : memref<4x192x67xf32, #tpu.memory_space<vmem>>, vector<4x192x67xf32>,
    %dma_start3A_520 = arith.constant 0 : i32
    %dma_start3A_521 = arith.constant 0 : i32
    %dma_start3A_522 = arith.constant 128 : i32
    %dma_start3A_523 = tpu.memref_slice %arg102[%dma_start3A_520, %dma_start3A_521, %dma_start3A_522] : memref<4x192x195xf32, #tpu.memory_space<any>> -> memref<4x192x67xf32, #tpu.memory_space<any>>
    tpu.enqueue_dma source(%arg140 : memref<4x192x67xf32, #tpu.memory_space<vmem>>) target(%dma_start3A_523 : memref<4x192x67xf32, #tpu.memory_space<any>>) target_semaphore(%arg146 : memref<!tpu.dma_semaphore, #tpu.memory_space<semaphore_mem>>)
    %dma_wait3A_524 = arith.constant 0 : i32
    %dma_wait3A_525 = arith.constant 0 : i32
    %dma_wait3A_526 = arith.constant 128 : i32
    %dma_wait3A_527 = tpu.memref_slice %arg97[%dma_wait3A_524, %dma_wait3A_525, %dma_wait3A_526] : memref<4x192x195xf32, #tpu.memory_space<any>> -> memref<4x192x67xf32, #tpu.memory_space<any>>
    tpu.wait_dma2 semaphore(%arg147 : memref<!tpu.dma_semaphore, #tpu.memory_space<semaphore_mem>>) src(%arg141 : memref<4x192x67xf32, #tpu.memory_space<vmem>>) dst(%dma_wait3A_527 : memref<4x192x67xf32, #tpu.memory_space<any>>)
    %lt3A_528 = arith.constant 162 : i32
    %lt3A_529 = vector.broadcast %lt3A_528 : i32 to vector<4x192x67xi32>
    %lt3A_530 = arith.cmpi slt, %add3A_8, %lt3A_529 : vector<4x192x67xi32>
    %select_n3A_531 = arith.select %lt3A_530, %get3A_2, %get3A_6 : vector<4x192x67xi1>, vector<4x192x67xf32>
    %swap3A_532 = arith.constant 0 : index
    %swap3A_533 = arith.constant 0 : index
    %swap3A_534 = arith.constant 0 : index
    %swap3A_535 = vector.load %arg141[%swap3A_532, %swap3A_533, %swap3A_534] : memref<4x192x67xf32, #tpu.memory_space<vmem>>, vector<4x192x67xf32>
    tpu.vector_store %arg141[%swap3A_532, %swap3A_533, %swap3A_534], %select_n3A_531 {strides = array<i32>} : memref<4x192x67xf32, #tpu.memory_space<vmem>>, vector<4x192x67xf32>,
    %dma_start3A_536 = arith.constant 0 : i32
    %dma_start3A_537 = arith.constant 0 : i32
    %dma_start3A_538 = arith.constant 128 : i32
    %dma_start3A_539 = tpu.memref_slice %arg103[%dma_start3A_536, %dma_start3A_537, %dma_start3A_538] : memref<4x192x195xf32, #tpu.memory_space<any>> -> memref<4x192x67xf32, #tpu.memory_space<any>>
    tpu.enqueue_dma source(%arg141 : memref<4x192x67xf32, #tpu.memory_space<vmem>>) target(%dma_start3A_539 : memref<4x192x67xf32, #tpu.memory_space<any>>) target_semaphore(%arg147 : memref<!tpu.dma_semaphore, #tpu.memory_space<semaphore_mem>>)
    %dma_wait3A_540 = arith.constant 0 : i32
    %dma_wait3A_541 = arith.constant 0 : i32
    %dma_wait3A_542 = arith.constant 128 : i32
    %dma_wait3A_543 = tpu.memref_slice %arg98[%dma_wait3A_540, %dma_wait3A_541, %dma_wait3A_542] : memref<4x192x195xf32, #tpu.memory_space<any>> -> memref<4x192x67xf32, #tpu.memory_space<any>>
    tpu.wait_dma2 semaphore(%arg148 : memref<!tpu.dma_semaphore, #tpu.memory_space<semaphore_mem>>) src(%arg142 : memref<4x192x67xf32, #tpu.memory_space<vmem>>) dst(%dma_wait3A_543 : memref<4x192x67xf32, #tpu.memory_space<any>>)
    %lt3A_544 = arith.constant 163 : i32
    %lt3A_545 = vector.broadcast %lt3A_544 : i32 to vector<4x192x67xi32>
    %lt3A_546 = arith.cmpi slt, %add3A_8, %lt3A_545 : vector<4x192x67xi32>
    %select_n3A_547 = arith.select %lt3A_546, %get3A_2, %get3A_6 : vector<4x192x67xi1>, vector<4x192x67xf32>
    %swap3A_548 = arith.constant 0 : index
    %swap3A_549 = arith.constant 0 : index
    %swap3A_550 = arith.constant 0 : index
    %swap3A_551 = vector.load %arg142[%swap3A_548, %swap3A_549, %swap3A_550] : memref<4x192x67xf32, #tpu.memory_space<vmem>>, vector<4x192x67xf32>
    tpu.vector_store %arg142[%swap3A_548, %swap3A_549, %swap3A_550], %select_n3A_547 {strides = array<i32>} : memref<4x192x67xf32, #tpu.memory_space<vmem>>, vector<4x192x67xf32>,
    %dma_start3A_552 = arith.constant 0 : i32
    %dma_start3A_553 = arith.constant 0 : i32
    %dma_start3A_554 = arith.constant 128 : i32
    %dma_start3A_555 = tpu.memref_slice %arg104[%dma_start3A_552, %dma_start3A_553, %dma_start3A_554] : memref<4x192x195xf32, #tpu.memory_space<any>> -> memref<4x192x67xf32, #tpu.memory_space<any>>
    tpu.enqueue_dma source(%arg142 : memref<4x192x67xf32, #tpu.memory_space<vmem>>) target(%dma_start3A_555 : memref<4x192x67xf32, #tpu.memory_space<any>>) target_semaphore(%arg148 : memref<!tpu.dma_semaphore, #tpu.memory_space<semaphore_mem>>)
    %dma_wait3A_556 = arith.constant 0 : i32
    %dma_wait3A_557 = arith.constant 0 : i32
    %dma_wait3A_558 = arith.constant 128 : i32
    %dma_wait3A_559 = tpu.memref_slice %arg99[%dma_wait3A_556, %dma_wait3A_557, %dma_wait3A_558] : memref<4x192x195xf32, #tpu.memory_space<any>> -> memref<4x192x67xf32, #tpu.memory_space<any>>
    tpu.wait_dma2 semaphore(%arg143 : memref<!tpu.dma_semaphore, #tpu.memory_space<semaphore_mem>>) src(%arg137 : memref<4x192x67xf32, #tpu.memory_space<vmem>>) dst(%dma_wait3A_559 : memref<4x192x67xf32, #tpu.memory_space<any>>)
    %lt3A_560 = arith.constant 164 : i32
    %lt3A_561 = vector.broadcast %lt3A_560 : i32 to vector<4x192x67xi32>
    %lt3A_562 = arith.cmpi slt, %add3A_8, %lt3A_561 : vector<4x192x67xi32>
    %select_n3A_563 = arith.select %lt3A_562, %get3A_2, %get3A_6 : vector<4x192x67xi1>, vector<4x192x67xf32>
    %swap3A_564 = arith.constant 0 : index
    %swap3A_565 = arith.constant 0 : index
    %swap3A_566 = arith.constant 0 : index
    %swap3A_567 = vector.load %arg137[%swap3A_564, %swap3A_565, %swap3A_566] : memref<4x192x67xf32, #tpu.memory_space<vmem>>, vector<4x192x67xf32>
    tpu.vector_store %arg137[%swap3A_564, %swap3A_565, %swap3A_566], %select_n3A_563 {strides = array<i32>} : memref<4x192x67xf32, #tpu.memory_space<vmem>>, vector<4x192x67xf32>,
    %dma_start3A_568 = arith.constant 0 : i32
    %dma_start3A_569 = arith.constant 0 : i32
    %dma_start3A_570 = arith.constant 128 : i32
    %dma_start3A_571 = tpu.memref_slice %arg105[%dma_start3A_568, %dma_start3A_569, %dma_start3A_570] : memref<4x192x195xf32, #tpu.memory_space<any>> -> memref<4x192x67xf32, #tpu.memory_space<any>>
    tpu.enqueue_dma source(%arg137 : memref<4x192x67xf32, #tpu.memory_space<vmem>>) target(%dma_start3A_571 : memref<4x192x67xf32, #tpu.memory_space<any>>) target_semaphore(%arg143 : memref<!tpu.dma_semaphore, #tpu.memory_space<semaphore_mem>>)
    %dma_wait3A_572 = arith.constant 0 : i32
    %dma_wait3A_573 = arith.constant 0 : i32
    %dma_wait3A_574 = arith.constant 128 : i32
    %dma_wait3A_575 = tpu.memref_slice %arg100[%dma_wait3A_572, %dma_wait3A_573, %dma_wait3A_574] : memref<4x192x195xf32, #tpu.memory_space<any>> -> memref<4x192x67xf32, #tpu.memory_space<any>>
    tpu.wait_dma2 semaphore(%arg144 : memref<!tpu.dma_semaphore, #tpu.memory_space<semaphore_mem>>) src(%arg138 : memref<4x192x67xf32, #tpu.memory_space<vmem>>) dst(%dma_wait3A_575 : memref<4x192x67xf32, #tpu.memory_space<any>>)
    %lt3A_576 = arith.constant 165 : i32
    %lt3A_577 = vector.broadcast %lt3A_576 : i32 to vector<4x192x67xi32>
    %lt3A_578 = arith.cmpi slt, %add3A_8, %lt3A_577 : vector<4x192x67xi32>
    %select_n3A_579 = arith.select %lt3A_578, %get3A_2, %get3A_6 : vector<4x192x67xi1>, vector<4x192x67xf32>
    %swap3A_580 = arith.constant 0 : index
    %swap3A_581 = arith.constant 0 : index
    %swap3A_582 = arith.constant 0 : index
    %swap3A_583 = vector.load %arg138[%swap3A_580, %swap3A_581, %swap3A_582] : memref<4x192x67xf32, #tpu.memory_space<vmem>>, vector<4x192x67xf32>
    tpu.vector_store %arg138[%swap3A_580, %swap3A_581, %swap3A_582], %select_n3A_579 {strides = array<i32>} : memref<4x192x67xf32, #tpu.memory_space<vmem>>, vector<4x192x67xf32>,
    %dma_start3A_584 = arith.constant 0 : i32
    %dma_start3A_585 = arith.constant 0 : i32
    %dma_start3A_586 = arith.constant 128 : i32
    %dma_start3A_587 = tpu.memref_slice %arg106[%dma_start3A_584, %dma_start3A_585, %dma_start3A_586] : memref<4x192x195xf32, #tpu.memory_space<any>> -> memref<4x192x67xf32, #tpu.memory_space<any>>
    tpu.enqueue_dma source(%arg138 : memref<4x192x67xf32, #tpu.memory_space<vmem>>) target(%dma_start3A_587 : memref<4x192x67xf32, #tpu.memory_space<any>>) target_semaphore(%arg144 : memref<!tpu.dma_semaphore, #tpu.memory_space<semaphore_mem>>)
    %dma_wait3A_588 = arith.constant 0 : i32
    %dma_wait3A_589 = arith.constant 0 : i32
    %dma_wait3A_590 = arith.constant 128 : i32
    %dma_wait3A_591 = tpu.memref_slice %arg101[%dma_wait3A_588, %dma_wait3A_589, %dma_wait3A_590] : memref<4x192x195xf32, #tpu.memory_space<any>> -> memref<4x192x67xf32, #tpu.memory_space<any>>
    tpu.wait_dma2 semaphore(%arg145 : memref<!tpu.dma_semaphore, #tpu.memory_space<semaphore_mem>>) src(%arg139 : memref<4x192x67xf32, #tpu.memory_space<vmem>>) dst(%dma_wait3A_591 : memref<4x192x67xf32, #tpu.memory_space<any>>)
    %lt3A_592 = arith.constant 166 : i32
    %lt3A_593 = vector.broadcast %lt3A_592 : i32 to vector<4x192x67xi32>
    %lt3A_594 = arith.cmpi slt, %add3A_8, %lt3A_593 : vector<4x192x67xi32>
    %select_n3A_595 = arith.select %lt3A_594, %get3A_2, %get3A_6 : vector<4x192x67xi1>, vector<4x192x67xf32>
    %swap3A_596 = arith.constant 0 : index
    %swap3A_597 = arith.constant 0 : index
    %swap3A_598 = arith.constant 0 : index
    %swap3A_599 = vector.load %arg139[%swap3A_596, %swap3A_597, %swap3A_598] : memref<4x192x67xf32, #tpu.memory_space<vmem>>, vector<4x192x67xf32>
    tpu.vector_store %arg139[%swap3A_596, %swap3A_597, %swap3A_598], %select_n3A_595 {strides = array<i32>} : memref<4x192x67xf32, #tpu.memory_space<vmem>>, vector<4x192x67xf32>,
    %dma_start3A_600 = arith.constant 0 : i32
    %dma_start3A_601 = arith.constant 0 : i32
    %dma_start3A_602 = arith.constant 128 : i32
    %dma_start3A_603 = tpu.memref_slice %arg107[%dma_start3A_600, %dma_start3A_601, %dma_start3A_602] : memref<4x192x195xf32, #tpu.memory_space<any>> -> memref<4x192x67xf32, #tpu.memory_space<any>>
    tpu.enqueue_dma source(%arg139 : memref<4x192x67xf32, #tpu.memory_space<vmem>>) target(%dma_start3A_603 : memref<4x192x67xf32, #tpu.memory_space<any>>) target_semaphore(%arg145 : memref<!tpu.dma_semaphore, #tpu.memory_space<semaphore_mem>>)
    %dma_wait3A_604 = arith.constant 0 : i32
    %dma_wait3A_605 = arith.constant 0 : i32
    %dma_wait3A_606 = arith.constant 128 : i32
    %dma_wait3A_607 = tpu.memref_slice %arg102[%dma_wait3A_604, %dma_wait3A_605, %dma_wait3A_606] : memref<4x192x195xf32, #tpu.memory_space<any>> -> memref<4x192x67xf32, #tpu.memory_space<any>>
    tpu.wait_dma2 semaphore(%arg146 : memref<!tpu.dma_semaphore, #tpu.memory_space<semaphore_mem>>) src(%arg140 : memref<4x192x67xf32, #tpu.memory_space<vmem>>) dst(%dma_wait3A_607 : memref<4x192x67xf32, #tpu.memory_space<any>>)
    %lt3A_608 = arith.constant 167 : i32
    %lt3A_609 = vector.broadcast %lt3A_608 : i32 to vector<4x192x67xi32>
    %lt3A_610 = arith.cmpi slt, %add3A_8, %lt3A_609 : vector<4x192x67xi32>
    %select_n3A_611 = arith.select %lt3A_610, %get3A_2, %get3A_6 : vector<4x192x67xi1>, vector<4x192x67xf32>
    %swap3A_612 = arith.constant 0 : index
    %swap3A_613 = arith.constant 0 : index
    %swap3A_614 = arith.constant 0 : index
    %swap3A_615 = vector.load %arg140[%swap3A_612, %swap3A_613, %swap3A_614] : memref<4x192x67xf32, #tpu.memory_space<vmem>>, vector<4x192x67xf32>
    tpu.vector_store %arg140[%swap3A_612, %swap3A_613, %swap3A_614], %select_n3A_611 {strides = array<i32>} : memref<4x192x67xf32, #tpu.memory_space<vmem>>, vector<4x192x67xf32>,
    %dma_start3A_616 = arith.constant 0 : i32
    %dma_start3A_617 = arith.constant 0 : i32
    %dma_start3A_618 = arith.constant 128 : i32
    %dma_start3A_619 = tpu.memref_slice %arg108[%dma_start3A_616, %dma_start3A_617, %dma_start3A_618] : memref<4x192x195xf32, #tpu.memory_space<any>> -> memref<4x192x67xf32, #tpu.memory_space<any>>
    tpu.enqueue_dma source(%arg140 : memref<4x192x67xf32, #tpu.memory_space<vmem>>) target(%dma_start3A_619 : memref<4x192x67xf32, #tpu.memory_space<any>>) target_semaphore(%arg146 : memref<!tpu.dma_semaphore, #tpu.memory_space<semaphore_mem>>)
    %dma_wait3A_620 = arith.constant 0 : i32
    %dma_wait3A_621 = arith.constant 0 : i32
    %dma_wait3A_622 = arith.constant 128 : i32
    %dma_wait3A_623 = tpu.memref_slice %arg103[%dma_wait3A_620, %dma_wait3A_621, %dma_wait3A_622] : memref<4x192x195xf32, #tpu.memory_space<any>> -> memref<4x192x67xf32, #tpu.memory_space<any>>
    tpu.wait_dma2 semaphore(%arg147 : memref<!tpu.dma_semaphore, #tpu.memory_space<semaphore_mem>>) src(%arg141 : memref<4x192x67xf32, #tpu.memory_space<vmem>>) dst(%dma_wait3A_623 : memref<4x192x67xf32, #tpu.memory_space<any>>)
    %lt3A_624 = arith.constant 168 : i32
    %lt3A_625 = vector.broadcast %lt3A_624 : i32 to vector<4x192x67xi32>
    %lt3A_626 = arith.cmpi slt, %add3A_8, %lt3A_625 : vector<4x192x67xi32>
    %select_n3A_627 = arith.select %lt3A_626, %get3A_2, %get3A_6 : vector<4x192x67xi1>, vector<4x192x67xf32>
    %swap3A_628 = arith.constant 0 : index
    %swap3A_629 = arith.constant 0 : index
    %swap3A_630 = arith.constant 0 : index
    %swap3A_631 = vector.load %arg141[%swap3A_628, %swap3A_629, %swap3A_630] : memref<4x192x67xf32, #tpu.memory_space<vmem>>, vector<4x192x67xf32>
    tpu.vector_store %arg141[%swap3A_628, %swap3A_629, %swap3A_630], %select_n3A_627 {strides = array<i32>} : memref<4x192x67xf32, #tpu.memory_space<vmem>>, vector<4x192x67xf32>,
    %dma_start3A_632 = arith.constant 0 : i32
    %dma_start3A_633 = arith.constant 0 : i32
    %dma_start3A_634 = arith.constant 128 : i32
    %dma_start3A_635 = tpu.memref_slice %arg109[%dma_start3A_632, %dma_start3A_633, %dma_start3A_634] : memref<4x192x195xf32, #tpu.memory_space<any>> -> memref<4x192x67xf32, #tpu.memory_space<any>>
    tpu.enqueue_dma source(%arg141 : memref<4x192x67xf32, #tpu.memory_space<vmem>>) target(%dma_start3A_635 : memref<4x192x67xf32, #tpu.memory_space<any>>) target_semaphore(%arg147 : memref<!tpu.dma_semaphore, #tpu.memory_space<semaphore_mem>>)
    %dma_wait3A_636 = arith.constant 0 : i32
    %dma_wait3A_637 = arith.constant 0 : i32
    %dma_wait3A_638 = arith.constant 128 : i32
    %dma_wait3A_639 = tpu.memref_slice %arg104[%dma_wait3A_636, %dma_wait3A_637, %dma_wait3A_638] : memref<4x192x195xf32, #tpu.memory_space<any>> -> memref<4x192x67xf32, #tpu.memory_space<any>>
    tpu.wait_dma2 semaphore(%arg148 : memref<!tpu.dma_semaphore, #tpu.memory_space<semaphore_mem>>) src(%arg142 : memref<4x192x67xf32, #tpu.memory_space<vmem>>) dst(%dma_wait3A_639 : memref<4x192x67xf32, #tpu.memory_space<any>>)
    %lt3A_640 = arith.constant 169 : i32
    %lt3A_641 = vector.broadcast %lt3A_640 : i32 to vector<4x192x67xi32>
    %lt3A_642 = arith.cmpi slt, %add3A_8, %lt3A_641 : vector<4x192x67xi32>
    %select_n3A_643 = arith.select %lt3A_642, %get3A_2, %get3A_6 : vector<4x192x67xi1>, vector<4x192x67xf32>
    %swap3A_644 = arith.constant 0 : index
    %swap3A_645 = arith.constant 0 : index
    %swap3A_646 = arith.constant 0 : index
    %swap3A_647 = vector.load %arg142[%swap3A_644, %swap3A_645, %swap3A_646] : memref<4x192x67xf32, #tpu.memory_space<vmem>>, vector<4x192x67xf32>
    tpu.vector_store %arg142[%swap3A_644, %swap3A_645, %swap3A_646], %select_n3A_643 {strides = array<i32>} : memref<4x192x67xf32, #tpu.memory_space<vmem>>, vector<4x192x67xf32>,
    %dma_start3A_648 = arith.constant 0 : i32
    %dma_start3A_649 = arith.constant 0 : i32
    %dma_start3A_650 = arith.constant 128 : i32
    %dma_start3A_651 = tpu.memref_slice %arg110[%dma_start3A_648, %dma_start3A_649, %dma_start3A_650] : memref<4x192x195xf32, #tpu.memory_space<any>> -> memref<4x192x67xf32, #tpu.memory_space<any>>
    tpu.enqueue_dma source(%arg142 : memref<4x192x67xf32, #tpu.memory_space<vmem>>) target(%dma_start3A_651 : memref<4x192x67xf32, #tpu.memory_space<any>>) target_semaphore(%arg148 : memref<!tpu.dma_semaphore, #tpu.memory_space<semaphore_mem>>)
    %dma_wait3A_652 = arith.constant 0 : i32
    %dma_wait3A_653 = arith.constant 0 : i32
    %dma_wait3A_654 = arith.constant 128 : i32
    %dma_wait3A_655 = tpu.memref_slice %arg105[%dma_wait3A_652, %dma_wait3A_653, %dma_wait3A_654] : memref<4x192x195xf32, #tpu.memory_space<any>> -> memref<4x192x67xf32, #tpu.memory_space<any>>
    tpu.wait_dma2 semaphore(%arg143 : memref<!tpu.dma_semaphore, #tpu.memory_space<semaphore_mem>>) src(%arg137 : memref<4x192x67xf32, #tpu.memory_space<vmem>>) dst(%dma_wait3A_655 : memref<4x192x67xf32, #tpu.memory_space<any>>)
    %lt3A_656 = arith.constant 170 : i32
    %lt3A_657 = vector.broadcast %lt3A_656 : i32 to vector<4x192x67xi32>
    %lt3A_658 = arith.cmpi slt, %add3A_8, %lt3A_657 : vector<4x192x67xi32>
    %select_n3A_659 = arith.select %lt3A_658, %get3A_2, %get3A_6 : vector<4x192x67xi1>, vector<4x192x67xf32>
    %swap3A_660 = arith.constant 0 : index
    %swap3A_661 = arith.constant 0 : index
    %swap3A_662 = arith.constant 0 : index
    %swap3A_663 = vector.load %arg137[%swap3A_660, %swap3A_661, %swap3A_662] : memref<4x192x67xf32, #tpu.memory_space<vmem>>, vector<4x192x67xf32>
    tpu.vector_store %arg137[%swap3A_660, %swap3A_661, %swap3A_662], %select_n3A_659 {strides = array<i32>} : memref<4x192x67xf32, #tpu.memory_space<vmem>>, vector<4x192x67xf32>,
    %dma_start3A_664 = arith.constant 0 : i32
    %dma_start3A_665 = arith.constant 0 : i32
    %dma_start3A_666 = arith.constant 128 : i32
    %dma_start3A_667 = tpu.memref_slice %arg111[%dma_start3A_664, %dma_start3A_665, %dma_start3A_666] : memref<4x192x195xf32, #tpu.memory_space<any>> -> memref<4x192x67xf32, #tpu.memory_space<any>>
    tpu.enqueue_dma source(%arg137 : memref<4x192x67xf32, #tpu.memory_space<vmem>>) target(%dma_start3A_667 : memref<4x192x67xf32, #tpu.memory_space<any>>) target_semaphore(%arg143 : memref<!tpu.dma_semaphore, #tpu.memory_space<semaphore_mem>>)
    %dma_wait3A_668 = arith.constant 0 : i32
    %dma_wait3A_669 = arith.constant 0 : i32
    %dma_wait3A_670 = arith.constant 128 : i32
    %dma_wait3A_671 = tpu.memref_slice %arg106[%dma_wait3A_668, %dma_wait3A_669, %dma_wait3A_670] : memref<4x192x195xf32, #tpu.memory_space<any>> -> memref<4x192x67xf32, #tpu.memory_space<any>>
    tpu.wait_dma2 semaphore(%arg144 : memref<!tpu.dma_semaphore, #tpu.memory_space<semaphore_mem>>) src(%arg138 : memref<4x192x67xf32, #tpu.memory_space<vmem>>) dst(%dma_wait3A_671 : memref<4x192x67xf32, #tpu.memory_space<any>>)
    %lt3A_672 = arith.constant 171 : i32
    %lt3A_673 = vector.broadcast %lt3A_672 : i32 to vector<4x192x67xi32>
    %lt3A_674 = arith.cmpi slt, %add3A_8, %lt3A_673 : vector<4x192x67xi32>
    %select_n3A_675 = arith.select %lt3A_674, %get3A_2, %get3A_6 : vector<4x192x67xi1>, vector<4x192x67xf32>
    %swap3A_676 = arith.constant 0 : index
    %swap3A_677 = arith.constant 0 : index
    %swap3A_678 = arith.constant 0 : index
    %swap3A_679 = vector.load %arg138[%swap3A_676, %swap3A_677, %swap3A_678] : memref<4x192x67xf32, #tpu.memory_space<vmem>>, vector<4x192x67xf32>
    tpu.vector_store %arg138[%swap3A_676, %swap3A_677, %swap3A_678], %select_n3A_675 {strides = array<i32>} : memref<4x192x67xf32, #tpu.memory_space<vmem>>, vector<4x192x67xf32>,
    %dma_start3A_680 = arith.constant 0 : i32
    %dma_start3A_681 = arith.constant 0 : i32
    %dma_start3A_682 = arith.constant 128 : i32
    %dma_start3A_683 = tpu.memref_slice %arg112[%dma_start3A_680, %dma_start3A_681, %dma_start3A_682] : memref<4x192x195xf32, #tpu.memory_space<any>> -> memref<4x192x67xf32, #tpu.memory_space<any>>
    tpu.enqueue_dma source(%arg138 : memref<4x192x67xf32, #tpu.memory_space<vmem>>) target(%dma_start3A_683 : memref<4x192x67xf32, #tpu.memory_space<any>>) target_semaphore(%arg144 : memref<!tpu.dma_semaphore, #tpu.memory_space<semaphore_mem>>)
    %dma_wait3A_684 = arith.constant 0 : i32
    %dma_wait3A_685 = arith.constant 0 : i32
    %dma_wait3A_686 = arith.constant 128 : i32
    %dma_wait3A_687 = tpu.memref_slice %arg107[%dma_wait3A_684, %dma_wait3A_685, %dma_wait3A_686] : memref<4x192x195xf32, #tpu.memory_space<any>> -> memref<4x192x67xf32, #tpu.memory_space<any>>
    tpu.wait_dma2 semaphore(%arg145 : memref<!tpu.dma_semaphore, #tpu.memory_space<semaphore_mem>>) src(%arg139 : memref<4x192x67xf32, #tpu.memory_space<vmem>>) dst(%dma_wait3A_687 : memref<4x192x67xf32, #tpu.memory_space<any>>)
    %lt3A_688 = arith.constant 172 : i32
    %lt3A_689 = vector.broadcast %lt3A_688 : i32 to vector<4x192x67xi32>
    %lt3A_690 = arith.cmpi slt, %add3A_8, %lt3A_689 : vector<4x192x67xi32>
    %select_n3A_691 = arith.select %lt3A_690, %get3A_2, %get3A_6 : vector<4x192x67xi1>, vector<4x192x67xf32>
    %swap3A_692 = arith.constant 0 : index
    %swap3A_693 = arith.constant 0 : index
    %swap3A_694 = arith.constant 0 : index
    %swap3A_695 = vector.load %arg139[%swap3A_692, %swap3A_693, %swap3A_694] : memref<4x192x67xf32, #tpu.memory_space<vmem>>, vector<4x192x67xf32>
    tpu.vector_store %arg139[%swap3A_692, %swap3A_693, %swap3A_694], %select_n3A_691 {strides = array<i32>} : memref<4x192x67xf32, #tpu.memory_space<vmem>>, vector<4x192x67xf32>,
    %dma_start3A_696 = arith.constant 0 : i32
    %dma_start3A_697 = arith.constant 0 : i32
    %dma_start3A_698 = arith.constant 128 : i32
    %dma_start3A_699 = tpu.memref_slice %arg113[%dma_start3A_696, %dma_start3A_697, %dma_start3A_698] : memref<4x192x195xf32, #tpu.memory_space<any>> -> memref<4x192x67xf32, #tpu.memory_space<any>>
    tpu.enqueue_dma source(%arg139 : memref<4x192x67xf32, #tpu.memory_space<vmem>>) target(%dma_start3A_699 : memref<4x192x67xf32, #tpu.memory_space<any>>) target_semaphore(%arg145 : memref<!tpu.dma_semaphore, #tpu.memory_space<semaphore_mem>>)
    %dma_wait3A_700 = arith.constant 0 : i32
    %dma_wait3A_701 = arith.constant 0 : i32
    %dma_wait3A_702 = arith.constant 128 : i32
    %dma_wait3A_703 = tpu.memref_slice %arg108[%dma_wait3A_700, %dma_wait3A_701, %dma_wait3A_702] : memref<4x192x195xf32, #tpu.memory_space<any>> -> memref<4x192x67xf32, #tpu.memory_space<any>>
    tpu.wait_dma2 semaphore(%arg146 : memref<!tpu.dma_semaphore, #tpu.memory_space<semaphore_mem>>) src(%arg140 : memref<4x192x67xf32, #tpu.memory_space<vmem>>) dst(%dma_wait3A_703 : memref<4x192x67xf32, #tpu.memory_space<any>>)
    %lt3A_704 = arith.constant 173 : i32
    %lt3A_705 = vector.broadcast %lt3A_704 : i32 to vector<4x192x67xi32>
    %lt3A_706 = arith.cmpi slt, %add3A_8, %lt3A_705 : vector<4x192x67xi32>
    %select_n3A_707 = arith.select %lt3A_706, %get3A_2, %get3A_6 : vector<4x192x67xi1>, vector<4x192x67xf32>
    %swap3A_708 = arith.constant 0 : index
    %swap3A_709 = arith.constant 0 : index
    %swap3A_710 = arith.constant 0 : index
    %swap3A_711 = vector.load %arg140[%swap3A_708, %swap3A_709, %swap3A_710] : memref<4x192x67xf32, #tpu.memory_space<vmem>>, vector<4x192x67xf32>
    tpu.vector_store %arg140[%swap3A_708, %swap3A_709, %swap3A_710], %select_n3A_707 {strides = array<i32>} : memref<4x192x67xf32, #tpu.memory_space<vmem>>, vector<4x192x67xf32>,
    %dma_start3A_712 = arith.constant 0 : i32
    %dma_start3A_713 = arith.constant 0 : i32
    %dma_start3A_714 = arith.constant 128 : i32
    %dma_start3A_715 = tpu.memref_slice %arg114[%dma_start3A_712, %dma_start3A_713, %dma_start3A_714] : memref<4x192x195xf32, #tpu.memory_space<any>> -> memref<4x192x67xf32, #tpu.memory_space<any>>
    tpu.enqueue_dma source(%arg140 : memref<4x192x67xf32, #tpu.memory_space<vmem>>) target(%dma_start3A_715 : memref<4x192x67xf32, #tpu.memory_space<any>>) target_semaphore(%arg146 : memref<!tpu.dma_semaphore, #tpu.memory_space<semaphore_mem>>)
    %dma_wait3A_716 = arith.constant 0 : i32
    %dma_wait3A_717 = arith.constant 0 : i32
    %dma_wait3A_718 = arith.constant 128 : i32
    %dma_wait3A_719 = tpu.memref_slice %arg109[%dma_wait3A_716, %dma_wait3A_717, %dma_wait3A_718] : memref<4x192x195xf32, #tpu.memory_space<any>> -> memref<4x192x67xf32, #tpu.memory_space<any>>
    tpu.wait_dma2 semaphore(%arg147 : memref<!tpu.dma_semaphore, #tpu.memory_space<semaphore_mem>>) src(%arg141 : memref<4x192x67xf32, #tpu.memory_space<vmem>>) dst(%dma_wait3A_719 : memref<4x192x67xf32, #tpu.memory_space<any>>)
    %lt3A_720 = arith.constant 174 : i32
    %lt3A_721 = vector.broadcast %lt3A_720 : i32 to vector<4x192x67xi32>
    %lt3A_722 = arith.cmpi slt, %add3A_8, %lt3A_721 : vector<4x192x67xi32>
    %select_n3A_723 = arith.select %lt3A_722, %get3A_2, %get3A_6 : vector<4x192x67xi1>, vector<4x192x67xf32>
    %swap3A_724 = arith.constant 0 : index
    %swap3A_725 = arith.constant 0 : index
    %swap3A_726 = arith.constant 0 : index
    %swap3A_727 = vector.load %arg141[%swap3A_724, %swap3A_725, %swap3A_726] : memref<4x192x67xf32, #tpu.memory_space<vmem>>, vector<4x192x67xf32>
    tpu.vector_store %arg141[%swap3A_724, %swap3A_725, %swap3A_726], %select_n3A_723 {strides = array<i32>} : memref<4x192x67xf32, #tpu.memory_space<vmem>>, vector<4x192x67xf32>,
    %dma_start3A_728 = arith.constant 0 : i32
    %dma_start3A_729 = arith.constant 0 : i32
    %dma_start3A_730 = arith.constant 128 : i32
    %dma_start3A_731 = tpu.memref_slice %arg115[%dma_start3A_728, %dma_start3A_729, %dma_start3A_730] : memref<4x192x195xf32, #tpu.memory_space<any>> -> memref<4x192x67xf32, #tpu.memory_space<any>>
    tpu.enqueue_dma source(%arg141 : memref<4x192x67xf32, #tpu.memory_space<vmem>>) target(%dma_start3A_731 : memref<4x192x67xf32, #tpu.memory_space<any>>) target_semaphore(%arg147 : memref<!tpu.dma_semaphore, #tpu.memory_space<semaphore_mem>>)
    %dma_wait3A_732 = arith.constant 0 : i32
    %dma_wait3A_733 = arith.constant 0 : i32
    %dma_wait3A_734 = arith.constant 128 : i32
    %dma_wait3A_735 = tpu.memref_slice %arg110[%dma_wait3A_732, %dma_wait3A_733, %dma_wait3A_734] : memref<4x192x195xf32, #tpu.memory_space<any>> -> memref<4x192x67xf32, #tpu.memory_space<any>>
    tpu.wait_dma2 semaphore(%arg148 : memref<!tpu.dma_semaphore, #tpu.memory_space<semaphore_mem>>) src(%arg142 : memref<4x192x67xf32, #tpu.memory_space<vmem>>) dst(%dma_wait3A_735 : memref<4x192x67xf32, #tpu.memory_space<any>>)
    %lt3A_736 = arith.constant 175 : i32
    %lt3A_737 = vector.broadcast %lt3A_736 : i32 to vector<4x192x67xi32>
    %lt3A_738 = arith.cmpi slt, %add3A_8, %lt3A_737 : vector<4x192x67xi32>
    %select_n3A_739 = arith.select %lt3A_738, %get3A_2, %get3A_6 : vector<4x192x67xi1>, vector<4x192x67xf32>
    %swap3A_740 = arith.constant 0 : index
    %swap3A_741 = arith.constant 0 : index
    %swap3A_742 = arith.constant 0 : index
    %swap3A_743 = vector.load %arg142[%swap3A_740, %swap3A_741, %swap3A_742] : memref<4x192x67xf32, #tpu.memory_space<vmem>>, vector<4x192x67xf32>
    tpu.vector_store %arg142[%swap3A_740, %swap3A_741, %swap3A_742], %select_n3A_739 {strides = array<i32>} : memref<4x192x67xf32, #tpu.memory_space<vmem>>, vector<4x192x67xf32>,
    %dma_start3A_744 = arith.constant 0 : i32
    %dma_start3A_745 = arith.constant 0 : i32
    %dma_start3A_746 = arith.constant 128 : i32
    %dma_start3A_747 = tpu.memref_slice %arg116[%dma_start3A_744, %dma_start3A_745, %dma_start3A_746] : memref<4x192x195xf32, #tpu.memory_space<any>> -> memref<4x192x67xf32, #tpu.memory_space<any>>
    tpu.enqueue_dma source(%arg142 : memref<4x192x67xf32, #tpu.memory_space<vmem>>) target(%dma_start3A_747 : memref<4x192x67xf32, #tpu.memory_space<any>>) target_semaphore(%arg148 : memref<!tpu.dma_semaphore, #tpu.memory_space<semaphore_mem>>)
    %dma_wait3A_748 = arith.constant 0 : i32
    %dma_wait3A_749 = arith.constant 0 : i32
    %dma_wait3A_750 = arith.constant 128 : i32
    %dma_wait3A_751 = tpu.memref_slice %arg111[%dma_wait3A_748, %dma_wait3A_749, %dma_wait3A_750] : memref<4x192x195xf32, #tpu.memory_space<any>> -> memref<4x192x67xf32, #tpu.memory_space<any>>
    tpu.wait_dma2 semaphore(%arg143 : memref<!tpu.dma_semaphore, #tpu.memory_space<semaphore_mem>>) src(%arg137 : memref<4x192x67xf32, #tpu.memory_space<vmem>>) dst(%dma_wait3A_751 : memref<4x192x67xf32, #tpu.memory_space<any>>)
    %lt3A_752 = arith.constant 176 : i32
    %lt3A_753 = vector.broadcast %lt3A_752 : i32 to vector<4x192x67xi32>
    %lt3A_754 = arith.cmpi slt, %add3A_8, %lt3A_753 : vector<4x192x67xi32>
    %select_n3A_755 = arith.select %lt3A_754, %get3A_2, %get3A_6 : vector<4x192x67xi1>, vector<4x192x67xf32>
    %swap3A_756 = arith.constant 0 : index
    %swap3A_757 = arith.constant 0 : index
    %swap3A_758 = arith.constant 0 : index
    %swap3A_759 = vector.load %arg137[%swap3A_756, %swap3A_757, %swap3A_758] : memref<4x192x67xf32, #tpu.memory_space<vmem>>, vector<4x192x67xf32>
    tpu.vector_store %arg137[%swap3A_756, %swap3A_757, %swap3A_758], %select_n3A_755 {strides = array<i32>} : memref<4x192x67xf32, #tpu.memory_space<vmem>>, vector<4x192x67xf32>,
    %dma_start3A_760 = arith.constant 0 : i32
    %dma_start3A_761 = arith.constant 0 : i32
    %dma_start3A_762 = arith.constant 128 : i32
    %dma_start3A_763 = tpu.memref_slice %arg117[%dma_start3A_760, %dma_start3A_761, %dma_start3A_762] : memref<4x192x195xf32, #tpu.memory_space<any>> -> memref<4x192x67xf32, #tpu.memory_space<any>>
    tpu.enqueue_dma source(%arg137 : memref<4x192x67xf32, #tpu.memory_space<vmem>>) target(%dma_start3A_763 : memref<4x192x67xf32, #tpu.memory_space<any>>) target_semaphore(%arg143 : memref<!tpu.dma_semaphore, #tpu.memory_space<semaphore_mem>>)
    %dma_wait3A_764 = arith.constant 0 : i32
    %dma_wait3A_765 = arith.constant 0 : i32
    %dma_wait3A_766 = arith.constant 128 : i32
    %dma_wait3A_767 = tpu.memref_slice %arg112[%dma_wait3A_764, %dma_wait3A_765, %dma_wait3A_766] : memref<4x192x195xf32, #tpu.memory_space<any>> -> memref<4x192x67xf32, #tpu.memory_space<any>>
    tpu.wait_dma2 semaphore(%arg144 : memref<!tpu.dma_semaphore, #tpu.memory_space<semaphore_mem>>) src(%arg138 : memref<4x192x67xf32, #tpu.memory_space<vmem>>) dst(%dma_wait3A_767 : memref<4x192x67xf32, #tpu.memory_space<any>>)
    %lt3A_768 = arith.constant 177 : i32
    %lt3A_769 = vector.broadcast %lt3A_768 : i32 to vector<4x192x67xi32>
    %lt3A_770 = arith.cmpi slt, %add3A_8, %lt3A_769 : vector<4x192x67xi32>
    %select_n3A_771 = arith.select %lt3A_770, %get3A_2, %get3A_6 : vector<4x192x67xi1>, vector<4x192x67xf32>
    %swap3A_772 = arith.constant 0 : index
    %swap3A_773 = arith.constant 0 : index
    %swap3A_774 = arith.constant 0 : index
    %swap3A_775 = vector.load %arg138[%swap3A_772, %swap3A_773, %swap3A_774] : memref<4x192x67xf32, #tpu.memory_space<vmem>>, vector<4x192x67xf32>
    tpu.vector_store %arg138[%swap3A_772, %swap3A_773, %swap3A_774], %select_n3A_771 {strides = array<i32>} : memref<4x192x67xf32, #tpu.memory_space<vmem>>, vector<4x192x67xf32>,
    %dma_start3A_776 = arith.constant 0 : i32
    %dma_start3A_777 = arith.constant 0 : i32
    %dma_start3A_778 = arith.constant 128 : i32
    %dma_start3A_779 = tpu.memref_slice %arg118[%dma_start3A_776, %dma_start3A_777, %dma_start3A_778] : memref<4x192x195xf32, #tpu.memory_space<any>> -> memref<4x192x67xf32, #tpu.memory_space<any>>
    tpu.enqueue_dma source(%arg138 : memref<4x192x67xf32, #tpu.memory_space<vmem>>) target(%dma_start3A_779 : memref<4x192x67xf32, #tpu.memory_space<any>>) target_semaphore(%arg144 : memref<!tpu.dma_semaphore, #tpu.memory_space<semaphore_mem>>)
    %dma_wait3A_780 = arith.constant 0 : i32
    %dma_wait3A_781 = arith.constant 0 : i32
    %dma_wait3A_782 = arith.constant 128 : i32
    %dma_wait3A_783 = tpu.memref_slice %arg113[%dma_wait3A_780, %dma_wait3A_781, %dma_wait3A_782] : memref<4x192x195xf32, #tpu.memory_space<any>> -> memref<4x192x67xf32, #tpu.memory_space<any>>
    tpu.wait_dma2 semaphore(%arg145 : memref<!tpu.dma_semaphore, #tpu.memory_space<semaphore_mem>>) src(%arg139 : memref<4x192x67xf32, #tpu.memory_space<vmem>>) dst(%dma_wait3A_783 : memref<4x192x67xf32, #tpu.memory_space<any>>)
    %lt3A_784 = arith.constant 178 : i32
    %lt3A_785 = vector.broadcast %lt3A_784 : i32 to vector<4x192x67xi32>
    %lt3A_786 = arith.cmpi slt, %add3A_8, %lt3A_785 : vector<4x192x67xi32>
    %select_n3A_787 = arith.select %lt3A_786, %get3A_2, %get3A_6 : vector<4x192x67xi1>, vector<4x192x67xf32>
    %swap3A_788 = arith.constant 0 : index
    %swap3A_789 = arith.constant 0 : index
    %swap3A_790 = arith.constant 0 : index
    %swap3A_791 = vector.load %arg139[%swap3A_788, %swap3A_789, %swap3A_790] : memref<4x192x67xf32, #tpu.memory_space<vmem>>, vector<4x192x67xf32>
    tpu.vector_store %arg139[%swap3A_788, %swap3A_789, %swap3A_790], %select_n3A_787 {strides = array<i32>} : memref<4x192x67xf32, #tpu.memory_space<vmem>>, vector<4x192x67xf32>,
    %dma_start3A_792 = arith.constant 0 : i32
    %dma_start3A_793 = arith.constant 0 : i32
    %dma_start3A_794 = arith.constant 128 : i32
    %dma_start3A_795 = tpu.memref_slice %arg119[%dma_start3A_792, %dma_start3A_793, %dma_start3A_794] : memref<4x192x195xf32, #tpu.memory_space<any>> -> memref<4x192x67xf32, #tpu.memory_space<any>>
    tpu.enqueue_dma source(%arg139 : memref<4x192x67xf32, #tpu.memory_space<vmem>>) target(%dma_start3A_795 : memref<4x192x67xf32, #tpu.memory_space<any>>) target_semaphore(%arg145 : memref<!tpu.dma_semaphore, #tpu.memory_space<semaphore_mem>>)
    %dma_wait3A_796 = arith.constant 0 : i32
    %dma_wait3A_797 = arith.constant 0 : i32
    %dma_wait3A_798 = arith.constant 128 : i32
    %dma_wait3A_799 = tpu.memref_slice %arg114[%dma_wait3A_796, %dma_wait3A_797, %dma_wait3A_798] : memref<4x192x195xf32, #tpu.memory_space<any>> -> memref<4x192x67xf32, #tpu.memory_space<any>>
    tpu.wait_dma2 semaphore(%arg146 : memref<!tpu.dma_semaphore, #tpu.memory_space<semaphore_mem>>) src(%arg140 : memref<4x192x67xf32, #tpu.memory_space<vmem>>) dst(%dma_wait3A_799 : memref<4x192x67xf32, #tpu.memory_space<any>>)
    %lt3A_800 = arith.constant 179 : i32
    %lt3A_801 = vector.broadcast %lt3A_800 : i32 to vector<4x192x67xi32>
    %lt3A_802 = arith.cmpi slt, %add3A_8, %lt3A_801 : vector<4x192x67xi32>
    %select_n3A_803 = arith.select %lt3A_802, %get3A_2, %get3A_6 : vector<4x192x67xi1>, vector<4x192x67xf32>
    %swap3A_804 = arith.constant 0 : index
    %swap3A_805 = arith.constant 0 : index
    %swap3A_806 = arith.constant 0 : index
    %swap3A_807 = vector.load %arg140[%swap3A_804, %swap3A_805, %swap3A_806] : memref<4x192x67xf32, #tpu.memory_space<vmem>>, vector<4x192x67xf32>
    tpu.vector_store %arg140[%swap3A_804, %swap3A_805, %swap3A_806], %select_n3A_803 {strides = array<i32>} : memref<4x192x67xf32, #tpu.memory_space<vmem>>, vector<4x192x67xf32>,
    %dma_start3A_808 = arith.constant 0 : i32
    %dma_start3A_809 = arith.constant 0 : i32
    %dma_start3A_810 = arith.constant 128 : i32
    %dma_start3A_811 = tpu.memref_slice %arg120[%dma_start3A_808, %dma_start3A_809, %dma_start3A_810] : memref<4x192x195xf32, #tpu.memory_space<any>> -> memref<4x192x67xf32, #tpu.memory_space<any>>
    tpu.enqueue_dma source(%arg140 : memref<4x192x67xf32, #tpu.memory_space<vmem>>) target(%dma_start3A_811 : memref<4x192x67xf32, #tpu.memory_space<any>>) target_semaphore(%arg146 : memref<!tpu.dma_semaphore, #tpu.memory_space<semaphore_mem>>)
    %dma_wait3A_812 = arith.constant 0 : i32
    %dma_wait3A_813 = arith.constant 0 : i32
    %dma_wait3A_814 = arith.constant 128 : i32
    %dma_wait3A_815 = tpu.memref_slice %arg115[%dma_wait3A_812, %dma_wait3A_813, %dma_wait3A_814] : memref<4x192x195xf32, #tpu.memory_space<any>> -> memref<4x192x67xf32, #tpu.memory_space<any>>
    tpu.wait_dma2 semaphore(%arg147 : memref<!tpu.dma_semaphore, #tpu.memory_space<semaphore_mem>>) src(%arg141 : memref<4x192x67xf32, #tpu.memory_space<vmem>>) dst(%dma_wait3A_815 : memref<4x192x67xf32, #tpu.memory_space<any>>)
    %lt3A_816 = arith.constant 180 : i32
    %lt3A_817 = vector.broadcast %lt3A_816 : i32 to vector<4x192x67xi32>
    %lt3A_818 = arith.cmpi slt, %add3A_8, %lt3A_817 : vector<4x192x67xi32>
    %select_n3A_819 = arith.select %lt3A_818, %get3A_2, %get3A_6 : vector<4x192x67xi1>, vector<4x192x67xf32>
    %swap3A_820 = arith.constant 0 : index
    %swap3A_821 = arith.constant 0 : index
    %swap3A_822 = arith.constant 0 : index
    %swap3A_823 = vector.load %arg141[%swap3A_820, %swap3A_821, %swap3A_822] : memref<4x192x67xf32, #tpu.memory_space<vmem>>, vector<4x192x67xf32>
    tpu.vector_store %arg141[%swap3A_820, %swap3A_821, %swap3A_822], %select_n3A_819 {strides = array<i32>} : memref<4x192x67xf32, #tpu.memory_space<vmem>>, vector<4x192x67xf32>,
    %dma_start3A_824 = arith.constant 0 : i32
    %dma_start3A_825 = arith.constant 0 : i32
    %dma_start3A_826 = arith.constant 128 : i32
    %dma_start3A_827 = tpu.memref_slice %arg121[%dma_start3A_824, %dma_start3A_825, %dma_start3A_826] : memref<4x192x195xf32, #tpu.memory_space<any>> -> memref<4x192x67xf32, #tpu.memory_space<any>>
    tpu.enqueue_dma source(%arg141 : memref<4x192x67xf32, #tpu.memory_space<vmem>>) target(%dma_start3A_827 : memref<4x192x67xf32, #tpu.memory_space<any>>) target_semaphore(%arg147 : memref<!tpu.dma_semaphore, #tpu.memory_space<semaphore_mem>>)
    %dma_wait3A_828 = arith.constant 0 : i32
    %dma_wait3A_829 = arith.constant 0 : i32
    %dma_wait3A_830 = arith.constant 128 : i32
    %dma_wait3A_831 = tpu.memref_slice %arg116[%dma_wait3A_828, %dma_wait3A_829, %dma_wait3A_830] : memref<4x192x195xf32, #tpu.memory_space<any>> -> memref<4x192x67xf32, #tpu.memory_space<any>>
    tpu.wait_dma2 semaphore(%arg148 : memref<!tpu.dma_semaphore, #tpu.memory_space<semaphore_mem>>) src(%arg142 : memref<4x192x67xf32, #tpu.memory_space<vmem>>) dst(%dma_wait3A_831 : memref<4x192x67xf32, #tpu.memory_space<any>>)
    %lt3A_832 = arith.constant 181 : i32
    %lt3A_833 = vector.broadcast %lt3A_832 : i32 to vector<4x192x67xi32>
    %lt3A_834 = arith.cmpi slt, %add3A_8, %lt3A_833 : vector<4x192x67xi32>
    %select_n3A_835 = arith.select %lt3A_834, %get3A_2, %get3A_6 : vector<4x192x67xi1>, vector<4x192x67xf32>
    %swap3A_836 = arith.constant 0 : index
    %swap3A_837 = arith.constant 0 : index
    %swap3A_838 = arith.constant 0 : index
    %swap3A_839 = vector.load %arg142[%swap3A_836, %swap3A_837, %swap3A_838] : memref<4x192x67xf32, #tpu.memory_space<vmem>>, vector<4x192x67xf32>
    tpu.vector_store %arg142[%swap3A_836, %swap3A_837, %swap3A_838], %select_n3A_835 {strides = array<i32>} : memref<4x192x67xf32, #tpu.memory_space<vmem>>, vector<4x192x67xf32>,
    %dma_start3A_840 = arith.constant 0 : i32
    %dma_start3A_841 = arith.constant 0 : i32
    %dma_start3A_842 = arith.constant 128 : i32
    %dma_start3A_843 = tpu.memref_slice %arg122[%dma_start3A_840, %dma_start3A_841, %dma_start3A_842] : memref<4x192x195xf32, #tpu.memory_space<any>> -> memref<4x192x67xf32, #tpu.memory_space<any>>
    tpu.enqueue_dma source(%arg142 : memref<4x192x67xf32, #tpu.memory_space<vmem>>) target(%dma_start3A_843 : memref<4x192x67xf32, #tpu.memory_space<any>>) target_semaphore(%arg148 : memref<!tpu.dma_semaphore, #tpu.memory_space<semaphore_mem>>)
    %dma_wait3A_844 = arith.constant 0 : i32
    %dma_wait3A_845 = arith.constant 0 : i32
    %dma_wait3A_846 = arith.constant 128 : i32
    %dma_wait3A_847 = tpu.memref_slice %arg117[%dma_wait3A_844, %dma_wait3A_845, %dma_wait3A_846] : memref<4x192x195xf32, #tpu.memory_space<any>> -> memref<4x192x67xf32, #tpu.memory_space<any>>
    tpu.wait_dma2 semaphore(%arg143 : memref<!tpu.dma_semaphore, #tpu.memory_space<semaphore_mem>>) src(%arg137 : memref<4x192x67xf32, #tpu.memory_space<vmem>>) dst(%dma_wait3A_847 : memref<4x192x67xf32, #tpu.memory_space<any>>)
    %lt3A_848 = arith.constant 182 : i32
    %lt3A_849 = vector.broadcast %lt3A_848 : i32 to vector<4x192x67xi32>
    %lt3A_850 = arith.cmpi slt, %add3A_8, %lt3A_849 : vector<4x192x67xi32>
    %select_n3A_851 = arith.select %lt3A_850, %get3A_2, %get3A_6 : vector<4x192x67xi1>, vector<4x192x67xf32>
    %swap3A_852 = arith.constant 0 : index
    %swap3A_853 = arith.constant 0 : index
    %swap3A_854 = arith.constant 0 : index
    %swap3A_855 = vector.load %arg137[%swap3A_852, %swap3A_853, %swap3A_854] : memref<4x192x67xf32, #tpu.memory_space<vmem>>, vector<4x192x67xf32>
    tpu.vector_store %arg137[%swap3A_852, %swap3A_853, %swap3A_854], %select_n3A_851 {strides = array<i32>} : memref<4x192x67xf32, #tpu.memory_space<vmem>>, vector<4x192x67xf32>,
    %dma_start3A_856 = arith.constant 0 : i32
    %dma_start3A_857 = arith.constant 0 : i32
    %dma_start3A_858 = arith.constant 128 : i32
    %dma_start3A_859 = tpu.memref_slice %arg123[%dma_start3A_856, %dma_start3A_857, %dma_start3A_858] : memref<4x192x195xf32, #tpu.memory_space<any>> -> memref<4x192x67xf32, #tpu.memory_space<any>>
    tpu.enqueue_dma source(%arg137 : memref<4x192x67xf32, #tpu.memory_space<vmem>>) target(%dma_start3A_859 : memref<4x192x67xf32, #tpu.memory_space<any>>) target_semaphore(%arg143 : memref<!tpu.dma_semaphore, #tpu.memory_space<semaphore_mem>>)
    %dma_wait3A_860 = arith.constant 0 : i32
    %dma_wait3A_861 = arith.constant 0 : i32
    %dma_wait3A_862 = arith.constant 128 : i32
    %dma_wait3A_863 = tpu.memref_slice %arg118[%dma_wait3A_860, %dma_wait3A_861, %dma_wait3A_862] : memref<4x192x195xf32, #tpu.memory_space<any>> -> memref<4x192x67xf32, #tpu.memory_space<any>>
    tpu.wait_dma2 semaphore(%arg144 : memref<!tpu.dma_semaphore, #tpu.memory_space<semaphore_mem>>) src(%arg138 : memref<4x192x67xf32, #tpu.memory_space<vmem>>) dst(%dma_wait3A_863 : memref<4x192x67xf32, #tpu.memory_space<any>>)
    %lt3A_864 = arith.constant 183 : i32
    %lt3A_865 = vector.broadcast %lt3A_864 : i32 to vector<4x192x67xi32>
    %lt3A_866 = arith.cmpi slt, %add3A_8, %lt3A_865 : vector<4x192x67xi32>
    %select_n3A_867 = arith.select %lt3A_866, %get3A_2, %get3A_6 : vector<4x192x67xi1>, vector<4x192x67xf32>
    %swap3A_868 = arith.constant 0 : index
    %swap3A_869 = arith.constant 0 : index
    %swap3A_870 = arith.constant 0 : index
    %swap3A_871 = vector.load %arg138[%swap3A_868, %swap3A_869, %swap3A_870] : memref<4x192x67xf32, #tpu.memory_space<vmem>>, vector<4x192x67xf32>
    tpu.vector_store %arg138[%swap3A_868, %swap3A_869, %swap3A_870], %select_n3A_867 {strides = array<i32>} : memref<4x192x67xf32, #tpu.memory_space<vmem>>, vector<4x192x67xf32>,
    %dma_start3A_872 = arith.constant 0 : i32
    %dma_start3A_873 = arith.constant 0 : i32
    %dma_start3A_874 = arith.constant 128 : i32
    %dma_start3A_875 = tpu.memref_slice %arg124[%dma_start3A_872, %dma_start3A_873, %dma_start3A_874] : memref<4x192x195xf32, #tpu.memory_space<any>> -> memref<4x192x67xf32, #tpu.memory_space<any>>
    tpu.enqueue_dma source(%arg138 : memref<4x192x67xf32, #tpu.memory_space<vmem>>) target(%dma_start3A_875 : memref<4x192x67xf32, #tpu.memory_space<any>>) target_semaphore(%arg144 : memref<!tpu.dma_semaphore, #tpu.memory_space<semaphore_mem>>)
    %dma_wait3A_876 = arith.constant 0 : i32
    %dma_wait3A_877 = arith.constant 0 : i32
    %dma_wait3A_878 = arith.constant 128 : i32
    %dma_wait3A_879 = tpu.memref_slice %arg119[%dma_wait3A_876, %dma_wait3A_877, %dma_wait3A_878] : memref<4x192x195xf32, #tpu.memory_space<any>> -> memref<4x192x67xf32, #tpu.memory_space<any>>
    tpu.wait_dma2 semaphore(%arg145 : memref<!tpu.dma_semaphore, #tpu.memory_space<semaphore_mem>>) src(%arg139 : memref<4x192x67xf32, #tpu.memory_space<vmem>>) dst(%dma_wait3A_879 : memref<4x192x67xf32, #tpu.memory_space<any>>)
    %lt3A_880 = arith.constant 184 : i32
    %lt3A_881 = vector.broadcast %lt3A_880 : i32 to vector<4x192x67xi32>
    %lt3A_882 = arith.cmpi slt, %add3A_8, %lt3A_881 : vector<4x192x67xi32>
    %select_n3A_883 = arith.select %lt3A_882, %get3A_2, %get3A_6 : vector<4x192x67xi1>, vector<4x192x67xf32>
    %swap3A_884 = arith.constant 0 : index
    %swap3A_885 = arith.constant 0 : index
    %swap3A_886 = arith.constant 0 : index
    %swap3A_887 = vector.load %arg139[%swap3A_884, %swap3A_885, %swap3A_886] : memref<4x192x67xf32, #tpu.memory_space<vmem>>, vector<4x192x67xf32>
    tpu.vector_store %arg139[%swap3A_884, %swap3A_885, %swap3A_886], %select_n3A_883 {strides = array<i32>} : memref<4x192x67xf32, #tpu.memory_space<vmem>>, vector<4x192x67xf32>,
    %dma_start3A_888 = arith.constant 0 : i32
    %dma_start3A_889 = arith.constant 0 : i32
    %dma_start3A_890 = arith.constant 128 : i32
    %dma_start3A_891 = tpu.memref_slice %arg125[%dma_start3A_888, %dma_start3A_889, %dma_start3A_890] : memref<4x192x195xf32, #tpu.memory_space<any>> -> memref<4x192x67xf32, #tpu.memory_space<any>>
    tpu.enqueue_dma source(%arg139 : memref<4x192x67xf32, #tpu.memory_space<vmem>>) target(%dma_start3A_891 : memref<4x192x67xf32, #tpu.memory_space<any>>) target_semaphore(%arg145 : memref<!tpu.dma_semaphore, #tpu.memory_space<semaphore_mem>>)
    %dma_wait3A_892 = arith.constant 0 : i32
    %dma_wait3A_893 = arith.constant 0 : i32
    %dma_wait3A_894 = arith.constant 128 : i32
    %dma_wait3A_895 = tpu.memref_slice %arg120[%dma_wait3A_892, %dma_wait3A_893, %dma_wait3A_894] : memref<4x192x195xf32, #tpu.memory_space<any>> -> memref<4x192x67xf32, #tpu.memory_space<any>>
    tpu.wait_dma2 semaphore(%arg146 : memref<!tpu.dma_semaphore, #tpu.memory_space<semaphore_mem>>) src(%arg140 : memref<4x192x67xf32, #tpu.memory_space<vmem>>) dst(%dma_wait3A_895 : memref<4x192x67xf32, #tpu.memory_space<any>>)
    %lt3A_896 = arith.constant 185 : i32
    %lt3A_897 = vector.broadcast %lt3A_896 : i32 to vector<4x192x67xi32>
    %lt3A_898 = arith.cmpi slt, %add3A_8, %lt3A_897 : vector<4x192x67xi32>
    %select_n3A_899 = arith.select %lt3A_898, %get3A_2, %get3A_6 : vector<4x192x67xi1>, vector<4x192x67xf32>
    %swap3A_900 = arith.constant 0 : index
    %swap3A_901 = arith.constant 0 : index
    %swap3A_902 = arith.constant 0 : index
    %swap3A_903 = vector.load %arg140[%swap3A_900, %swap3A_901, %swap3A_902] : memref<4x192x67xf32, #tpu.memory_space<vmem>>, vector<4x192x67xf32>
    tpu.vector_store %arg140[%swap3A_900, %swap3A_901, %swap3A_902], %select_n3A_899 {strides = array<i32>} : memref<4x192x67xf32, #tpu.memory_space<vmem>>, vector<4x192x67xf32>,
    %dma_start3A_904 = arith.constant 0 : i32
    %dma_start3A_905 = arith.constant 0 : i32
    %dma_start3A_906 = arith.constant 128 : i32
    %dma_start3A_907 = tpu.memref_slice %arg126[%dma_start3A_904, %dma_start3A_905, %dma_start3A_906] : memref<4x192x195xf32, #tpu.memory_space<any>> -> memref<4x192x67xf32, #tpu.memory_space<any>>
    tpu.enqueue_dma source(%arg140 : memref<4x192x67xf32, #tpu.memory_space<vmem>>) target(%dma_start3A_907 : memref<4x192x67xf32, #tpu.memory_space<any>>) target_semaphore(%arg146 : memref<!tpu.dma_semaphore, #tpu.memory_space<semaphore_mem>>)
    %dma_wait3A_908 = arith.constant 0 : i32
    %dma_wait3A_909 = arith.constant 0 : i32
    %dma_wait3A_910 = arith.constant 128 : i32
    %dma_wait3A_911 = tpu.memref_slice %arg121[%dma_wait3A_908, %dma_wait3A_909, %dma_wait3A_910] : memref<4x192x195xf32, #tpu.memory_space<any>> -> memref<4x192x67xf32, #tpu.memory_space<any>>
    tpu.wait_dma2 semaphore(%arg147 : memref<!tpu.dma_semaphore, #tpu.memory_space<semaphore_mem>>) src(%arg141 : memref<4x192x67xf32, #tpu.memory_space<vmem>>) dst(%dma_wait3A_911 : memref<4x192x67xf32, #tpu.memory_space<any>>)
    %lt3A_912 = arith.constant 186 : i32
    %lt3A_913 = vector.broadcast %lt3A_912 : i32 to vector<4x192x67xi32>
    %lt3A_914 = arith.cmpi slt, %add3A_8, %lt3A_913 : vector<4x192x67xi32>
    %select_n3A_915 = arith.select %lt3A_914, %get3A_2, %get3A_6 : vector<4x192x67xi1>, vector<4x192x67xf32>
    %swap3A_916 = arith.constant 0 : index
    %swap3A_917 = arith.constant 0 : index
    %swap3A_918 = arith.constant 0 : index
    %swap3A_919 = vector.load %arg141[%swap3A_916, %swap3A_917, %swap3A_918] : memref<4x192x67xf32, #tpu.memory_space<vmem>>, vector<4x192x67xf32>
    tpu.vector_store %arg141[%swap3A_916, %swap3A_917, %swap3A_918], %select_n3A_915 {strides = array<i32>} : memref<4x192x67xf32, #tpu.memory_space<vmem>>, vector<4x192x67xf32>,
    %dma_start3A_920 = arith.constant 0 : i32
    %dma_start3A_921 = arith.constant 0 : i32
    %dma_start3A_922 = arith.constant 128 : i32
    %dma_start3A_923 = tpu.memref_slice %arg127[%dma_start3A_920, %dma_start3A_921, %dma_start3A_922] : memref<4x192x195xf32, #tpu.memory_space<any>> -> memref<4x192x67xf32, #tpu.memory_space<any>>
    tpu.enqueue_dma source(%arg141 : memref<4x192x67xf32, #tpu.memory_space<vmem>>) target(%dma_start3A_923 : memref<4x192x67xf32, #tpu.memory_space<any>>) target_semaphore(%arg147 : memref<!tpu.dma_semaphore, #tpu.memory_space<semaphore_mem>>)
    %dma_wait3A_924 = arith.constant 0 : i32
    %dma_wait3A_925 = arith.constant 0 : i32
    %dma_wait3A_926 = arith.constant 128 : i32
    %dma_wait3A_927 = tpu.memref_slice %arg122[%dma_wait3A_924, %dma_wait3A_925, %dma_wait3A_926] : memref<4x192x195xf32, #tpu.memory_space<any>> -> memref<4x192x67xf32, #tpu.memory_space<any>>
    tpu.wait_dma2 semaphore(%arg148 : memref<!tpu.dma_semaphore, #tpu.memory_space<semaphore_mem>>) src(%arg142 : memref<4x192x67xf32, #tpu.memory_space<vmem>>) dst(%dma_wait3A_927 : memref<4x192x67xf32, #tpu.memory_space<any>>)
    %lt3A_928 = arith.constant 187 : i32
    %lt3A_929 = vector.broadcast %lt3A_928 : i32 to vector<4x192x67xi32>
    %lt3A_930 = arith.cmpi slt, %add3A_8, %lt3A_929 : vector<4x192x67xi32>
    %select_n3A_931 = arith.select %lt3A_930, %get3A_2, %get3A_6 : vector<4x192x67xi1>, vector<4x192x67xf32>
    %swap3A_932 = arith.constant 0 : index
    %swap3A_933 = arith.constant 0 : index
    %swap3A_934 = arith.constant 0 : index
    %swap3A_935 = vector.load %arg142[%swap3A_932, %swap3A_933, %swap3A_934] : memref<4x192x67xf32, #tpu.memory_space<vmem>>, vector<4x192x67xf32>
    tpu.vector_store %arg142[%swap3A_932, %swap3A_933, %swap3A_934], %select_n3A_931 {strides = array<i32>} : memref<4x192x67xf32, #tpu.memory_space<vmem>>, vector<4x192x67xf32>,
    %dma_start3A_936 = arith.constant 0 : i32
    %dma_start3A_937 = arith.constant 0 : i32
    %dma_start3A_938 = arith.constant 128 : i32
    %dma_start3A_939 = tpu.memref_slice %arg128[%dma_start3A_936, %dma_start3A_937, %dma_start3A_938] : memref<4x192x195xf32, #tpu.memory_space<any>> -> memref<4x192x67xf32, #tpu.memory_space<any>>
    tpu.enqueue_dma source(%arg142 : memref<4x192x67xf32, #tpu.memory_space<vmem>>) target(%dma_start3A_939 : memref<4x192x67xf32, #tpu.memory_space<any>>) target_semaphore(%arg148 : memref<!tpu.dma_semaphore, #tpu.memory_space<semaphore_mem>>)
    %dma_wait3A_940 = arith.constant 0 : i32
    %dma_wait3A_941 = arith.constant 0 : i32
    %dma_wait3A_942 = arith.constant 128 : i32
    %dma_wait3A_943 = tpu.memref_slice %arg123[%dma_wait3A_940, %dma_wait3A_941, %dma_wait3A_942] : memref<4x192x195xf32, #tpu.memory_space<any>> -> memref<4x192x67xf32, #tpu.memory_space<any>>
    tpu.wait_dma2 semaphore(%arg143 : memref<!tpu.dma_semaphore, #tpu.memory_space<semaphore_mem>>) src(%arg137 : memref<4x192x67xf32, #tpu.memory_space<vmem>>) dst(%dma_wait3A_943 : memref<4x192x67xf32, #tpu.memory_space<any>>)
    %lt3A_944 = arith.constant 188 : i32
    %lt3A_945 = vector.broadcast %lt3A_944 : i32 to vector<4x192x67xi32>
    %lt3A_946 = arith.cmpi slt, %add3A_8, %lt3A_945 : vector<4x192x67xi32>
    %select_n3A_947 = arith.select %lt3A_946, %get3A_2, %get3A_6 : vector<4x192x67xi1>, vector<4x192x67xf32>
    %swap3A_948 = arith.constant 0 : index
    %swap3A_949 = arith.constant 0 : index
    %swap3A_950 = arith.constant 0 : index
    %swap3A_951 = vector.load %arg137[%swap3A_948, %swap3A_949, %swap3A_950] : memref<4x192x67xf32, #tpu.memory_space<vmem>>, vector<4x192x67xf32>
    tpu.vector_store %arg137[%swap3A_948, %swap3A_949, %swap3A_950], %select_n3A_947 {strides = array<i32>} : memref<4x192x67xf32, #tpu.memory_space<vmem>>, vector<4x192x67xf32>,
    %dma_start3A_952 = arith.constant 0 : i32
    %dma_start3A_953 = arith.constant 0 : i32
    %dma_start3A_954 = arith.constant 128 : i32
    %dma_start3A_955 = tpu.memref_slice %arg129[%dma_start3A_952, %dma_start3A_953, %dma_start3A_954] : memref<4x192x195xf32, #tpu.memory_space<any>> -> memref<4x192x67xf32, #tpu.memory_space<any>>
    tpu.enqueue_dma source(%arg137 : memref<4x192x67xf32, #tpu.memory_space<vmem>>) target(%dma_start3A_955 : memref<4x192x67xf32, #tpu.memory_space<any>>) target_semaphore(%arg143 : memref<!tpu.dma_semaphore, #tpu.memory_space<semaphore_mem>>)
    %dma_wait3A_956 = arith.constant 0 : i32
    %dma_wait3A_957 = arith.constant 0 : i32
    %dma_wait3A_958 = arith.constant 128 : i32
    %dma_wait3A_959 = tpu.memref_slice %arg124[%dma_wait3A_956, %dma_wait3A_957, %dma_wait3A_958] : memref<4x192x195xf32, #tpu.memory_space<any>> -> memref<4x192x67xf32, #tpu.memory_space<any>>
    tpu.wait_dma2 semaphore(%arg144 : memref<!tpu.dma_semaphore, #tpu.memory_space<semaphore_mem>>) src(%arg138 : memref<4x192x67xf32, #tpu.memory_space<vmem>>) dst(%dma_wait3A_959 : memref<4x192x67xf32, #tpu.memory_space<any>>)
    %lt3A_960 = arith.constant 189 : i32
    %lt3A_961 = vector.broadcast %lt3A_960 : i32 to vector<4x192x67xi32>
    %lt3A_962 = arith.cmpi slt, %add3A_8, %lt3A_961 : vector<4x192x67xi32>
    %select_n3A_963 = arith.select %lt3A_962, %get3A_2, %get3A_6 : vector<4x192x67xi1>, vector<4x192x67xf32>
    %swap3A_964 = arith.constant 0 : index
    %swap3A_965 = arith.constant 0 : index
    %swap3A_966 = arith.constant 0 : index
    %swap3A_967 = vector.load %arg138[%swap3A_964, %swap3A_965, %swap3A_966] : memref<4x192x67xf32, #tpu.memory_space<vmem>>, vector<4x192x67xf32>
    tpu.vector_store %arg138[%swap3A_964, %swap3A_965, %swap3A_966], %select_n3A_963 {strides = array<i32>} : memref<4x192x67xf32, #tpu.memory_space<vmem>>, vector<4x192x67xf32>,
    %dma_start3A_968 = arith.constant 0 : i32
    %dma_start3A_969 = arith.constant 0 : i32
    %dma_start3A_970 = arith.constant 128 : i32
    %dma_start3A_971 = tpu.memref_slice %arg130[%dma_start3A_968, %dma_start3A_969, %dma_start3A_970] : memref<4x192x195xf32, #tpu.memory_space<any>> -> memref<4x192x67xf32, #tpu.memory_space<any>>
    tpu.enqueue_dma source(%arg138 : memref<4x192x67xf32, #tpu.memory_space<vmem>>) target(%dma_start3A_971 : memref<4x192x67xf32, #tpu.memory_space<any>>) target_semaphore(%arg144 : memref<!tpu.dma_semaphore, #tpu.memory_space<semaphore_mem>>)
    %dma_wait3A_972 = arith.constant 0 : i32
    %dma_wait3A_973 = arith.constant 0 : i32
    %dma_wait3A_974 = arith.constant 128 : i32
    %dma_wait3A_975 = tpu.memref_slice %arg125[%dma_wait3A_972, %dma_wait3A_973, %dma_wait3A_974] : memref<4x192x195xf32, #tpu.memory_space<any>> -> memref<4x192x67xf32, #tpu.memory_space<any>>
    tpu.wait_dma2 semaphore(%arg145 : memref<!tpu.dma_semaphore, #tpu.memory_space<semaphore_mem>>) src(%arg139 : memref<4x192x67xf32, #tpu.memory_space<vmem>>) dst(%dma_wait3A_975 : memref<4x192x67xf32, #tpu.memory_space<any>>)
    %lt3A_976 = arith.constant 190 : i32
    %lt3A_977 = vector.broadcast %lt3A_976 : i32 to vector<4x192x67xi32>
    %lt3A_978 = arith.cmpi slt, %add3A_8, %lt3A_977 : vector<4x192x67xi32>
    %select_n3A_979 = arith.select %lt3A_978, %get3A_2, %get3A_6 : vector<4x192x67xi1>, vector<4x192x67xf32>
    %swap3A_980 = arith.constant 0 : index
    %swap3A_981 = arith.constant 0 : index
    %swap3A_982 = arith.constant 0 : index
    %swap3A_983 = vector.load %arg139[%swap3A_980, %swap3A_981, %swap3A_982] : memref<4x192x67xf32, #tpu.memory_space<vmem>>, vector<4x192x67xf32>
    tpu.vector_store %arg139[%swap3A_980, %swap3A_981, %swap3A_982], %select_n3A_979 {strides = array<i32>} : memref<4x192x67xf32, #tpu.memory_space<vmem>>, vector<4x192x67xf32>,
    %dma_start3A_984 = arith.constant 0 : i32
    %dma_start3A_985 = arith.constant 0 : i32
    %dma_start3A_986 = arith.constant 128 : i32
    %dma_start3A_987 = tpu.memref_slice %arg131[%dma_start3A_984, %dma_start3A_985, %dma_start3A_986] : memref<4x192x195xf32, #tpu.memory_space<any>> -> memref<4x192x67xf32, #tpu.memory_space<any>>
    tpu.enqueue_dma source(%arg139 : memref<4x192x67xf32, #tpu.memory_space<vmem>>) target(%dma_start3A_987 : memref<4x192x67xf32, #tpu.memory_space<any>>) target_semaphore(%arg145 : memref<!tpu.dma_semaphore, #tpu.memory_space<semaphore_mem>>)
    %dma_wait3A_988 = arith.constant 0 : i32
    %dma_wait3A_989 = arith.constant 0 : i32
    %dma_wait3A_990 = arith.constant 128 : i32
    %dma_wait3A_991 = tpu.memref_slice %arg126[%dma_wait3A_988, %dma_wait3A_989, %dma_wait3A_990] : memref<4x192x195xf32, #tpu.memory_space<any>> -> memref<4x192x67xf32, #tpu.memory_space<any>>
    tpu.wait_dma2 semaphore(%arg146 : memref<!tpu.dma_semaphore, #tpu.memory_space<semaphore_mem>>) src(%arg140 : memref<4x192x67xf32, #tpu.memory_space<vmem>>) dst(%dma_wait3A_991 : memref<4x192x67xf32, #tpu.memory_space<any>>)
    %lt3A_992 = arith.constant 191 : i32
    %lt3A_993 = vector.broadcast %lt3A_992 : i32 to vector<4x192x67xi32>
    %lt3A_994 = arith.cmpi slt, %add3A_8, %lt3A_993 : vector<4x192x67xi32>
    %select_n3A_995 = arith.select %lt3A_994, %get3A_2, %get3A_6 : vector<4x192x67xi1>, vector<4x192x67xf32>
    %swap3A_996 = arith.constant 0 : index
    %swap3A_997 = arith.constant 0 : index
    %swap3A_998 = arith.constant 0 : index
    %swap3A_999 = vector.load %arg140[%swap3A_996, %swap3A_997, %swap3A_998] : memref<4x192x67xf32, #tpu.memory_space<vmem>>, vector<4x192x67xf32>
    tpu.vector_store %arg140[%swap3A_996, %swap3A_997, %swap3A_998], %select_n3A_995 {strides = array<i32>} : memref<4x192x67xf32, #tpu.memory_space<vmem>>, vector<4x192x67xf32>,
    %dma_start3A_1000 = arith.constant 0 : i32
    %dma_start3A_1001 = arith.constant 0 : i32
    %dma_start3A_1002 = arith.constant 128 : i32
    %dma_start3A_1003 = tpu.memref_slice %arg132[%dma_start3A_1000, %dma_start3A_1001, %dma_start3A_1002] : memref<4x192x195xf32, #tpu.memory_space<any>> -> memref<4x192x67xf32, #tpu.memory_space<any>>
    tpu.enqueue_dma source(%arg140 : memref<4x192x67xf32, #tpu.memory_space<vmem>>) target(%dma_start3A_1003 : memref<4x192x67xf32, #tpu.memory_space<any>>) target_semaphore(%arg146 : memref<!tpu.dma_semaphore, #tpu.memory_space<semaphore_mem>>)
    %dma_wait3A_1004 = arith.constant 0 : i32
    %dma_wait3A_1005 = arith.constant 0 : i32
    %dma_wait3A_1006 = arith.constant 128 : i32
    %dma_wait3A_1007 = tpu.memref_slice %arg127[%dma_wait3A_1004, %dma_wait3A_1005, %dma_wait3A_1006] : memref<4x192x195xf32, #tpu.memory_space<any>> -> memref<4x192x67xf32, #tpu.memory_space<any>>
    tpu.wait_dma2 semaphore(%arg147 : memref<!tpu.dma_semaphore, #tpu.memory_space<semaphore_mem>>) src(%arg141 : memref<4x192x67xf32, #tpu.memory_space<vmem>>) dst(%dma_wait3A_1007 : memref<4x192x67xf32, #tpu.memory_space<any>>)
    %lt3A_1008 = arith.constant 192 : i32
    %lt3A_1009 = vector.broadcast %lt3A_1008 : i32 to vector<4x192x67xi32>
    %lt3A_1010 = arith.cmpi slt, %add3A_8, %lt3A_1009 : vector<4x192x67xi32>
    %select_n3A_1011 = arith.select %lt3A_1010, %get3A_2, %get3A_6 : vector<4x192x67xi1>, vector<4x192x67xf32>
    %swap3A_1012 = arith.constant 0 : index
    %swap3A_1013 = arith.constant 0 : index
    %swap3A_1014 = arith.constant 0 : index
    %swap3A_1015 = vector.load %arg141[%swap3A_1012, %swap3A_1013, %swap3A_1014] : memref<4x192x67xf32, #tpu.memory_space<vmem>>, vector<4x192x67xf32>
    tpu.vector_store %arg141[%swap3A_1012, %swap3A_1013, %swap3A_1014], %select_n3A_1011 {strides = array<i32>} : memref<4x192x67xf32, #tpu.memory_space<vmem>>, vector<4x192x67xf32>,
    %dma_start3A_1016 = arith.constant 0 : i32
    %dma_start3A_1017 = arith.constant 0 : i32
    %dma_start3A_1018 = arith.constant 128 : i32
    %dma_start3A_1019 = tpu.memref_slice %arg133[%dma_start3A_1016, %dma_start3A_1017, %dma_start3A_1018] : memref<4x192x195xf32, #tpu.memory_space<any>> -> memref<4x192x67xf32, #tpu.memory_space<any>>
    tpu.enqueue_dma source(%arg141 : memref<4x192x67xf32, #tpu.memory_space<vmem>>) target(%dma_start3A_1019 : memref<4x192x67xf32, #tpu.memory_space<any>>) target_semaphore(%arg147 : memref<!tpu.dma_semaphore, #tpu.memory_space<semaphore_mem>>)
    %dma_wait3A_1020 = arith.constant 0 : i32
    %dma_wait3A_1021 = arith.constant 0 : i32
    %dma_wait3A_1022 = arith.constant 128 : i32
    %dma_wait3A_1023 = tpu.memref_slice %arg128[%dma_wait3A_1020, %dma_wait3A_1021, %dma_wait3A_1022] : memref<4x192x195xf32, #tpu.memory_space<any>> -> memref<4x192x67xf32, #tpu.memory_space<any>>
    tpu.wait_dma2 semaphore(%arg148 : memref<!tpu.dma_semaphore, #tpu.memory_space<semaphore_mem>>) src(%arg142 : memref<4x192x67xf32, #tpu.memory_space<vmem>>) dst(%dma_wait3A_1023 : memref<4x192x67xf32, #tpu.memory_space<any>>)
    %lt3A_1024 = arith.constant 193 : i32
    %lt3A_1025 = vector.broadcast %lt3A_1024 : i32 to vector<4x192x67xi32>
    %lt3A_1026 = arith.cmpi slt, %add3A_8, %lt3A_1025 : vector<4x192x67xi32>
    %select_n3A_1027 = arith.select %lt3A_1026, %get3A_2, %get3A_6 : vector<4x192x67xi1>, vector<4x192x67xf32>
    %swap3A_1028 = arith.constant 0 : index
    %swap3A_1029 = arith.constant 0 : index
    %swap3A_1030 = arith.constant 0 : index
    %swap3A_1031 = vector.load %arg142[%swap3A_1028, %swap3A_1029, %swap3A_1030] : memref<4x192x67xf32, #tpu.memory_space<vmem>>, vector<4x192x67xf32>
    tpu.vector_store %arg142[%swap3A_1028, %swap3A_1029, %swap3A_1030], %select_n3A_1027 {strides = array<i32>} : memref<4x192x67xf32, #tpu.memory_space<vmem>>, vector<4x192x67xf32>,
    %dma_start3A_1032 = arith.constant 0 : i32
    %dma_start3A_1033 = arith.constant 0 : i32
    %dma_start3A_1034 = arith.constant 128 : i32
    %dma_start3A_1035 = tpu.memref_slice %arg134[%dma_start3A_1032, %dma_start3A_1033, %dma_start3A_1034] : memref<4x192x195xf32, #tpu.memory_space<any>> -> memref<4x192x67xf32, #tpu.memory_space<any>>
    tpu.enqueue_dma source(%arg142 : memref<4x192x67xf32, #tpu.memory_space<vmem>>) target(%dma_start3A_1035 : memref<4x192x67xf32, #tpu.memory_space<any>>) target_semaphore(%arg148 : memref<!tpu.dma_semaphore, #tpu.memory_space<semaphore_mem>>)
    %dma_wait3A_1036 = arith.constant 0 : i32
    %dma_wait3A_1037 = arith.constant 0 : i32
    %dma_wait3A_1038 = arith.constant 128 : i32
    %dma_wait3A_1039 = tpu.memref_slice %arg129[%dma_wait3A_1036, %dma_wait3A_1037, %dma_wait3A_1038] : memref<4x192x195xf32, #tpu.memory_space<any>> -> memref<4x192x67xf32, #tpu.memory_space<any>>
    tpu.wait_dma2 semaphore(%arg143 : memref<!tpu.dma_semaphore, #tpu.memory_space<semaphore_mem>>) src(%arg137 : memref<4x192x67xf32, #tpu.memory_space<vmem>>) dst(%dma_wait3A_1039 : memref<4x192x67xf32, #tpu.memory_space<any>>)
    %lt3A_1040 = arith.constant 194 : i32
    %lt3A_1041 = vector.broadcast %lt3A_1040 : i32 to vector<4x192x67xi32>
    %lt3A_1042 = arith.cmpi slt, %add3A_8, %lt3A_1041 : vector<4x192x67xi32>
    %select_n3A_1043 = arith.select %lt3A_1042, %get3A_2, %get3A_6 : vector<4x192x67xi1>, vector<4x192x67xf32>
    %swap3A_1044 = arith.constant 0 : index
    %swap3A_1045 = arith.constant 0 : index
    %swap3A_1046 = arith.constant 0 : index
    %swap3A_1047 = vector.load %arg137[%swap3A_1044, %swap3A_1045, %swap3A_1046] : memref<4x192x67xf32, #tpu.memory_space<vmem>>, vector<4x192x67xf32>
    tpu.vector_store %arg137[%swap3A_1044, %swap3A_1045, %swap3A_1046], %select_n3A_1043 {strides = array<i32>} : memref<4x192x67xf32, #tpu.memory_space<vmem>>, vector<4x192x67xf32>,
    %dma_start3A_1048 = arith.constant 0 : i32
    %dma_start3A_1049 = arith.constant 0 : i32
    %dma_start3A_1050 = arith.constant 128 : i32
    %dma_start3A_1051 = tpu.memref_slice %arg135[%dma_start3A_1048, %dma_start3A_1049, %dma_start3A_1050] : memref<4x192x195xf32, #tpu.memory_space<any>> -> memref<4x192x67xf32, #tpu.memory_space<any>>
    tpu.enqueue_dma source(%arg137 : memref<4x192x67xf32, #tpu.memory_space<vmem>>) target(%dma_start3A_1051 : memref<4x192x67xf32, #tpu.memory_space<any>>) target_semaphore(%arg143 : memref<!tpu.dma_semaphore, #tpu.memory_space<semaphore_mem>>)
    %dma_wait3A_1052 = arith.constant 0 : i32
    %dma_wait3A_1053 = arith.constant 0 : i32
    %dma_wait3A_1054 = arith.constant 128 : i32
    %dma_wait3A_1055 = tpu.memref_slice %arg130[%dma_wait3A_1052, %dma_wait3A_1053, %dma_wait3A_1054] : memref<4x192x195xf32, #tpu.memory_space<any>> -> memref<4x192x67xf32, #tpu.memory_space<any>>
    tpu.wait_dma2 semaphore(%arg144 : memref<!tpu.dma_semaphore, #tpu.memory_space<semaphore_mem>>) src(%arg138 : memref<4x192x67xf32, #tpu.memory_space<vmem>>) dst(%dma_wait3A_1055 : memref<4x192x67xf32, #tpu.memory_space<any>>)
    %lt3A_1056 = arith.constant 195 : i32
    %lt3A_1057 = vector.broadcast %lt3A_1056 : i32 to vector<4x192x67xi32>
    %lt3A_1058 = arith.cmpi slt, %add3A_8, %lt3A_1057 : vector<4x192x67xi32>
    %select_n3A_1059 = arith.select %lt3A_1058, %get3A_2, %get3A_6 : vector<4x192x67xi1>, vector<4x192x67xf32>
    %swap3A_1060 = arith.constant 0 : index
    %swap3A_1061 = arith.constant 0 : index
    %swap3A_1062 = arith.constant 0 : index
    %swap3A_1063 = vector.load %arg138[%swap3A_1060, %swap3A_1061, %swap3A_1062] : memref<4x192x67xf32, #tpu.memory_space<vmem>>, vector<4x192x67xf32>
    tpu.vector_store %arg138[%swap3A_1060, %swap3A_1061, %swap3A_1062], %select_n3A_1059 {strides = array<i32>} : memref<4x192x67xf32, #tpu.memory_space<vmem>>, vector<4x192x67xf32>,
    %dma_start3A_1064 = arith.constant 0 : i32
    %dma_start3A_1065 = arith.constant 0 : i32
    %dma_start3A_1066 = arith.constant 128 : i32
    %dma_start3A_1067 = tpu.memref_slice %arg136[%dma_start3A_1064, %dma_start3A_1065, %dma_start3A_1066] : memref<4x192x195xf32, #tpu.memory_space<any>> -> memref<4x192x67xf32, #tpu.memory_space<any>>
    tpu.enqueue_dma source(%arg138 : memref<4x192x67xf32, #tpu.memory_space<vmem>>) target(%dma_start3A_1067 : memref<4x192x67xf32, #tpu.memory_space<any>>) target_semaphore(%arg144 : memref<!tpu.dma_semaphore, #tpu.memory_space<semaphore_mem>>)
    %dma_wait3A_1068 = arith.constant 0 : i32
    %dma_wait3A_1069 = arith.constant 0 : i32
    %dma_wait3A_1070 = arith.constant 128 : i32
    %dma_wait3A_1071 = tpu.memref_slice %arg135[%dma_wait3A_1068, %dma_wait3A_1069, %dma_wait3A_1070] : memref<4x192x195xf32, #tpu.memory_space<any>> -> memref<4x192x67xf32, #tpu.memory_space<any>>
    tpu.wait_dma2 semaphore(%arg143 : memref<!tpu.dma_semaphore, #tpu.memory_space<semaphore_mem>>) src(%arg137 : memref<4x192x67xf32, #tpu.memory_space<vmem>>) dst(%dma_wait3A_1071 : memref<4x192x67xf32, #tpu.memory_space<any>>)
    %dma_wait3A_1072 = arith.constant 0 : i32
    %dma_wait3A_1073 = arith.constant 0 : i32
    %dma_wait3A_1074 = arith.constant 128 : i32
    %dma_wait3A_1075 = tpu.memref_slice %arg136[%dma_wait3A_1072, %dma_wait3A_1073, %dma_wait3A_1074] : memref<4x192x195xf32, #tpu.memory_space<any>> -> memref<4x192x67xf32, #tpu.memory_space<any>>
    tpu.wait_dma2 semaphore(%arg144 : memref<!tpu.dma_semaphore, #tpu.memory_space<semaphore_mem>>) src(%arg138 : memref<4x192x67xf32, #tpu.memory_space<vmem>>) dst(%dma_wait3A_1075 : memref<4x192x67xf32, #tpu.memory_space<any>>)
    %dma_wait3A_1076 = arith.constant 0 : i32
    %dma_wait3A_1077 = arith.constant 0 : i32
    %dma_wait3A_1078 = arith.constant 128 : i32
    %dma_wait3A_1079 = tpu.memref_slice %arg131[%dma_wait3A_1076, %dma_wait3A_1077, %dma_wait3A_1078] : memref<4x192x195xf32, #tpu.memory_space<any>> -> memref<4x192x67xf32, #tpu.memory_space<any>>
    tpu.wait_dma2 semaphore(%arg145 : memref<!tpu.dma_semaphore, #tpu.memory_space<semaphore_mem>>) src(%arg139 : memref<4x192x67xf32, #tpu.memory_space<vmem>>) dst(%dma_wait3A_1079 : memref<4x192x67xf32, #tpu.memory_space<any>>)
    %dma_wait3A_1080 = arith.constant 0 : i32
    %dma_wait3A_1081 = arith.constant 0 : i32
    %dma_wait3A_1082 = arith.constant 128 : i32
    %dma_wait3A_1083 = tpu.memref_slice %arg132[%dma_wait3A_1080, %dma_wait3A_1081, %dma_wait3A_1082] : memref<4x192x195xf32, #tpu.memory_space<any>> -> memref<4x192x67xf32, #tpu.memory_space<any>>
    tpu.wait_dma2 semaphore(%arg146 : memref<!tpu.dma_semaphore, #tpu.memory_space<semaphore_mem>>) src(%arg140 : memref<4x192x67xf32, #tpu.memory_space<vmem>>) dst(%dma_wait3A_1083 : memref<4x192x67xf32, #tpu.memory_space<any>>)
    %dma_wait3A_1084 = arith.constant 0 : i32
    %dma_wait3A_1085 = arith.constant 0 : i32
    %dma_wait3A_1086 = arith.constant 128 : i32
    %dma_wait3A_1087 = tpu.memref_slice %arg133[%dma_wait3A_1084, %dma_wait3A_1085, %dma_wait3A_1086] : memref<4x192x195xf32, #tpu.memory_space<any>> -> memref<4x192x67xf32, #tpu.memory_space<any>>
    tpu.wait_dma2 semaphore(%arg147 : memref<!tpu.dma_semaphore, #tpu.memory_space<semaphore_mem>>) src(%arg141 : memref<4x192x67xf32, #tpu.memory_space<vmem>>) dst(%dma_wait3A_1087 : memref<4x192x67xf32, #tpu.memory_space<any>>)
    %dma_wait3A_1088 = arith.constant 0 : i32
    %dma_wait3A_1089 = arith.constant 0 : i32
    %dma_wait3A_1090 = arith.constant 128 : i32
    %dma_wait3A_1091 = tpu.memref_slice %arg134[%dma_wait3A_1088, %dma_wait3A_1089, %dma_wait3A_1090] : memref<4x192x195xf32, #tpu.memory_space<any>> -> memref<4x192x67xf32, #tpu.memory_space<any>>
    tpu.wait_dma2 semaphore(%arg148 : memref<!tpu.dma_semaphore, #tpu.memory_space<semaphore_mem>>) src(%arg142 : memref<4x192x67xf32, #tpu.memory_space<vmem>>) dst(%dma_wait3A_1091 : memref<4x192x67xf32, #tpu.memory_space<any>>)
    return
  }
}

</mosaic_0001>

<sc_bundles>
// kernel: kernel.5.cloned.1.call-start
scs
__scs_entry_jumppad:
0x0: {  	(pc) =	sbr.rel $0x88, $3  }
0x1: {  	(tag) =	ssettag $0x0;
	lr =	simm.s32 $0x1  }
0x2: {  	[smem:$0x3FA0] =	sst lr;
	_ =	strace $0xD0000000  }
0x3: {  	_ = 	snop  }
0x4: {  	_ = 	snop  }
0x5: {  	_ = 	snop  }
0x6: {  	_ = 	snop  }
0x7: {  	_ = 	snop  }
__scs_overlays_trampoline_lowered:
0x8: {  	[smem:$0x3FAF] =	sst s0  }
0x9: {  	[smem:$0x3FB0] =	sst s1  }
0xa: {  	[smem:$0x3FB1] =	sst s2  }
0xb: {  	[smem:$0x3FB2] =	sst s3  }
0xc: {  	[smem:$0x3FB3] =	sst s4  }
0xd: {  	[smem:$0x3FB4] =	sst s5  }
0xe: {  	[smem:$0x3FB5] =	sst s6  }
0xf: {  	[smem:$0x3FB6] =	sst s7  }
0x10: {  	[smem:$0x3FB7] =	sst s8  }
0x11: {  	[smem:$0x3FB8] =	sst s9;
	s0 =	simm.s32 @!p0 $0x0  }
0x12: {  	s1 =	sld [smem:$0x3F9E];
	s0 =	simm.s32 @p0 $0x1  }
0x13: {  	[smem:$0x3FB9] =	sst s0;
	s0 =	simm.s32 @!p1 $0x0  }
0x14: {  	s2 =	sld [smem:$0x3F9D];
	s0 =	simm.s32 @p1 $0x1  }
0x15: {  	[smem:$0x3FBA] =	sst s0;
	s0 =	simm.s32 @!p2 $0x0  }
0x16: {  	s3 =	sld [smem:$0x3FDB];
	s0 =	simm.s32 @p2 $0x1  }
0x17: {  	s4 =	simm.s32 $0x1BF5;
	[smem:$0x3FBC] =	sst s0  }
0x18: {  	s0 =	sld [smem:$0x3F9F];
	_ =	swait.ge [sflag:s4], $0x0  }
0x19: {  	s7 =	sld [smem:$0x3FA0]  }
0x1a: {  	s8 =	sadd.s32 $0xFFFFE003, lr  }
0x1b: {  	s9 =	sadd.s32 $0xFFFFFEF7, lr;
	s5 =	simm.s32 $0xFFFFFFFF;
	p2 =	slt.u32 s8, $0xFFFFF086  }
0x1c: {  	p1 =	slt.u32 s9, $0xF7A;
	s5 =	simm.s32 @!p2 $0x0  }
0x1d: {  	s5 =	simm.s32 @p1 $0x1;
	p0 =	seq.s32 s7, s2  }
0x1e: {  	s7 =	smul.u32 @!p0 $0xF7A, s2;
	p2 =	seq.s32 @!p0 s5, $0x0  }
0x1f: {  	s9 =	smul.u32 $0xF7A, s1;
	s8 =	simm.s32 @!p0 $0x1BF5;
	p2 =	por !p2, p0  }
0x20: {  	[sflag:s8] =	ssyncset.s32 @!p0 $0xFFFFF086;
	s6 =	sadd.s32 @!p0 s3, s7;
	s7 =	simm.s32 @!p0 $0x108  }
0x21: {  	s3 =	sadd.s32 s3, s9;
	s6 =	sadd.s32 @!p0 $0x88, s6;
	s7 =	simm.s32 @p2 $0x1082  }
0x22: {  	[simem:s7], [sflag:s8] =	dma.local @!p0 [hbm:s6], $0xF7A  }
0x23: {  	s9 =	sor.u32 $0xD0000000, s2;
	s6 =	simm.s32 $0x108;
	_ =	swait.ge @!p0 [sflag:s8], $0x0  }
0x24: {  	s3 =	sadd.s32 $0x88, s3;
	s6 =	simm.s32 @!p1 $0x1082;
	[sflag:s4] =	ssyncset.s32 $0xFFFFF086  }
0x25: {  	[simem:s6], [sflag:s4] =	dma.local [hbm:s3], $0xF7A  }
0x26: {  	[smem:$0x3FA0] =	sst s1;
	(tag) =	ssettag s2;
	_ =	strace s9  }
0x27: {  	s1 =	sld [smem:$0x3FB0]  }
0x28: {  	s2 =	sld [smem:$0x3FB1]  }
0x29: {  	s4 =	sld [smem:$0x3FB3]  }
0x2a: {  	p0 =	seq.s32 s5, $0x0;
	s5 =	sld [smem:$0x3FB4]  }
0x2b: {  	s6 =	sld [smem:$0x3FB5]  }
0x2c: {  	s7 =	sld [smem:$0x3FB6]  }
0x2d: {  	s3 =	simm.s32 $0x108;
	s8 =	sld [smem:$0x3FB7]  }
0x2e: {  	s3 =	simm.s32 @!p0 $0x1082;
	s9 =	sld [smem:$0x3FB8]  }
0x2f: {  	lr =	sadd.s32 s0, s3;
	s0 =	sld [smem:$0x3FAF]  }
0x30: {  	s3 =	sld [smem:$0x3FB2]  }
0x31: {  	[smem:$0x3FBB] =	sst s10  }
0x32: {  	s10 =	sld [smem:$0x3FB9];
	_ =	sdelay $0x3  }
0x33: {  	p0 =	seq.s32 s10, $0x1;
	s10 =	sld [smem:$0x3FBB];
	_ =	sdelay $0x3  }
0x34: {  	[smem:$0x3FBB] =	sst s10  }
0x35: {  	s10 =	sld [smem:$0x3FBA];
	_ =	sdelay $0x3  }
0x36: {  	p1 =	seq.s32 s10, $0x1;
	s10 =	sld [smem:$0x3FBB];
	_ =	sdelay $0x3  }
0x37: {  	[smem:$0x3FBB] =	sst s10  }
0x38: {  	s10 =	sld [smem:$0x3FBC]  }
0x39: {  	_ = 	snop;
	(pc) =	sbr.ind lr, $3  }
0x3a: {  	_ = 	snop  }
0x3b: {  	_ = 	snop  }
0x3c: {  	p2 =	seq.s32 s10, $0x1;
	s10 =	sld [smem:$0x3FBB]  }
0x3d: {  	_ =	shalt  }
0x3e: {  	_ =	shalt  }
0x3f: {  	_ =	shalt  }
0x40: {  	_ =	shalt  }
0x41: {  	_ =	shalt  }
0x42: {  	_ =	shalt  }
0x43: {  	_ =	shalt  }
0x44: {  	_ =	shalt  }
0x45: {  	_ =	shalt  }
0x46: {  	_ =	shalt  }
0x47: {  	_ =	shalt  }
0x48: {  	_ =	shalt  }
0x49: {  	_ =	shalt  }
0x4a: {  	_ =	shalt  }
0x4b: {  	_ =	shalt  }
0x4c: {  	_ =	shalt  }
0x4d: {  	_ =	shalt  }
0x4e: {  	_ =	shalt  }
0x4f: {  	_ =	shalt  }
0x50: {  	_ =	shalt  }
0x51: {  	_ =	shalt  }
0x52: {  	_ =	shalt  }
0x53: {  	_ =	shalt  }
0x54: {  	_ =	shalt  }
0x55: {  	_ =	shalt  }
0x56: {  	_ =	shalt  }
0x57: {  	_ =	shalt  }
0x58: {  	_ =	shalt  }
0x59: {  	_ =	shalt  }
0x5a: {  	_ =	shalt  }
0x5b: {  	_ =	shalt  }
0x5c: {  	_ =	shalt  }
0x5d: {  	_ =	shalt  }
0x5e: {  	_ =	shalt  }
0x5f: {  	_ =	shalt  }
0x60: {  	_ =	shalt  }
0x61: {  	_ =	shalt  }
0x62: {  	_ =	shalt  }
0x63: {  	_ =	shalt  }
0x64: {  	_ =	shalt  }
0x65: {  	_ =	shalt  }
0x66: {  	_ =	shalt  }
0x67: {  	_ =	shalt  }
0x68: {  	_ =	shalt  }
0x69: {  	_ =	shalt  }
0x6a: {  	_ =	shalt  }
0x6b: {  	_ =	shalt  }
0x6c: {  	_ =	shalt  }
0x6d: {  	_ =	shalt  }
0x6e: {  	_ =	shalt  }
0x6f: {  	_ =	shalt  }
0x70: {  	_ =	shalt  }
0x71: {  	_ =	shalt  }
0x72: {  	_ =	shalt  }
0x73: {  	_ =	shalt  }
0x74: {  	_ =	shalt  }
0x75: {  	_ =	shalt  }
0x76: {  	_ =	shalt  }
0x77: {  	_ =	shalt  }
0x78: {  	_ =	shalt  }
0x79: {  	_ =	shalt  }
0x7a: {  	_ =	shalt  }
0x7b: {  	_ =	shalt  }
0x7c: {  	_ =	shalt  }
0x7d: {  	_ =	shalt  }
0x7e: {  	_ =	shalt  }
0x7f: {  	_ =	shalt  }
0x80: {  	_ =	shalt  }
0x81: {  	_ =	shalt  }
0x82: {  	_ =	shalt  }
0x83: {  	_ =	shalt  }
0x84: {  	_ =	shalt  }
0x85: {  	_ =	shalt  }
0x86: {  	_ =	shalt  }
0x87: {  	_ =	shalt  }
.Lfunc_end0:
.L_simem_size_0:
called_computation_lowered:
.L_overlay_start_0:
0x88: {  	s0 =	sld [smem:$0x3FD9]  }
0x89: {  	s1 =	sld [smem:$0x3FFE];
	_ =	sdelay $0x1  }
0x8a: {  	s2 =	srdreg.scid  }
0x8b: {  	s2 =	sand.u32 $0x1, s2  }
0x8c: {  	s20 =	sshll.u32 s2, $0xA;
	s0 =	sadd.s32 s1, s0  }
0x8d: {  	[dreg:$0x10] =	wrdreg s2;
	s0 =	sadd.s32 s0, s20  }
0x8e: {  	[smem:$0x3FC7] =	sst s0  }
0x8f: {  	_ = 	snop  }
0x90: {  	s1 =	sld [smem:$0x3FD0];
	_ =	sdelay $0x3  }
0x91: {  	s2 =	simm.s32 $0x10;
	s0 =	simm.s32 $0xA;
	s3 =	sadd.s32 $0x10, s1  }
0x92: {  	[smem:s2], [sflag:s0] =	dma.local [hbm:s3], $0x1  }
0x93: {  	_ =	swait.eq [sflag:s0], $0x1  }
0x94: {  	s21 =	sld [smem:$0x10]  }
0x95: {  	s22 =	sld [smem:$0x11]  }
0x96: {  	s23 =	sld [smem:$0x12]  }
0x97: {  	s24 =	sld [smem:$0x13]  }
0x98: {  	s25 =	sld [smem:$0x14]  }
0x99: {  	s26 =	sld [smem:$0x15]  }
0x9a: {  	s28 =	sld [smem:$0x16]  }
0x9b: {  	s29 =	sld [smem:$0x17]  }
0x9c: {  	[dreg:$0x11] =	wrdreg s21  }
0x9d: {  	[dreg:$0x12] =	wrdreg s22  }
0x9e: {  	[dreg:$0x13] =	wrdreg s23  }
0x9f: {  	[dreg:$0x14] =	wrdreg s24  }
0xa0: {  	[dreg:$0x15] =	wrdreg s25  }
0xa1: {  	[sflag:s0] =	ssyncset.done $0x0;
	[dreg:$0x16] =	wrdreg s26  }
0xa2: {  	[sflag:s0] =	ssyncadd.s32 $0xFFFFFFFF;
	[dreg:$0x17] =	wrdreg s28  }
0xa3: {  	s30 =	sadd.s32 $0x11, s1;
	[dreg:$0x18] =	wrdreg s29  }
0xa4: {  	[smem:s2], [sflag:s0] =	dma.local [hbm:s30], $0x1  }
0xa5: {  	_ =	swait.eq [sflag:s0], $0x1  }
0xa6: {  	s31 =	sld [smem:$0x10]  }
0xa7: {  	s4 =	sld [smem:$0x11]  }
0xa8: {  	s5 =	sld [smem:$0x12]  }
0xa9: {  	s6 =	sld [smem:$0x13]  }
0xaa: {  	s7 =	sld [smem:$0x14]  }
0xab: {  	s8 =	sld [smem:$0x15]  }
0xac: {  	s9 =	sld [smem:$0x16]  }
0xad: {  	s10 =	sld [smem:$0x17]  }
0xae: {  	[dreg:$0x19] =	wrdreg s31  }
0xaf: {  	[dreg:$0x1a] =	wrdreg s4  }
0xb0: {  	[dreg:$0x1b] =	wrdreg s5  }
0xb1: {  	[dreg:$0x1c] =	wrdreg s6  }
0xb2: {  	[dreg:$0x1d] =	wrdreg s7  }
0xb3: {  	[sflag:s0] =	ssyncset.done $0x0;
	[dreg:$0x1e] =	wrdreg s8  }
0xb4: {  	[sflag:s0] =	ssyncadd.s32 $0xFFFFFFFF;
	[dreg:$0x1f] =	wrdreg s9  }
0xb5: {  	s11 =	sadd.s32 $0x12, s1;
	[smem:$0x3F82] =	sst s10  }
0xb6: {  	[smem:s2], [sflag:s0] =	dma.local [hbm:s11], $0x1  }
0xb7: {  	_ =	swait.eq [sflag:s0], $0x1  }
0xb8: {  	s12 =	sld [smem:$0x10]  }
0xb9: {  	s13 =	sld [smem:$0x11]  }
0xba: {  	s14 =	sld [smem:$0x12]  }
0xbb: {  	s15 =	sld [smem:$0x13]  }
0xbc: {  	s16 =	sld [smem:$0x14]  }
0xbd: {  	s17 =	sld [smem:$0x15]  }
0xbe: {  	s18 =	sld [smem:$0x16]  }
0xbf: {  	s19 =	sld [smem:$0x17]  }
0xc0: {  	[smem:$0x3F83] =	sst s12  }
0xc1: {  	[smem:$0x3F84] =	sst s13  }
0xc2: {  	[smem:$0x3F85] =	sst s14  }
0xc3: {  	[smem:$0x3F86] =	sst s15  }
0xc4: {  	[smem:$0x3F87] =	sst s16  }
0xc5: {  	[sflag:s0] =	ssyncset.done $0x0;
	[smem:$0x3F88] =	sst s17  }
0xc6: {  	[sflag:s0] =	ssyncadd.s32 $0xFFFFFFFF;
	[smem:$0x3F89] =	sst s18  }
0xc7: {  	s20 =	sadd.s32 $0x13, s1;
	[smem:$0x3F8A] =	sst s19  }
0xc8: {  	[smem:s2], [sflag:s0] =	dma.local [hbm:s20], $0x1  }
0xc9: {  	_ =	swait.eq [sflag:s0], $0x1  }
0xca: {  	s21 =	sld [smem:$0x10]  }
0xcb: {  	s22 =	sld [smem:$0x11]  }
0xcc: {  	s23 =	sld [smem:$0x12]  }
0xcd: {  	s24 =	sld [smem:$0x13]  }
0xce: {  	s25 =	sld [smem:$0x14]  }
0xcf: {  	s26 =	sld [smem:$0x15]  }
0xd0: {  	s28 =	sld [smem:$0x16]  }
0xd1: {  	s29 =	sld [smem:$0x17]  }
0xd2: {  	[smem:$0x3F8B] =	sst s21  }
0xd3: {  	[smem:$0x3F8C] =	sst s22  }
0xd4: {  	[smem:$0x3F8D] =	sst s23  }
0xd5: {  	[smem:$0x3F8E] =	sst s24  }
0xd6: {  	[smem:$0x3F8F] =	sst s25  }
0xd7: {  	[sflag:s0] =	ssyncset.done $0x0;
	[smem:$0x3F90] =	sst s26  }
0xd8: {  	[sflag:s0] =	ssyncadd.s32 $0xFFFFFFFF;
	[smem:$0x3F91] =	sst s28  }
0xd9: {  	s30 =	sadd.s32 $0x14, s1;
	[smem:$0x3F92] =	sst s29  }
0xda: {  	[smem:s2], [sflag:s0] =	dma.local [hbm:s30], $0x1  }
0xdb: {  	_ =	swait.eq [sflag:s0], $0x1  }
0xdc: {  	s31 =	sld [smem:$0x10]  }
0xdd: {  	s4 =	sld [smem:$0x11]  }
0xde: {  	s5 =	sld [smem:$0x12]  }
0xdf: {  	s6 =	sld [smem:$0x13]  }
0xe0: {  	s7 =	sld [smem:$0x14]  }
0xe1: {  	s8 =	sld [smem:$0x15]  }
0xe2: {  	s30 =	sld [smem:$0x16]  }
0xe3: {  	s9 =	sld [smem:$0x17]  }
0xe4: {  	[smem:$0x3F93] =	sst s31  }
0xe5: {  	[smem:$0x3F94] =	sst s4  }
0xe6: {  	[smem:$0x3F95] =	sst s5  }
0xe7: {  	[smem:$0x3F96] =	sst s6  }
0xe8: {  	[sflag:s0] =	ssyncset.done $0x0;
	[smem:$0x3F97] =	sst s7  }
0xe9: {  	[sflag:s0] =	ssyncadd.s32 $0xFFFFFFFF;
	[smem:$0x3F98] =	sst s8  }
0xea: {  	s10 =	sadd.s32 $0x15, s1;
	[smem:$0x3F99] =	sst s9  }
0xeb: {  	[smem:s2], [sflag:s0] =	dma.local [hbm:s10], $0x1  }
0xec: {  	_ =	swait.eq [sflag:s0], $0x1  }
0xed: {  	s31 =	sld [smem:$0x10]  }
0xee: {  	s11 =	sld [smem:$0x11]  }
0xef: {  	s12 =	sld [smem:$0x12]  }
0xf0: {  	s13 =	sld [smem:$0x13]  }
0xf1: {  	s28 =	sld [smem:$0x14]  }
0xf2: {  	s29 =	sld [smem:$0x15]  }
0xf3: {  	s25 =	sld [smem:$0x16]  }
0xf4: {  	s21 =	sld [smem:$0x17]  }
0xf5: {  	[sflag:s0] =	ssyncset.done $0x0;
	[smem:$0x3F9A] =	sst s11  }
0xf6: {  	[sflag:s0] =	ssyncadd.s32 $0xFFFFFFFF;
	[smem:$0x3F9B] =	sst s12  }
0xf7: {  	s14 =	sadd.s32 $0x16, s1;
	[smem:$0x3F9C] =	sst s13  }
0xf8: {  	[smem:s2], [sflag:s0] =	dma.local [hbm:s14], $0x1  }
0xf9: {  	_ =	swait.eq [sflag:s0], $0x1  }
0xfa: {  	s17 =	sld [smem:$0x10]  }
0xfb: {  	s18 =	sld [smem:$0x11]  }
0xfc: {  	s19 =	sld [smem:$0x12]  }
0xfd: {  	s16 =	sld [smem:$0x13]  }
0xfe: {  	s23 =	sld [smem:$0x14]  }
0xff: {  	s24 =	sld [smem:$0x15];
	[sflag:s0] =	ssyncset.done $0x0  }
0x100: {  	s22 =	sld [smem:$0x16];
	[sflag:s0] =	ssyncadd.s32 $0xFFFFFFFF  }
0x101: {  	s15 =	sadd.s32 $0x17, s1;
	s20 =	sld [smem:$0x17]  }
0x102: {  	[smem:s2], [sflag:s0] =	dma.local [hbm:s15], $0x1  }
0x103: {  	_ =	swait.eq [sflag:s0], $0x1  }
0x104: {  	s13 =	sld [smem:$0x10]  }
0x105: {  	s14 =	sld [smem:$0x11]  }
0x106: {  	s15 =	sld [smem:$0x12]  }
0x107: {  	s10 =	sld [smem:$0x13]  }
0x108: {  	s11 =	sld [smem:$0x14]  }
0x109: {  	s12 =	sld [smem:$0x15];
	[sflag:s0] =	ssyncset.done $0x0  }
0x10a: {  	s9 =	sld [smem:$0x16];
	[sflag:s0] =	ssyncadd.s32 $0xFFFFFFFF  }
0x10b: {  	s1 =	sadd.s32 $0x18, s1;
	s5 =	sld [smem:$0x17]  }
0x10c: {  	[smem:s2], [sflag:s0] =	dma.local [hbm:s1], $0x1  }
0x10d: {  	_ =	swait.eq [sflag:s0], $0x1  }
0x10e: {  	s4 =	sld [smem:$0x10]  }
0x10f: {  	s8 =	sld [smem:$0x11];
	[sflag:s0] =	ssyncset.done $0x0  }
0x110: {  	s7 =	sld [smem:$0x12];
	[sflag:s0] =	ssyncadd.s32 $0xFFFFFFFF  }
0x111: {  	s6 =	sld [smem:$0x13];
	(tm) =	ssettm $0x1  }
0x112: {  	s26 =	sld [smem:$0x3FFB];
	_ =	sdelay $0x3  }
0x113: {  	_ =	strace s26  }
0x114: {  	s0 =	sld [smem:$0x3FFC];
	_ =	sdelay $0x3  }
0x115: {  	_ =	strace s0  }
0x116: {  	s0 =	sld [smem:$0x3FFD];
	_ =	sdelay $0x3  }
0x117: {  	_ =	strace s0  }
0x118: {  	_ =	strace $0x8FFFFFFF  }
0x119: {  	s0 =	sld [smem:$0x3FDB];
	_ =	sdelay $0x1  }
0x11a: {  	s1 =	simm.s32 $_scs_section_size  }
0x11b: {  	s2 =	simm.s32 $_size__tile_task_arg_handler_lowered;
	s26 =	simm.s32 $_tile_task_arg_handler_lowered  }
0x11c: {  	s3 =	sadd.s32 s1, s0;
	s0 =	sshll.u32 s2, $0x1;
	s2 =	sshll.u32 s26, $0x1  }
0x11d: {  	s26 =	simm.s32 $0x60;
	s1 =	sadd.s32 s2, s3;
	s2 =	simm.s32 $0x1BFF  }
0x11e: {  	[timem:s26], [sflag:s2] =	dma.local [hbm:s1], s0  }
0x11f: {  	_ =	swait.ge [sflag:s2], s0  }
0x120: {  	s26 =	simm.s32 $_tile_overlayer_lowered;
	s0 =	ssub.s32 $0x0, s0;
	[sflag:s2] =	ssyncset.done $0x0  }
0x121: {  	[sflag:s2] =	ssyncadd.s32 s0;
	s0 =	sshll.u32 s26, $0x1;
	s26 =	simm.s32 $_size__tile_overlayer_lowered  }
0x122: {  	s1 =	sshll.u32 s26, $0x1;
	s26 =	sadd.s32 s0, s3;
	s0 =	simm.s32 $0x0  }
0x123: {  	[timem:s0], [sflag:s2] =	dma.local [hbm:s26], s1  }
0x124: {  	_ =	swait.ge [sflag:s2], s1  }
0x125: {  	s1 =	ssub.s32 $0x0, s1;
	[sflag:s2] =	ssyncset.done $0x0  }
0x126: {  	[sflag:s2] =	ssyncadd.s32 s1;
	_ =	sdelay $0x1  }
0x127: {  	s2 =	simm.s32 $0x1B8B  }
0x128: {  	_ =	swait.ge [sflag:s2], $0x1  }
0x129: {  	[sflag:s2] =	ssyncset.done $0x0  }
0x12a: {  	s26 =	simm.s32 $0x1B8E;
	[sflag:s2] =	ssyncadd.s32 $0xFFFFFFFF  }
0x12b: {  	s2 =	simm.s32 $execute0_lowered;
	[smem:$0x3FD2] =	sst s26  }
0x12c: {  	s1 =	sshll.u32 s2, $0x1;
	_ =	strace $0x80000046;
	[dreg:$0x1] =	wrdreg $0xFFFFFFFF  }
0x12d: {  	s26 =	simm.s32 $_size_execute0_lowered;
	s1 =	sadd.s32 s3, s1;
	[dreg:$0x0] =	wrdreg $0x0  }
0x12e: {  	s3 =	sshll.u32 s26, $0x1;
	[dreg:$0x2] =	wrdreg s1  }
0x12f: {  	[dreg:$0x3] =	wrdreg s3  }
0x130: {  	[dreg:$0x4] =	wrdreg $0xC0  }
0x131: {  	_ =	task [dreg:s0], $0x5FFFF  }
0x132: {  	[dreg:$0x1] =	wrdreg $0xFFFFFFFF  }
0x133: {  	s26 =	rddreg [dreg:$0x1e]  }
0x134: {  	s2 =	rddreg [dreg:$0x1f]  }
0x135: {  	s3 =	sld [smem:$0x3F82]  }
0x136: {  	[dreg:$0x0] =	wrdreg $0x30  }
0x137: {  	[dreg:$0x2] =	wrdreg $0x0  }
0x138: {  	[dreg:$0x3] =	wrdreg s26  }
0x139: {  	s26 =	sld [smem:$0x3F83]  }
0x13a: {  	[dreg:$0x4] =	wrdreg s2  }
0x13b: {  	s2 =	sld [smem:$0x3F84]  }
0x13c: {  	[dreg:$0x5] =	wrdreg s3  }
0x13d: {  	s3 =	sld [smem:$0x3F85]  }
0x13e: {  	[dreg:$0x6] =	wrdreg s26  }
0x13f: {  	s26 =	sld [smem:$0x3F86]  }
0x140: {  	[dreg:$0x7] =	wrdreg s2  }
0x141: {  	s2 =	sld [smem:$0x3F87]  }
0x142: {  	[dreg:$0x8] =	wrdreg s3  }
0x143: {  	s3 =	sld [smem:$0x3F88]  }
0x144: {  	[dreg:$0x9] =	wrdreg s26  }
0x145: {  	s26 =	sld [smem:$0x3F89]  }
0x146: {  	[dreg:$0xa] =	wrdreg s2  }
0x147: {  	s2 =	sld [smem:$0x3F8A]  }
0x148: {  	[dreg:$0xb] =	wrdreg s3  }
0x149: {  	s3 =	sld [smem:$0x3F8B]  }
0x14a: {  	[dreg:$0xc] =	wrdreg s26  }
0x14b: {  	s26 =	sld [smem:$0x3F8C];
	_ =	sdelay $0x1  }
0x14c: {  	[dreg:$0xd] =	wrdreg s2  }
0x14d: {  	[dreg:$0xe] =	wrdreg s3  }
0x14e: {  	[dreg:$0xf] =	wrdreg s26  }
0x14f: {  	_ =	task [dreg:s0], $0x10FFFF  }
0x150: {  	[dreg:$0x1] =	wrdreg $0xFFFFFFFF  }
0x151: {  	s2 =	sld [smem:$0x3F8D]  }
0x152: {  	s3 =	sld [smem:$0x3F8E]  }
0x153: {  	s26 =	sld [smem:$0x3F8F]  }
0x154: {  	[dreg:$0x0] =	wrdreg $0x30  }
0x155: {  	[dreg:$0x2] =	wrdreg $0xD  }
0x156: {  	[dreg:$0x3] =	wrdreg s2  }
0x157: {  	s2 =	sld [smem:$0x3F90]  }
0x158: {  	[dreg:$0x4] =	wrdreg s3  }
0x159: {  	s3 =	sld [smem:$0x3F91]  }
0x15a: {  	[dreg:$0x5] =	wrdreg s26  }
0x15b: {  	s26 =	sld [smem:$0x3F92]  }
0x15c: {  	[dreg:$0x6] =	wrdreg s2  }
0x15d: {  	s2 =	sld [smem:$0x3F93]  }
0x15e: {  	[dreg:$0x7] =	wrdreg s3  }
0x15f: {  	s3 =	sld [smem:$0x3F94]  }
0x160: {  	[dreg:$0x8] =	wrdreg s26  }
0x161: {  	s26 =	sld [smem:$0x3F95]  }
0x162: {  	[dreg:$0x9] =	wrdreg s2  }
0x163: {  	s2 =	sld [smem:$0x3F96]  }
0x164: {  	[dreg:$0xa] =	wrdreg s3  }
0x165: {  	s3 =	sld [smem:$0x3F97]  }
0x166: {  	[dreg:$0xb] =	wrdreg s26  }
0x167: {  	s26 =	sld [smem:$0x3F98];
	_ =	sdelay $0x1  }
0x168: {  	[dreg:$0xc] =	wrdreg s2  }
0x169: {  	[dreg:$0xd] =	wrdreg s3  }
0x16a: {  	[dreg:$0xe] =	wrdreg s26  }
0x16b: {  	[dreg:$0xf] =	wrdreg s30  }
0x16c: {  	_ =	task [dreg:s0], $0x10FFFF  }
0x16d: {  	s30 =	sld [smem:$0x3F99]  }
0x16e: {  	[dreg:$0x1] =	wrdreg $0xFFFFFFFF  }
0x16f: {  	[dreg:$0x0] =	wrdreg $0x30  }
0x170: {  	[dreg:$0x2] =	wrdreg $0x1A  }
0x171: {  	[dreg:$0x3] =	wrdreg s30  }
0x172: {  	[dreg:$0x4] =	wrdreg s31  }
0x173: {  	s31 =	sld [smem:$0x3F9A]  }
0x174: {  	s2 =	sld [smem:$0x3F9B]  }
0x175: {  	s3 =	sld [smem:$0x3F9C];
	_ =	sdelay $0x1  }
0x176: {  	[dreg:$0x5] =	wrdreg s31  }
0x177: {  	[dreg:$0x6] =	wrdreg s2  }
0x178: {  	[dreg:$0x7] =	wrdreg s3  }
0x179: {  	[dreg:$0x8] =	wrdreg s28  }
0x17a: {  	[dreg:$0x9] =	wrdreg s29  }
0x17b: {  	[dreg:$0xa] =	wrdreg s25  }
0x17c: {  	[dreg:$0xb] =	wrdreg s21  }
0x17d: {  	[dreg:$0xc] =	wrdreg s17  }
0x17e: {  	[dreg:$0xd] =	wrdreg s18  }
0x17f: {  	[dreg:$0xe] =	wrdreg s19  }
0x180: {  	[dreg:$0xf] =	wrdreg s16  }
0x181: {  	_ =	task [dreg:s0], $0x10FFFF  }
0x182: {  	[dreg:$0x1] =	wrdreg $0xFFFFFFFF  }
0x183: {  	[dreg:$0x0] =	wrdreg $0x30  }
0x184: {  	[dreg:$0x2] =	wrdreg $0x27  }
0x185: {  	[dreg:$0x3] =	wrdreg s23  }
0x186: {  	[dreg:$0x4] =	wrdreg s24  }
0x187: {  	[dreg:$0x5] =	wrdreg s22  }
0x188: {  	[dreg:$0x6] =	wrdreg s20  }
0x189: {  	[dreg:$0x7] =	wrdreg s13  }
0x18a: {  	[dreg:$0x8] =	wrdreg s14  }
0x18b: {  	[dreg:$0x9] =	wrdreg s15  }
0x18c: {  	[dreg:$0xa] =	wrdreg s10  }
0x18d: {  	[dreg:$0xb] =	wrdreg s11  }
0x18e: {  	[dreg:$0xc] =	wrdreg s12  }
0x18f: {  	[dreg:$0xd] =	wrdreg s9  }
0x190: {  	[dreg:$0xe] =	wrdreg s5  }
0x191: {  	[dreg:$0xf] =	wrdreg s4  }
0x192: {  	_ =	task [dreg:s0], $0x10FFFF  }
0x193: {  	[dreg:$0x1] =	wrdreg $0xFFFFFFFF  }
0x194: {  	[dreg:$0x0] =	wrdreg $0x30  }
0x195: {  	[dreg:$0x2] =	wrdreg $0x34  }
0x196: {  	[dreg:$0x3] =	wrdreg s8  }
0x197: {  	[dreg:$0x4] =	wrdreg s7  }
0x198: {  	[dreg:$0x5] =	wrdreg s6  }
0x199: {  	[dreg:$0x6] =	wrdreg $0x9  }
0x19a: {  	_ =	task [dreg:s0], $0x7FFFF  }
0x19b: {  	[dreg:$0x1] =	wrdreg $0xFFFFFFFF  }
0x19c: {  	s12 =	sld [smem:$0x3FC9]  }
0x19d: {  	s13 =	rddreg [dreg:$0x11]  }
0x19e: {  	s14 =	rddreg [dreg:$0x12]  }
0x19f: {  	s15 =	rddreg [dreg:$0x13]  }
0x1a0: {  	s16 =	rddreg [dreg:$0x14]  }
0x1a1: {  	s17 =	rddreg [dreg:$0x15]  }
0x1a2: {  	s18 =	rddreg [dreg:$0x16]  }
0x1a3: {  	s19 =	rddreg [dreg:$0x17]  }
0x1a4: {  	s20 =	rddreg [dreg:$0x18]  }
0x1a5: {  	s21 =	rddreg [dreg:$0x19]  }
0x1a6: {  	s22 =	rddreg [dreg:$0x1a]  }
0x1a7: {  	s23 =	rddreg [dreg:$0x1b]  }
0x1a8: {  	s24 =	rddreg [dreg:$0x1c]  }
0x1a9: {  	s25 =	rddreg [dreg:$0x1d]  }
0x1aa: {  	[dreg:$0x0] =	wrdreg $0x60  }
0x1ab: {  	[dreg:$0x2] =	wrdreg s12  }
0x1ac: {  	[dreg:$0x3] =	wrdreg s13  }
0x1ad: {  	[dreg:$0x4] =	wrdreg s14  }
0x1ae: {  	[dreg:$0x5] =	wrdreg s15  }
0x1af: {  	[dreg:$0x6] =	wrdreg s16  }
0x1b0: {  	[dreg:$0x7] =	wrdreg s17  }
0x1b1: {  	[dreg:$0x8] =	wrdreg s18  }
0x1b2: {  	[dreg:$0x9] =	wrdreg s19  }
0x1b3: {  	[dreg:$0xa] =	wrdreg s20  }
0x1b4: {  	[dreg:$0xb] =	wrdreg s21  }
0x1b5: {  	[dreg:$0xc] =	wrdreg s22  }
0x1b6: {  	[dreg:$0xd] =	wrdreg s23  }
0x1b7: {  	[dreg:$0xe] =	wrdreg s24  }
0x1b8: {  	[dreg:$0xf] =	wrdreg s25  }
0x1b9: {  	_ =	task.clear_ibuf [dreg:s0], $0x10FFFF;
	_ =	strace $0x90000046  }
0x1ba: {  	s26 =	simm.s32 $0x9;
	_ =	strace $0x80000048  }
0x1bb: {  	_ =	swait.ge [sflag:s26], $0x1  }
0x1bc: {  	[sflag:s26] =	ssyncadd.s32 $0xFFFFFFFF  }
0x1bd: {  	_ =	strace $0x90000048  }
0x1be: {  	_ =	sfence  }
0x1bf: {  	s28 =	sld [smem:$0x0];
	_ =	sdelay $0x1  }
0x1c0: {  	s29 =	srdreg.scid  }
0x1c1: {  	s30 =	sshll.u32 s29, $0xD;
	s3 =	sshrl.u32 s29, $0x2  }
0x1c2: {  	s2 =	sand.u32 $0x4000, s30;
	s31 =	rddreg [dreg:$0x10];
	s1 =	sadd.s32 s3, s28  }
0x1c3: {  	s2 =	sor.u32 s2, s31;
	s1 =	sshll.u32 s1, $0x11  }
0x1c4: {  	s1 =	sor.u32 s1, s2  }
0x1c5: {  	s1 =	sadd.s32 $0x8F2B, s1  }
0x1c6: {  	[sflag:s1] =	ssyncadd.remote.s32 $0x1  }
0x1c7: {  	_ =	sfence.sel $0xFFFF  }
0x1c8: {  	[dreg:$0x0] =	wrdreg $0xFFFFFFFF;
	(pc) =	sbr.abs _section_cstart, $3  }
0x1c9: {  	[dreg:$0x1] =	wrdreg $0xFFFFFFFF  }
0x1ca: {  	_ =	task.clear_ibuf [dreg:s0], $0x2FFFF;
	_ =	strace $0x9FFFFFFF  }
0x1cb: {  	(tm) =	ssettm $0x7FFFFFFF  }
tec
_tile_task_arg_handler_lowered:
.L_overlay_start_1:
0x0: {  	(tag) =	ssettag $0x1  }
0x1: {  	s0 =	rddreg [dreg:$0x0]  }
0x2: {  	s1 =	rddreg [dreg:$0x1]  }
0x3: {  	s2 =	rddreg [dreg:$0x2]  }
0x4: {  	s3 =	rddreg [dreg:$0x3]  }
0x5: {  	s4 =	rddreg [dreg:$0x4]  }
0x6: {  	s5 =	rddreg [dreg:$0x5]  }
0x7: {  	s6 =	rddreg [dreg:$0x6]  }
0x8: {  	s7 =	rddreg [dreg:$0x7]  }
0x9: {  	s8 =	rddreg [dreg:$0x8]  }
0xa: {  	s9 =	rddreg [dreg:$0x9]  }
0xb: {  	s10 =	rddreg [dreg:$0xa]  }
0xc: {  	s11 =	rddreg [dreg:$0xb]  }
0xd: {  	s12 =	rddreg [dreg:$0xc]  }
0xe: {  	s13 =	rddreg [dreg:$0xd]  }
0xf: {  	[smem:s0] =	sst s1  }
0x10: {  	[smem:s0+$0x1] =	sst s2  }
0x11: {  	[smem:s0+$0x2] =	sst s3  }
0x12: {  	[smem:s0+$0x3] =	sst s4  }
0x13: {  	[smem:s0+$0x4] =	sst s5  }
0x14: {  	[smem:s0+$0x5] =	sst s6  }
0x15: {  	[smem:s0+$0x6] =	sst s7  }
0x16: {  	[smem:s0+$0x7] =	sst s8  }
0x17: {  	[smem:s0+$0x8] =	sst s9  }
0x18: {  	[smem:s0+$0x9] =	sst s10  }
0x19: {  	[smem:s0+$0xA] =	sst s11  }
0x1a: {  	[smem:s0+$0xB] =	sst s12  }
0x1b: {  	[smem:s0+$0xC] =	sst s13;
	_ =	shalt  }
.Lfunc_end2:
execute0_lowered:
.L_overlay_start_2:
0x1c: {  	(tag) =	ssettag $0x2  }
0x1d: {  	s0 =	rddreg [dreg:$0x0]  }
0x1e: {  	s5 =	rddreg [dreg:$0x5]  }
0x1f: {  	s4 =	rddreg [dreg:$0x6]  }
0x20: {  	s7 =	rddreg [dreg:$0x7]  }
0x21: {  	s13 =	rddreg [dreg:$0x8]  }
0x22: {  	s3 =	rddreg [dreg:$0x9]  }
0x23: {  	s1 =	rddreg [dreg:$0xa]  }
0x24: {  	s14 =	rddreg [dreg:$0xb]  }
0x25: {  	s8 =	rddreg [dreg:$0xc]  }
0x26: {  	s16 =	rddreg [dreg:$0xd]  }
0x27: {  	s17 =	sld [smem:$0x0]  }
0x28: {  	s15 =	sld [smem:$0x1]  }
0x29: {  	s2 =	sld [smem:$0x2]  }
0x2a: {  	s6 =	sld [smem:$0x3]  }
0x2b: {  	s18 =	sld [smem:$0x19]  }
0x2c: {  	s19 =	sld [smem:$0x1A]  }
0x2d: {  	s11 =	sld [smem:$0x5]  }
0x2e: {  	s12 =	sld [smem:$0x17]  }
0x2f: {  	s21 =	sld [smem:$0x18]  }
0x30: {  	s9 =	srdreg.scid;
	s22 =	sld [smem:$0xC]  }
0x31: {  	s10 =	stileid.u32;
	s24 =	sld [smem:$0x24]  }
0x32: {  	s26 =	sld [smem:$0x29];
	s20 =	sand.u32 $0x1, s9;
	s10 =	sshll.u32 s10, $0x1  }
0x33: {  	s29 =	sld [smem:$0x27];
	s10 =	sor.u32 s20, s10  }
0x34: {  	s25 =	sld [smem:$0x37];
	p1 =	sgt.s32 s10, $0x5  }
0x35: {  	s30 =	sld [smem:$0x28];
	p0 =	seq.s32 @p1 s10, $0x6  }
0x36: {  	s9 =	sld [smem:$0x4];
	p0 =	por !p0, !p1  }
0x37: {  	[dreg:$0x12] =	wrdreg s25;
	s7 =	smov.u32 @p0 s13  }
0x38: {  	s18 =	smov.u32 @p0 s19;
	p0 =	seq.s32 @!p1 s10, $0x4;
	s13 =	sld [smem:$0x6]  }
0x39: {  	s19 =	sld [smem:$0x21];
	p0 =	por !p0, p1  }
0x3a: {  	s5 =	smov.u32 @p0 s4;
	s4 =	sld [smem:$0x7]  }
0x3b: {  	p6 =	sgt.s32 s10, $0xB;
	s12 =	smov.u32 @p0 s21;
	s21 =	sld [smem:$0x20]  }
0x3c: {  	p3 =	sgt.s32 @p6 s10, $0xD;
	s5 =	smov.u32 @p1 s7;
	s7 =	sld [smem:$0x22]  }
0x3d: {  	p0 =	por !p3, !p6;
	s12 =	smov.u32 @p1 s18;
	s18 =	sld [smem:$0x1F]  }
0x3e: {  	p4 =	seq.s32 @!p0 s10, $0xE;
	[dreg:$0xe] =	wrdreg s5  }
0x3f: {  	[dreg:$0x10] =	wrdreg s12;
	p1 =	por @p6 !p4, !p3;
	p4 =	por p3, !p6  }
0x40: {  	s12 =	sld [smem:$0x25];
	p1 =	por !p1, !p6;
	p4 =	seq.s32 @!p4 s10, $0xC  }
0x41: {  	s2 =	smov.u32 @p1 s15;
	p3 =	por @p6 !p4, p3;
	s15 =	sld [smem:$0xF]  }
0x42: {  	s7 =	smov.u32 @p1 s19;
	s19 =	sld [smem:$0x10];
	p4 =	por !p3, !p6  }
0x43: {  	p3 =	sgt.s32 @!p6 s10, $0x9;
	s21 =	smov.u32 @p4 s18;
	s18 =	sld [smem:$0x1D]  }
0x44: {  	s17 =	smov.u32 @p4 s16;
	p1 =	por !p3, p6;
	s16 =	sld [smem:$0x1E]  }
0x45: {  	p4 =	seq.s32 @!p1 s10, $0xA;
	s2 =	smov.u32 @p0 s17;
	s7 =	smov.u32 @p0 s21  }
0x46: {  	s17 =	sld [smem:$0x1B];
	p0 =	por p3, p6;
	p4 =	por @!p6 !p4, !p3  }
0x47: {  	s21 =	sld [smem:$0x15];
	p5 =	seq.s32 @!p0 s10, $0x8;
	p4 =	por !p4, p6  }
0x48: {  	p0 =	sgt.s32 s10, $0x17;
	s8 =	smov.u32 @p4 s14;
	s14 =	sld [smem:$0x1C]  }
0x49: {  	s16 =	smov.u32 @p4 s18;
	p4 =	por @!p6 !p5, p3;
	p3 =	sgt.s32 @p0 s10, $0x1B  }
0x4a: {  	s18 =	sld [smem:$0x11];
	p4 =	por !p4, p6;
	p2 =	por !p3, !p0  }
0x4b: {  	s1 =	smov.u32 @p4 s3;
	s3 =	sld [smem:$0x12];
	p5 =	sgt.s32 @!p2 s10, $0x1D  }
0x4c: {  	s14 =	smov.u32 @p4 s17;
	s8 =	smov.u32 @p1 s1;
	s1 =	sld [smem:$0x31]  }
0x4d: {  	p4 =	por @p0 !p5, !p3;
	s17 =	sld [smem:$0x2F];
	s16 =	smov.u32 @p1 s14  }
0x4e: {  	p1 =	por p4, !p0;
	s8 =	smov.u32 @p6 s2;
	s2 =	simm.s32 @!p2 $0x0  }
0x4f: {  	s14 =	sld [smem:$0x30];
	p1 =	seq.s32 @!p1 s10, $0x1F;
	s2 =	simm.s32 @p2 $0x1  }
0x50: {  	s16 =	smov.u32 @p6 s7;
	p6 =	por p2, p2;
	[smem:$0x7F1] =	sst s2  }
0x51: {  	p1 =	por @!p2 !p1, !p5;
	p2 =	por @p0 p5, !p3;
	s2 =	sld [smem:$0x32]  }
0x52: {  	[dreg:$0xf] =	wrdreg s8;
	p1 =	por @p0 !p1, !p3;
	p2 =	por p2, !p0  }
0x53: {  	s7 =	sld [smem:$0x16];
	p1 =	por !p1, !p0;
	p2 =	seq.s32 @!p2 s10, $0x1C  }
0x54: {  	s3 =	smov.u32 @p1 s18;
	p2 =	por @!p6 !p2, p5;
	s2 =	smov.u32 @p1 s1  }
0x55: {  	s1 =	sld [smem:$0x35];
	p5 =	sgt.s32 s10, $0x1;
	p1 =	por @p0 !p2, !p3  }
0x56: {  	s18 =	sld [smem:$0x23];
	p2 =	seq.s32 @p5 s10, $0x2;
	p1 =	por !p1, !p0  }
0x57: {  	s5 =	simm.s32 @!p2 $0x0;
	s15 =	smov.u32 @p1 s19;
	s19 =	sld [smem:$0x36]  }
0x58: {  	s5 =	simm.s32 @p2 $0x1;
	s17 =	smov.u32 @p1 s14;
	s14 =	sld [smem:$0x2D]  }
0x59: {  	p1 =	por !p2, !p5;
	[smem:$0x7F3] =	sst s5  }
0x5a: {  	s5 =	sld [smem:$0x13];
	s8 =	simm.s32 @!p1 $0x0  }
0x5b: {  	s21 =	smov.u32 @p1 s7;
	s7 =	sld [smem:$0x14];
	s8 =	simm.s32 @p1 $0x1  }
0x5c: {  	[smem:$0x7ED] =	sst s8;
	s1 =	smov.u32 @p1 s19;
	p1 =	por !p4, !p0  }
0x5d: {  	s15 =	smov.u32 @p1 s3;
	s17 =	smov.u32 @p1 s2;
	p1 =	seq.s32 @!p5 s10, $0x0  }
0x5e: {  	p2 =	por p3, !p0;
	s19 =	sld [smem:$0x33];
	s2 =	simm.s32 @!p1 $0x0  }
0x5f: {  	p4 =	sgt.s32 @!p2 s10, $0x19;
	s3 =	sld [smem:$0x34];
	s2 =	simm.s32 @p1 $0x1  }
0x60: {  	p6 =	por @p0 !p4, p3;
	[smem:$0x7F7] =	sst s2  }
0x61: {  	s8 =	simm.s32 @!p6 $0x0;
	p1 =	por !p1, p5;
	s2 =	sld [smem:$0xB]  }
0x62: {  	s8 =	simm.s32 @p6 $0x1;
	s5 =	smov.u32 @p1 s7;
	s7 =	sld [smem:$0xD]  }
0x63: {  	[smem:$0x7EF] =	sst s8;
	s8 =	simm.s32 @!p1 $0x0  }
0x64: {  	s19 =	smov.u32 @p1 s3;
	s8 =	simm.s32 @p1 $0x1;
	p1 =	por p6, !p0  }
0x65: {  	s3 =	sld [smem:$0xE];
	p1 =	seq.s32 @!p1 s10, $0x1A  }
0x66: {  	s19 =	smov.u32 @p5 s1;
	p6 =	por @p0 p4, p3;
	p1 =	por @!p2 !p1, !p4  }
0x67: {  	s1 =	sld [smem:$0x2E];
	p6 =	por p6, !p0;
	p1 =	por @p0 !p1, p3  }
0x68: {  	s28 =	sld [smem:$0x7EF];
	p6 =	seq.s32 @!p6 s10, $0x18;
	p1 =	por !p1, !p0  }
0x69: {  	p2 =	por @!p2 !p6, p4;
	s7 =	smov.u32 @p1 s3;
	s3 =	sld [smem:$0x2B]  }
0x6a: {  	s14 =	smov.u32 @p1 s1;
	p1 =	por @p0 !p2, p3;
	s1 =	sld [smem:$0x2C]  }
0x6b: {  	s5 =	smov.u32 @p5 s21;
	p3 =	sgt.s32 @!p0 s10, $0x13;
	p1 =	por !p1, !p0  }
0x6c: {  	p4 =	seq.s32 s28, $0x1;
	p2 =	por !p3, p0;
	s2 =	smov.u32 @p1 s22  }
0x6d: {  	p6 =	sgt.s32 @!p2 s10, $0x15;
	s3 =	smov.u32 @p1 s1;
	p1 =	por !p4, !p0  }
0x6e: {  	p4 =	por @!p0 !p6, !p3;
	s2 =	smov.u32 @p1 s7;
	s7 =	sld [smem:$0x7F1]  }
0x6f: {  	[dreg:$0x11] =	wrdreg s5;
	s5 =	simm.s32 @!p4 $0x0  }
0x70: {  	s23 =	sld [smem:$0x7F3];
	s5 =	simm.s32 @p4 $0x1;
	p4 =	por p4, p0  }
0x71: {  	s3 =	smov.u32 @p1 s14;
	p1 =	seq.s32 @!p4 s10, $0x16;
	p4 =	seq.s32 s7, $0x1  }
0x72: {  	s22 =	sld [smem:$0x9];
	s15 =	smov.u32 @p4 s2;
	s2 =	simm.s32 @!p2 $0x0  }
0x73: {  	s1 =	sld [smem:$0xA];
	s2 =	simm.s32 @p2 $0x1  }
0x74: {  	[smem:$0x7F2] =	sst s2  }
0x75: {  	p1 =	por @!p2 !p1, !p6;
	s2 =	sld [smem:$0x2A]  }
0x76: {  	s21 =	sld [smem:$0x8];
	p1 =	por @!p0 !p1, !p3  }
0x77: {  	s17 =	smov.u32 @p4 s3;
	p4 =	seq.s32 s23, $0x1;
	p1 =	por !p1, p0  }
0x78: {  	s22 =	smov.u32 @p1 s1;
	s26 =	smov.u32 @p1 s2;
	p1 =	por p4, !p5  }
0x79: {  	[smem:$0x7EE] =	sst s8;
	s2 =	simm.s32 @!p1 $0x0  }
0x7a: {  	s28 =	sld [smem:$0x7F7];
	s2 =	simm.s32 @p1 $0x1  }
0x7b: {  	[smem:$0x7F4] =	sst s2;
	s2 =	simm.s32 @!p3 $0x0  }
0x7c: {  	s8 =	ssub.s32 $0x2, s20;
	s20 =	sld [smem:$0x26];
	s2 =	simm.s32 @p3 $0x1  }
0x7d: {  	[smem:$0x7F5] =	sst s2;
	s2 =	simm.s32 @!p6 $0x0  }
0x7e: {  	p1 =	por @!p0 p6, !p3;
	s2 =	simm.s32 @p6 $0x1;
	p6 =	seq.s32 s28, $0x1  }
0x7f: {  	[smem:$0x7F0] =	sst s5;
	p2 =	por p6, p5  }
0x80: {  	s14 =	sshrl.u32 s8, $0x1;
	[smem:$0x7F6] =	sst s2;
	s2 =	simm.s32 @!p2 $0x0  }
0x81: {  	s7 =	simm.s32 $0x400;
	s1 =	ssub.s32 s8, s14;
	s2 =	simm.s32 @p2 $0x1  }
0x82: {  	p1 =	por p1, p0;
	[smem:$0x7F8] =	sst s2;
	s2 =	simm.s32 @!p0 $0x0  }
0x83: {  	p2 =	sgt.s32 s10, $0xF;
	s2 =	simm.s32 @p0 $0x1;
	p0 =	seq.s32 @!p1 s10, $0x14  }
0x84: {  	s31 =	smax.u32 s1, $0x1;
	s5 =	simm.s32 @!p2 $0x0;
	s1 =	simm.s32 @!p0 $0x0  }
0x85: {  	_ =	strace $0x80000047;
	s1 =	simm.s32 @p0 $0x1;
	p0 =	sgt.s32 s10, $0x7  }
.Ltmp0:
0x86: {  	[smem:$0x7FA] =	sst s1;
	s1 =	simm.s32 @!p0 $0x0;
	(pc) =	sbr.rel .LBB3_1-.Ltmp0, $4  }
0x87: {  	[smem:$0x7F9] =	sst s2;
	s1 =	simm.s32 @p0 $0x1;
	p0 =	sgt.s32 s10, $0x3  }
0x88: {  	s5 =	simm.s32 @p2 $0x1;
	[smem:$0x7FB] =	sst s1;
	s1 =	simm.s32 @!p0 $0x0  }
0x89: {  	s3 =	simm.s32 $0x1;
	[smem:$0x7FD] =	sst s5;
	s1 =	simm.s32 @p0 $0x1  }
0x8a: {  	s2 =	simm.s32 $0x0;
	[smem:$0x7FC] =	sst s1;
	s1 =	simm.s32 $0x800  }
.LBB3_7:
0x8b: {  	s5 =	sld [smem:$0x7F5]  }
0x8c: {  	s14 =	sld [smem:$0x7F9];
	_ =	sdelay $0x2  }
0x8d: {  	p1 =	seq.s32 s5, $0x1;
	p0 =	seq.s32 s14, $0x1  }
0x8e: {  	s23 =	sld [smem:$0x7F2];
	p6 =	por p1, p0  }
0x8f: {  	s8 =	sld [smem:$0x7FA];
	p5 =	sgt.s32 @!p6 s10, $0x11  }
0x90: {  	s25 =	sld [smem:$0x7F6];
	p3 =	por @!p0 !p5, p1  }
0x91: {  	p4 =	seq.s32 s23, $0x1;
	s23 =	sld [smem:$0x7F0];
	s5 =	simm.s32 @!p3 $0x0  }
0x92: {  	s5 =	simm.s32 @p3 $0x1;
	p3 =	seq.s32 s8, $0x1;
	s8 =	sld [smem:$0x7FD]  }
0x93: {  	s28 =	smov.u32 s29;
	[smem:$0x7EC] =	sst s5  }
0x94: {  	p2 =	seq.s32 s25, $0x1;
	s25 =	smov.u32 s12;
	s14 =	sld [smem:$0x7EC]  }
0x95: {  	p2 =	por @!p4 !p3, p2;
	p3 =	por @!p0 p5, p1;
	s5 =	smov.u32 s11  }
0x96: {  	p2 =	por @!p0 !p2, !p1;
	p3 =	por p3, p0;
	[smem:$0x7EB] =	sst s0  }
0x97: {  	p2 =	por !p2, p0;
	p3 =	seq.s32 @!p3 s10, $0x10;
	p4 =	seq.s32 s14, $0x1  }
0x98: {  	s0 =	sld [smem:$0x7EC];
	p3 =	por @!p6 !p3, p5;
	p4 =	por p4, p0  }
0x99: {  	s28 =	smov.u32 @p2 s30;
	s14 =	smov.u32 s4;
	p4 =	seq.s32 @!p4 s10, $0x12  }
0x9a: {  	p3 =	por @!p0 !p3, p1;
	s14 =	smov.u32 @p2 s21;
	p4 =	por @!p6 !p4, !p5  }
0x9b: {  	p6 =	seq.s32 s23, $0x1;
	s23 =	smov.u32 s18;
	p2 =	por @!p0 !p4, p1  }
0x9c: {  	p5 =	por !p6, p0;
	p1 =	por !p3, p0;
	p2 =	por !p2, p0  }
0x9d: {  	p6 =	seq.s32 s0, $0x1;
	s0 =	sld [smem:$0x7EB];
	s5 =	smov.u32 @p2 s13  }
0x9e: {  	s25 =	smov.u32 @p2 s20;
	p2 =	seq.s32 s8, $0x1;
	s8 =	smov.u32 s6  }
0x9f: {  	s23 =	smov.u32 @p1 s24;
	s8 =	smov.u32 @p1 s9;
	p1 =	por !p6, p0  }
0xa0: {  	s23 =	smov.u32 @p1 s25;
	s25 =	sld [smem:$0x7F2];
	_ =	sdelay $0x1  }
0xa1: {  	s14 =	smov.u32 @p5 s22  }
0xa2: {  	s28 =	smov.u32 @p5 s26;
	s8 =	smov.u32 @p1 s5;
	p1 =	seq.s32 s25, $0x1  }
0xa3: {  	s14 =	smov.u32 @p1 s8;
	s28 =	smov.u32 @p1 s23  }
0xa4: {  	s14 =	smov.u32 @p0 s15;
	s28 =	smov.u32 @p0 s17  }
.LBB3_8:
0xa5: {  	[hbm4b:s14+s7] =	stream.strided.scatter [tilespmem:s2], [sflag:$0x1], $0x18000, s1, s7, $0x38;
	[tilespmem:$0x18000] =	vst v63  }
0xa6: {  	s31 =	sadd.s32 $0xFFFFFFFF, s31;
	_ =	swait.ge [sflag:s3], $0x18000  }
0xa7: {  	p1 =	sne.s32 s31, $0x0;
	[sflag:s3] =	ssyncset.done $0x0  }
.Ltmp1:
0xa8: {  	[sflag:s3] =	ssyncadd.s32 $0xFFFE8000;
	(pc) =	sbr.rel @!p1 .LBB3_9-.Ltmp1, $4  }
0xa9: {  	[hbm4b:s28+s7] =	stream.strided.scatter [tilespmem:s2], [sflag:$0x1], $0x18000, s1, s7, $0x38;
	[tilespmem:$0x18000] =	vst v63  }
0xaa: {  	_ =	swait.ge [sflag:s3], $0x18000  }
0xab: {  	[sflag:s3] =	ssyncset.done $0x0  }
0xac: {  	[sflag:s3] =	ssyncadd.s32 $0xFFFE8000  }
.LBB3_1:
.Ltmp2:
0xad: {  	(pc) =	sbr.rel @p2 .LBB3_7-.Ltmp2, $4  }
0xae: {  	[tilespmem:s2], [sflag:$0x1] =	stream.strided.gather [hbm4b:s0+s7], $0x18000, s1, s7, $0x38;
	[tilespmem:$0x18000] =	vst v63  }
0xaf: {  	_ =	swait.ge [sflag:s3], $0x18000  }
0xb0: {  	[sflag:s3] =	ssyncset.done $0x0  }
0xb1: {  	[sflag:s3] =	ssyncadd.s32 $0xFFFE8000  }
0xb2: {  	s5 =	sld [smem:$0x7FB];
	_ =	sdelay $0x2  }
0xb3: {  	p0 =	seq.s32 s5, $0x1  }
.Ltmp3:
0xb4: {  	_ = 	snop;
	(pc) =	sbr.rel @p0 .LBB3_6-.Ltmp3, $1  }
0xb5: {  	_ =	sdelay $0x3  }
0xb6: {  	s5 =	sld [smem:$0x7FC];
	_ =	sdelay $0x2  }
0xb7: {  	p0 =	seq.s32 s5, $0x1  }
.Ltmp4:
0xb8: {  	_ = 	snop;
	(pc) =	sbr.rel @p0 .LBB3_5-.Ltmp4, $1  }
0xb9: {  	_ =	sdelay $0x3  }
0xba: {  	s5 =	sld [smem:$0x7ED];
	_ =	sdelay $0x2  }
0xbb: {  	s8 =	rddreg [dreg:$0x3];
	p1 =	seq.s32 s5, $0x1  }
0xbc: {  	s14 =	simm.s32 @!p1 $0x400;
	s28 =	simm.s32 @!p1 $0x800;
	s5 =	simm.s32 @!p1 $0x0  }
0xbd: {  	[hbm4b:s8+s14] =	stream.strided.scatter @!p1 [tilespmem:s5], [sflag:$0x1], $0x18000, s28, s14, $0x38;
	[tilespmem:$0x18000] =	vst v63  }
0xbe: {  	s5 =	simm.s32 @!p1 $0x1  }
0xbf: {  	_ =	swait.ge @!p1 [sflag:s5], $0x18000  }
0xc0: {  	s14 =	sld [smem:$0x7F4]  }
0xc1: {  	[sflag:s5] =	ssyncset.done @!p1 $0x0  }
0xc2: {  	[sflag:s5] =	ssyncadd.s32 @!p1 $0xFFFE8000  }
0xc3: {  	s8 =	rddreg [dreg:$0x4];
	p0 =	seq.s32 s14, $0x1  }
0xc4: {  	s5 =	simm.s32 @!p0 $0x400;
	s14 =	simm.s32 @!p0 $0x800;
	s28 =	simm.s32 @!p0 $0x0  }
0xc5: {  	[hbm4b:s8+s5] =	stream.strided.scatter @!p0 [tilespmem:s28], [sflag:$0x1], $0x18000, s14, s5, $0x38;
	[tilespmem:$0x18000] =	vst v63  }
0xc6: {  	s5 =	simm.s32 @!p0 $0x1  }
0xc7: {  	_ =	swait.ge @!p0 [sflag:s5], $0x18000  }
0xc8: {  	s23 =	sld [smem:$0x7EE]  }
0xc9: {  	[sflag:s5] =	ssyncset.done @!p0 $0x0  }
0xca: {  	[sflag:s5] =	ssyncadd.s32 @!p0 $0xFFFE8000  }
0xcb: {  	s8 =	rddreg [dreg:$0x1];
	p1 =	seq.s32 s23, $0x1  }
0xcc: {  	s5 =	simm.s32 @!p1 $0x400;
	s14 =	simm.s32 @!p1 $0x800;
	s28 =	simm.s32 @!p1 $0x0  }
0xcd: {  	[hbm4b:s8+s5] =	stream.strided.scatter @!p1 [tilespmem:s28], [sflag:$0x1], $0x18000, s14, s5, $0x38;
	[tilespmem:$0x18000] =	vst v63  }
0xce: {  	s5 =	simm.s32 @!p1 $0x1  }
0xcf: {  	_ =	swait.ge @!p1 [sflag:s5], $0x18000  }
0xd0: {  	s25 =	sld [smem:$0x7F8]  }
0xd1: {  	[sflag:s5] =	ssyncset.done @!p1 $0x0  }
0xd2: {  	[sflag:s5] =	ssyncadd.s32 @!p1 $0xFFFE8000  }
0xd3: {  	s8 =	rddreg [dreg:$0x2];
	p0 =	seq.s32 s25, $0x1  }
0xd4: {  	s5 =	simm.s32 @!p0 $0x400;
	s14 =	simm.s32 @!p0 $0x800;
	s28 =	simm.s32 @!p0 $0x0  }
0xd5: {  	[hbm4b:s8+s5] =	stream.strided.scatter @!p0 [tilespmem:s28], [sflag:$0x1], $0x18000, s14, s5, $0x38;
	[tilespmem:$0x18000] =	vst v63  }
.Ltmp5:
0xd6: {  	_ = 	snop;
	(pc) =	sbr.rel .LBB3_8-.Ltmp5, $4  }
0xd7: {  	s5 =	simm.s32 @!p0 $0x1  }
0xd8: {  	_ =	swait.ge @!p0 [sflag:s5], $0x18000  }
0xd9: {  	[sflag:s5] =	ssyncset.done @!p0 $0x0  }
0xda: {  	s28 =	smov.u32 s19;
	s14 =	rddreg [dreg:$0x11];
	[sflag:s5] =	ssyncadd.s32 @!p0 $0xFFFE8000  }
.LBB3_6:
.Ltmp6:
0xdb: {  	(pc) =	sbr.rel .LBB3_8-.Ltmp6, $2  }
0xdc: {  	_ =	sdelay $0x2  }
0xdd: {  	s14 =	rddreg [dreg:$0xf];
	s28 =	smov.u32 s16  }
.LBB3_5:
.Ltmp7:
0xde: {  	(pc) =	sbr.rel .LBB3_8-.Ltmp7, $3  }
0xdf: {  	_ =	sdelay $0x1  }
0xe0: {  	s14 =	rddreg [dreg:$0xe]  }
0xe1: {  	s28 =	rddreg [dreg:$0x10]  }
.LBB3_9:
0xe2: {  	_ =	sfence.sel $0x180000  }
0xe3: {  	[bflag:$0x0] =	sbarrier.arrive $0xFFFF  }
0xe4: {  	_ =	strace $0x90000047  }
0xe5: {  	s0 =	stileid.u32;
	[bflag:$0x2] =	sbarrier.arrive $0xFFFF  }
0xe6: {  	p0 =	sne.s32 s0, $0x0;
	s0 =	rddreg [dreg:$0x12]  }
0xe7: {  	s0 =	sadd.s32 @!p0 $0x100000, s0  }
0xe8: {  	[sflag:s0] =	ssyncadd.tile.s32 @!p0 $0x1;
	_ =	shalt  }
.Lfunc_end3:
_tile_overlayer_lowered:
.L_overlay_start_3:
0xe9: {  	(tag) =	ssettag $0x3  }
0xea: {  	s0 =	rddreg [dreg:$0x0];
	s2 =	stileid.u32  }
0xeb: {  	s1 =	rddreg [dreg:$0x1];
	p0 =	sne.s32 s2, $0x0  }
0xec: {  	s3 =	rddreg [dreg:$0x2];
	[bflag:$0x3] =	sbarrier.arrive $0xFFFF;
	s2 =	simm.s32 @!p0 $0x1C01  }
0xed: {  	[timem:s3], [sflag:s2] =	dma.local @!p0 [hbm:s0], s1  }
0xee: {  	s0 =	simm.s32 @!p0 $0x1  }
0xef: {  	_ =	swait.ge @!p0 [sflag:s0], s1  }
0xf0: {  	s1 =	ssub.s32 @!p0 $0x0, s1;
	[sflag:s0] =	ssyncset.done @!p0 $0x0  }
0xf1: {  	[sflag:s0] =	ssyncadd.s32 @!p0 s1  }
0xf2: {  	[bflag:$0x3] =	sbarrier.arrive $0xFFFF  }
0xf3: {  	_ =	shalt  }

</sc_bundles>
